<compile_context>
chip_gen: v7x
topology: tpu7x:2x2x1
jax: 0.10.2.dev20260603
libtpu: 0.0.44.dev20260713+nightly
codegen_flags: <defaults>
</compile_context>

<pallas_src>
import functools

import jax
import jax.numpy as jnp
from jax import lax
from jax.experimental import pallas as pl
from jax.experimental.pallas import tpu as pltpu
from jax.experimental.pallas import tpu_sc as plsc

NN = 10000
NP = 10240
DH = 32
CHUNK = 128
NCH = 80
NBUF = 8
NSUB = 16
NCORE = 2
EPC = NSUB * NCH * CHUNK
E2 = NCORE * EPC
RPT = NP // NSUB

@functools.cache
def _sc_kernels():
    mesh = plsc.VectorSubcoreMesh(core_axis_name="c", subcore_axis_name="s",
                                  num_cores=NCORE)

    @functools.partial(
        pl.kernel,
        mesh=mesh,
        out_type=jax.ShapeDtypeStruct((NCORE, NP), jnp.float32),
        scratch_types=[
            pltpu.VMEM((NCH, CHUNK), jnp.int32),
            pltpu.VMEM((CHUNK,), jnp.float32),
            pltpu.VMEM_SHARED((NP,), jnp.float32),
            pltpu.SemaphoreType.DMA,
        ],
    )
    def _sc_deg(dst_hbm, zeros_hbm, out_hbm, didx, ones, acc, ssem):
        c = lax.axis_index("c")
        s = lax.axis_index("s")
        r0 = s * RPT
        pltpu.sync_copy(zeros_hbm.at[pl.ds(r0, RPT)], acc.at[pl.ds(r0, RPT)])
        pltpu.sync_copy(dst_hbm.at[c, s], didx)
        for k in range(CHUNK // 16):
            ones[pl.ds(k * 16, 16)] = jnp.ones((16,), jnp.float32)
        plsc.subcore_barrier()

        def body(j, carry):
            pltpu.async_copy(ones, acc.at[didx.at[j]], ssem, add=True)
            return carry

        lax.fori_loop(0, NCH, body, 0)

        def drain(j, carry):
            pltpu.make_async_copy(ones, acc.at[didx.at[j]], ssem).wait()
            return carry

        lax.fori_loop(0, NCH, drain, 0)
        plsc.subcore_barrier()
        pltpu.sync_copy(acc.at[pl.ds(r0, RPT)], out_hbm.at[c, pl.ds(r0, RPT)])

    @functools.partial(
        pl.kernel,
        mesh=mesh,
        out_type=jax.ShapeDtypeStruct((NCORE, NP, DH), jnp.float32),
        compiler_params=pltpu.CompilerParams(use_tc_tiling_on_sc=False),
        scratch_types=[
            pltpu.VMEM((NCH, CHUNK), jnp.int32),
            pltpu.VMEM((NCH, CHUNK), jnp.int32),
            pltpu.VMEM((NBUF, CHUNK, DH), jnp.float32),
            pltpu.VMEM_SHARED((NP, DH), jnp.float32),
            pltpu.SemaphoreType.DMA((NBUF,)),
            pltpu.SemaphoreType.DMA((NBUF,)),
        ],
    )
    def _sc_agg(src_hbm, dst_hbm, table_hbm, zeros_hbm, out_hbm,
                sidx, didx, rows, acc, gsem, ssem):
        c = lax.axis_index("c")
        s = lax.axis_index("s")
        r0 = s * RPT
        pltpu.sync_copy(zeros_hbm.at[pl.ds(r0, RPT)], acc.at[pl.ds(r0, RPT)])
        pltpu.sync_copy(src_hbm.at[c, s], sidx)
        pltpu.sync_copy(dst_hbm.at[c, s], didx)
        plsc.subcore_barrier()

        def gather_start(j, b):
            pltpu.async_copy(table_hbm.at[sidx.at[j]], rows.at[b], gsem.at[b])

        def gather_wait(j, b):
            pltpu.make_async_copy(table_hbm.at[sidx.at[j]], rows.at[b],
                                  gsem.at[b]).wait()

        def scatter_start(j, b):
            pltpu.async_copy(rows.at[b], acc.at[didx.at[j]], ssem.at[b],
                             add=True)

        def scatter_wait(j, b):
            pltpu.make_async_copy(rows.at[b], acc.at[didx.at[j]],
                                  ssem.at[b]).wait()

        for b in range(NBUF):
            gather_start(b, b)

        ngrp = NCH // NBUF

        def body(i, carry):
            j0 = i * NBUF
            for b in range(NBUF):
                gather_wait(j0 + b, b)
                scatter_start(j0 + b, b)

            @pl.when(i + 1 < ngrp)
            def _():
                for b in range(NBUF):
                    scatter_wait(j0 + b, b)
                    gather_start(j0 + NBUF + b, b)

            return carry

        lax.fori_loop(0, ngrp, body, 0)
        for b in range(NBUF):
            scatter_wait(NCH - NBUF + b, b)
        plsc.subcore_barrier()
        pltpu.sync_copy(acc.at[pl.ds(r0, RPT)], out_hbm.at[c, pl.ds(r0, RPT)])

    return _sc_deg, _sc_agg


def _tc_h1_body(x_ref, w_ref, h_ref):
    h = jnp.dot(x_ref[...], w_ref[...], preferred_element_type=jnp.float32)
    h_ref[pl.ds(0, NN), :] = h
    h_ref[pl.ds(NN, NP - NN), :] = jnp.zeros((NP - NN, DH), jnp.float32)


_tc_h1 = pl.pallas_call(
    _tc_h1_body,
    out_shape=jax.ShapeDtypeStruct((NP, DH), jnp.float32),
)


def _tc_scale_body(deg0_ref, deg1_ref, h_ref, dis_ref, hs_ref):
    deg = deg0_ref[...] + deg1_ref[...] + 1.0
    dis = lax.rsqrt(deg)
    dis_ref[...] = dis
    hs_ref[...] = h_ref[...] * dis


_tc_scale = pl.pallas_call(
    _tc_scale_body,
    out_shape=(
        jax.ShapeDtypeStruct((NP, 1), jnp.float32),
        jax.ShapeDtypeStruct((NP, DH), jnp.float32),
    ),
)


def _tc_mid_body(ga_ref, gb_ref, hs_ref, dis_ref, b_ref, w_ref, out_ref):
    dis = dis_ref[...]
    u = jnp.maximum(dis * (ga_ref[...] + gb_ref[...] + hs_ref[...]) + b_ref[...], 0.0)
    hs2 = jnp.dot(u, w_ref[...], preferred_element_type=jnp.float32) * dis
    out_ref[...] = hs2
    out_ref[pl.ds(NN, NP - NN), :] = jnp.zeros((NP - NN, DH), jnp.float32)


_tc_mid = pl.pallas_call(
    _tc_mid_body,
    out_shape=jax.ShapeDtypeStruct((NP, DH), jnp.float32),
)


def _tc_out_body(ga_ref, gb_ref, hs_ref, dis_ref, b_ref, wl_ref, bl_ref, out_ref):
    dis = dis_ref[...]
    v = jnp.maximum(dis * (ga_ref[...] + gb_ref[...] + hs_ref[...]) + b_ref[...], 0.0)
    out = jnp.dot(v, wl_ref[...], preferred_element_type=jnp.float32) + bl_ref[...]
    out_ref[...] = lax.slice(out, (0, 0), (NN, 1))


_tc_out = pl.pallas_call(
    _tc_out_body,
    out_shape=jax.ShapeDtypeStruct((NN, 1), jnp.float32),
)


def kernel(x, edge_index, W1, b1, W2, b2, Wl, bl):
    src = edge_index[0]
    dst = edge_index[1]
    e = src.shape[0]
    pad = jnp.full((E2 - e,), NN, dtype=jnp.int32)
    srcp = jnp.concatenate([src, pad]).reshape(NCORE, NSUB, NCH, CHUNK)
    dstp = jnp.concatenate([dst, pad]).reshape(NCORE, NSUB, NCH, CHUNK)
    zeros1 = jnp.zeros((NP,), jnp.float32)
    zeros2 = jnp.zeros((NP, DH), jnp.float32)

    _sc_deg, _sc_agg = _sc_kernels()
    degp = _sc_deg(dstp, zeros1)
    h1 = _tc_h1(x, W1)
    dis, hs1 = _tc_scale(degp[0].reshape(NP, 1), degp[1].reshape(NP, 1), h1)
    g1 = _sc_agg(srcp, dstp, hs1, zeros2)
    hs2 = _tc_mid(g1[0], g1[1], hs1, dis, b1.reshape(1, DH), W2)
    g2 = _sc_agg(srcp, dstp, hs2, zeros2)
    out = _tc_out(g2[0], g2[1], hs2, dis, b2.reshape(1, DH), Wl, bl.reshape(1, 1))
    return out

# --- scband reference (transcript-rebuilt; emitter-appended) ---
"""Pipeline reference for scband-net-75290776698947 (READ-ONLY COPY).

The authoritative reference and input builder live on the scoring server;
editing this copy changes nothing except your own understanding.
"""

import jax, jax.numpy as jnp
import numpy as np

N = 10000
E = 320000
D_IN = 128
D_H = 32


def setup_inputs(seed: int = 0) -> dict:
    key = jax.random.key(seed)
    ks = jax.random.split(key, 8)
    x = jax.random.normal(ks[0], (N, D_IN), dtype=jnp.float32)
    edge_index = jax.random.randint(ks[1], (2, E), 0, N, dtype=jnp.int32)
    W1 = jax.random.normal(ks[2], (D_IN, D_H), dtype=jnp.float32) * (1.0 / np.sqrt(D_IN))
    b1 = jnp.zeros((D_H,), dtype=jnp.float32)
    W2 = jax.random.normal(ks[3], (D_H, D_H), dtype=jnp.float32) * (1.0 / np.sqrt(D_H))
    b2 = jnp.zeros((D_H,), dtype=jnp.float32)
    Wl = jax.random.normal(ks[4], (D_H, 1), dtype=jnp.float32) * (1.0 / np.sqrt(D_H))
    bl = jnp.zeros((1,), dtype=jnp.float32)
    return {"x": x, "edge_index": edge_index, "W1": W1, "b1": b1, "W2": W2, "b2": b2, "Wl": Wl, "bl": bl}


def _gcn_conv(x, src, dst, W, b):
    # GCNConv (PyG semantics): linear transform, add self-loops, symmetric normalization, scatter-add aggregation
    h = x @ W
    loop = jnp.arange(N, dtype=src.dtype)
    s = jnp.concatenate([src, loop])
    d = jnp.concatenate([dst, loop])
    deg = jnp.zeros((N,), dtype=h.dtype).at[d].add(1.0)
    deg_inv_sqrt = jnp.where(deg > 0, jax.lax.rsqrt(jnp.maximum(deg, 1e-12)), 0.0)
    norm = deg_inv_sqrt[s] * deg_inv_sqrt[d]
    msg = jnp.take(h, s, axis=0) * norm[:, None]
    out = jnp.zeros((N, h.shape[1]), dtype=h.dtype).at[d].add(msg)
    return out + b


def reference(x, edge_index, W1, b1, W2, b2, Wl, bl):
    src = edge_index[0]
    dst = edge_index[1]
    h = jax.nn.relu(_gcn_conv(x, src, dst, W1, b1))
    # dropout is identity in eval mode
    h = jax.nn.relu(_gcn_conv(h, src, dst, W2, b2))
    out = h @ Wl + bl
    return out

if __name__ == "__main__":
    import jax
    _d = setup_inputs()
    print(jax.jit(kernel)(*tuple(_d.values())))

</pallas_src>

<mosaic_0001>
#map = affine_map<(d0, d1) -> (0, 0, 0, 0)>
#map1 = affine_map<(d0, d1) -> (0, 0)>
#map2 = affine_map<(d0, d1) -> (0, 0, 0)>
module attributes {stable_mosaic.version = 14 : i64} {
  func.func @_sc_agg(%arg0: i32, %arg1: i32, %arg2: memref<2x16x80x128xi32, #tpu.memory_space<hbm>>, %arg3: memref<2x16x80x128xi32, #tpu.memory_space<hbm>>, %arg4: memref<10240x32xf32, #tpu.memory_space<hbm>>, %arg5: memref<10240x32xf32, #tpu.memory_space<hbm>>, %arg6: memref<2x10240x32xf32, #tpu.memory_space<hbm>>, %arg7: memref<80x128xi32, #tpu.memory_space<vmem>>, %arg8: memref<80x128xi32, #tpu.memory_space<vmem>>, %arg9: memref<8x128x32xf32, #tpu.memory_space<vmem>>, %arg10: memref<10240x32xf32, #tpu.memory_space<vmem_shared>>, %arg11: memref<8x!tpu.dma_semaphore, #tpu.memory_space<semaphore_mem>>, %arg12: memref<8x!tpu.dma_semaphore, #tpu.memory_space<semaphore_mem>>) attributes {dimension_semantics = [#tpu.dimension_semantics<core_parallel>, #tpu.dimension_semantics<subcore_parallel>], iteration_bounds = array<i64: 2, 16>, scalar_prefetch = 0 : i64, scratch_operands = 6 : i64, tpu.core_type = #tpu.core_type<sc_vector_subcore>, window_params = [{transform_indices = #map}, {transform_indices = #map}, {transform_indices = #map1}, {transform_indices = #map1}, {transform_indices = #map2}]} {
    %mul3A = arith.constant 640 : i32
    %mul3A_0 = arith.muli %arg1, %mul3A : i32
    "tpu.region"() ({
      %run_scoped3A = tpu.sem_alloc : memref<!tpu.dma_semaphore, #tpu.memory_space<semaphore_mem>>
      %dma_start3A_245 = arith.constant 0 : i32
      %dma_start3A_246 = tpu.memref_slice %arg10[%mul3A_0, %dma_start3A_245] : memref<10240x32xf32, #tpu.memory_space<vmem_shared>> -> memref<640x32xf32, #tpu.memory_space<vmem_shared>>
      %dma_start3A_247 = arith.constant 0 : i32
      %dma_start3A_248 = tpu.memref_slice %arg5[%mul3A_0, %dma_start3A_247] : memref<10240x32xf32, #tpu.memory_space<hbm>> -> memref<640x32xf32, #tpu.memory_space<hbm>>
      tpu.enqueue_dma source(%dma_start3A_248 : memref<640x32xf32, #tpu.memory_space<hbm>>) target(%dma_start3A_246 : memref<640x32xf32, #tpu.memory_space<vmem_shared>>) target_semaphore(%run_scoped3A : memref<!tpu.dma_semaphore, #tpu.memory_space<semaphore_mem>>)
      %dma_wait3A_249 = arith.constant 0 : i32
      %dma_wait3A_250 = tpu.memref_slice %arg10[%mul3A_0, %dma_wait3A_249] : memref<10240x32xf32, #tpu.memory_space<vmem_shared>> -> memref<640x32xf32, #tpu.memory_space<vmem_shared>>
      %dma_wait3A_251 = arith.constant 0 : i32
      %dma_wait3A_252 = tpu.memref_slice %arg5[%mul3A_0, %dma_wait3A_251] : memref<10240x32xf32, #tpu.memory_space<hbm>> -> memref<640x32xf32, #tpu.memory_space<hbm>>
      tpu.wait_dma2 semaphore(%run_scoped3A : memref<!tpu.dma_semaphore, #tpu.memory_space<semaphore_mem>>) src(%dma_wait3A_252 : memref<640x32xf32, #tpu.memory_space<hbm>>) dst(%dma_wait3A_250 : memref<640x32xf32, #tpu.memory_space<vmem_shared>>)
      tpu.yield
    }) : () -> ()
    "tpu.region"() ({
      %run_scoped3A = tpu.sem_alloc : memref<!tpu.dma_semaphore, #tpu.memory_space<semaphore_mem>>
      %dma_start3A_245 = arith.constant 0 : i32
      %dma_start3A_246 = arith.constant 0 : i32
      %dma_start3A_247 = tpu.memref_slice %arg2[%arg0, %arg1, %dma_start3A_245, %dma_start3A_246] : memref<2x16x80x128xi32, #tpu.memory_space<hbm>> -> memref<1x1x80x128xi32, #tpu.memory_space<hbm>>
      %dma_start3A_248 = tpu.memref_squeeze %dma_start3A_247 : memref<1x1x80x128xi32, #tpu.memory_space<hbm>> -> memref<80x128xi32, #tpu.memory_space<hbm>>
      %dma_start3A_249 = arith.constant 0 : i32
      %dma_start3A_250 = arith.constant 0 : i32
      %dma_start3A_251 = tpu.memref_slice %arg2[%arg0, %arg1, %dma_start3A_249, %dma_start3A_250] : memref<2x16x80x128xi32, #tpu.memory_space<hbm>> -> memref<1x1x80x128xi32, #tpu.memory_space<hbm>>
      %dma_start3A_252 = tpu.memref_squeeze %dma_start3A_251 : memref<1x1x80x128xi32, #tpu.memory_space<hbm>> -> memref<80x128xi32, #tpu.memory_space<hbm>>
      tpu.enqueue_dma source(%dma_start3A_252 : memref<80x128xi32, #tpu.memory_space<hbm>>) target(%arg7 : memref<80x128xi32, #tpu.memory_space<vmem>>) target_semaphore(%run_scoped3A : memref<!tpu.dma_semaphore, #tpu.memory_space<semaphore_mem>>)
      %dma_wait3A_253 = arith.constant 0 : i32
      %dma_wait3A_254 = arith.constant 0 : i32
      %dma_wait3A_255 = tpu.memref_slice %arg2[%arg0, %arg1, %dma_wait3A_253, %dma_wait3A_254] : memref<2x16x80x128xi32, #tpu.memory_space<hbm>> -> memref<1x1x80x128xi32, #tpu.memory_space<hbm>>
      %dma_wait3A_256 = tpu.memref_squeeze %dma_wait3A_255 : memref<1x1x80x128xi32, #tpu.memory_space<hbm>> -> memref<80x128xi32, #tpu.memory_space<hbm>>
      %dma_wait3A_257 = arith.constant 0 : i32
      %dma_wait3A_258 = arith.constant 0 : i32
      %dma_wait3A_259 = tpu.memref_slice %arg2[%arg0, %arg1, %dma_wait3A_257, %dma_wait3A_258] : memref<2x16x80x128xi32, #tpu.memory_space<hbm>> -> memref<1x1x80x128xi32, #tpu.memory_space<hbm>>
      %dma_wait3A_260 = tpu.memref_squeeze %dma_wait3A_259 : memref<1x1x80x128xi32, #tpu.memory_space<hbm>> -> memref<80x128xi32, #tpu.memory_space<hbm>>
      tpu.wait_dma2 semaphore(%run_scoped3A : memref<!tpu.dma_semaphore, #tpu.memory_space<semaphore_mem>>) src(%dma_wait3A_260 : memref<80x128xi32, #tpu.memory_space<hbm>>) dst(%arg7 : memref<80x128xi32, #tpu.memory_space<vmem>>)
      tpu.yield
    }) : () -> ()
    "tpu.region"() ({
      %run_scoped3A = tpu.sem_alloc : memref<!tpu.dma_semaphore, #tpu.memory_space<semaphore_mem>>
      %dma_start3A_245 = arith.constant 0 : i32
      %dma_start3A_246 = arith.constant 0 : i32
      %dma_start3A_247 = tpu.memref_slice %arg3[%arg0, %arg1, %dma_start3A_245, %dma_start3A_246] : memref<2x16x80x128xi32, #tpu.memory_space<hbm>> -> memref<1x1x80x128xi32, #tpu.memory_space<hbm>>
      %dma_start3A_248 = tpu.memref_squeeze %dma_start3A_247 : memref<1x1x80x128xi32, #tpu.memory_space<hbm>> -> memref<80x128xi32, #tpu.memory_space<hbm>>
      %dma_start3A_249 = arith.constant 0 : i32
      %dma_start3A_250 = arith.constant 0 : i32
      %dma_start3A_251 = tpu.memref_slice %arg3[%arg0, %arg1, %dma_start3A_249, %dma_start3A_250] : memref<2x16x80x128xi32, #tpu.memory_space<hbm>> -> memref<1x1x80x128xi32, #tpu.memory_space<hbm>>
      %dma_start3A_252 = tpu.memref_squeeze %dma_start3A_251 : memref<1x1x80x128xi32, #tpu.memory_space<hbm>> -> memref<80x128xi32, #tpu.memory_space<hbm>>
      tpu.enqueue_dma source(%dma_start3A_252 : memref<80x128xi32, #tpu.memory_space<hbm>>) target(%arg8 : memref<80x128xi32, #tpu.memory_space<vmem>>) target_semaphore(%run_scoped3A : memref<!tpu.dma_semaphore, #tpu.memory_space<semaphore_mem>>)
      %dma_wait3A_253 = arith.constant 0 : i32
      %dma_wait3A_254 = arith.constant 0 : i32
      %dma_wait3A_255 = tpu.memref_slice %arg3[%arg0, %arg1, %dma_wait3A_253, %dma_wait3A_254] : memref<2x16x80x128xi32, #tpu.memory_space<hbm>> -> memref<1x1x80x128xi32, #tpu.memory_space<hbm>>
      %dma_wait3A_256 = tpu.memref_squeeze %dma_wait3A_255 : memref<1x1x80x128xi32, #tpu.memory_space<hbm>> -> memref<80x128xi32, #tpu.memory_space<hbm>>
      %dma_wait3A_257 = arith.constant 0 : i32
      %dma_wait3A_258 = arith.constant 0 : i32
      %dma_wait3A_259 = tpu.memref_slice %arg3[%arg0, %arg1, %dma_wait3A_257, %dma_wait3A_258] : memref<2x16x80x128xi32, #tpu.memory_space<hbm>> -> memref<1x1x80x128xi32, #tpu.memory_space<hbm>>
      %dma_wait3A_260 = tpu.memref_squeeze %dma_wait3A_259 : memref<1x1x80x128xi32, #tpu.memory_space<hbm>> -> memref<80x128xi32, #tpu.memory_space<hbm>>
      tpu.wait_dma2 semaphore(%run_scoped3A : memref<!tpu.dma_semaphore, #tpu.memory_space<semaphore_mem>>) src(%dma_wait3A_260 : memref<80x128xi32, #tpu.memory_space<hbm>>) dst(%arg8 : memref<80x128xi32, #tpu.memory_space<vmem>>)
      tpu.yield
    }) : () -> ()
    %barrier3A = arith.constant 0 : index
    tpu.barrier barrier_id(%barrier3A)
    %dma_start3A = arith.constant 0 : i32
    %dma_start3A_1 = arith.constant 0 : i32
    %dma_start3A_2 = arith.constant 0 : i32
    %dma_start3A_3 = arith.constant 0 : i32
    %dma_start3A_4 = arith.constant 0 : i32
    %dma_start3A_5 = tpu.memref_slice %arg9[%dma_start3A_1, %dma_start3A_3, %dma_start3A_4] : memref<8x128x32xf32, #tpu.memory_space<vmem>> -> memref<1x128x32xf32, #tpu.memory_space<vmem>>
    %dma_start3A_6 = tpu.memref_squeeze %dma_start3A_5 : memref<1x128x32xf32, #tpu.memory_space<vmem>> -> memref<128x32xf32, #tpu.memory_space<vmem>>
    %dma_start3A_7 = arith.constant 0 : i32
    %dma_start3A_8 = tpu.memref_slice %arg7[%dma_start3A, %dma_start3A_7] : memref<80x128xi32, #tpu.memory_space<vmem>> -> memref<1x128xi32, #tpu.memory_space<vmem>>
    %dma_start3A_9 = tpu.memref_squeeze %dma_start3A_8 : memref<1x128xi32, #tpu.memory_space<vmem>> -> memref<128xi32, #tpu.memory_space<vmem>>
    %dma_start3A_10 = arith.constant 0 : i32
    %dma_start3A_11 = arith.constant 0 : i32
    %dma_start3A_12 = tpu.memref_slice %arg4[%dma_start3A_10, %dma_start3A_11] : memref<10240x32xf32, #tpu.memory_space<hbm>> -> memref<10240x32xf32, #tpu.memory_space<hbm>>
    %dma_start3A_13 = tpu.memref_slice %arg11[%dma_start3A_2] : memref<8x!tpu.dma_semaphore, #tpu.memory_space<semaphore_mem>> -> memref<1x!tpu.dma_semaphore, #tpu.memory_space<semaphore_mem>>
    %dma_start3A_14 = tpu.memref_squeeze %dma_start3A_13 : memref<1x!tpu.dma_semaphore, #tpu.memory_space<semaphore_mem>> -> memref<!tpu.dma_semaphore, #tpu.memory_space<semaphore_mem>>
    tpu.enqueue_indirect_dma source(%dma_start3A_12 : memref<10240x32xf32, #tpu.memory_space<hbm>>) target(%dma_start3A_6 : memref<128x32xf32, #tpu.memory_space<vmem>>) offsets(%dma_start3A_9 : memref<128xi32, #tpu.memory_space<vmem>>) semaphore(%dma_start3A_14 : memref<!tpu.dma_semaphore, #tpu.memory_space<semaphore_mem>>)
    %dma_start3A_15 = arith.constant 1 : i32
    %dma_start3A_16 = arith.constant 1 : i32
    %dma_start3A_17 = arith.constant 1 : i32
    %dma_start3A_18 = arith.constant 0 : i32
    %dma_start3A_19 = arith.constant 0 : i32
    %dma_start3A_20 = tpu.memref_slice %arg9[%dma_start3A_16, %dma_start3A_18, %dma_start3A_19] : memref<8x128x32xf32, #tpu.memory_space<vmem>> -> memref<1x128x32xf32, #tpu.memory_space<vmem>>
    %dma_start3A_21 = tpu.memref_squeeze %dma_start3A_20 : memref<1x128x32xf32, #tpu.memory_space<vmem>> -> memref<128x32xf32, #tpu.memory_space<vmem>>
    %dma_start3A_22 = arith.constant 0 : i32
    %dma_start3A_23 = tpu.memref_slice %arg7[%dma_start3A_15, %dma_start3A_22] : memref<80x128xi32, #tpu.memory_space<vmem>> -> memref<1x128xi32, #tpu.memory_space<vmem>>
    %dma_start3A_24 = tpu.memref_squeeze %dma_start3A_23 : memref<1x128xi32, #tpu.memory_space<vmem>> -> memref<128xi32, #tpu.memory_space<vmem>>
    %dma_start3A_25 = arith.constant 0 : i32
    %dma_start3A_26 = arith.constant 0 : i32
    %dma_start3A_27 = tpu.memref_slice %arg4[%dma_start3A_25, %dma_start3A_26] : memref<10240x32xf32, #tpu.memory_space<hbm>> -> memref<10240x32xf32, #tpu.memory_space<hbm>>
    %dma_start3A_28 = tpu.memref_slice %arg11[%dma_start3A_17] : memref<8x!tpu.dma_semaphore, #tpu.memory_space<semaphore_mem>> -> memref<1x!tpu.dma_semaphore, #tpu.memory_space<semaphore_mem>>
    %dma_start3A_29 = tpu.memref_squeeze %dma_start3A_28 : memref<1x!tpu.dma_semaphore, #tpu.memory_space<semaphore_mem>> -> memref<!tpu.dma_semaphore, #tpu.memory_space<semaphore_mem>>
    tpu.enqueue_indirect_dma source(%dma_start3A_27 : memref<10240x32xf32, #tpu.memory_space<hbm>>) target(%dma_start3A_21 : memref<128x32xf32, #tpu.memory_space<vmem>>) offsets(%dma_start3A_24 : memref<128xi32, #tpu.memory_space<vmem>>) semaphore(%dma_start3A_29 : memref<!tpu.dma_semaphore, #tpu.memory_space<semaphore_mem>>)
    %dma_start3A_30 = arith.constant 2 : i32
    %dma_start3A_31 = arith.constant 2 : i32
    %dma_start3A_32 = arith.constant 2 : i32
    %dma_start3A_33 = arith.constant 0 : i32
    %dma_start3A_34 = arith.constant 0 : i32
    %dma_start3A_35 = tpu.memref_slice %arg9[%dma_start3A_31, %dma_start3A_33, %dma_start3A_34] : memref<8x128x32xf32, #tpu.memory_space<vmem>> -> memref<1x128x32xf32, #tpu.memory_space<vmem>>
    %dma_start3A_36 = tpu.memref_squeeze %dma_start3A_35 : memref<1x128x32xf32, #tpu.memory_space<vmem>> -> memref<128x32xf32, #tpu.memory_space<vmem>>
    %dma_start3A_37 = arith.constant 0 : i32
    %dma_start3A_38 = tpu.memref_slice %arg7[%dma_start3A_30, %dma_start3A_37] : memref<80x128xi32, #tpu.memory_space<vmem>> -> memref<1x128xi32, #tpu.memory_space<vmem>>
    %dma_start3A_39 = tpu.memref_squeeze %dma_start3A_38 : memref<1x128xi32, #tpu.memory_space<vmem>> -> memref<128xi32, #tpu.memory_space<vmem>>
    %dma_start3A_40 = arith.constant 0 : i32
    %dma_start3A_41 = arith.constant 0 : i32
    %dma_start3A_42 = tpu.memref_slice %arg4[%dma_start3A_40, %dma_start3A_41] : memref<10240x32xf32, #tpu.memory_space<hbm>> -> memref<10240x32xf32, #tpu.memory_space<hbm>>
    %dma_start3A_43 = tpu.memref_slice %arg11[%dma_start3A_32] : memref<8x!tpu.dma_semaphore, #tpu.memory_space<semaphore_mem>> -> memref<1x!tpu.dma_semaphore, #tpu.memory_space<semaphore_mem>>
    %dma_start3A_44 = tpu.memref_squeeze %dma_start3A_43 : memref<1x!tpu.dma_semaphore, #tpu.memory_space<semaphore_mem>> -> memref<!tpu.dma_semaphore, #tpu.memory_space<semaphore_mem>>
    tpu.enqueue_indirect_dma source(%dma_start3A_42 : memref<10240x32xf32, #tpu.memory_space<hbm>>) target(%dma_start3A_36 : memref<128x32xf32, #tpu.memory_space<vmem>>) offsets(%dma_start3A_39 : memref<128xi32, #tpu.memory_space<vmem>>) semaphore(%dma_start3A_44 : memref<!tpu.dma_semaphore, #tpu.memory_space<semaphore_mem>>)
    %dma_start3A_45 = arith.constant 3 : i32
    %dma_start3A_46 = arith.constant 3 : i32
    %dma_start3A_47 = arith.constant 3 : i32
    %dma_start3A_48 = arith.constant 0 : i32
    %dma_start3A_49 = arith.constant 0 : i32
    %dma_start3A_50 = tpu.memref_slice %arg9[%dma_start3A_46, %dma_start3A_48, %dma_start3A_49] : memref<8x128x32xf32, #tpu.memory_space<vmem>> -> memref<1x128x32xf32, #tpu.memory_space<vmem>>
    %dma_start3A_51 = tpu.memref_squeeze %dma_start3A_50 : memref<1x128x32xf32, #tpu.memory_space<vmem>> -> memref<128x32xf32, #tpu.memory_space<vmem>>
    %dma_start3A_52 = arith.constant 0 : i32
    %dma_start3A_53 = tpu.memref_slice %arg7[%dma_start3A_45, %dma_start3A_52] : memref<80x128xi32, #tpu.memory_space<vmem>> -> memref<1x128xi32, #tpu.memory_space<vmem>>
    %dma_start3A_54 = tpu.memref_squeeze %dma_start3A_53 : memref<1x128xi32, #tpu.memory_space<vmem>> -> memref<128xi32, #tpu.memory_space<vmem>>
    %dma_start3A_55 = arith.constant 0 : i32
    %dma_start3A_56 = arith.constant 0 : i32
    %dma_start3A_57 = tpu.memref_slice %arg4[%dma_start3A_55, %dma_start3A_56] : memref<10240x32xf32, #tpu.memory_space<hbm>> -> memref<10240x32xf32, #tpu.memory_space<hbm>>
    %dma_start3A_58 = tpu.memref_slice %arg11[%dma_start3A_47] : memref<8x!tpu.dma_semaphore, #tpu.memory_space<semaphore_mem>> -> memref<1x!tpu.dma_semaphore, #tpu.memory_space<semaphore_mem>>
    %dma_start3A_59 = tpu.memref_squeeze %dma_start3A_58 : memref<1x!tpu.dma_semaphore, #tpu.memory_space<semaphore_mem>> -> memref<!tpu.dma_semaphore, #tpu.memory_space<semaphore_mem>>
    tpu.enqueue_indirect_dma source(%dma_start3A_57 : memref<10240x32xf32, #tpu.memory_space<hbm>>) target(%dma_start3A_51 : memref<128x32xf32, #tpu.memory_space<vmem>>) offsets(%dma_start3A_54 : memref<128xi32, #tpu.memory_space<vmem>>) semaphore(%dma_start3A_59 : memref<!tpu.dma_semaphore, #tpu.memory_space<semaphore_mem>>)
    %dma_start3A_60 = arith.constant 4 : i32
    %dma_start3A_61 = arith.constant 4 : i32
    %dma_start3A_62 = arith.constant 4 : i32
    %dma_start3A_63 = arith.constant 0 : i32
    %dma_start3A_64 = arith.constant 0 : i32
    %dma_start3A_65 = tpu.memref_slice %arg9[%dma_start3A_61, %dma_start3A_63, %dma_start3A_64] : memref<8x128x32xf32, #tpu.memory_space<vmem>> -> memref<1x128x32xf32, #tpu.memory_space<vmem>>
    %dma_start3A_66 = tpu.memref_squeeze %dma_start3A_65 : memref<1x128x32xf32, #tpu.memory_space<vmem>> -> memref<128x32xf32, #tpu.memory_space<vmem>>
    %dma_start3A_67 = arith.constant 0 : i32
    %dma_start3A_68 = tpu.memref_slice %arg7[%dma_start3A_60, %dma_start3A_67] : memref<80x128xi32, #tpu.memory_space<vmem>> -> memref<1x128xi32, #tpu.memory_space<vmem>>
    %dma_start3A_69 = tpu.memref_squeeze %dma_start3A_68 : memref<1x128xi32, #tpu.memory_space<vmem>> -> memref<128xi32, #tpu.memory_space<vmem>>
    %dma_start3A_70 = arith.constant 0 : i32
    %dma_start3A_71 = arith.constant 0 : i32
    %dma_start3A_72 = tpu.memref_slice %arg4[%dma_start3A_70, %dma_start3A_71] : memref<10240x32xf32, #tpu.memory_space<hbm>> -> memref<10240x32xf32, #tpu.memory_space<hbm>>
    %dma_start3A_73 = tpu.memref_slice %arg11[%dma_start3A_62] : memref<8x!tpu.dma_semaphore, #tpu.memory_space<semaphore_mem>> -> memref<1x!tpu.dma_semaphore, #tpu.memory_space<semaphore_mem>>
    %dma_start3A_74 = tpu.memref_squeeze %dma_start3A_73 : memref<1x!tpu.dma_semaphore, #tpu.memory_space<semaphore_mem>> -> memref<!tpu.dma_semaphore, #tpu.memory_space<semaphore_mem>>
    tpu.enqueue_indirect_dma source(%dma_start3A_72 : memref<10240x32xf32, #tpu.memory_space<hbm>>) target(%dma_start3A_66 : memref<128x32xf32, #tpu.memory_space<vmem>>) offsets(%dma_start3A_69 : memref<128xi32, #tpu.memory_space<vmem>>) semaphore(%dma_start3A_74 : memref<!tpu.dma_semaphore, #tpu.memory_space<semaphore_mem>>)
    %dma_start3A_75 = arith.constant 5 : i32
    %dma_start3A_76 = arith.constant 5 : i32
    %dma_start3A_77 = arith.constant 5 : i32
    %dma_start3A_78 = arith.constant 0 : i32
    %dma_start3A_79 = arith.constant 0 : i32
    %dma_start3A_80 = tpu.memref_slice %arg9[%dma_start3A_76, %dma_start3A_78, %dma_start3A_79] : memref<8x128x32xf32, #tpu.memory_space<vmem>> -> memref<1x128x32xf32, #tpu.memory_space<vmem>>
    %dma_start3A_81 = tpu.memref_squeeze %dma_start3A_80 : memref<1x128x32xf32, #tpu.memory_space<vmem>> -> memref<128x32xf32, #tpu.memory_space<vmem>>
    %dma_start3A_82 = arith.constant 0 : i32
    %dma_start3A_83 = tpu.memref_slice %arg7[%dma_start3A_75, %dma_start3A_82] : memref<80x128xi32, #tpu.memory_space<vmem>> -> memref<1x128xi32, #tpu.memory_space<vmem>>
    %dma_start3A_84 = tpu.memref_squeeze %dma_start3A_83 : memref<1x128xi32, #tpu.memory_space<vmem>> -> memref<128xi32, #tpu.memory_space<vmem>>
    %dma_start3A_85 = arith.constant 0 : i32
    %dma_start3A_86 = arith.constant 0 : i32
    %dma_start3A_87 = tpu.memref_slice %arg4[%dma_start3A_85, %dma_start3A_86] : memref<10240x32xf32, #tpu.memory_space<hbm>> -> memref<10240x32xf32, #tpu.memory_space<hbm>>
    %dma_start3A_88 = tpu.memref_slice %arg11[%dma_start3A_77] : memref<8x!tpu.dma_semaphore, #tpu.memory_space<semaphore_mem>> -> memref<1x!tpu.dma_semaphore, #tpu.memory_space<semaphore_mem>>
    %dma_start3A_89 = tpu.memref_squeeze %dma_start3A_88 : memref<1x!tpu.dma_semaphore, #tpu.memory_space<semaphore_mem>> -> memref<!tpu.dma_semaphore, #tpu.memory_space<semaphore_mem>>
    tpu.enqueue_indirect_dma source(%dma_start3A_87 : memref<10240x32xf32, #tpu.memory_space<hbm>>) target(%dma_start3A_81 : memref<128x32xf32, #tpu.memory_space<vmem>>) offsets(%dma_start3A_84 : memref<128xi32, #tpu.memory_space<vmem>>) semaphore(%dma_start3A_89 : memref<!tpu.dma_semaphore, #tpu.memory_space<semaphore_mem>>)
    %dma_start3A_90 = arith.constant 6 : i32
    %dma_start3A_91 = arith.constant 6 : i32
    %dma_start3A_92 = arith.constant 6 : i32
    %dma_start3A_93 = arith.constant 0 : i32
    %dma_start3A_94 = arith.constant 0 : i32
    %dma_start3A_95 = tpu.memref_slice %arg9[%dma_start3A_91, %dma_start3A_93, %dma_start3A_94] : memref<8x128x32xf32, #tpu.memory_space<vmem>> -> memref<1x128x32xf32, #tpu.memory_space<vmem>>
    %dma_start3A_96 = tpu.memref_squeeze %dma_start3A_95 : memref<1x128x32xf32, #tpu.memory_space<vmem>> -> memref<128x32xf32, #tpu.memory_space<vmem>>
    %dma_start3A_97 = arith.constant 0 : i32
    %dma_start3A_98 = tpu.memref_slice %arg7[%dma_start3A_90, %dma_start3A_97] : memref<80x128xi32, #tpu.memory_space<vmem>> -> memref<1x128xi32, #tpu.memory_space<vmem>>
    %dma_start3A_99 = tpu.memref_squeeze %dma_start3A_98 : memref<1x128xi32, #tpu.memory_space<vmem>> -> memref<128xi32, #tpu.memory_space<vmem>>
    %dma_start3A_100 = arith.constant 0 : i32
    %dma_start3A_101 = arith.constant 0 : i32
    %dma_start3A_102 = tpu.memref_slice %arg4[%dma_start3A_100, %dma_start3A_101] : memref<10240x32xf32, #tpu.memory_space<hbm>> -> memref<10240x32xf32, #tpu.memory_space<hbm>>
    %dma_start3A_103 = tpu.memref_slice %arg11[%dma_start3A_92] : memref<8x!tpu.dma_semaphore, #tpu.memory_space<semaphore_mem>> -> memref<1x!tpu.dma_semaphore, #tpu.memory_space<semaphore_mem>>
    %dma_start3A_104 = tpu.memref_squeeze %dma_start3A_103 : memref<1x!tpu.dma_semaphore, #tpu.memory_space<semaphore_mem>> -> memref<!tpu.dma_semaphore, #tpu.memory_space<semaphore_mem>>
    tpu.enqueue_indirect_dma source(%dma_start3A_102 : memref<10240x32xf32, #tpu.memory_space<hbm>>) target(%dma_start3A_96 : memref<128x32xf32, #tpu.memory_space<vmem>>) offsets(%dma_start3A_99 : memref<128xi32, #tpu.memory_space<vmem>>) semaphore(%dma_start3A_104 : memref<!tpu.dma_semaphore, #tpu.memory_space<semaphore_mem>>)
    %dma_start3A_105 = arith.constant 7 : i32
    %dma_start3A_106 = arith.constant 7 : i32
    %dma_start3A_107 = arith.constant 7 : i32
    %dma_start3A_108 = arith.constant 0 : i32
    %dma_start3A_109 = arith.constant 0 : i32
    %dma_start3A_110 = tpu.memref_slice %arg9[%dma_start3A_106, %dma_start3A_108, %dma_start3A_109] : memref<8x128x32xf32, #tpu.memory_space<vmem>> -> memref<1x128x32xf32, #tpu.memory_space<vmem>>
    %dma_start3A_111 = tpu.memref_squeeze %dma_start3A_110 : memref<1x128x32xf32, #tpu.memory_space<vmem>> -> memref<128x32xf32, #tpu.memory_space<vmem>>
    %dma_start3A_112 = arith.constant 0 : i32
    %dma_start3A_113 = tpu.memref_slice %arg7[%dma_start3A_105, %dma_start3A_112] : memref<80x128xi32, #tpu.memory_space<vmem>> -> memref<1x128xi32, #tpu.memory_space<vmem>>
    %dma_start3A_114 = tpu.memref_squeeze %dma_start3A_113 : memref<1x128xi32, #tpu.memory_space<vmem>> -> memref<128xi32, #tpu.memory_space<vmem>>
    %dma_start3A_115 = arith.constant 0 : i32
    %dma_start3A_116 = arith.constant 0 : i32
    %dma_start3A_117 = tpu.memref_slice %arg4[%dma_start3A_115, %dma_start3A_116] : memref<10240x32xf32, #tpu.memory_space<hbm>> -> memref<10240x32xf32, #tpu.memory_space<hbm>>
    %dma_start3A_118 = tpu.memref_slice %arg11[%dma_start3A_107] : memref<8x!tpu.dma_semaphore, #tpu.memory_space<semaphore_mem>> -> memref<1x!tpu.dma_semaphore, #tpu.memory_space<semaphore_mem>>
    %dma_start3A_119 = tpu.memref_squeeze %dma_start3A_118 : memref<1x!tpu.dma_semaphore, #tpu.memory_space<semaphore_mem>> -> memref<!tpu.dma_semaphore, #tpu.memory_space<semaphore_mem>>
    tpu.enqueue_indirect_dma source(%dma_start3A_117 : memref<10240x32xf32, #tpu.memory_space<hbm>>) target(%dma_start3A_111 : memref<128x32xf32, #tpu.memory_space<vmem>>) offsets(%dma_start3A_114 : memref<128xi32, #tpu.memory_space<vmem>>) semaphore(%dma_start3A_119 : memref<!tpu.dma_semaphore, #tpu.memory_space<semaphore_mem>>)
    %scan3A = arith.constant 0 : i32
    %scan3A_120 = arith.constant 0 : i32
    %scan3A_121 = arith.constant 10 : i32
    %scan3A_122 = arith.addi %scan3A_120, %scan3A_121 : i32
    %scan3A_123 = arith.constant 1 : i32
    scf.for %scan3A_245 = %scan3A_120 to %scan3A_122 step %scan3A_123  : i32 {
      %mul3A_246 = arith.constant 8 : i32
      %mul3A_247 = arith.muli %scan3A_245, %mul3A_246 : i32
      %add3A = arith.constant 0 : i32
      %add3A_248 = arith.addi %mul3A_247, %add3A : i32
      %dma_wait3A_249 = arith.constant 0 : i32
      %dma_wait3A_250 = arith.constant 0 : i32
      %dma_wait3A_251 = arith.constant 0 : i32
      %dma_wait3A_252 = arith.constant 0 : i32
      %dma_wait3A_253 = tpu.memref_slice %arg9[%dma_wait3A_249, %dma_wait3A_251, %dma_wait3A_252] : memref<8x128x32xf32, #tpu.memory_space<vmem>> -> memref<1x128x32xf32, #tpu.memory_space<vmem>>
      %dma_wait3A_254 = tpu.memref_squeeze %dma_wait3A_253 : memref<1x128x32xf32, #tpu.memory_space<vmem>> -> memref<128x32xf32, #tpu.memory_space<vmem>>
      %dma_wait3A_255 = arith.constant 0 : i32
      %dma_wait3A_256 = tpu.memref_slice %arg7[%add3A_248, %dma_wait3A_255] : memref<80x128xi32, #tpu.memory_space<vmem>> -> memref<1x128xi32, #tpu.memory_space<vmem>>
      %dma_wait3A_257 = tpu.memref_squeeze %dma_wait3A_256 : memref<1x128xi32, #tpu.memory_space<vmem>> -> memref<128xi32, #tpu.memory_space<vmem>>
      %dma_wait3A_258 = arith.constant 0 : i32
      %dma_wait3A_259 = arith.constant 0 : i32
      %dma_wait3A_260 = tpu.memref_slice %arg4[%dma_wait3A_258, %dma_wait3A_259] : memref<10240x32xf32, #tpu.memory_space<hbm>> -> memref<10240x32xf32, #tpu.memory_space<hbm>>
      %dma_wait3A_261 = tpu.memref_slice %arg11[%dma_wait3A_250] : memref<8x!tpu.dma_semaphore, #tpu.memory_space<semaphore_mem>> -> memref<1x!tpu.dma_semaphore, #tpu.memory_space<semaphore_mem>>
      %dma_wait3A_262 = tpu.memref_squeeze %dma_wait3A_261 : memref<1x!tpu.dma_semaphore, #tpu.memory_space<semaphore_mem>> -> memref<!tpu.dma_semaphore, #tpu.memory_space<semaphore_mem>>
      tpu.wait_indirect_dma semaphore(%dma_wait3A_262 : memref<!tpu.dma_semaphore, #tpu.memory_space<semaphore_mem>>) src(%dma_wait3A_260 : memref<10240x32xf32, #tpu.memory_space<hbm>>) dst(%dma_wait3A_254 : memref<128x32xf32, #tpu.memory_space<vmem>>)
      %add3A_263 = arith.constant 0 : i32
      %add3A_264 = arith.addi %mul3A_247, %add3A_263 : i32
      %dma_start3A_265 = arith.constant 0 : i32
      %dma_start3A_266 = arith.constant 0 : i32
      %dma_start3A_267 = arith.constant 0 : i32
      %dma_start3A_268 = arith.constant 0 : i32
      %dma_start3A_269 = tpu.memref_slice %arg9[%dma_start3A_265, %dma_start3A_267, %dma_start3A_268] : memref<8x128x32xf32, #tpu.memory_space<vmem>> -> memref<1x128x32xf32, #tpu.memory_space<vmem>>
      %dma_start3A_270 = tpu.memref_squeeze %dma_start3A_269 : memref<1x128x32xf32, #tpu.memory_space<vmem>> -> memref<128x32xf32, #tpu.memory_space<vmem>>
      %dma_start3A_271 = arith.constant 0 : i32
      %dma_start3A_272 = tpu.memref_slice %arg8[%add3A_264, %dma_start3A_271] : memref<80x128xi32, #tpu.memory_space<vmem>> -> memref<1x128xi32, #tpu.memory_space<vmem>>
      %dma_start3A_273 = tpu.memref_squeeze %dma_start3A_272 : memref<1x128xi32, #tpu.memory_space<vmem>> -> memref<128xi32, #tpu.memory_space<vmem>>
      %dma_start3A_274 = arith.constant 0 : i32
      %dma_start3A_275 = arith.constant 0 : i32
      %dma_start3A_276 = tpu.memref_slice %arg10[%dma_start3A_274, %dma_start3A_275] : memref<10240x32xf32, #tpu.memory_space<vmem_shared>> -> memref<10240x32xf32, #tpu.memory_space<vmem_shared>>
      %dma_start3A_277 = tpu.memref_slice %arg12[%dma_start3A_266] : memref<8x!tpu.dma_semaphore, #tpu.memory_space<semaphore_mem>> -> memref<1x!tpu.dma_semaphore, #tpu.memory_space<semaphore_mem>>
      %dma_start3A_278 = tpu.memref_squeeze %dma_start3A_277 : memref<1x!tpu.dma_semaphore, #tpu.memory_space<semaphore_mem>> -> memref<!tpu.dma_semaphore, #tpu.memory_space<semaphore_mem>>
      tpu.enqueue_indirect_dma source(%dma_start3A_270 : memref<128x32xf32, #tpu.memory_space<vmem>>) target(%dma_start3A_276 : memref<10240x32xf32, #tpu.memory_space<vmem_shared>>) offsets(%dma_start3A_273 : memref<128xi32, #tpu.memory_space<vmem>>) semaphore(%dma_start3A_278 : memref<!tpu.dma_semaphore, #tpu.memory_space<semaphore_mem>>) {add = true}
      %add3A_279 = arith.constant 1 : i32
      %add3A_280 = arith.addi %mul3A_247, %add3A_279 : i32
      %dma_wait3A_281 = arith.constant 1 : i32
      %dma_wait3A_282 = arith.constant 1 : i32
      %dma_wait3A_283 = arith.constant 0 : i32
      %dma_wait3A_284 = arith.constant 0 : i32
      %dma_wait3A_285 = tpu.memref_slice %arg9[%dma_wait3A_281, %dma_wait3A_283, %dma_wait3A_284] : memref<8x128x32xf32, #tpu.memory_space<vmem>> -> memref<1x128x32xf32, #tpu.memory_space<vmem>>
      %dma_wait3A_286 = tpu.memref_squeeze %dma_wait3A_285 : memref<1x128x32xf32, #tpu.memory_space<vmem>> -> memref<128x32xf32, #tpu.memory_space<vmem>>
      %dma_wait3A_287 = arith.constant 0 : i32
      %dma_wait3A_288 = tpu.memref_slice %arg7[%add3A_280, %dma_wait3A_287] : memref<80x128xi32, #tpu.memory_space<vmem>> -> memref<1x128xi32, #tpu.memory_space<vmem>>
      %dma_wait3A_289 = tpu.memref_squeeze %dma_wait3A_288 : memref<1x128xi32, #tpu.memory_space<vmem>> -> memref<128xi32, #tpu.memory_space<vmem>>
      %dma_wait3A_290 = arith.constant 0 : i32
      %dma_wait3A_291 = arith.constant 0 : i32
      %dma_wait3A_292 = tpu.memref_slice %arg4[%dma_wait3A_290, %dma_wait3A_291] : memref<10240x32xf32, #tpu.memory_space<hbm>> -> memref<10240x32xf32, #tpu.memory_space<hbm>>
      %dma_wait3A_293 = tpu.memref_slice %arg11[%dma_wait3A_282] : memref<8x!tpu.dma_semaphore, #tpu.memory_space<semaphore_mem>> -> memref<1x!tpu.dma_semaphore, #tpu.memory_space<semaphore_mem>>
      %dma_wait3A_294 = tpu.memref_squeeze %dma_wait3A_293 : memref<1x!tpu.dma_semaphore, #tpu.memory_space<semaphore_mem>> -> memref<!tpu.dma_semaphore, #tpu.memory_space<semaphore_mem>>
      tpu.wait_indirect_dma semaphore(%dma_wait3A_294 : memref<!tpu.dma_semaphore, #tpu.memory_space<semaphore_mem>>) src(%dma_wait3A_292 : memref<10240x32xf32, #tpu.memory_space<hbm>>) dst(%dma_wait3A_286 : memref<128x32xf32, #tpu.memory_space<vmem>>)
      %add3A_295 = arith.constant 1 : i32
      %add3A_296 = arith.addi %mul3A_247, %add3A_295 : i32
      %dma_start3A_297 = arith.constant 1 : i32
      %dma_start3A_298 = arith.constant 1 : i32
      %dma_start3A_299 = arith.constant 0 : i32
      %dma_start3A_300 = arith.constant 0 : i32
      %dma_start3A_301 = tpu.memref_slice %arg9[%dma_start3A_297, %dma_start3A_299, %dma_start3A_300] : memref<8x128x32xf32, #tpu.memory_space<vmem>> -> memref<1x128x32xf32, #tpu.memory_space<vmem>>
      %dma_start3A_302 = tpu.memref_squeeze %dma_start3A_301 : memref<1x128x32xf32, #tpu.memory_space<vmem>> -> memref<128x32xf32, #tpu.memory_space<vmem>>
      %dma_start3A_303 = arith.constant 0 : i32
      %dma_start3A_304 = tpu.memref_slice %arg8[%add3A_296, %dma_start3A_303] : memref<80x128xi32, #tpu.memory_space<vmem>> -> memref<1x128xi32, #tpu.memory_space<vmem>>
      %dma_start3A_305 = tpu.memref_squeeze %dma_start3A_304 : memref<1x128xi32, #tpu.memory_space<vmem>> -> memref<128xi32, #tpu.memory_space<vmem>>
      %dma_start3A_306 = arith.constant 0 : i32
      %dma_start3A_307 = arith.constant 0 : i32
      %dma_start3A_308 = tpu.memref_slice %arg10[%dma_start3A_306, %dma_start3A_307] : memref<10240x32xf32, #tpu.memory_space<vmem_shared>> -> memref<10240x32xf32, #tpu.memory_space<vmem_shared>>
      %dma_start3A_309 = tpu.memref_slice %arg12[%dma_start3A_298] : memref<8x!tpu.dma_semaphore, #tpu.memory_space<semaphore_mem>> -> memref<1x!tpu.dma_semaphore, #tpu.memory_space<semaphore_mem>>
      %dma_start3A_310 = tpu.memref_squeeze %dma_start3A_309 : memref<1x!tpu.dma_semaphore, #tpu.memory_space<semaphore_mem>> -> memref<!tpu.dma_semaphore, #tpu.memory_space<semaphore_mem>>
      tpu.enqueue_indirect_dma source(%dma_start3A_302 : memref<128x32xf32, #tpu.memory_space<vmem>>) target(%dma_start3A_308 : memref<10240x32xf32, #tpu.memory_space<vmem_shared>>) offsets(%dma_start3A_305 : memref<128xi32, #tpu.memory_space<vmem>>) semaphore(%dma_start3A_310 : memref<!tpu.dma_semaphore, #tpu.memory_space<semaphore_mem>>) {add = true}
      %add3A_311 = arith.constant 2 : i32
      %add3A_312 = arith.addi %mul3A_247, %add3A_311 : i32
      %dma_wait3A_313 = arith.constant 2 : i32
      %dma_wait3A_314 = arith.constant 2 : i32
      %dma_wait3A_315 = arith.constant 0 : i32
      %dma_wait3A_316 = arith.constant 0 : i32
      %dma_wait3A_317 = tpu.memref_slice %arg9[%dma_wait3A_313, %dma_wait3A_315, %dma_wait3A_316] : memref<8x128x32xf32, #tpu.memory_space<vmem>> -> memref<1x128x32xf32, #tpu.memory_space<vmem>>
      %dma_wait3A_318 = tpu.memref_squeeze %dma_wait3A_317 : memref<1x128x32xf32, #tpu.memory_space<vmem>> -> memref<128x32xf32, #tpu.memory_space<vmem>>
      %dma_wait3A_319 = arith.constant 0 : i32
      %dma_wait3A_320 = tpu.memref_slice %arg7[%add3A_312, %dma_wait3A_319] : memref<80x128xi32, #tpu.memory_space<vmem>> -> memref<1x128xi32, #tpu.memory_space<vmem>>
      %dma_wait3A_321 = tpu.memref_squeeze %dma_wait3A_320 : memref<1x128xi32, #tpu.memory_space<vmem>> -> memref<128xi32, #tpu.memory_space<vmem>>
      %dma_wait3A_322 = arith.constant 0 : i32
      %dma_wait3A_323 = arith.constant 0 : i32
      %dma_wait3A_324 = tpu.memref_slice %arg4[%dma_wait3A_322, %dma_wait3A_323] : memref<10240x32xf32, #tpu.memory_space<hbm>> -> memref<10240x32xf32, #tpu.memory_space<hbm>>
      %dma_wait3A_325 = tpu.memref_slice %arg11[%dma_wait3A_314] : memref<8x!tpu.dma_semaphore, #tpu.memory_space<semaphore_mem>> -> memref<1x!tpu.dma_semaphore, #tpu.memory_space<semaphore_mem>>
      %dma_wait3A_326 = tpu.memref_squeeze %dma_wait3A_325 : memref<1x!tpu.dma_semaphore, #tpu.memory_space<semaphore_mem>> -> memref<!tpu.dma_semaphore, #tpu.memory_space<semaphore_mem>>
      tpu.wait_indirect_dma semaphore(%dma_wait3A_326 : memref<!tpu.dma_semaphore, #tpu.memory_space<semaphore_mem>>) src(%dma_wait3A_324 : memref<10240x32xf32, #tpu.memory_space<hbm>>) dst(%dma_wait3A_318 : memref<128x32xf32, #tpu.memory_space<vmem>>)
      %add3A_327 = arith.constant 2 : i32
      %add3A_328 = arith.addi %mul3A_247, %add3A_327 : i32
      %dma_start3A_329 = arith.constant 2 : i32
      %dma_start3A_330 = arith.constant 2 : i32
      %dma_start3A_331 = arith.constant 0 : i32
      %dma_start3A_332 = arith.constant 0 : i32
      %dma_start3A_333 = tpu.memref_slice %arg9[%dma_start3A_329, %dma_start3A_331, %dma_start3A_332] : memref<8x128x32xf32, #tpu.memory_space<vmem>> -> memref<1x128x32xf32, #tpu.memory_space<vmem>>
      %dma_start3A_334 = tpu.memref_squeeze %dma_start3A_333 : memref<1x128x32xf32, #tpu.memory_space<vmem>> -> memref<128x32xf32, #tpu.memory_space<vmem>>
      %dma_start3A_335 = arith.constant 0 : i32
      %dma_start3A_336 = tpu.memref_slice %arg8[%add3A_328, %dma_start3A_335] : memref<80x128xi32, #tpu.memory_space<vmem>> -> memref<1x128xi32, #tpu.memory_space<vmem>>
      %dma_start3A_337 = tpu.memref_squeeze %dma_start3A_336 : memref<1x128xi32, #tpu.memory_space<vmem>> -> memref<128xi32, #tpu.memory_space<vmem>>
      %dma_start3A_338 = arith.constant 0 : i32
      %dma_start3A_339 = arith.constant 0 : i32
      %dma_start3A_340 = tpu.memref_slice %arg10[%dma_start3A_338, %dma_start3A_339] : memref<10240x32xf32, #tpu.memory_space<vmem_shared>> -> memref<10240x32xf32, #tpu.memory_space<vmem_shared>>
      %dma_start3A_341 = tpu.memref_slice %arg12[%dma_start3A_330] : memref<8x!tpu.dma_semaphore, #tpu.memory_space<semaphore_mem>> -> memref<1x!tpu.dma_semaphore, #tpu.memory_space<semaphore_mem>>
      %dma_start3A_342 = tpu.memref_squeeze %dma_start3A_341 : memref<1x!tpu.dma_semaphore, #tpu.memory_space<semaphore_mem>> -> memref<!tpu.dma_semaphore, #tpu.memory_space<semaphore_mem>>
      tpu.enqueue_indirect_dma source(%dma_start3A_334 : memref<128x32xf32, #tpu.memory_space<vmem>>) target(%dma_start3A_340 : memref<10240x32xf32, #tpu.memory_space<vmem_shared>>) offsets(%dma_start3A_337 : memref<128xi32, #tpu.memory_space<vmem>>) semaphore(%dma_start3A_342 : memref<!tpu.dma_semaphore, #tpu.memory_space<semaphore_mem>>) {add = true}
      %add3A_343 = arith.constant 3 : i32
      %add3A_344 = arith.addi %mul3A_247, %add3A_343 : i32
      %dma_wait3A_345 = arith.constant 3 : i32
      %dma_wait3A_346 = arith.constant 3 : i32
      %dma_wait3A_347 = arith.constant 0 : i32
      %dma_wait3A_348 = arith.constant 0 : i32
      %dma_wait3A_349 = tpu.memref_slice %arg9[%dma_wait3A_345, %dma_wait3A_347, %dma_wait3A_348] : memref<8x128x32xf32, #tpu.memory_space<vmem>> -> memref<1x128x32xf32, #tpu.memory_space<vmem>>
      %dma_wait3A_350 = tpu.memref_squeeze %dma_wait3A_349 : memref<1x128x32xf32, #tpu.memory_space<vmem>> -> memref<128x32xf32, #tpu.memory_space<vmem>>
      %dma_wait3A_351 = arith.constant 0 : i32
      %dma_wait3A_352 = tpu.memref_slice %arg7[%add3A_344, %dma_wait3A_351] : memref<80x128xi32, #tpu.memory_space<vmem>> -> memref<1x128xi32, #tpu.memory_space<vmem>>
      %dma_wait3A_353 = tpu.memref_squeeze %dma_wait3A_352 : memref<1x128xi32, #tpu.memory_space<vmem>> -> memref<128xi32, #tpu.memory_space<vmem>>
      %dma_wait3A_354 = arith.constant 0 : i32
      %dma_wait3A_355 = arith.constant 0 : i32
      %dma_wait3A_356 = tpu.memref_slice %arg4[%dma_wait3A_354, %dma_wait3A_355] : memref<10240x32xf32, #tpu.memory_space<hbm>> -> memref<10240x32xf32, #tpu.memory_space<hbm>>
      %dma_wait3A_357 = tpu.memref_slice %arg11[%dma_wait3A_346] : memref<8x!tpu.dma_semaphore, #tpu.memory_space<semaphore_mem>> -> memref<1x!tpu.dma_semaphore, #tpu.memory_space<semaphore_mem>>
      %dma_wait3A_358 = tpu.memref_squeeze %dma_wait3A_357 : memref<1x!tpu.dma_semaphore, #tpu.memory_space<semaphore_mem>> -> memref<!tpu.dma_semaphore, #tpu.memory_space<semaphore_mem>>
      tpu.wait_indirect_dma semaphore(%dma_wait3A_358 : memref<!tpu.dma_semaphore, #tpu.memory_space<semaphore_mem>>) src(%dma_wait3A_356 : memref<10240x32xf32, #tpu.memory_space<hbm>>) dst(%dma_wait3A_350 : memref<128x32xf32, #tpu.memory_space<vmem>>)
      %add3A_359 = arith.constant 3 : i32
      %add3A_360 = arith.addi %mul3A_247, %add3A_359 : i32
      %dma_start3A_361 = arith.constant 3 : i32
      %dma_start3A_362 = arith.constant 3 : i32
      %dma_start3A_363 = arith.constant 0 : i32
      %dma_start3A_364 = arith.constant 0 : i32
      %dma_start3A_365 = tpu.memref_slice %arg9[%dma_start3A_361, %dma_start3A_363, %dma_start3A_364] : memref<8x128x32xf32, #tpu.memory_space<vmem>> -> memref<1x128x32xf32, #tpu.memory_space<vmem>>
      %dma_start3A_366 = tpu.memref_squeeze %dma_start3A_365 : memref<1x128x32xf32, #tpu.memory_space<vmem>> -> memref<128x32xf32, #tpu.memory_space<vmem>>
      %dma_start3A_367 = arith.constant 0 : i32
      %dma_start3A_368 = tpu.memref_slice %arg8[%add3A_360, %dma_start3A_367] : memref<80x128xi32, #tpu.memory_space<vmem>> -> memref<1x128xi32, #tpu.memory_space<vmem>>
      %dma_start3A_369 = tpu.memref_squeeze %dma_start3A_368 : memref<1x128xi32, #tpu.memory_space<vmem>> -> memref<128xi32, #tpu.memory_space<vmem>>
      %dma_start3A_370 = arith.constant 0 : i32
      %dma_start3A_371 = arith.constant 0 : i32
      %dma_start3A_372 = tpu.memref_slice %arg10[%dma_start3A_370, %dma_start3A_371] : memref<10240x32xf32, #tpu.memory_space<vmem_shared>> -> memref<10240x32xf32, #tpu.memory_space<vmem_shared>>
      %dma_start3A_373 = tpu.memref_slice %arg12[%dma_start3A_362] : memref<8x!tpu.dma_semaphore, #tpu.memory_space<semaphore_mem>> -> memref<1x!tpu.dma_semaphore, #tpu.memory_space<semaphore_mem>>
      %dma_start3A_374 = tpu.memref_squeeze %dma_start3A_373 : memref<1x!tpu.dma_semaphore, #tpu.memory_space<semaphore_mem>> -> memref<!tpu.dma_semaphore, #tpu.memory_space<semaphore_mem>>
      tpu.enqueue_indirect_dma source(%dma_start3A_366 : memref<128x32xf32, #tpu.memory_space<vmem>>) target(%dma_start3A_372 : memref<10240x32xf32, #tpu.memory_space<vmem_shared>>) offsets(%dma_start3A_369 : memref<128xi32, #tpu.memory_space<vmem>>) semaphore(%dma_start3A_374 : memref<!tpu.dma_semaphore, #tpu.memory_space<semaphore_mem>>) {add = true}
      %add3A_375 = arith.constant 4 : i32
      %add3A_376 = arith.addi %mul3A_247, %add3A_375 : i32
      %dma_wait3A_377 = arith.constant 4 : i32
      %dma_wait3A_378 = arith.constant 4 : i32
      %dma_wait3A_379 = arith.constant 0 : i32
      %dma_wait3A_380 = arith.constant 0 : i32
      %dma_wait3A_381 = tpu.memref_slice %arg9[%dma_wait3A_377, %dma_wait3A_379, %dma_wait3A_380] : memref<8x128x32xf32, #tpu.memory_space<vmem>> -> memref<1x128x32xf32, #tpu.memory_space<vmem>>
      %dma_wait3A_382 = tpu.memref_squeeze %dma_wait3A_381 : memref<1x128x32xf32, #tpu.memory_space<vmem>> -> memref<128x32xf32, #tpu.memory_space<vmem>>
      %dma_wait3A_383 = arith.constant 0 : i32
      %dma_wait3A_384 = tpu.memref_slice %arg7[%add3A_376, %dma_wait3A_383] : memref<80x128xi32, #tpu.memory_space<vmem>> -> memref<1x128xi32, #tpu.memory_space<vmem>>
      %dma_wait3A_385 = tpu.memref_squeeze %dma_wait3A_384 : memref<1x128xi32, #tpu.memory_space<vmem>> -> memref<128xi32, #tpu.memory_space<vmem>>
      %dma_wait3A_386 = arith.constant 0 : i32
      %dma_wait3A_387 = arith.constant 0 : i32
      %dma_wait3A_388 = tpu.memref_slice %arg4[%dma_wait3A_386, %dma_wait3A_387] : memref<10240x32xf32, #tpu.memory_space<hbm>> -> memref<10240x32xf32, #tpu.memory_space<hbm>>
      %dma_wait3A_389 = tpu.memref_slice %arg11[%dma_wait3A_378] : memref<8x!tpu.dma_semaphore, #tpu.memory_space<semaphore_mem>> -> memref<1x!tpu.dma_semaphore, #tpu.memory_space<semaphore_mem>>
      %dma_wait3A_390 = tpu.memref_squeeze %dma_wait3A_389 : memref<1x!tpu.dma_semaphore, #tpu.memory_space<semaphore_mem>> -> memref<!tpu.dma_semaphore, #tpu.memory_space<semaphore_mem>>
      tpu.wait_indirect_dma semaphore(%dma_wait3A_390 : memref<!tpu.dma_semaphore, #tpu.memory_space<semaphore_mem>>) src(%dma_wait3A_388 : memref<10240x32xf32, #tpu.memory_space<hbm>>) dst(%dma_wait3A_382 : memref<128x32xf32, #tpu.memory_space<vmem>>)
      %add3A_391 = arith.constant 4 : i32
      %add3A_392 = arith.addi %mul3A_247, %add3A_391 : i32
      %dma_start3A_393 = arith.constant 4 : i32
      %dma_start3A_394 = arith.constant 4 : i32
      %dma_start3A_395 = arith.constant 0 : i32
      %dma_start3A_396 = arith.constant 0 : i32
      %dma_start3A_397 = tpu.memref_slice %arg9[%dma_start3A_393, %dma_start3A_395, %dma_start3A_396] : memref<8x128x32xf32, #tpu.memory_space<vmem>> -> memref<1x128x32xf32, #tpu.memory_space<vmem>>
      %dma_start3A_398 = tpu.memref_squeeze %dma_start3A_397 : memref<1x128x32xf32, #tpu.memory_space<vmem>> -> memref<128x32xf32, #tpu.memory_space<vmem>>
      %dma_start3A_399 = arith.constant 0 : i32
      %dma_start3A_400 = tpu.memref_slice %arg8[%add3A_392, %dma_start3A_399] : memref<80x128xi32, #tpu.memory_space<vmem>> -> memref<1x128xi32, #tpu.memory_space<vmem>>
      %dma_start3A_401 = tpu.memref_squeeze %dma_start3A_400 : memref<1x128xi32, #tpu.memory_space<vmem>> -> memref<128xi32, #tpu.memory_space<vmem>>
      %dma_start3A_402 = arith.constant 0 : i32
      %dma_start3A_403 = arith.constant 0 : i32
      %dma_start3A_404 = tpu.memref_slice %arg10[%dma_start3A_402, %dma_start3A_403] : memref<10240x32xf32, #tpu.memory_space<vmem_shared>> -> memref<10240x32xf32, #tpu.memory_space<vmem_shared>>
      %dma_start3A_405 = tpu.memref_slice %arg12[%dma_start3A_394] : memref<8x!tpu.dma_semaphore, #tpu.memory_space<semaphore_mem>> -> memref<1x!tpu.dma_semaphore, #tpu.memory_space<semaphore_mem>>
      %dma_start3A_406 = tpu.memref_squeeze %dma_start3A_405 : memref<1x!tpu.dma_semaphore, #tpu.memory_space<semaphore_mem>> -> memref<!tpu.dma_semaphore, #tpu.memory_space<semaphore_mem>>
      tpu.enqueue_indirect_dma source(%dma_start3A_398 : memref<128x32xf32, #tpu.memory_space<vmem>>) target(%dma_start3A_404 : memref<10240x32xf32, #tpu.memory_space<vmem_shared>>) offsets(%dma_start3A_401 : memref<128xi32, #tpu.memory_space<vmem>>) semaphore(%dma_start3A_406 : memref<!tpu.dma_semaphore, #tpu.memory_space<semaphore_mem>>) {add = true}
      %add3A_407 = arith.constant 5 : i32
      %add3A_408 = arith.addi %mul3A_247, %add3A_407 : i32
      %dma_wait3A_409 = arith.constant 5 : i32
      %dma_wait3A_410 = arith.constant 5 : i32
      %dma_wait3A_411 = arith.constant 0 : i32
      %dma_wait3A_412 = arith.constant 0 : i32
      %dma_wait3A_413 = tpu.memref_slice %arg9[%dma_wait3A_409, %dma_wait3A_411, %dma_wait3A_412] : memref<8x128x32xf32, #tpu.memory_space<vmem>> -> memref<1x128x32xf32, #tpu.memory_space<vmem>>
      %dma_wait3A_414 = tpu.memref_squeeze %dma_wait3A_413 : memref<1x128x32xf32, #tpu.memory_space<vmem>> -> memref<128x32xf32, #tpu.memory_space<vmem>>
      %dma_wait3A_415 = arith.constant 0 : i32
      %dma_wait3A_416 = tpu.memref_slice %arg7[%add3A_408, %dma_wait3A_415] : memref<80x128xi32, #tpu.memory_space<vmem>> -> memref<1x128xi32, #tpu.memory_space<vmem>>
      %dma_wait3A_417 = tpu.memref_squeeze %dma_wait3A_416 : memref<1x128xi32, #tpu.memory_space<vmem>> -> memref<128xi32, #tpu.memory_space<vmem>>
      %dma_wait3A_418 = arith.constant 0 : i32
      %dma_wait3A_419 = arith.constant 0 : i32
      %dma_wait3A_420 = tpu.memref_slice %arg4[%dma_wait3A_418, %dma_wait3A_419] : memref<10240x32xf32, #tpu.memory_space<hbm>> -> memref<10240x32xf32, #tpu.memory_space<hbm>>
      %dma_wait3A_421 = tpu.memref_slice %arg11[%dma_wait3A_410] : memref<8x!tpu.dma_semaphore, #tpu.memory_space<semaphore_mem>> -> memref<1x!tpu.dma_semaphore, #tpu.memory_space<semaphore_mem>>
      %dma_wait3A_422 = tpu.memref_squeeze %dma_wait3A_421 : memref<1x!tpu.dma_semaphore, #tpu.memory_space<semaphore_mem>> -> memref<!tpu.dma_semaphore, #tpu.memory_space<semaphore_mem>>
      tpu.wait_indirect_dma semaphore(%dma_wait3A_422 : memref<!tpu.dma_semaphore, #tpu.memory_space<semaphore_mem>>) src(%dma_wait3A_420 : memref<10240x32xf32, #tpu.memory_space<hbm>>) dst(%dma_wait3A_414 : memref<128x32xf32, #tpu.memory_space<vmem>>)
      %add3A_423 = arith.constant 5 : i32
      %add3A_424 = arith.addi %mul3A_247, %add3A_423 : i32
      %dma_start3A_425 = arith.constant 5 : i32
      %dma_start3A_426 = arith.constant 5 : i32
      %dma_start3A_427 = arith.constant 0 : i32
      %dma_start3A_428 = arith.constant 0 : i32
      %dma_start3A_429 = tpu.memref_slice %arg9[%dma_start3A_425, %dma_start3A_427, %dma_start3A_428] : memref<8x128x32xf32, #tpu.memory_space<vmem>> -> memref<1x128x32xf32, #tpu.memory_space<vmem>>
      %dma_start3A_430 = tpu.memref_squeeze %dma_start3A_429 : memref<1x128x32xf32, #tpu.memory_space<vmem>> -> memref<128x32xf32, #tpu.memory_space<vmem>>
      %dma_start3A_431 = arith.constant 0 : i32
      %dma_start3A_432 = tpu.memref_slice %arg8[%add3A_424, %dma_start3A_431] : memref<80x128xi32, #tpu.memory_space<vmem>> -> memref<1x128xi32, #tpu.memory_space<vmem>>
      %dma_start3A_433 = tpu.memref_squeeze %dma_start3A_432 : memref<1x128xi32, #tpu.memory_space<vmem>> -> memref<128xi32, #tpu.memory_space<vmem>>
      %dma_start3A_434 = arith.constant 0 : i32
      %dma_start3A_435 = arith.constant 0 : i32
      %dma_start3A_436 = tpu.memref_slice %arg10[%dma_start3A_434, %dma_start3A_435] : memref<10240x32xf32, #tpu.memory_space<vmem_shared>> -> memref<10240x32xf32, #tpu.memory_space<vmem_shared>>
      %dma_start3A_437 = tpu.memref_slice %arg12[%dma_start3A_426] : memref<8x!tpu.dma_semaphore, #tpu.memory_space<semaphore_mem>> -> memref<1x!tpu.dma_semaphore, #tpu.memory_space<semaphore_mem>>
      %dma_start3A_438 = tpu.memref_squeeze %dma_start3A_437 : memref<1x!tpu.dma_semaphore, #tpu.memory_space<semaphore_mem>> -> memref<!tpu.dma_semaphore, #tpu.memory_space<semaphore_mem>>
      tpu.enqueue_indirect_dma source(%dma_start3A_430 : memref<128x32xf32, #tpu.memory_space<vmem>>) target(%dma_start3A_436 : memref<10240x32xf32, #tpu.memory_space<vmem_shared>>) offsets(%dma_start3A_433 : memref<128xi32, #tpu.memory_space<vmem>>) semaphore(%dma_start3A_438 : memref<!tpu.dma_semaphore, #tpu.memory_space<semaphore_mem>>) {add = true}
      %add3A_439 = arith.constant 6 : i32
      %add3A_440 = arith.addi %mul3A_247, %add3A_439 : i32
      %dma_wait3A_441 = arith.constant 6 : i32
      %dma_wait3A_442 = arith.constant 6 : i32
      %dma_wait3A_443 = arith.constant 0 : i32
      %dma_wait3A_444 = arith.constant 0 : i32
      %dma_wait3A_445 = tpu.memref_slice %arg9[%dma_wait3A_441, %dma_wait3A_443, %dma_wait3A_444] : memref<8x128x32xf32, #tpu.memory_space<vmem>> -> memref<1x128x32xf32, #tpu.memory_space<vmem>>
      %dma_wait3A_446 = tpu.memref_squeeze %dma_wait3A_445 : memref<1x128x32xf32, #tpu.memory_space<vmem>> -> memref<128x32xf32, #tpu.memory_space<vmem>>
      %dma_wait3A_447 = arith.constant 0 : i32
      %dma_wait3A_448 = tpu.memref_slice %arg7[%add3A_440, %dma_wait3A_447] : memref<80x128xi32, #tpu.memory_space<vmem>> -> memref<1x128xi32, #tpu.memory_space<vmem>>
      %dma_wait3A_449 = tpu.memref_squeeze %dma_wait3A_448 : memref<1x128xi32, #tpu.memory_space<vmem>> -> memref<128xi32, #tpu.memory_space<vmem>>
      %dma_wait3A_450 = arith.constant 0 : i32
      %dma_wait3A_451 = arith.constant 0 : i32
      %dma_wait3A_452 = tpu.memref_slice %arg4[%dma_wait3A_450, %dma_wait3A_451] : memref<10240x32xf32, #tpu.memory_space<hbm>> -> memref<10240x32xf32, #tpu.memory_space<hbm>>
      %dma_wait3A_453 = tpu.memref_slice %arg11[%dma_wait3A_442] : memref<8x!tpu.dma_semaphore, #tpu.memory_space<semaphore_mem>> -> memref<1x!tpu.dma_semaphore, #tpu.memory_space<semaphore_mem>>
      %dma_wait3A_454 = tpu.memref_squeeze %dma_wait3A_453 : memref<1x!tpu.dma_semaphore, #tpu.memory_space<semaphore_mem>> -> memref<!tpu.dma_semaphore, #tpu.memory_space<semaphore_mem>>
      tpu.wait_indirect_dma semaphore(%dma_wait3A_454 : memref<!tpu.dma_semaphore, #tpu.memory_space<semaphore_mem>>) src(%dma_wait3A_452 : memref<10240x32xf32, #tpu.memory_space<hbm>>) dst(%dma_wait3A_446 : memref<128x32xf32, #tpu.memory_space<vmem>>)
      %add3A_455 = arith.constant 6 : i32
      %add3A_456 = arith.addi %mul3A_247, %add3A_455 : i32
      %dma_start3A_457 = arith.constant 6 : i32
      %dma_start3A_458 = arith.constant 6 : i32
      %dma_start3A_459 = arith.constant 0 : i32
      %dma_start3A_460 = arith.constant 0 : i32
      %dma_start3A_461 = tpu.memref_slice %arg9[%dma_start3A_457, %dma_start3A_459, %dma_start3A_460] : memref<8x128x32xf32, #tpu.memory_space<vmem>> -> memref<1x128x32xf32, #tpu.memory_space<vmem>>
      %dma_start3A_462 = tpu.memref_squeeze %dma_start3A_461 : memref<1x128x32xf32, #tpu.memory_space<vmem>> -> memref<128x32xf32, #tpu.memory_space<vmem>>
      %dma_start3A_463 = arith.constant 0 : i32
      %dma_start3A_464 = tpu.memref_slice %arg8[%add3A_456, %dma_start3A_463] : memref<80x128xi32, #tpu.memory_space<vmem>> -> memref<1x128xi32, #tpu.memory_space<vmem>>
      %dma_start3A_465 = tpu.memref_squeeze %dma_start3A_464 : memref<1x128xi32, #tpu.memory_space<vmem>> -> memref<128xi32, #tpu.memory_space<vmem>>
      %dma_start3A_466 = arith.constant 0 : i32
      %dma_start3A_467 = arith.constant 0 : i32
      %dma_start3A_468 = tpu.memref_slice %arg10[%dma_start3A_466, %dma_start3A_467] : memref<10240x32xf32, #tpu.memory_space<vmem_shared>> -> memref<10240x32xf32, #tpu.memory_space<vmem_shared>>
      %dma_start3A_469 = tpu.memref_slice %arg12[%dma_start3A_458] : memref<8x!tpu.dma_semaphore, #tpu.memory_space<semaphore_mem>> -> memref<1x!tpu.dma_semaphore, #tpu.memory_space<semaphore_mem>>
      %dma_start3A_470 = tpu.memref_squeeze %dma_start3A_469 : memref<1x!tpu.dma_semaphore, #tpu.memory_space<semaphore_mem>> -> memref<!tpu.dma_semaphore, #tpu.memory_space<semaphore_mem>>
      tpu.enqueue_indirect_dma source(%dma_start3A_462 : memref<128x32xf32, #tpu.memory_space<vmem>>) target(%dma_start3A_468 : memref<10240x32xf32, #tpu.memory_space<vmem_shared>>) offsets(%dma_start3A_465 : memref<128xi32, #tpu.memory_space<vmem>>) semaphore(%dma_start3A_470 : memref<!tpu.dma_semaphore, #tpu.memory_space<semaphore_mem>>) {add = true}
      %add3A_471 = arith.constant 7 : i32
      %add3A_472 = arith.addi %mul3A_247, %add3A_471 : i32
      %dma_wait3A_473 = arith.constant 7 : i32
      %dma_wait3A_474 = arith.constant 7 : i32
      %dma_wait3A_475 = arith.constant 0 : i32
      %dma_wait3A_476 = arith.constant 0 : i32
      %dma_wait3A_477 = tpu.memref_slice %arg9[%dma_wait3A_473, %dma_wait3A_475, %dma_wait3A_476] : memref<8x128x32xf32, #tpu.memory_space<vmem>> -> memref<1x128x32xf32, #tpu.memory_space<vmem>>
      %dma_wait3A_478 = tpu.memref_squeeze %dma_wait3A_477 : memref<1x128x32xf32, #tpu.memory_space<vmem>> -> memref<128x32xf32, #tpu.memory_space<vmem>>
      %dma_wait3A_479 = arith.constant 0 : i32
      %dma_wait3A_480 = tpu.memref_slice %arg7[%add3A_472, %dma_wait3A_479] : memref<80x128xi32, #tpu.memory_space<vmem>> -> memref<1x128xi32, #tpu.memory_space<vmem>>
      %dma_wait3A_481 = tpu.memref_squeeze %dma_wait3A_480 : memref<1x128xi32, #tpu.memory_space<vmem>> -> memref<128xi32, #tpu.memory_space<vmem>>
      %dma_wait3A_482 = arith.constant 0 : i32
      %dma_wait3A_483 = arith.constant 0 : i32
      %dma_wait3A_484 = tpu.memref_slice %arg4[%dma_wait3A_482, %dma_wait3A_483] : memref<10240x32xf32, #tpu.memory_space<hbm>> -> memref<10240x32xf32, #tpu.memory_space<hbm>>
      %dma_wait3A_485 = tpu.memref_slice %arg11[%dma_wait3A_474] : memref<8x!tpu.dma_semaphore, #tpu.memory_space<semaphore_mem>> -> memref<1x!tpu.dma_semaphore, #tpu.memory_space<semaphore_mem>>
      %dma_wait3A_486 = tpu.memref_squeeze %dma_wait3A_485 : memref<1x!tpu.dma_semaphore, #tpu.memory_space<semaphore_mem>> -> memref<!tpu.dma_semaphore, #tpu.memory_space<semaphore_mem>>
      tpu.wait_indirect_dma semaphore(%dma_wait3A_486 : memref<!tpu.dma_semaphore, #tpu.memory_space<semaphore_mem>>) src(%dma_wait3A_484 : memref<10240x32xf32, #tpu.memory_space<hbm>>) dst(%dma_wait3A_478 : memref<128x32xf32, #tpu.memory_space<vmem>>)
      %add3A_487 = arith.constant 7 : i32
      %add3A_488 = arith.addi %mul3A_247, %add3A_487 : i32
      %dma_start3A_489 = arith.constant 7 : i32
      %dma_start3A_490 = arith.constant 7 : i32
      %dma_start3A_491 = arith.constant 0 : i32
      %dma_start3A_492 = arith.constant 0 : i32
      %dma_start3A_493 = tpu.memref_slice %arg9[%dma_start3A_489, %dma_start3A_491, %dma_start3A_492] : memref<8x128x32xf32, #tpu.memory_space<vmem>> -> memref<1x128x32xf32, #tpu.memory_space<vmem>>
      %dma_start3A_494 = tpu.memref_squeeze %dma_start3A_493 : memref<1x128x32xf32, #tpu.memory_space<vmem>> -> memref<128x32xf32, #tpu.memory_space<vmem>>
      %dma_start3A_495 = arith.constant 0 : i32
      %dma_start3A_496 = tpu.memref_slice %arg8[%add3A_488, %dma_start3A_495] : memref<80x128xi32, #tpu.memory_space<vmem>> -> memref<1x128xi32, #tpu.memory_space<vmem>>
      %dma_start3A_497 = tpu.memref_squeeze %dma_start3A_496 : memref<1x128xi32, #tpu.memory_space<vmem>> -> memref<128xi32, #tpu.memory_space<vmem>>
      %dma_start3A_498 = arith.constant 0 : i32
      %dma_start3A_499 = arith.constant 0 : i32
      %dma_start3A_500 = tpu.memref_slice %arg10[%dma_start3A_498, %dma_start3A_499] : memref<10240x32xf32, #tpu.memory_space<vmem_shared>> -> memref<10240x32xf32, #tpu.memory_space<vmem_shared>>
      %dma_start3A_501 = tpu.memref_slice %arg12[%dma_start3A_490] : memref<8x!tpu.dma_semaphore, #tpu.memory_space<semaphore_mem>> -> memref<1x!tpu.dma_semaphore, #tpu.memory_space<semaphore_mem>>
      %dma_start3A_502 = tpu.memref_squeeze %dma_start3A_501 : memref<1x!tpu.dma_semaphore, #tpu.memory_space<semaphore_mem>> -> memref<!tpu.dma_semaphore, #tpu.memory_space<semaphore_mem>>
      tpu.enqueue_indirect_dma source(%dma_start3A_494 : memref<128x32xf32, #tpu.memory_space<vmem>>) target(%dma_start3A_500 : memref<10240x32xf32, #tpu.memory_space<vmem_shared>>) offsets(%dma_start3A_497 : memref<128xi32, #tpu.memory_space<vmem>>) semaphore(%dma_start3A_502 : memref<!tpu.dma_semaphore, #tpu.memory_space<semaphore_mem>>) {add = true}
      %add3A_503 = arith.constant 1 : i32
      %add3A_504 = arith.addi %scan3A_245, %add3A_503 : i32
      %lt3A = arith.constant 10 : i32
      %lt3A_505 = arith.cmpi slt, %add3A_504, %lt3A : i32
      %convert_element_type3A = arith.extui %lt3A_505 : i1 to i32
      %cond3A = arith.constant 0 : i32
      %cond3A_506 = arith.cmpi ne, %convert_element_type3A, %cond3A : i32
      scf.if %cond3A_506 {
        %add3A_507 = arith.constant 0 : i32
        %add3A_508 = arith.addi %mul3A_247, %add3A_507 : i32
        %dma_wait3A_509 = arith.constant 0 : i32
        %dma_wait3A_510 = arith.constant 0 : i32
        %dma_wait3A_511 = arith.constant 0 : i32
        %dma_wait3A_512 = arith.constant 0 : i32
        %dma_wait3A_513 = tpu.memref_slice %arg9[%dma_wait3A_509, %dma_wait3A_511, %dma_wait3A_512] : memref<8x128x32xf32, #tpu.memory_space<vmem>> -> memref<1x128x32xf32, #tpu.memory_space<vmem>>
        %dma_wait3A_514 = tpu.memref_squeeze %dma_wait3A_513 : memref<1x128x32xf32, #tpu.memory_space<vmem>> -> memref<128x32xf32, #tpu.memory_space<vmem>>
        %dma_wait3A_515 = arith.constant 0 : i32
        %dma_wait3A_516 = tpu.memref_slice %arg8[%add3A_508, %dma_wait3A_515] : memref<80x128xi32, #tpu.memory_space<vmem>> -> memref<1x128xi32, #tpu.memory_space<vmem>>
        %dma_wait3A_517 = tpu.memref_squeeze %dma_wait3A_516 : memref<1x128xi32, #tpu.memory_space<vmem>> -> memref<128xi32, #tpu.memory_space<vmem>>
        %dma_wait3A_518 = arith.constant 0 : i32
        %dma_wait3A_519 = arith.constant 0 : i32
        %dma_wait3A_520 = tpu.memref_slice %arg10[%dma_wait3A_518, %dma_wait3A_519] : memref<10240x32xf32, #tpu.memory_space<vmem_shared>> -> memref<10240x32xf32, #tpu.memory_space<vmem_shared>>
        %dma_wait3A_521 = tpu.memref_slice %arg12[%dma_wait3A_510] : memref<8x!tpu.dma_semaphore, #tpu.memory_space<semaphore_mem>> -> memref<1x!tpu.dma_semaphore, #tpu.memory_space<semaphore_mem>>
        %dma_wait3A_522 = tpu.memref_squeeze %dma_wait3A_521 : memref<1x!tpu.dma_semaphore, #tpu.memory_space<semaphore_mem>> -> memref<!tpu.dma_semaphore, #tpu.memory_space<semaphore_mem>>
        tpu.wait_indirect_dma semaphore(%dma_wait3A_522 : memref<!tpu.dma_semaphore, #tpu.memory_space<semaphore_mem>>) src(%dma_wait3A_514 : memref<128x32xf32, #tpu.memory_space<vmem>>) dst(%dma_wait3A_520 : memref<10240x32xf32, #tpu.memory_space<vmem_shared>>)
        %add3A_523 = arith.constant 8 : i32
        %add3A_524 = arith.addi %mul3A_247, %add3A_523 : i32
        %add3A_525 = arith.constant 0 : i32
        %add3A_526 = arith.addi %add3A_524, %add3A_525 : i32
        %dma_start3A_527 = arith.constant 0 : i32
        %dma_start3A_528 = arith.constant 0 : i32
        %dma_start3A_529 = arith.constant 0 : i32
        %dma_start3A_530 = arith.constant 0 : i32
        %dma_start3A_531 = tpu.memref_slice %arg9[%dma_start3A_527, %dma_start3A_529, %dma_start3A_530] : memref<8x128x32xf32, #tpu.memory_space<vmem>> -> memref<1x128x32xf32, #tpu.memory_space<vmem>>
        %dma_start3A_532 = tpu.memref_squeeze %dma_start3A_531 : memref<1x128x32xf32, #tpu.memory_space<vmem>> -> memref<128x32xf32, #tpu.memory_space<vmem>>
        %dma_start3A_533 = arith.constant 0 : i32
        %dma_start3A_534 = tpu.memref_slice %arg7[%add3A_526, %dma_start3A_533] : memref<80x128xi32, #tpu.memory_space<vmem>> -> memref<1x128xi32, #tpu.memory_space<vmem>>
        %dma_start3A_535 = tpu.memref_squeeze %dma_start3A_534 : memref<1x128xi32, #tpu.memory_space<vmem>> -> memref<128xi32, #tpu.memory_space<vmem>>
        %dma_start3A_536 = arith.constant 0 : i32
        %dma_start3A_537 = arith.constant 0 : i32
        %dma_start3A_538 = tpu.memref_slice %arg4[%dma_start3A_536, %dma_start3A_537] : memref<10240x32xf32, #tpu.memory_space<hbm>> -> memref<10240x32xf32, #tpu.memory_space<hbm>>
        %dma_start3A_539 = tpu.memref_slice %arg11[%dma_start3A_528] : memref<8x!tpu.dma_semaphore, #tpu.memory_space<semaphore_mem>> -> memref<1x!tpu.dma_semaphore, #tpu.memory_space<semaphore_mem>>
        %dma_start3A_540 = tpu.memref_squeeze %dma_start3A_539 : memref<1x!tpu.dma_semaphore, #tpu.memory_space<semaphore_mem>> -> memref<!tpu.dma_semaphore, #tpu.memory_space<semaphore_mem>>
        tpu.enqueue_indirect_dma source(%dma_start3A_538 : memref<10240x32xf32, #tpu.memory_space<hbm>>) target(%dma_start3A_532 : memref<128x32xf32, #tpu.memory_space<vmem>>) offsets(%dma_start3A_535 : memref<128xi32, #tpu.memory_space<vmem>>) semaphore(%dma_start3A_540 : memref<!tpu.dma_semaphore, #tpu.memory_space<semaphore_mem>>)
        %add3A_541 = arith.constant 1 : i32
        %add3A_542 = arith.addi %mul3A_247, %add3A_541 : i32
        %dma_wait3A_543 = arith.constant 1 : i32
        %dma_wait3A_544 = arith.constant 1 : i32
        %dma_wait3A_545 = arith.constant 0 : i32
        %dma_wait3A_546 = arith.constant 0 : i32
        %dma_wait3A_547 = tpu.memref_slice %arg9[%dma_wait3A_543, %dma_wait3A_545, %dma_wait3A_546] : memref<8x128x32xf32, #tpu.memory_space<vmem>> -> memref<1x128x32xf32, #tpu.memory_space<vmem>>
        %dma_wait3A_548 = tpu.memref_squeeze %dma_wait3A_547 : memref<1x128x32xf32, #tpu.memory_space<vmem>> -> memref<128x32xf32, #tpu.memory_space<vmem>>
        %dma_wait3A_549 = arith.constant 0 : i32
        %dma_wait3A_550 = tpu.memref_slice %arg8[%add3A_542, %dma_wait3A_549] : memref<80x128xi32, #tpu.memory_space<vmem>> -> memref<1x128xi32, #tpu.memory_space<vmem>>
        %dma_wait3A_551 = tpu.memref_squeeze %dma_wait3A_550 : memref<1x128xi32, #tpu.memory_space<vmem>> -> memref<128xi32, #tpu.memory_space<vmem>>
        %dma_wait3A_552 = arith.constant 0 : i32
        %dma_wait3A_553 = arith.constant 0 : i32
        %dma_wait3A_554 = tpu.memref_slice %arg10[%dma_wait3A_552, %dma_wait3A_553] : memref<10240x32xf32, #tpu.memory_space<vmem_shared>> -> memref<10240x32xf32, #tpu.memory_space<vmem_shared>>
        %dma_wait3A_555 = tpu.memref_slice %arg12[%dma_wait3A_544] : memref<8x!tpu.dma_semaphore, #tpu.memory_space<semaphore_mem>> -> memref<1x!tpu.dma_semaphore, #tpu.memory_space<semaphore_mem>>
        %dma_wait3A_556 = tpu.memref_squeeze %dma_wait3A_555 : memref<1x!tpu.dma_semaphore, #tpu.memory_space<semaphore_mem>> -> memref<!tpu.dma_semaphore, #tpu.memory_space<semaphore_mem>>
        tpu.wait_indirect_dma semaphore(%dma_wait3A_556 : memref<!tpu.dma_semaphore, #tpu.memory_space<semaphore_mem>>) src(%dma_wait3A_548 : memref<128x32xf32, #tpu.memory_space<vmem>>) dst(%dma_wait3A_554 : memref<10240x32xf32, #tpu.memory_space<vmem_shared>>)
        %add3A_557 = arith.constant 8 : i32
        %add3A_558 = arith.addi %mul3A_247, %add3A_557 : i32
        %add3A_559 = arith.constant 1 : i32
        %add3A_560 = arith.addi %add3A_558, %add3A_559 : i32
        %dma_start3A_561 = arith.constant 1 : i32
        %dma_start3A_562 = arith.constant 1 : i32
        %dma_start3A_563 = arith.constant 0 : i32
        %dma_start3A_564 = arith.constant 0 : i32
        %dma_start3A_565 = tpu.memref_slice %arg9[%dma_start3A_561, %dma_start3A_563, %dma_start3A_564] : memref<8x128x32xf32, #tpu.memory_space<vmem>> -> memref<1x128x32xf32, #tpu.memory_space<vmem>>
        %dma_start3A_566 = tpu.memref_squeeze %dma_start3A_565 : memref<1x128x32xf32, #tpu.memory_space<vmem>> -> memref<128x32xf32, #tpu.memory_space<vmem>>
        %dma_start3A_567 = arith.constant 0 : i32
        %dma_start3A_568 = tpu.memref_slice %arg7[%add3A_560, %dma_start3A_567] : memref<80x128xi32, #tpu.memory_space<vmem>> -> memref<1x128xi32, #tpu.memory_space<vmem>>
        %dma_start3A_569 = tpu.memref_squeeze %dma_start3A_568 : memref<1x128xi32, #tpu.memory_space<vmem>> -> memref<128xi32, #tpu.memory_space<vmem>>
        %dma_start3A_570 = arith.constant 0 : i32
        %dma_start3A_571 = arith.constant 0 : i32
        %dma_start3A_572 = tpu.memref_slice %arg4[%dma_start3A_570, %dma_start3A_571] : memref<10240x32xf32, #tpu.memory_space<hbm>> -> memref<10240x32xf32, #tpu.memory_space<hbm>>
        %dma_start3A_573 = tpu.memref_slice %arg11[%dma_start3A_562] : memref<8x!tpu.dma_semaphore, #tpu.memory_space<semaphore_mem>> -> memref<1x!tpu.dma_semaphore, #tpu.memory_space<semaphore_mem>>
        %dma_start3A_574 = tpu.memref_squeeze %dma_start3A_573 : memref<1x!tpu.dma_semaphore, #tpu.memory_space<semaphore_mem>> -> memref<!tpu.dma_semaphore, #tpu.memory_space<semaphore_mem>>
        tpu.enqueue_indirect_dma source(%dma_start3A_572 : memref<10240x32xf32, #tpu.memory_space<hbm>>) target(%dma_start3A_566 : memref<128x32xf32, #tpu.memory_space<vmem>>) offsets(%dma_start3A_569 : memref<128xi32, #tpu.memory_space<vmem>>) semaphore(%dma_start3A_574 : memref<!tpu.dma_semaphore, #tpu.memory_space<semaphore_mem>>)
        %add3A_575 = arith.constant 2 : i32
        %add3A_576 = arith.addi %mul3A_247, %add3A_575 : i32
        %dma_wait3A_577 = arith.constant 2 : i32
        %dma_wait3A_578 = arith.constant 2 : i32
        %dma_wait3A_579 = arith.constant 0 : i32
        %dma_wait3A_580 = arith.constant 0 : i32
        %dma_wait3A_581 = tpu.memref_slice %arg9[%dma_wait3A_577, %dma_wait3A_579, %dma_wait3A_580] : memref<8x128x32xf32, #tpu.memory_space<vmem>> -> memref<1x128x32xf32, #tpu.memory_space<vmem>>
        %dma_wait3A_582 = tpu.memref_squeeze %dma_wait3A_581 : memref<1x128x32xf32, #tpu.memory_space<vmem>> -> memref<128x32xf32, #tpu.memory_space<vmem>>
        %dma_wait3A_583 = arith.constant 0 : i32
        %dma_wait3A_584 = tpu.memref_slice %arg8[%add3A_576, %dma_wait3A_583] : memref<80x128xi32, #tpu.memory_space<vmem>> -> memref<1x128xi32, #tpu.memory_space<vmem>>
        %dma_wait3A_585 = tpu.memref_squeeze %dma_wait3A_584 : memref<1x128xi32, #tpu.memory_space<vmem>> -> memref<128xi32, #tpu.memory_space<vmem>>
        %dma_wait3A_586 = arith.constant 0 : i32
        %dma_wait3A_587 = arith.constant 0 : i32
        %dma_wait3A_588 = tpu.memref_slice %arg10[%dma_wait3A_586, %dma_wait3A_587] : memref<10240x32xf32, #tpu.memory_space<vmem_shared>> -> memref<10240x32xf32, #tpu.memory_space<vmem_shared>>
        %dma_wait3A_589 = tpu.memref_slice %arg12[%dma_wait3A_578] : memref<8x!tpu.dma_semaphore, #tpu.memory_space<semaphore_mem>> -> memref<1x!tpu.dma_semaphore, #tpu.memory_space<semaphore_mem>>
        %dma_wait3A_590 = tpu.memref_squeeze %dma_wait3A_589 : memref<1x!tpu.dma_semaphore, #tpu.memory_space<semaphore_mem>> -> memref<!tpu.dma_semaphore, #tpu.memory_space<semaphore_mem>>
        tpu.wait_indirect_dma semaphore(%dma_wait3A_590 : memref<!tpu.dma_semaphore, #tpu.memory_space<semaphore_mem>>) src(%dma_wait3A_582 : memref<128x32xf32, #tpu.memory_space<vmem>>) dst(%dma_wait3A_588 : memref<10240x32xf32, #tpu.memory_space<vmem_shared>>)
        %add3A_591 = arith.constant 8 : i32
        %add3A_592 = arith.addi %mul3A_247, %add3A_591 : i32
        %add3A_593 = arith.constant 2 : i32
        %add3A_594 = arith.addi %add3A_592, %add3A_593 : i32
        %dma_start3A_595 = arith.constant 2 : i32
        %dma_start3A_596 = arith.constant 2 : i32
        %dma_start3A_597 = arith.constant 0 : i32
        %dma_start3A_598 = arith.constant 0 : i32
        %dma_start3A_599 = tpu.memref_slice %arg9[%dma_start3A_595, %dma_start3A_597, %dma_start3A_598] : memref<8x128x32xf32, #tpu.memory_space<vmem>> -> memref<1x128x32xf32, #tpu.memory_space<vmem>>
        %dma_start3A_600 = tpu.memref_squeeze %dma_start3A_599 : memref<1x128x32xf32, #tpu.memory_space<vmem>> -> memref<128x32xf32, #tpu.memory_space<vmem>>
        %dma_start3A_601 = arith.constant 0 : i32
        %dma_start3A_602 = tpu.memref_slice %arg7[%add3A_594, %dma_start3A_601] : memref<80x128xi32, #tpu.memory_space<vmem>> -> memref<1x128xi32, #tpu.memory_space<vmem>>
        %dma_start3A_603 = tpu.memref_squeeze %dma_start3A_602 : memref<1x128xi32, #tpu.memory_space<vmem>> -> memref<128xi32, #tpu.memory_space<vmem>>
        %dma_start3A_604 = arith.constant 0 : i32
        %dma_start3A_605 = arith.constant 0 : i32
        %dma_start3A_606 = tpu.memref_slice %arg4[%dma_start3A_604, %dma_start3A_605] : memref<10240x32xf32, #tpu.memory_space<hbm>> -> memref<10240x32xf32, #tpu.memory_space<hbm>>
        %dma_start3A_607 = tpu.memref_slice %arg11[%dma_start3A_596] : memref<8x!tpu.dma_semaphore, #tpu.memory_space<semaphore_mem>> -> memref<1x!tpu.dma_semaphore, #tpu.memory_space<semaphore_mem>>
        %dma_start3A_608 = tpu.memref_squeeze %dma_start3A_607 : memref<1x!tpu.dma_semaphore, #tpu.memory_space<semaphore_mem>> -> memref<!tpu.dma_semaphore, #tpu.memory_space<semaphore_mem>>
        tpu.enqueue_indirect_dma source(%dma_start3A_606 : memref<10240x32xf32, #tpu.memory_space<hbm>>) target(%dma_start3A_600 : memref<128x32xf32, #tpu.memory_space<vmem>>) offsets(%dma_start3A_603 : memref<128xi32, #tpu.memory_space<vmem>>) semaphore(%dma_start3A_608 : memref<!tpu.dma_semaphore, #tpu.memory_space<semaphore_mem>>)
        %add3A_609 = arith.constant 3 : i32
        %add3A_610 = arith.addi %mul3A_247, %add3A_609 : i32
        %dma_wait3A_611 = arith.constant 3 : i32
        %dma_wait3A_612 = arith.constant 3 : i32
        %dma_wait3A_613 = arith.constant 0 : i32
        %dma_wait3A_614 = arith.constant 0 : i32
        %dma_wait3A_615 = tpu.memref_slice %arg9[%dma_wait3A_611, %dma_wait3A_613, %dma_wait3A_614] : memref<8x128x32xf32, #tpu.memory_space<vmem>> -> memref<1x128x32xf32, #tpu.memory_space<vmem>>
        %dma_wait3A_616 = tpu.memref_squeeze %dma_wait3A_615 : memref<1x128x32xf32, #tpu.memory_space<vmem>> -> memref<128x32xf32, #tpu.memory_space<vmem>>
        %dma_wait3A_617 = arith.constant 0 : i32
        %dma_wait3A_618 = tpu.memref_slice %arg8[%add3A_610, %dma_wait3A_617] : memref<80x128xi32, #tpu.memory_space<vmem>> -> memref<1x128xi32, #tpu.memory_space<vmem>>
        %dma_wait3A_619 = tpu.memref_squeeze %dma_wait3A_618 : memref<1x128xi32, #tpu.memory_space<vmem>> -> memref<128xi32, #tpu.memory_space<vmem>>
        %dma_wait3A_620 = arith.constant 0 : i32
        %dma_wait3A_621 = arith.constant 0 : i32
        %dma_wait3A_622 = tpu.memref_slice %arg10[%dma_wait3A_620, %dma_wait3A_621] : memref<10240x32xf32, #tpu.memory_space<vmem_shared>> -> memref<10240x32xf32, #tpu.memory_space<vmem_shared>>
        %dma_wait3A_623 = tpu.memref_slice %arg12[%dma_wait3A_612] : memref<8x!tpu.dma_semaphore, #tpu.memory_space<semaphore_mem>> -> memref<1x!tpu.dma_semaphore, #tpu.memory_space<semaphore_mem>>
        %dma_wait3A_624 = tpu.memref_squeeze %dma_wait3A_623 : memref<1x!tpu.dma_semaphore, #tpu.memory_space<semaphore_mem>> -> memref<!tpu.dma_semaphore, #tpu.memory_space<semaphore_mem>>
        tpu.wait_indirect_dma semaphore(%dma_wait3A_624 : memref<!tpu.dma_semaphore, #tpu.memory_space<semaphore_mem>>) src(%dma_wait3A_616 : memref<128x32xf32, #tpu.memory_space<vmem>>) dst(%dma_wait3A_622 : memref<10240x32xf32, #tpu.memory_space<vmem_shared>>)
        %add3A_625 = arith.constant 8 : i32
        %add3A_626 = arith.addi %mul3A_247, %add3A_625 : i32
        %add3A_627 = arith.constant 3 : i32
        %add3A_628 = arith.addi %add3A_626, %add3A_627 : i32
        %dma_start3A_629 = arith.constant 3 : i32
        %dma_start3A_630 = arith.constant 3 : i32
        %dma_start3A_631 = arith.constant 0 : i32
        %dma_start3A_632 = arith.constant 0 : i32
        %dma_start3A_633 = tpu.memref_slice %arg9[%dma_start3A_629, %dma_start3A_631, %dma_start3A_632] : memref<8x128x32xf32, #tpu.memory_space<vmem>> -> memref<1x128x32xf32, #tpu.memory_space<vmem>>
        %dma_start3A_634 = tpu.memref_squeeze %dma_start3A_633 : memref<1x128x32xf32, #tpu.memory_space<vmem>> -> memref<128x32xf32, #tpu.memory_space<vmem>>
        %dma_start3A_635 = arith.constant 0 : i32
        %dma_start3A_636 = tpu.memref_slice %arg7[%add3A_628, %dma_start3A_635] : memref<80x128xi32, #tpu.memory_space<vmem>> -> memref<1x128xi32, #tpu.memory_space<vmem>>
        %dma_start3A_637 = tpu.memref_squeeze %dma_start3A_636 : memref<1x128xi32, #tpu.memory_space<vmem>> -> memref<128xi32, #tpu.memory_space<vmem>>
        %dma_start3A_638 = arith.constant 0 : i32
        %dma_start3A_639 = arith.constant 0 : i32
        %dma_start3A_640 = tpu.memref_slice %arg4[%dma_start3A_638, %dma_start3A_639] : memref<10240x32xf32, #tpu.memory_space<hbm>> -> memref<10240x32xf32, #tpu.memory_space<hbm>>
        %dma_start3A_641 = tpu.memref_slice %arg11[%dma_start3A_630] : memref<8x!tpu.dma_semaphore, #tpu.memory_space<semaphore_mem>> -> memref<1x!tpu.dma_semaphore, #tpu.memory_space<semaphore_mem>>
        %dma_start3A_642 = tpu.memref_squeeze %dma_start3A_641 : memref<1x!tpu.dma_semaphore, #tpu.memory_space<semaphore_mem>> -> memref<!tpu.dma_semaphore, #tpu.memory_space<semaphore_mem>>
        tpu.enqueue_indirect_dma source(%dma_start3A_640 : memref<10240x32xf32, #tpu.memory_space<hbm>>) target(%dma_start3A_634 : memref<128x32xf32, #tpu.memory_space<vmem>>) offsets(%dma_start3A_637 : memref<128xi32, #tpu.memory_space<vmem>>) semaphore(%dma_start3A_642 : memref<!tpu.dma_semaphore, #tpu.memory_space<semaphore_mem>>)
        %add3A_643 = arith.constant 4 : i32
        %add3A_644 = arith.addi %mul3A_247, %add3A_643 : i32
        %dma_wait3A_645 = arith.constant 4 : i32
        %dma_wait3A_646 = arith.constant 4 : i32
        %dma_wait3A_647 = arith.constant 0 : i32
        %dma_wait3A_648 = arith.constant 0 : i32
        %dma_wait3A_649 = tpu.memref_slice %arg9[%dma_wait3A_645, %dma_wait3A_647, %dma_wait3A_648] : memref<8x128x32xf32, #tpu.memory_space<vmem>> -> memref<1x128x32xf32, #tpu.memory_space<vmem>>
        %dma_wait3A_650 = tpu.memref_squeeze %dma_wait3A_649 : memref<1x128x32xf32, #tpu.memory_space<vmem>> -> memref<128x32xf32, #tpu.memory_space<vmem>>
        %dma_wait3A_651 = arith.constant 0 : i32
        %dma_wait3A_652 = tpu.memref_slice %arg8[%add3A_644, %dma_wait3A_651] : memref<80x128xi32, #tpu.memory_space<vmem>> -> memref<1x128xi32, #tpu.memory_space<vmem>>
        %dma_wait3A_653 = tpu.memref_squeeze %dma_wait3A_652 : memref<1x128xi32, #tpu.memory_space<vmem>> -> memref<128xi32, #tpu.memory_space<vmem>>
        %dma_wait3A_654 = arith.constant 0 : i32
        %dma_wait3A_655 = arith.constant 0 : i32
        %dma_wait3A_656 = tpu.memref_slice %arg10[%dma_wait3A_654, %dma_wait3A_655] : memref<10240x32xf32, #tpu.memory_space<vmem_shared>> -> memref<10240x32xf32, #tpu.memory_space<vmem_shared>>
        %dma_wait3A_657 = tpu.memref_slice %arg12[%dma_wait3A_646] : memref<8x!tpu.dma_semaphore, #tpu.memory_space<semaphore_mem>> -> memref<1x!tpu.dma_semaphore, #tpu.memory_space<semaphore_mem>>
        %dma_wait3A_658 = tpu.memref_squeeze %dma_wait3A_657 : memref<1x!tpu.dma_semaphore, #tpu.memory_space<semaphore_mem>> -> memref<!tpu.dma_semaphore, #tpu.memory_space<semaphore_mem>>
        tpu.wait_indirect_dma semaphore(%dma_wait3A_658 : memref<!tpu.dma_semaphore, #tpu.memory_space<semaphore_mem>>) src(%dma_wait3A_650 : memref<128x32xf32, #tpu.memory_space<vmem>>) dst(%dma_wait3A_656 : memref<10240x32xf32, #tpu.memory_space<vmem_shared>>)
        %add3A_659 = arith.constant 8 : i32
        %add3A_660 = arith.addi %mul3A_247, %add3A_659 : i32
        %add3A_661 = arith.constant 4 : i32
        %add3A_662 = arith.addi %add3A_660, %add3A_661 : i32
        %dma_start3A_663 = arith.constant 4 : i32
        %dma_start3A_664 = arith.constant 4 : i32
        %dma_start3A_665 = arith.constant 0 : i32
        %dma_start3A_666 = arith.constant 0 : i32
        %dma_start3A_667 = tpu.memref_slice %arg9[%dma_start3A_663, %dma_start3A_665, %dma_start3A_666] : memref<8x128x32xf32, #tpu.memory_space<vmem>> -> memref<1x128x32xf32, #tpu.memory_space<vmem>>
        %dma_start3A_668 = tpu.memref_squeeze %dma_start3A_667 : memref<1x128x32xf32, #tpu.memory_space<vmem>> -> memref<128x32xf32, #tpu.memory_space<vmem>>
        %dma_start3A_669 = arith.constant 0 : i32
        %dma_start3A_670 = tpu.memref_slice %arg7[%add3A_662, %dma_start3A_669] : memref<80x128xi32, #tpu.memory_space<vmem>> -> memref<1x128xi32, #tpu.memory_space<vmem>>
        %dma_start3A_671 = tpu.memref_squeeze %dma_start3A_670 : memref<1x128xi32, #tpu.memory_space<vmem>> -> memref<128xi32, #tpu.memory_space<vmem>>
        %dma_start3A_672 = arith.constant 0 : i32
        %dma_start3A_673 = arith.constant 0 : i32
        %dma_start3A_674 = tpu.memref_slice %arg4[%dma_start3A_672, %dma_start3A_673] : memref<10240x32xf32, #tpu.memory_space<hbm>> -> memref<10240x32xf32, #tpu.memory_space<hbm>>
        %dma_start3A_675 = tpu.memref_slice %arg11[%dma_start3A_664] : memref<8x!tpu.dma_semaphore, #tpu.memory_space<semaphore_mem>> -> memref<1x!tpu.dma_semaphore, #tpu.memory_space<semaphore_mem>>
        %dma_start3A_676 = tpu.memref_squeeze %dma_start3A_675 : memref<1x!tpu.dma_semaphore, #tpu.memory_space<semaphore_mem>> -> memref<!tpu.dma_semaphore, #tpu.memory_space<semaphore_mem>>
        tpu.enqueue_indirect_dma source(%dma_start3A_674 : memref<10240x32xf32, #tpu.memory_space<hbm>>) target(%dma_start3A_668 : memref<128x32xf32, #tpu.memory_space<vmem>>) offsets(%dma_start3A_671 : memref<128xi32, #tpu.memory_space<vmem>>) semaphore(%dma_start3A_676 : memref<!tpu.dma_semaphore, #tpu.memory_space<semaphore_mem>>)
        %add3A_677 = arith.constant 5 : i32
        %add3A_678 = arith.addi %mul3A_247, %add3A_677 : i32
        %dma_wait3A_679 = arith.constant 5 : i32
        %dma_wait3A_680 = arith.constant 5 : i32
        %dma_wait3A_681 = arith.constant 0 : i32
        %dma_wait3A_682 = arith.constant 0 : i32
        %dma_wait3A_683 = tpu.memref_slice %arg9[%dma_wait3A_679, %dma_wait3A_681, %dma_wait3A_682] : memref<8x128x32xf32, #tpu.memory_space<vmem>> -> memref<1x128x32xf32, #tpu.memory_space<vmem>>
        %dma_wait3A_684 = tpu.memref_squeeze %dma_wait3A_683 : memref<1x128x32xf32, #tpu.memory_space<vmem>> -> memref<128x32xf32, #tpu.memory_space<vmem>>
        %dma_wait3A_685 = arith.constant 0 : i32
        %dma_wait3A_686 = tpu.memref_slice %arg8[%add3A_678, %dma_wait3A_685] : memref<80x128xi32, #tpu.memory_space<vmem>> -> memref<1x128xi32, #tpu.memory_space<vmem>>
        %dma_wait3A_687 = tpu.memref_squeeze %dma_wait3A_686 : memref<1x128xi32, #tpu.memory_space<vmem>> -> memref<128xi32, #tpu.memory_space<vmem>>
        %dma_wait3A_688 = arith.constant 0 : i32
        %dma_wait3A_689 = arith.constant 0 : i32
        %dma_wait3A_690 = tpu.memref_slice %arg10[%dma_wait3A_688, %dma_wait3A_689] : memref<10240x32xf32, #tpu.memory_space<vmem_shared>> -> memref<10240x32xf32, #tpu.memory_space<vmem_shared>>
        %dma_wait3A_691 = tpu.memref_slice %arg12[%dma_wait3A_680] : memref<8x!tpu.dma_semaphore, #tpu.memory_space<semaphore_mem>> -> memref<1x!tpu.dma_semaphore, #tpu.memory_space<semaphore_mem>>
        %dma_wait3A_692 = tpu.memref_squeeze %dma_wait3A_691 : memref<1x!tpu.dma_semaphore, #tpu.memory_space<semaphore_mem>> -> memref<!tpu.dma_semaphore, #tpu.memory_space<semaphore_mem>>
        tpu.wait_indirect_dma semaphore(%dma_wait3A_692 : memref<!tpu.dma_semaphore, #tpu.memory_space<semaphore_mem>>) src(%dma_wait3A_684 : memref<128x32xf32, #tpu.memory_space<vmem>>) dst(%dma_wait3A_690 : memref<10240x32xf32, #tpu.memory_space<vmem_shared>>)
        %add3A_693 = arith.constant 8 : i32
        %add3A_694 = arith.addi %mul3A_247, %add3A_693 : i32
        %add3A_695 = arith.constant 5 : i32
        %add3A_696 = arith.addi %add3A_694, %add3A_695 : i32
        %dma_start3A_697 = arith.constant 5 : i32
        %dma_start3A_698 = arith.constant 5 : i32
        %dma_start3A_699 = arith.constant 0 : i32
        %dma_start3A_700 = arith.constant 0 : i32
        %dma_start3A_701 = tpu.memref_slice %arg9[%dma_start3A_697, %dma_start3A_699, %dma_start3A_700] : memref<8x128x32xf32, #tpu.memory_space<vmem>> -> memref<1x128x32xf32, #tpu.memory_space<vmem>>
        %dma_start3A_702 = tpu.memref_squeeze %dma_start3A_701 : memref<1x128x32xf32, #tpu.memory_space<vmem>> -> memref<128x32xf32, #tpu.memory_space<vmem>>
        %dma_start3A_703 = arith.constant 0 : i32
        %dma_start3A_704 = tpu.memref_slice %arg7[%add3A_696, %dma_start3A_703] : memref<80x128xi32, #tpu.memory_space<vmem>> -> memref<1x128xi32, #tpu.memory_space<vmem>>
        %dma_start3A_705 = tpu.memref_squeeze %dma_start3A_704 : memref<1x128xi32, #tpu.memory_space<vmem>> -> memref<128xi32, #tpu.memory_space<vmem>>
        %dma_start3A_706 = arith.constant 0 : i32
        %dma_start3A_707 = arith.constant 0 : i32
        %dma_start3A_708 = tpu.memref_slice %arg4[%dma_start3A_706, %dma_start3A_707] : memref<10240x32xf32, #tpu.memory_space<hbm>> -> memref<10240x32xf32, #tpu.memory_space<hbm>>
        %dma_start3A_709 = tpu.memref_slice %arg11[%dma_start3A_698] : memref<8x!tpu.dma_semaphore, #tpu.memory_space<semaphore_mem>> -> memref<1x!tpu.dma_semaphore, #tpu.memory_space<semaphore_mem>>
        %dma_start3A_710 = tpu.memref_squeeze %dma_start3A_709 : memref<1x!tpu.dma_semaphore, #tpu.memory_space<semaphore_mem>> -> memref<!tpu.dma_semaphore, #tpu.memory_space<semaphore_mem>>
        tpu.enqueue_indirect_dma source(%dma_start3A_708 : memref<10240x32xf32, #tpu.memory_space<hbm>>) target(%dma_start3A_702 : memref<128x32xf32, #tpu.memory_space<vmem>>) offsets(%dma_start3A_705 : memref<128xi32, #tpu.memory_space<vmem>>) semaphore(%dma_start3A_710 : memref<!tpu.dma_semaphore, #tpu.memory_space<semaphore_mem>>)
        %add3A_711 = arith.constant 6 : i32
        %add3A_712 = arith.addi %mul3A_247, %add3A_711 : i32
        %dma_wait3A_713 = arith.constant 6 : i32
        %dma_wait3A_714 = arith.constant 6 : i32
        %dma_wait3A_715 = arith.constant 0 : i32
        %dma_wait3A_716 = arith.constant 0 : i32
        %dma_wait3A_717 = tpu.memref_slice %arg9[%dma_wait3A_713, %dma_wait3A_715, %dma_wait3A_716] : memref<8x128x32xf32, #tpu.memory_space<vmem>> -> memref<1x128x32xf32, #tpu.memory_space<vmem>>
        %dma_wait3A_718 = tpu.memref_squeeze %dma_wait3A_717 : memref<1x128x32xf32, #tpu.memory_space<vmem>> -> memref<128x32xf32, #tpu.memory_space<vmem>>
        %dma_wait3A_719 = arith.constant 0 : i32
        %dma_wait3A_720 = tpu.memref_slice %arg8[%add3A_712, %dma_wait3A_719] : memref<80x128xi32, #tpu.memory_space<vmem>> -> memref<1x128xi32, #tpu.memory_space<vmem>>
        %dma_wait3A_721 = tpu.memref_squeeze %dma_wait3A_720 : memref<1x128xi32, #tpu.memory_space<vmem>> -> memref<128xi32, #tpu.memory_space<vmem>>
        %dma_wait3A_722 = arith.constant 0 : i32
        %dma_wait3A_723 = arith.constant 0 : i32
        %dma_wait3A_724 = tpu.memref_slice %arg10[%dma_wait3A_722, %dma_wait3A_723] : memref<10240x32xf32, #tpu.memory_space<vmem_shared>> -> memref<10240x32xf32, #tpu.memory_space<vmem_shared>>
        %dma_wait3A_725 = tpu.memref_slice %arg12[%dma_wait3A_714] : memref<8x!tpu.dma_semaphore, #tpu.memory_space<semaphore_mem>> -> memref<1x!tpu.dma_semaphore, #tpu.memory_space<semaphore_mem>>
        %dma_wait3A_726 = tpu.memref_squeeze %dma_wait3A_725 : memref<1x!tpu.dma_semaphore, #tpu.memory_space<semaphore_mem>> -> memref<!tpu.dma_semaphore, #tpu.memory_space<semaphore_mem>>
        tpu.wait_indirect_dma semaphore(%dma_wait3A_726 : memref<!tpu.dma_semaphore, #tpu.memory_space<semaphore_mem>>) src(%dma_wait3A_718 : memref<128x32xf32, #tpu.memory_space<vmem>>) dst(%dma_wait3A_724 : memref<10240x32xf32, #tpu.memory_space<vmem_shared>>)
        %add3A_727 = arith.constant 8 : i32
        %add3A_728 = arith.addi %mul3A_247, %add3A_727 : i32
        %add3A_729 = arith.constant 6 : i32
        %add3A_730 = arith.addi %add3A_728, %add3A_729 : i32
        %dma_start3A_731 = arith.constant 6 : i32
        %dma_start3A_732 = arith.constant 6 : i32
        %dma_start3A_733 = arith.constant 0 : i32
        %dma_start3A_734 = arith.constant 0 : i32
        %dma_start3A_735 = tpu.memref_slice %arg9[%dma_start3A_731, %dma_start3A_733, %dma_start3A_734] : memref<8x128x32xf32, #tpu.memory_space<vmem>> -> memref<1x128x32xf32, #tpu.memory_space<vmem>>
        %dma_start3A_736 = tpu.memref_squeeze %dma_start3A_735 : memref<1x128x32xf32, #tpu.memory_space<vmem>> -> memref<128x32xf32, #tpu.memory_space<vmem>>
        %dma_start3A_737 = arith.constant 0 : i32
        %dma_start3A_738 = tpu.memref_slice %arg7[%add3A_730, %dma_start3A_737] : memref<80x128xi32, #tpu.memory_space<vmem>> -> memref<1x128xi32, #tpu.memory_space<vmem>>
        %dma_start3A_739 = tpu.memref_squeeze %dma_start3A_738 : memref<1x128xi32, #tpu.memory_space<vmem>> -> memref<128xi32, #tpu.memory_space<vmem>>
        %dma_start3A_740 = arith.constant 0 : i32
        %dma_start3A_741 = arith.constant 0 : i32
        %dma_start3A_742 = tpu.memref_slice %arg4[%dma_start3A_740, %dma_start3A_741] : memref<10240x32xf32, #tpu.memory_space<hbm>> -> memref<10240x32xf32, #tpu.memory_space<hbm>>
        %dma_start3A_743 = tpu.memref_slice %arg11[%dma_start3A_732] : memref<8x!tpu.dma_semaphore, #tpu.memory_space<semaphore_mem>> -> memref<1x!tpu.dma_semaphore, #tpu.memory_space<semaphore_mem>>
        %dma_start3A_744 = tpu.memref_squeeze %dma_start3A_743 : memref<1x!tpu.dma_semaphore, #tpu.memory_space<semaphore_mem>> -> memref<!tpu.dma_semaphore, #tpu.memory_space<semaphore_mem>>
        tpu.enqueue_indirect_dma source(%dma_start3A_742 : memref<10240x32xf32, #tpu.memory_space<hbm>>) target(%dma_start3A_736 : memref<128x32xf32, #tpu.memory_space<vmem>>) offsets(%dma_start3A_739 : memref<128xi32, #tpu.memory_space<vmem>>) semaphore(%dma_start3A_744 : memref<!tpu.dma_semaphore, #tpu.memory_space<semaphore_mem>>)
        %add3A_745 = arith.constant 7 : i32
        %add3A_746 = arith.addi %mul3A_247, %add3A_745 : i32
        %dma_wait3A_747 = arith.constant 7 : i32
        %dma_wait3A_748 = arith.constant 7 : i32
        %dma_wait3A_749 = arith.constant 0 : i32
        %dma_wait3A_750 = arith.constant 0 : i32
        %dma_wait3A_751 = tpu.memref_slice %arg9[%dma_wait3A_747, %dma_wait3A_749, %dma_wait3A_750] : memref<8x128x32xf32, #tpu.memory_space<vmem>> -> memref<1x128x32xf32, #tpu.memory_space<vmem>>
        %dma_wait3A_752 = tpu.memref_squeeze %dma_wait3A_751 : memref<1x128x32xf32, #tpu.memory_space<vmem>> -> memref<128x32xf32, #tpu.memory_space<vmem>>
        %dma_wait3A_753 = arith.constant 0 : i32
        %dma_wait3A_754 = tpu.memref_slice %arg8[%add3A_746, %dma_wait3A_753] : memref<80x128xi32, #tpu.memory_space<vmem>> -> memref<1x128xi32, #tpu.memory_space<vmem>>
        %dma_wait3A_755 = tpu.memref_squeeze %dma_wait3A_754 : memref<1x128xi32, #tpu.memory_space<vmem>> -> memref<128xi32, #tpu.memory_space<vmem>>
        %dma_wait3A_756 = arith.constant 0 : i32
        %dma_wait3A_757 = arith.constant 0 : i32
        %dma_wait3A_758 = tpu.memref_slice %arg10[%dma_wait3A_756, %dma_wait3A_757] : memref<10240x32xf32, #tpu.memory_space<vmem_shared>> -> memref<10240x32xf32, #tpu.memory_space<vmem_shared>>
        %dma_wait3A_759 = tpu.memref_slice %arg12[%dma_wait3A_748] : memref<8x!tpu.dma_semaphore, #tpu.memory_space<semaphore_mem>> -> memref<1x!tpu.dma_semaphore, #tpu.memory_space<semaphore_mem>>
        %dma_wait3A_760 = tpu.memref_squeeze %dma_wait3A_759 : memref<1x!tpu.dma_semaphore, #tpu.memory_space<semaphore_mem>> -> memref<!tpu.dma_semaphore, #tpu.memory_space<semaphore_mem>>
        tpu.wait_indirect_dma semaphore(%dma_wait3A_760 : memref<!tpu.dma_semaphore, #tpu.memory_space<semaphore_mem>>) src(%dma_wait3A_752 : memref<128x32xf32, #tpu.memory_space<vmem>>) dst(%dma_wait3A_758 : memref<10240x32xf32, #tpu.memory_space<vmem_shared>>)
        %add3A_761 = arith.constant 8 : i32
        %add3A_762 = arith.addi %mul3A_247, %add3A_761 : i32
        %add3A_763 = arith.constant 7 : i32
        %add3A_764 = arith.addi %add3A_762, %add3A_763 : i32
        %dma_start3A_765 = arith.constant 7 : i32
        %dma_start3A_766 = arith.constant 7 : i32
        %dma_start3A_767 = arith.constant 0 : i32
        %dma_start3A_768 = arith.constant 0 : i32
        %dma_start3A_769 = tpu.memref_slice %arg9[%dma_start3A_765, %dma_start3A_767, %dma_start3A_768] : memref<8x128x32xf32, #tpu.memory_space<vmem>> -> memref<1x128x32xf32, #tpu.memory_space<vmem>>
        %dma_start3A_770 = tpu.memref_squeeze %dma_start3A_769 : memref<1x128x32xf32, #tpu.memory_space<vmem>> -> memref<128x32xf32, #tpu.memory_space<vmem>>
        %dma_start3A_771 = arith.constant 0 : i32
        %dma_start3A_772 = tpu.memref_slice %arg7[%add3A_764, %dma_start3A_771] : memref<80x128xi32, #tpu.memory_space<vmem>> -> memref<1x128xi32, #tpu.memory_space<vmem>>
        %dma_start3A_773 = tpu.memref_squeeze %dma_start3A_772 : memref<1x128xi32, #tpu.memory_space<vmem>> -> memref<128xi32, #tpu.memory_space<vmem>>
        %dma_start3A_774 = arith.constant 0 : i32
        %dma_start3A_775 = arith.constant 0 : i32
        %dma_start3A_776 = tpu.memref_slice %arg4[%dma_start3A_774, %dma_start3A_775] : memref<10240x32xf32, #tpu.memory_space<hbm>> -> memref<10240x32xf32, #tpu.memory_space<hbm>>
        %dma_start3A_777 = tpu.memref_slice %arg11[%dma_start3A_766] : memref<8x!tpu.dma_semaphore, #tpu.memory_space<semaphore_mem>> -> memref<1x!tpu.dma_semaphore, #tpu.memory_space<semaphore_mem>>
        %dma_start3A_778 = tpu.memref_squeeze %dma_start3A_777 : memref<1x!tpu.dma_semaphore, #tpu.memory_space<semaphore_mem>> -> memref<!tpu.dma_semaphore, #tpu.memory_space<semaphore_mem>>
        tpu.enqueue_indirect_dma source(%dma_start3A_776 : memref<10240x32xf32, #tpu.memory_space<hbm>>) target(%dma_start3A_770 : memref<128x32xf32, #tpu.memory_space<vmem>>) offsets(%dma_start3A_773 : memref<128xi32, #tpu.memory_space<vmem>>) semaphore(%dma_start3A_778 : memref<!tpu.dma_semaphore, #tpu.memory_space<semaphore_mem>>)
      } else {
      }
    }
    %scan3A_124 = arith.constant 10 : i32
    %dma_wait3A = arith.constant 0 : i32
    %dma_wait3A_125 = arith.constant 72 : i32
    %dma_wait3A_126 = arith.constant 0 : i32
    %dma_wait3A_127 = arith.constant 0 : i32
    %dma_wait3A_128 = arith.constant 0 : i32
    %dma_wait3A_129 = tpu.memref_slice %arg9[%dma_wait3A, %dma_wait3A_127, %dma_wait3A_128] : memref<8x128x32xf32, #tpu.memory_space<vmem>> -> memref<1x128x32xf32, #tpu.memory_space<vmem>>
    %dma_wait3A_130 = tpu.memref_squeeze %dma_wait3A_129 : memref<1x128x32xf32, #tpu.memory_space<vmem>> -> memref<128x32xf32, #tpu.memory_space<vmem>>
    %dma_wait3A_131 = arith.constant 0 : i32
    %dma_wait3A_132 = tpu.memref_slice %arg8[%dma_wait3A_125, %dma_wait3A_131] : memref<80x128xi32, #tpu.memory_space<vmem>> -> memref<1x128xi32, #tpu.memory_space<vmem>>
    %dma_wait3A_133 = tpu.memref_squeeze %dma_wait3A_132 : memref<1x128xi32, #tpu.memory_space<vmem>> -> memref<128xi32, #tpu.memory_space<vmem>>
    %dma_wait3A_134 = arith.constant 0 : i32
    %dma_wait3A_135 = arith.constant 0 : i32
    %dma_wait3A_136 = tpu.memref_slice %arg10[%dma_wait3A_134, %dma_wait3A_135] : memref<10240x32xf32, #tpu.memory_space<vmem_shared>> -> memref<10240x32xf32, #tpu.memory_space<vmem_shared>>
    %dma_wait3A_137 = tpu.memref_slice %arg12[%dma_wait3A_126] : memref<8x!tpu.dma_semaphore, #tpu.memory_space<semaphore_mem>> -> memref<1x!tpu.dma_semaphore, #tpu.memory_space<semaphore_mem>>
    %dma_wait3A_138 = tpu.memref_squeeze %dma_wait3A_137 : memref<1x!tpu.dma_semaphore, #tpu.memory_space<semaphore_mem>> -> memref<!tpu.dma_semaphore, #tpu.memory_space<semaphore_mem>>
    tpu.wait_indirect_dma semaphore(%dma_wait3A_138 : memref<!tpu.dma_semaphore, #tpu.memory_space<semaphore_mem>>) src(%dma_wait3A_130 : memref<128x32xf32, #tpu.memory_space<vmem>>) dst(%dma_wait3A_136 : memref<10240x32xf32, #tpu.memory_space<vmem_shared>>)
    %dma_wait3A_139 = arith.constant 1 : i32
    %dma_wait3A_140 = arith.constant 73 : i32
    %dma_wait3A_141 = arith.constant 1 : i32
    %dma_wait3A_142 = arith.constant 0 : i32
    %dma_wait3A_143 = arith.constant 0 : i32
    %dma_wait3A_144 = tpu.memref_slice %arg9[%dma_wait3A_139, %dma_wait3A_142, %dma_wait3A_143] : memref<8x128x32xf32, #tpu.memory_space<vmem>> -> memref<1x128x32xf32, #tpu.memory_space<vmem>>
    %dma_wait3A_145 = tpu.memref_squeeze %dma_wait3A_144 : memref<1x128x32xf32, #tpu.memory_space<vmem>> -> memref<128x32xf32, #tpu.memory_space<vmem>>
    %dma_wait3A_146 = arith.constant 0 : i32
    %dma_wait3A_147 = tpu.memref_slice %arg8[%dma_wait3A_140, %dma_wait3A_146] : memref<80x128xi32, #tpu.memory_space<vmem>> -> memref<1x128xi32, #tpu.memory_space<vmem>>
    %dma_wait3A_148 = tpu.memref_squeeze %dma_wait3A_147 : memref<1x128xi32, #tpu.memory_space<vmem>> -> memref<128xi32, #tpu.memory_space<vmem>>
    %dma_wait3A_149 = arith.constant 0 : i32
    %dma_wait3A_150 = arith.constant 0 : i32
    %dma_wait3A_151 = tpu.memref_slice %arg10[%dma_wait3A_149, %dma_wait3A_150] : memref<10240x32xf32, #tpu.memory_space<vmem_shared>> -> memref<10240x32xf32, #tpu.memory_space<vmem_shared>>
    %dma_wait3A_152 = tpu.memref_slice %arg12[%dma_wait3A_141] : memref<8x!tpu.dma_semaphore, #tpu.memory_space<semaphore_mem>> -> memref<1x!tpu.dma_semaphore, #tpu.memory_space<semaphore_mem>>
    %dma_wait3A_153 = tpu.memref_squeeze %dma_wait3A_152 : memref<1x!tpu.dma_semaphore, #tpu.memory_space<semaphore_mem>> -> memref<!tpu.dma_semaphore, #tpu.memory_space<semaphore_mem>>
    tpu.wait_indirect_dma semaphore(%dma_wait3A_153 : memref<!tpu.dma_semaphore, #tpu.memory_space<semaphore_mem>>) src(%dma_wait3A_145 : memref<128x32xf32, #tpu.memory_space<vmem>>) dst(%dma_wait3A_151 : memref<10240x32xf32, #tpu.memory_space<vmem_shared>>)
    %dma_wait3A_154 = arith.constant 2 : i32
    %dma_wait3A_155 = arith.constant 74 : i32
    %dma_wait3A_156 = arith.constant 2 : i32
    %dma_wait3A_157 = arith.constant 0 : i32
    %dma_wait3A_158 = arith.constant 0 : i32
    %dma_wait3A_159 = tpu.memref_slice %arg9[%dma_wait3A_154, %dma_wait3A_157, %dma_wait3A_158] : memref<8x128x32xf32, #tpu.memory_space<vmem>> -> memref<1x128x32xf32, #tpu.memory_space<vmem>>
    %dma_wait3A_160 = tpu.memref_squeeze %dma_wait3A_159 : memref<1x128x32xf32, #tpu.memory_space<vmem>> -> memref<128x32xf32, #tpu.memory_space<vmem>>
    %dma_wait3A_161 = arith.constant 0 : i32
    %dma_wait3A_162 = tpu.memref_slice %arg8[%dma_wait3A_155, %dma_wait3A_161] : memref<80x128xi32, #tpu.memory_space<vmem>> -> memref<1x128xi32, #tpu.memory_space<vmem>>
    %dma_wait3A_163 = tpu.memref_squeeze %dma_wait3A_162 : memref<1x128xi32, #tpu.memory_space<vmem>> -> memref<128xi32, #tpu.memory_space<vmem>>
    %dma_wait3A_164 = arith.constant 0 : i32
    %dma_wait3A_165 = arith.constant 0 : i32
    %dma_wait3A_166 = tpu.memref_slice %arg10[%dma_wait3A_164, %dma_wait3A_165] : memref<10240x32xf32, #tpu.memory_space<vmem_shared>> -> memref<10240x32xf32, #tpu.memory_space<vmem_shared>>
    %dma_wait3A_167 = tpu.memref_slice %arg12[%dma_wait3A_156] : memref<8x!tpu.dma_semaphore, #tpu.memory_space<semaphore_mem>> -> memref<1x!tpu.dma_semaphore, #tpu.memory_space<semaphore_mem>>
    %dma_wait3A_168 = tpu.memref_squeeze %dma_wait3A_167 : memref<1x!tpu.dma_semaphore, #tpu.memory_space<semaphore_mem>> -> memref<!tpu.dma_semaphore, #tpu.memory_space<semaphore_mem>>
    tpu.wait_indirect_dma semaphore(%dma_wait3A_168 : memref<!tpu.dma_semaphore, #tpu.memory_space<semaphore_mem>>) src(%dma_wait3A_160 : memref<128x32xf32, #tpu.memory_space<vmem>>) dst(%dma_wait3A_166 : memref<10240x32xf32, #tpu.memory_space<vmem_shared>>)
    %dma_wait3A_169 = arith.constant 3 : i32
    %dma_wait3A_170 = arith.constant 75 : i32
    %dma_wait3A_171 = arith.constant 3 : i32
    %dma_wait3A_172 = arith.constant 0 : i32
    %dma_wait3A_173 = arith.constant 0 : i32
    %dma_wait3A_174 = tpu.memref_slice %arg9[%dma_wait3A_169, %dma_wait3A_172, %dma_wait3A_173] : memref<8x128x32xf32, #tpu.memory_space<vmem>> -> memref<1x128x32xf32, #tpu.memory_space<vmem>>
    %dma_wait3A_175 = tpu.memref_squeeze %dma_wait3A_174 : memref<1x128x32xf32, #tpu.memory_space<vmem>> -> memref<128x32xf32, #tpu.memory_space<vmem>>
    %dma_wait3A_176 = arith.constant 0 : i32
    %dma_wait3A_177 = tpu.memref_slice %arg8[%dma_wait3A_170, %dma_wait3A_176] : memref<80x128xi32, #tpu.memory_space<vmem>> -> memref<1x128xi32, #tpu.memory_space<vmem>>
    %dma_wait3A_178 = tpu.memref_squeeze %dma_wait3A_177 : memref<1x128xi32, #tpu.memory_space<vmem>> -> memref<128xi32, #tpu.memory_space<vmem>>
    %dma_wait3A_179 = arith.constant 0 : i32
    %dma_wait3A_180 = arith.constant 0 : i32
    %dma_wait3A_181 = tpu.memref_slice %arg10[%dma_wait3A_179, %dma_wait3A_180] : memref<10240x32xf32, #tpu.memory_space<vmem_shared>> -> memref<10240x32xf32, #tpu.memory_space<vmem_shared>>
    %dma_wait3A_182 = tpu.memref_slice %arg12[%dma_wait3A_171] : memref<8x!tpu.dma_semaphore, #tpu.memory_space<semaphore_mem>> -> memref<1x!tpu.dma_semaphore, #tpu.memory_space<semaphore_mem>>
    %dma_wait3A_183 = tpu.memref_squeeze %dma_wait3A_182 : memref<1x!tpu.dma_semaphore, #tpu.memory_space<semaphore_mem>> -> memref<!tpu.dma_semaphore, #tpu.memory_space<semaphore_mem>>
    tpu.wait_indirect_dma semaphore(%dma_wait3A_183 : memref<!tpu.dma_semaphore, #tpu.memory_space<semaphore_mem>>) src(%dma_wait3A_175 : memref<128x32xf32, #tpu.memory_space<vmem>>) dst(%dma_wait3A_181 : memref<10240x32xf32, #tpu.memory_space<vmem_shared>>)
    %dma_wait3A_184 = arith.constant 4 : i32
    %dma_wait3A_185 = arith.constant 76 : i32
    %dma_wait3A_186 = arith.constant 4 : i32
    %dma_wait3A_187 = arith.constant 0 : i32
    %dma_wait3A_188 = arith.constant 0 : i32
    %dma_wait3A_189 = tpu.memref_slice %arg9[%dma_wait3A_184, %dma_wait3A_187, %dma_wait3A_188] : memref<8x128x32xf32, #tpu.memory_space<vmem>> -> memref<1x128x32xf32, #tpu.memory_space<vmem>>
    %dma_wait3A_190 = tpu.memref_squeeze %dma_wait3A_189 : memref<1x128x32xf32, #tpu.memory_space<vmem>> -> memref<128x32xf32, #tpu.memory_space<vmem>>
    %dma_wait3A_191 = arith.constant 0 : i32
    %dma_wait3A_192 = tpu.memref_slice %arg8[%dma_wait3A_185, %dma_wait3A_191] : memref<80x128xi32, #tpu.memory_space<vmem>> -> memref<1x128xi32, #tpu.memory_space<vmem>>
    %dma_wait3A_193 = tpu.memref_squeeze %dma_wait3A_192 : memref<1x128xi32, #tpu.memory_space<vmem>> -> memref<128xi32, #tpu.memory_space<vmem>>
    %dma_wait3A_194 = arith.constant 0 : i32
    %dma_wait3A_195 = arith.constant 0 : i32
    %dma_wait3A_196 = tpu.memref_slice %arg10[%dma_wait3A_194, %dma_wait3A_195] : memref<10240x32xf32, #tpu.memory_space<vmem_shared>> -> memref<10240x32xf32, #tpu.memory_space<vmem_shared>>
    %dma_wait3A_197 = tpu.memref_slice %arg12[%dma_wait3A_186] : memref<8x!tpu.dma_semaphore, #tpu.memory_space<semaphore_mem>> -> memref<1x!tpu.dma_semaphore, #tpu.memory_space<semaphore_mem>>
    %dma_wait3A_198 = tpu.memref_squeeze %dma_wait3A_197 : memref<1x!tpu.dma_semaphore, #tpu.memory_space<semaphore_mem>> -> memref<!tpu.dma_semaphore, #tpu.memory_space<semaphore_mem>>
    tpu.wait_indirect_dma semaphore(%dma_wait3A_198 : memref<!tpu.dma_semaphore, #tpu.memory_space<semaphore_mem>>) src(%dma_wait3A_190 : memref<128x32xf32, #tpu.memory_space<vmem>>) dst(%dma_wait3A_196 : memref<10240x32xf32, #tpu.memory_space<vmem_shared>>)
    %dma_wait3A_199 = arith.constant 5 : i32
    %dma_wait3A_200 = arith.constant 77 : i32
    %dma_wait3A_201 = arith.constant 5 : i32
    %dma_wait3A_202 = arith.constant 0 : i32
    %dma_wait3A_203 = arith.constant 0 : i32
    %dma_wait3A_204 = tpu.memref_slice %arg9[%dma_wait3A_199, %dma_wait3A_202, %dma_wait3A_203] : memref<8x128x32xf32, #tpu.memory_space<vmem>> -> memref<1x128x32xf32, #tpu.memory_space<vmem>>
    %dma_wait3A_205 = tpu.memref_squeeze %dma_wait3A_204 : memref<1x128x32xf32, #tpu.memory_space<vmem>> -> memref<128x32xf32, #tpu.memory_space<vmem>>
    %dma_wait3A_206 = arith.constant 0 : i32
    %dma_wait3A_207 = tpu.memref_slice %arg8[%dma_wait3A_200, %dma_wait3A_206] : memref<80x128xi32, #tpu.memory_space<vmem>> -> memref<1x128xi32, #tpu.memory_space<vmem>>
    %dma_wait3A_208 = tpu.memref_squeeze %dma_wait3A_207 : memref<1x128xi32, #tpu.memory_space<vmem>> -> memref<128xi32, #tpu.memory_space<vmem>>
    %dma_wait3A_209 = arith.constant 0 : i32
    %dma_wait3A_210 = arith.constant 0 : i32
    %dma_wait3A_211 = tpu.memref_slice %arg10[%dma_wait3A_209, %dma_wait3A_210] : memref<10240x32xf32, #tpu.memory_space<vmem_shared>> -> memref<10240x32xf32, #tpu.memory_space<vmem_shared>>
    %dma_wait3A_212 = tpu.memref_slice %arg12[%dma_wait3A_201] : memref<8x!tpu.dma_semaphore, #tpu.memory_space<semaphore_mem>> -> memref<1x!tpu.dma_semaphore, #tpu.memory_space<semaphore_mem>>
    %dma_wait3A_213 = tpu.memref_squeeze %dma_wait3A_212 : memref<1x!tpu.dma_semaphore, #tpu.memory_space<semaphore_mem>> -> memref<!tpu.dma_semaphore, #tpu.memory_space<semaphore_mem>>
    tpu.wait_indirect_dma semaphore(%dma_wait3A_213 : memref<!tpu.dma_semaphore, #tpu.memory_space<semaphore_mem>>) src(%dma_wait3A_205 : memref<128x32xf32, #tpu.memory_space<vmem>>) dst(%dma_wait3A_211 : memref<10240x32xf32, #tpu.memory_space<vmem_shared>>)
    %dma_wait3A_214 = arith.constant 6 : i32
    %dma_wait3A_215 = arith.constant 78 : i32
    %dma_wait3A_216 = arith.constant 6 : i32
    %dma_wait3A_217 = arith.constant 0 : i32
    %dma_wait3A_218 = arith.constant 0 : i32
    %dma_wait3A_219 = tpu.memref_slice %arg9[%dma_wait3A_214, %dma_wait3A_217, %dma_wait3A_218] : memref<8x128x32xf32, #tpu.memory_space<vmem>> -> memref<1x128x32xf32, #tpu.memory_space<vmem>>
    %dma_wait3A_220 = tpu.memref_squeeze %dma_wait3A_219 : memref<1x128x32xf32, #tpu.memory_space<vmem>> -> memref<128x32xf32, #tpu.memory_space<vmem>>
    %dma_wait3A_221 = arith.constant 0 : i32
    %dma_wait3A_222 = tpu.memref_slice %arg8[%dma_wait3A_215, %dma_wait3A_221] : memref<80x128xi32, #tpu.memory_space<vmem>> -> memref<1x128xi32, #tpu.memory_space<vmem>>
    %dma_wait3A_223 = tpu.memref_squeeze %dma_wait3A_222 : memref<1x128xi32, #tpu.memory_space<vmem>> -> memref<128xi32, #tpu.memory_space<vmem>>
    %dma_wait3A_224 = arith.constant 0 : i32
    %dma_wait3A_225 = arith.constant 0 : i32
    %dma_wait3A_226 = tpu.memref_slice %arg10[%dma_wait3A_224, %dma_wait3A_225] : memref<10240x32xf32, #tpu.memory_space<vmem_shared>> -> memref<10240x32xf32, #tpu.memory_space<vmem_shared>>
    %dma_wait3A_227 = tpu.memref_slice %arg12[%dma_wait3A_216] : memref<8x!tpu.dma_semaphore, #tpu.memory_space<semaphore_mem>> -> memref<1x!tpu.dma_semaphore, #tpu.memory_space<semaphore_mem>>
    %dma_wait3A_228 = tpu.memref_squeeze %dma_wait3A_227 : memref<1x!tpu.dma_semaphore, #tpu.memory_space<semaphore_mem>> -> memref<!tpu.dma_semaphore, #tpu.memory_space<semaphore_mem>>
    tpu.wait_indirect_dma semaphore(%dma_wait3A_228 : memref<!tpu.dma_semaphore, #tpu.memory_space<semaphore_mem>>) src(%dma_wait3A_220 : memref<128x32xf32, #tpu.memory_space<vmem>>) dst(%dma_wait3A_226 : memref<10240x32xf32, #tpu.memory_space<vmem_shared>>)
    %dma_wait3A_229 = arith.constant 7 : i32
    %dma_wait3A_230 = arith.constant 79 : i32
    %dma_wait3A_231 = arith.constant 7 : i32
    %dma_wait3A_232 = arith.constant 0 : i32
    %dma_wait3A_233 = arith.constant 0 : i32
    %dma_wait3A_234 = tpu.memref_slice %arg9[%dma_wait3A_229, %dma_wait3A_232, %dma_wait3A_233] : memref<8x128x32xf32, #tpu.memory_space<vmem>> -> memref<1x128x32xf32, #tpu.memory_space<vmem>>
    %dma_wait3A_235 = tpu.memref_squeeze %dma_wait3A_234 : memref<1x128x32xf32, #tpu.memory_space<vmem>> -> memref<128x32xf32, #tpu.memory_space<vmem>>
    %dma_wait3A_236 = arith.constant 0 : i32
    %dma_wait3A_237 = tpu.memref_slice %arg8[%dma_wait3A_230, %dma_wait3A_236] : memref<80x128xi32, #tpu.memory_space<vmem>> -> memref<1x128xi32, #tpu.memory_space<vmem>>
    %dma_wait3A_238 = tpu.memref_squeeze %dma_wait3A_237 : memref<1x128xi32, #tpu.memory_space<vmem>> -> memref<128xi32, #tpu.memory_space<vmem>>
    %dma_wait3A_239 = arith.constant 0 : i32
    %dma_wait3A_240 = arith.constant 0 : i32
    %dma_wait3A_241 = tpu.memref_slice %arg10[%dma_wait3A_239, %dma_wait3A_240] : memref<10240x32xf32, #tpu.memory_space<vmem_shared>> -> memref<10240x32xf32, #tpu.memory_space<vmem_shared>>
    %dma_wait3A_242 = tpu.memref_slice %arg12[%dma_wait3A_231] : memref<8x!tpu.dma_semaphore, #tpu.memory_space<semaphore_mem>> -> memref<1x!tpu.dma_semaphore, #tpu.memory_space<semaphore_mem>>
    %dma_wait3A_243 = tpu.memref_squeeze %dma_wait3A_242 : memref<1x!tpu.dma_semaphore, #tpu.memory_space<semaphore_mem>> -> memref<!tpu.dma_semaphore, #tpu.memory_space<semaphore_mem>>
    tpu.wait_indirect_dma semaphore(%dma_wait3A_243 : memref<!tpu.dma_semaphore, #tpu.memory_space<semaphore_mem>>) src(%dma_wait3A_235 : memref<128x32xf32, #tpu.memory_space<vmem>>) dst(%dma_wait3A_241 : memref<10240x32xf32, #tpu.memory_space<vmem_shared>>)
    %barrier3A_244 = arith.constant 0 : index
    tpu.barrier barrier_id(%barrier3A_244)
    "tpu.region"() ({
      %run_scoped3A = tpu.sem_alloc : memref<!tpu.dma_semaphore, #tpu.memory_space<semaphore_mem>>
      %dma_start3A_245 = arith.constant 0 : i32
      %dma_start3A_246 = tpu.memref_slice %arg6[%arg0, %mul3A_0, %dma_start3A_245] : memref<2x10240x32xf32, #tpu.memory_space<hbm>> -> memref<1x640x32xf32, #tpu.memory_space<hbm>>
      %dma_start3A_247 = tpu.memref_squeeze %dma_start3A_246 : memref<1x640x32xf32, #tpu.memory_space<hbm>> -> memref<640x32xf32, #tpu.memory_space<hbm>>
      %dma_start3A_248 = arith.constant 0 : i32
      %dma_start3A_249 = tpu.memref_slice %arg10[%mul3A_0, %dma_start3A_248] : memref<10240x32xf32, #tpu.memory_space<vmem_shared>> -> memref<640x32xf32, #tpu.memory_space<vmem_shared>>
      tpu.enqueue_dma source(%dma_start3A_249 : memref<640x32xf32, #tpu.memory_space<vmem_shared>>) target(%dma_start3A_247 : memref<640x32xf32, #tpu.memory_space<hbm>>) target_semaphore(%run_scoped3A : memref<!tpu.dma_semaphore, #tpu.memory_space<semaphore_mem>>)
      %dma_wait3A_250 = arith.constant 0 : i32
      %dma_wait3A_251 = tpu.memref_slice %arg6[%arg0, %mul3A_0, %dma_wait3A_250] : memref<2x10240x32xf32, #tpu.memory_space<hbm>> -> memref<1x640x32xf32, #tpu.memory_space<hbm>>
      %dma_wait3A_252 = tpu.memref_squeeze %dma_wait3A_251 : memref<1x640x32xf32, #tpu.memory_space<hbm>> -> memref<640x32xf32, #tpu.memory_space<hbm>>
      %dma_wait3A_253 = arith.constant 0 : i32
      %dma_wait3A_254 = tpu.memref_slice %arg10[%mul3A_0, %dma_wait3A_253] : memref<10240x32xf32, #tpu.memory_space<vmem_shared>> -> memref<640x32xf32, #tpu.memory_space<vmem_shared>>
      tpu.wait_dma2 semaphore(%run_scoped3A : memref<!tpu.dma_semaphore, #tpu.memory_space<semaphore_mem>>) src(%dma_wait3A_254 : memref<640x32xf32, #tpu.memory_space<vmem_shared>>) dst(%dma_wait3A_252 : memref<640x32xf32, #tpu.memory_space<hbm>>)
      tpu.yield
    }) : () -> ()
    return
  }
}

#map = affine_map<(d0, d1) -> (0, 0, 0, 0)>
#map1 = affine_map<(d0, d1) -> (0)>
#map2 = affine_map<(d0, d1) -> (0, 0)>
module attributes {stable_mosaic.version = 14 : i64} {
  func.func @_sc_deg(%arg0: i32, %arg1: i32, %arg2: memref<2x16x80x128xi32, #tpu.memory_space<hbm>>, %arg3: memref<10240xf32, #tpu.memory_space<hbm>>, %arg4: memref<2x10240xf32, #tpu.memory_space<hbm>>, %arg5: memref<80x128xi32, #tpu.memory_space<vmem>>, %arg6: memref<128xf32, #tpu.memory_space<vmem>>, %arg7: memref<10240xf32, #tpu.memory_space<vmem_shared>>, %arg8: memref<!tpu.dma_semaphore, #tpu.memory_space<semaphore_mem>>) attributes {dimension_semantics = [#tpu.dimension_semantics<core_parallel>, #tpu.dimension_semantics<subcore_parallel>], iteration_bounds = array<i64: 2, 16>, scalar_prefetch = 0 : i64, scratch_operands = 4 : i64, tpu.core_type = #tpu.core_type<sc_vector_subcore>, window_params = [{transform_indices = #map}, {transform_indices = #map1}, {transform_indices = #map2}]} {
    %mul3A = arith.constant 640 : i32
    %mul3A_0 = arith.muli %arg1, %mul3A : i32
    "tpu.region"() ({
      %run_scoped3A = tpu.sem_alloc : memref<!tpu.dma_semaphore, #tpu.memory_space<semaphore_mem>>
      %dma_start3A = tpu.memref_slice %arg7[%mul3A_0] : memref<10240xf32, #tpu.memory_space<vmem_shared>> -> memref<640xf32, #tpu.memory_space<vmem_shared>>
      %dma_start3A_59 = tpu.memref_slice %arg3[%mul3A_0] : memref<10240xf32, #tpu.memory_space<hbm>> -> memref<640xf32, #tpu.memory_space<hbm>>
      tpu.enqueue_dma source(%dma_start3A_59 : memref<640xf32, #tpu.memory_space<hbm>>) target(%dma_start3A : memref<640xf32, #tpu.memory_space<vmem_shared>>) target_semaphore(%run_scoped3A : memref<!tpu.dma_semaphore, #tpu.memory_space<semaphore_mem>>)
      %dma_wait3A = tpu.memref_slice %arg7[%mul3A_0] : memref<10240xf32, #tpu.memory_space<vmem_shared>> -> memref<640xf32, #tpu.memory_space<vmem_shared>>
      %dma_wait3A_60 = tpu.memref_slice %arg3[%mul3A_0] : memref<10240xf32, #tpu.memory_space<hbm>> -> memref<640xf32, #tpu.memory_space<hbm>>
      tpu.wait_dma2 semaphore(%run_scoped3A : memref<!tpu.dma_semaphore, #tpu.memory_space<semaphore_mem>>) src(%dma_wait3A_60 : memref<640xf32, #tpu.memory_space<hbm>>) dst(%dma_wait3A : memref<640xf32, #tpu.memory_space<vmem_shared>>)
      tpu.yield
    }) : () -> ()
    "tpu.region"() ({
      %run_scoped3A = tpu.sem_alloc : memref<!tpu.dma_semaphore, #tpu.memory_space<semaphore_mem>>
      %dma_start3A = arith.constant 0 : i32
      %dma_start3A_59 = arith.constant 0 : i32
      %dma_start3A_60 = tpu.memref_slice %arg2[%arg0, %arg1, %dma_start3A, %dma_start3A_59] : memref<2x16x80x128xi32, #tpu.memory_space<hbm>> -> memref<1x1x80x128xi32, #tpu.memory_space<hbm>>
      %dma_start3A_61 = tpu.memref_squeeze %dma_start3A_60 : memref<1x1x80x128xi32, #tpu.memory_space<hbm>> -> memref<80x128xi32, #tpu.memory_space<hbm>>
      %dma_start3A_62 = arith.constant 0 : i32
      %dma_start3A_63 = arith.constant 0 : i32
      %dma_start3A_64 = tpu.memref_slice %arg2[%arg0, %arg1, %dma_start3A_62, %dma_start3A_63] : memref<2x16x80x128xi32, #tpu.memory_space<hbm>> -> memref<1x1x80x128xi32, #tpu.memory_space<hbm>>
      %dma_start3A_65 = tpu.memref_squeeze %dma_start3A_64 : memref<1x1x80x128xi32, #tpu.memory_space<hbm>> -> memref<80x128xi32, #tpu.memory_space<hbm>>
      tpu.enqueue_dma source(%dma_start3A_65 : memref<80x128xi32, #tpu.memory_space<hbm>>) target(%arg5 : memref<80x128xi32, #tpu.memory_space<vmem>>) target_semaphore(%run_scoped3A : memref<!tpu.dma_semaphore, #tpu.memory_space<semaphore_mem>>)
      %dma_wait3A = arith.constant 0 : i32
      %dma_wait3A_66 = arith.constant 0 : i32
      %dma_wait3A_67 = tpu.memref_slice %arg2[%arg0, %arg1, %dma_wait3A, %dma_wait3A_66] : memref<2x16x80x128xi32, #tpu.memory_space<hbm>> -> memref<1x1x80x128xi32, #tpu.memory_space<hbm>>
      %dma_wait3A_68 = tpu.memref_squeeze %dma_wait3A_67 : memref<1x1x80x128xi32, #tpu.memory_space<hbm>> -> memref<80x128xi32, #tpu.memory_space<hbm>>
      %dma_wait3A_69 = arith.constant 0 : i32
      %dma_wait3A_70 = arith.constant 0 : i32
      %dma_wait3A_71 = tpu.memref_slice %arg2[%arg0, %arg1, %dma_wait3A_69, %dma_wait3A_70] : memref<2x16x80x128xi32, #tpu.memory_space<hbm>> -> memref<1x1x80x128xi32, #tpu.memory_space<hbm>>
      %dma_wait3A_72 = tpu.memref_squeeze %dma_wait3A_71 : memref<1x1x80x128xi32, #tpu.memory_space<hbm>> -> memref<80x128xi32, #tpu.memory_space<hbm>>
      tpu.wait_dma2 semaphore(%run_scoped3A : memref<!tpu.dma_semaphore, #tpu.memory_space<semaphore_mem>>) src(%dma_wait3A_72 : memref<80x128xi32, #tpu.memory_space<hbm>>) dst(%arg5 : memref<80x128xi32, #tpu.memory_space<vmem>>)
      tpu.yield
    }) : () -> ()
    %broadcast_in_dim3A = arith.constant 1.000000e+00 : f32
    %broadcast_in_dim3A_1 = vector.broadcast %broadcast_in_dim3A : f32 to vector<16xf32>
    %swap3A = arith.constant 0 : index
    %swap3A_2 = tpu.vector_load %arg6[%swap3A] {strides = array<i32>} : memref<128xf32, #tpu.memory_space<vmem>>, vector<16xf32>,
    %swap3A_3 = vector.shape_cast %swap3A_2 : vector<16xf32> to vector<16xf32>
    %swap3A_4 = vector.shape_cast %broadcast_in_dim3A_1 : vector<16xf32> to vector<16xf32>
    tpu.vector_store %arg6[%swap3A], %swap3A_4 {strides = array<i32>} : memref<128xf32, #tpu.memory_space<vmem>>, vector<16xf32>,
    %broadcast_in_dim3A_5 = arith.constant 1.000000e+00 : f32
    %broadcast_in_dim3A_6 = vector.broadcast %broadcast_in_dim3A_5 : f32 to vector<16xf32>
    %swap3A_7 = arith.constant 16 : index
    %swap3A_8 = tpu.vector_load %arg6[%swap3A_7] {strides = array<i32>} : memref<128xf32, #tpu.memory_space<vmem>>, vector<16xf32>,
    %swap3A_9 = vector.shape_cast %swap3A_8 : vector<16xf32> to vector<16xf32>
    %swap3A_10 = vector.shape_cast %broadcast_in_dim3A_6 : vector<16xf32> to vector<16xf32>
    tpu.vector_store %arg6[%swap3A_7], %swap3A_10 {strides = array<i32>} : memref<128xf32, #tpu.memory_space<vmem>>, vector<16xf32>,
    %broadcast_in_dim3A_11 = arith.constant 1.000000e+00 : f32
    %broadcast_in_dim3A_12 = vector.broadcast %broadcast_in_dim3A_11 : f32 to vector<16xf32>
    %swap3A_13 = arith.constant 32 : index
    %swap3A_14 = tpu.vector_load %arg6[%swap3A_13] {strides = array<i32>} : memref<128xf32, #tpu.memory_space<vmem>>, vector<16xf32>,
    %swap3A_15 = vector.shape_cast %swap3A_14 : vector<16xf32> to vector<16xf32>
    %swap3A_16 = vector.shape_cast %broadcast_in_dim3A_12 : vector<16xf32> to vector<16xf32>
    tpu.vector_store %arg6[%swap3A_13], %swap3A_16 {strides = array<i32>} : memref<128xf32, #tpu.memory_space<vmem>>, vector<16xf32>,
    %broadcast_in_dim3A_17 = arith.constant 1.000000e+00 : f32
    %broadcast_in_dim3A_18 = vector.broadcast %broadcast_in_dim3A_17 : f32 to vector<16xf32>
    %swap3A_19 = arith.constant 48 : index
    %swap3A_20 = tpu.vector_load %arg6[%swap3A_19] {strides = array<i32>} : memref<128xf32, #tpu.memory_space<vmem>>, vector<16xf32>,
    %swap3A_21 = vector.shape_cast %swap3A_20 : vector<16xf32> to vector<16xf32>
    %swap3A_22 = vector.shape_cast %broadcast_in_dim3A_18 : vector<16xf32> to vector<16xf32>
    tpu.vector_store %arg6[%swap3A_19], %swap3A_22 {strides = array<i32>} : memref<128xf32, #tpu.memory_space<vmem>>, vector<16xf32>,
    %broadcast_in_dim3A_23 = arith.constant 1.000000e+00 : f32
    %broadcast_in_dim3A_24 = vector.broadcast %broadcast_in_dim3A_23 : f32 to vector<16xf32>
    %swap3A_25 = arith.constant 64 : index
    %swap3A_26 = tpu.vector_load %arg6[%swap3A_25] {strides = array<i32>} : memref<128xf32, #tpu.memory_space<vmem>>, vector<16xf32>,
    %swap3A_27 = vector.shape_cast %swap3A_26 : vector<16xf32> to vector<16xf32>
    %swap3A_28 = vector.shape_cast %broadcast_in_dim3A_24 : vector<16xf32> to vector<16xf32>
    tpu.vector_store %arg6[%swap3A_25], %swap3A_28 {strides = array<i32>} : memref<128xf32, #tpu.memory_space<vmem>>, vector<16xf32>,
    %broadcast_in_dim3A_29 = arith.constant 1.000000e+00 : f32
    %broadcast_in_dim3A_30 = vector.broadcast %broadcast_in_dim3A_29 : f32 to vector<16xf32>
    %swap3A_31 = arith.constant 80 : index
    %swap3A_32 = tpu.vector_load %arg6[%swap3A_31] {strides = array<i32>} : memref<128xf32, #tpu.memory_space<vmem>>, vector<16xf32>,
    %swap3A_33 = vector.shape_cast %swap3A_32 : vector<16xf32> to vector<16xf32>
    %swap3A_34 = vector.shape_cast %broadcast_in_dim3A_30 : vector<16xf32> to vector<16xf32>
    tpu.vector_store %arg6[%swap3A_31], %swap3A_34 {strides = array<i32>} : memref<128xf32, #tpu.memory_space<vmem>>, vector<16xf32>,
    %broadcast_in_dim3A_35 = arith.constant 1.000000e+00 : f32
    %broadcast_in_dim3A_36 = vector.broadcast %broadcast_in_dim3A_35 : f32 to vector<16xf32>
    %swap3A_37 = arith.constant 96 : index
    %swap3A_38 = tpu.vector_load %arg6[%swap3A_37] {strides = array<i32>} : memref<128xf32, #tpu.memory_space<vmem>>, vector<16xf32>,
    %swap3A_39 = vector.shape_cast %swap3A_38 : vector<16xf32> to vector<16xf32>
    %swap3A_40 = vector.shape_cast %broadcast_in_dim3A_36 : vector<16xf32> to vector<16xf32>
    tpu.vector_store %arg6[%swap3A_37], %swap3A_40 {strides = array<i32>} : memref<128xf32, #tpu.memory_space<vmem>>, vector<16xf32>,
    %broadcast_in_dim3A_41 = arith.constant 1.000000e+00 : f32
    %broadcast_in_dim3A_42 = vector.broadcast %broadcast_in_dim3A_41 : f32 to vector<16xf32>
    %swap3A_43 = arith.constant 112 : index
    %swap3A_44 = tpu.vector_load %arg6[%swap3A_43] {strides = array<i32>} : memref<128xf32, #tpu.memory_space<vmem>>, vector<16xf32>,
    %swap3A_45 = vector.shape_cast %swap3A_44 : vector<16xf32> to vector<16xf32>
    %swap3A_46 = vector.shape_cast %broadcast_in_dim3A_42 : vector<16xf32> to vector<16xf32>
    tpu.vector_store %arg6[%swap3A_43], %swap3A_46 {strides = array<i32>} : memref<128xf32, #tpu.memory_space<vmem>>, vector<16xf32>,
    %barrier3A = arith.constant 0 : index
    tpu.barrier barrier_id(%barrier3A)
    %scan3A = arith.constant 0 : i32
    %scan3A_47 = arith.constant 0 : i32
    %scan3A_48 = arith.constant 80 : i32
    %scan3A_49 = arith.addi %scan3A_47, %scan3A_48 : i32
    %scan3A_50 = arith.constant 1 : i32
    scf.for %scan3A_59 = %scan3A_47 to %scan3A_49 step %scan3A_50  : i32 {
      %dma_start3A = arith.constant 0 : i32
      %dma_start3A_60 = tpu.memref_slice %arg5[%scan3A_59, %dma_start3A] : memref<80x128xi32, #tpu.memory_space<vmem>> -> memref<1x128xi32, #tpu.memory_space<vmem>>
      %dma_start3A_61 = tpu.memref_squeeze %dma_start3A_60 : memref<1x128xi32, #tpu.memory_space<vmem>> -> memref<128xi32, #tpu.memory_space<vmem>>
      %dma_start3A_62 = arith.constant 0 : i32
      %dma_start3A_63 = tpu.memref_slice %arg7[%dma_start3A_62] : memref<10240xf32, #tpu.memory_space<vmem_shared>> -> memref<10240xf32, #tpu.memory_space<vmem_shared>>
      tpu.enqueue_indirect_dma source(%arg6 : memref<128xf32, #tpu.memory_space<vmem>>) target(%dma_start3A_63 : memref<10240xf32, #tpu.memory_space<vmem_shared>>) offsets(%dma_start3A_61 : memref<128xi32, #tpu.memory_space<vmem>>) semaphore(%arg8 : memref<!tpu.dma_semaphore, #tpu.memory_space<semaphore_mem>>) {add = true}
    }
    %scan3A_51 = arith.constant 80 : i32
    %scan3A_52 = arith.constant 0 : i32
    %scan3A_53 = arith.constant 0 : i32
    %scan3A_54 = arith.constant 80 : i32
    %scan3A_55 = arith.addi %scan3A_53, %scan3A_54 : i32
    %scan3A_56 = arith.constant 1 : i32
    scf.for %scan3A_59 = %scan3A_53 to %scan3A_55 step %scan3A_56  : i32 {
      %dma_wait3A = arith.constant 0 : i32
      %dma_wait3A_60 = tpu.memref_slice %arg5[%scan3A_59, %dma_wait3A] : memref<80x128xi32, #tpu.memory_space<vmem>> -> memref<1x128xi32, #tpu.memory_space<vmem>>
      %dma_wait3A_61 = tpu.memref_squeeze %dma_wait3A_60 : memref<1x128xi32, #tpu.memory_space<vmem>> -> memref<128xi32, #tpu.memory_space<vmem>>
      %dma_wait3A_62 = arith.constant 0 : i32
      %dma_wait3A_63 = tpu.memref_slice %arg7[%dma_wait3A_62] : memref<10240xf32, #tpu.memory_space<vmem_shared>> -> memref<10240xf32, #tpu.memory_space<vmem_shared>>
      tpu.wait_indirect_dma semaphore(%arg8 : memref<!tpu.dma_semaphore, #tpu.memory_space<semaphore_mem>>) src(%arg6 : memref<128xf32, #tpu.memory_space<vmem>>) dst(%dma_wait3A_63 : memref<10240xf32, #tpu.memory_space<vmem_shared>>)
    }
    %scan3A_57 = arith.constant 80 : i32
    %barrier3A_58 = arith.constant 0 : index
    tpu.barrier barrier_id(%barrier3A_58)
    "tpu.region"() ({
      %run_scoped3A = tpu.sem_alloc : memref<!tpu.dma_semaphore, #tpu.memory_space<semaphore_mem>>
      %dma_start3A = tpu.memref_slice %arg4[%arg0, %mul3A_0] : memref<2x10240xf32, #tpu.memory_space<hbm>> -> memref<1x640xf32, #tpu.memory_space<hbm>>
      %dma_start3A_59 = tpu.memref_squeeze %dma_start3A : memref<1x640xf32, #tpu.memory_space<hbm>> -> memref<640xf32, #tpu.memory_space<hbm>>
      %dma_start3A_60 = tpu.memref_slice %arg7[%mul3A_0] : memref<10240xf32, #tpu.memory_space<vmem_shared>> -> memref<640xf32, #tpu.memory_space<vmem_shared>>
      tpu.enqueue_dma source(%dma_start3A_60 : memref<640xf32, #tpu.memory_space<vmem_shared>>) target(%dma_start3A_59 : memref<640xf32, #tpu.memory_space<hbm>>) target_semaphore(%run_scoped3A : memref<!tpu.dma_semaphore, #tpu.memory_space<semaphore_mem>>)
      %dma_wait3A = tpu.memref_slice %arg4[%arg0, %mul3A_0] : memref<2x10240xf32, #tpu.memory_space<hbm>> -> memref<1x640xf32, #tpu.memory_space<hbm>>
      %dma_wait3A_61 = tpu.memref_squeeze %dma_wait3A : memref<1x640xf32, #tpu.memory_space<hbm>> -> memref<640xf32, #tpu.memory_space<hbm>>
      %dma_wait3A_62 = tpu.memref_slice %arg7[%mul3A_0] : memref<10240xf32, #tpu.memory_space<vmem_shared>> -> memref<640xf32, #tpu.memory_space<vmem_shared>>
      tpu.wait_dma2 semaphore(%run_scoped3A : memref<!tpu.dma_semaphore, #tpu.memory_space<semaphore_mem>>) src(%dma_wait3A_62 : memref<640xf32, #tpu.memory_space<vmem_shared>>) dst(%dma_wait3A_61 : memref<640xf32, #tpu.memory_space<hbm>>)
      tpu.yield
    }) : () -> ()
    return
  }
}

#map = affine_map<(d0, d1) -> (0, 0, 0, 0)>
#map1 = affine_map<(d0, d1) -> (0, 0)>
#map2 = affine_map<(d0, d1) -> (0, 0, 0)>
module attributes {stable_mosaic.version = 14 : i64} {
  func.func @_sc_agg(%arg0: i32, %arg1: i32, %arg2: memref<2x16x80x128xi32, #tpu.memory_space<hbm>>, %arg3: memref<2x16x80x128xi32, #tpu.memory_space<hbm>>, %arg4: memref<10240x32xf32, #tpu.memory_space<hbm>>, %arg5: memref<10240x32xf32, #tpu.memory_space<hbm>>, %arg6: memref<2x10240x32xf32, #tpu.memory_space<hbm>>, %arg7: memref<80x128xi32, #tpu.memory_space<vmem>>, %arg8: memref<80x128xi32, #tpu.memory_space<vmem>>, %arg9: memref<8x128x32xf32, #tpu.memory_space<vmem>>, %arg10: memref<10240x32xf32, #tpu.memory_space<vmem_shared>>, %arg11: memref<8x!tpu.dma_semaphore, #tpu.memory_space<semaphore_mem>>, %arg12: memref<8x!tpu.dma_semaphore, #tpu.memory_space<semaphore_mem>>) attributes {dimension_semantics = [#tpu.dimension_semantics<core_parallel>, #tpu.dimension_semantics<subcore_parallel>], iteration_bounds = array<i64: 2, 16>, scalar_prefetch = 0 : i64, scratch_operands = 6 : i64, tpu.core_type = #tpu.core_type<sc_vector_subcore>, window_params = [{transform_indices = #map}, {transform_indices = #map}, {transform_indices = #map1}, {transform_indices = #map1}, {transform_indices = #map2}]} {
    %mul3A = arith.constant 640 : i32
    %mul3A_0 = arith.muli %arg1, %mul3A : i32
    "tpu.region"() ({
      %run_scoped3A = tpu.sem_alloc : memref<!tpu.dma_semaphore, #tpu.memory_space<semaphore_mem>>
      %dma_start3A_245 = arith.constant 0 : i32
      %dma_start3A_246 = tpu.memref_slice %arg10[%mul3A_0, %dma_start3A_245] : memref<10240x32xf32, #tpu.memory_space<vmem_shared>> -> memref<640x32xf32, #tpu.memory_space<vmem_shared>>
      %dma_start3A_247 = arith.constant 0 : i32
      %dma_start3A_248 = tpu.memref_slice %arg5[%mul3A_0, %dma_start3A_247] : memref<10240x32xf32, #tpu.memory_space<hbm>> -> memref<640x32xf32, #tpu.memory_space<hbm>>
      tpu.enqueue_dma source(%dma_start3A_248 : memref<640x32xf32, #tpu.memory_space<hbm>>) target(%dma_start3A_246 : memref<640x32xf32, #tpu.memory_space<vmem_shared>>) target_semaphore(%run_scoped3A : memref<!tpu.dma_semaphore, #tpu.memory_space<semaphore_mem>>)
      %dma_wait3A_249 = arith.constant 0 : i32
      %dma_wait3A_250 = tpu.memref_slice %arg10[%mul3A_0, %dma_wait3A_249] : memref<10240x32xf32, #tpu.memory_space<vmem_shared>> -> memref<640x32xf32, #tpu.memory_space<vmem_shared>>
      %dma_wait3A_251 = arith.constant 0 : i32
      %dma_wait3A_252 = tpu.memref_slice %arg5[%mul3A_0, %dma_wait3A_251] : memref<10240x32xf32, #tpu.memory_space<hbm>> -> memref<640x32xf32, #tpu.memory_space<hbm>>
      tpu.wait_dma2 semaphore(%run_scoped3A : memref<!tpu.dma_semaphore, #tpu.memory_space<semaphore_mem>>) src(%dma_wait3A_252 : memref<640x32xf32, #tpu.memory_space<hbm>>) dst(%dma_wait3A_250 : memref<640x32xf32, #tpu.memory_space<vmem_shared>>)
      tpu.yield
    }) : () -> ()
    "tpu.region"() ({
      %run_scoped3A = tpu.sem_alloc : memref<!tpu.dma_semaphore, #tpu.memory_space<semaphore_mem>>
      %dma_start3A_245 = arith.constant 0 : i32
      %dma_start3A_246 = arith.constant 0 : i32
      %dma_start3A_247 = tpu.memref_slice %arg2[%arg0, %arg1, %dma_start3A_245, %dma_start3A_246] : memref<2x16x80x128xi32, #tpu.memory_space<hbm>> -> memref<1x1x80x128xi32, #tpu.memory_space<hbm>>
      %dma_start3A_248 = tpu.memref_squeeze %dma_start3A_247 : memref<1x1x80x128xi32, #tpu.memory_space<hbm>> -> memref<80x128xi32, #tpu.memory_space<hbm>>
      %dma_start3A_249 = arith.constant 0 : i32
      %dma_start3A_250 = arith.constant 0 : i32
      %dma_start3A_251 = tpu.memref_slice %arg2[%arg0, %arg1, %dma_start3A_249, %dma_start3A_250] : memref<2x16x80x128xi32, #tpu.memory_space<hbm>> -> memref<1x1x80x128xi32, #tpu.memory_space<hbm>>
      %dma_start3A_252 = tpu.memref_squeeze %dma_start3A_251 : memref<1x1x80x128xi32, #tpu.memory_space<hbm>> -> memref<80x128xi32, #tpu.memory_space<hbm>>
      tpu.enqueue_dma source(%dma_start3A_252 : memref<80x128xi32, #tpu.memory_space<hbm>>) target(%arg7 : memref<80x128xi32, #tpu.memory_space<vmem>>) target_semaphore(%run_scoped3A : memref<!tpu.dma_semaphore, #tpu.memory_space<semaphore_mem>>)
      %dma_wait3A_253 = arith.constant 0 : i32
      %dma_wait3A_254 = arith.constant 0 : i32
      %dma_wait3A_255 = tpu.memref_slice %arg2[%arg0, %arg1, %dma_wait3A_253, %dma_wait3A_254] : memref<2x16x80x128xi32, #tpu.memory_space<hbm>> -> memref<1x1x80x128xi32, #tpu.memory_space<hbm>>
      %dma_wait3A_256 = tpu.memref_squeeze %dma_wait3A_255 : memref<1x1x80x128xi32, #tpu.memory_space<hbm>> -> memref<80x128xi32, #tpu.memory_space<hbm>>
      %dma_wait3A_257 = arith.constant 0 : i32
      %dma_wait3A_258 = arith.constant 0 : i32
      %dma_wait3A_259 = tpu.memref_slice %arg2[%arg0, %arg1, %dma_wait3A_257, %dma_wait3A_258] : memref<2x16x80x128xi32, #tpu.memory_space<hbm>> -> memref<1x1x80x128xi32, #tpu.memory_space<hbm>>
      %dma_wait3A_260 = tpu.memref_squeeze %dma_wait3A_259 : memref<1x1x80x128xi32, #tpu.memory_space<hbm>> -> memref<80x128xi32, #tpu.memory_space<hbm>>
      tpu.wait_dma2 semaphore(%run_scoped3A : memref<!tpu.dma_semaphore, #tpu.memory_space<semaphore_mem>>) src(%dma_wait3A_260 : memref<80x128xi32, #tpu.memory_space<hbm>>) dst(%arg7 : memref<80x128xi32, #tpu.memory_space<vmem>>)
      tpu.yield
    }) : () -> ()
    "tpu.region"() ({
      %run_scoped3A = tpu.sem_alloc : memref<!tpu.dma_semaphore, #tpu.memory_space<semaphore_mem>>
      %dma_start3A_245 = arith.constant 0 : i32
      %dma_start3A_246 = arith.constant 0 : i32
      %dma_start3A_247 = tpu.memref_slice %arg3[%arg0, %arg1, %dma_start3A_245, %dma_start3A_246] : memref<2x16x80x128xi32, #tpu.memory_space<hbm>> -> memref<1x1x80x128xi32, #tpu.memory_space<hbm>>
      %dma_start3A_248 = tpu.memref_squeeze %dma_start3A_247 : memref<1x1x80x128xi32, #tpu.memory_space<hbm>> -> memref<80x128xi32, #tpu.memory_space<hbm>>
      %dma_start3A_249 = arith.constant 0 : i32
      %dma_start3A_250 = arith.constant 0 : i32
      %dma_start3A_251 = tpu.memref_slice %arg3[%arg0, %arg1, %dma_start3A_249, %dma_start3A_250] : memref<2x16x80x128xi32, #tpu.memory_space<hbm>> -> memref<1x1x80x128xi32, #tpu.memory_space<hbm>>
      %dma_start3A_252 = tpu.memref_squeeze %dma_start3A_251 : memref<1x1x80x128xi32, #tpu.memory_space<hbm>> -> memref<80x128xi32, #tpu.memory_space<hbm>>
      tpu.enqueue_dma source(%dma_start3A_252 : memref<80x128xi32, #tpu.memory_space<hbm>>) target(%arg8 : memref<80x128xi32, #tpu.memory_space<vmem>>) target_semaphore(%run_scoped3A : memref<!tpu.dma_semaphore, #tpu.memory_space<semaphore_mem>>)
      %dma_wait3A_253 = arith.constant 0 : i32
      %dma_wait3A_254 = arith.constant 0 : i32
      %dma_wait3A_255 = tpu.memref_slice %arg3[%arg0, %arg1, %dma_wait3A_253, %dma_wait3A_254] : memref<2x16x80x128xi32, #tpu.memory_space<hbm>> -> memref<1x1x80x128xi32, #tpu.memory_space<hbm>>
      %dma_wait3A_256 = tpu.memref_squeeze %dma_wait3A_255 : memref<1x1x80x128xi32, #tpu.memory_space<hbm>> -> memref<80x128xi32, #tpu.memory_space<hbm>>
      %dma_wait3A_257 = arith.constant 0 : i32
      %dma_wait3A_258 = arith.constant 0 : i32
      %dma_wait3A_259 = tpu.memref_slice %arg3[%arg0, %arg1, %dma_wait3A_257, %dma_wait3A_258] : memref<2x16x80x128xi32, #tpu.memory_space<hbm>> -> memref<1x1x80x128xi32, #tpu.memory_space<hbm>>
      %dma_wait3A_260 = tpu.memref_squeeze %dma_wait3A_259 : memref<1x1x80x128xi32, #tpu.memory_space<hbm>> -> memref<80x128xi32, #tpu.memory_space<hbm>>
      tpu.wait_dma2 semaphore(%run_scoped3A : memref<!tpu.dma_semaphore, #tpu.memory_space<semaphore_mem>>) src(%dma_wait3A_260 : memref<80x128xi32, #tpu.memory_space<hbm>>) dst(%arg8 : memref<80x128xi32, #tpu.memory_space<vmem>>)
      tpu.yield
    }) : () -> ()
    %barrier3A = arith.constant 0 : index
    tpu.barrier barrier_id(%barrier3A)
    %dma_start3A = arith.constant 0 : i32
    %dma_start3A_1 = arith.constant 0 : i32
    %dma_start3A_2 = arith.constant 0 : i32
    %dma_start3A_3 = arith.constant 0 : i32
    %dma_start3A_4 = arith.constant 0 : i32
    %dma_start3A_5 = tpu.memref_slice %arg9[%dma_start3A_1, %dma_start3A_3, %dma_start3A_4] : memref<8x128x32xf32, #tpu.memory_space<vmem>> -> memref<1x128x32xf32, #tpu.memory_space<vmem>>
    %dma_start3A_6 = tpu.memref_squeeze %dma_start3A_5 : memref<1x128x32xf32, #tpu.memory_space<vmem>> -> memref<128x32xf32, #tpu.memory_space<vmem>>
    %dma_start3A_7 = arith.constant 0 : i32
    %dma_start3A_8 = tpu.memref_slice %arg7[%dma_start3A, %dma_start3A_7] : memref<80x128xi32, #tpu.memory_space<vmem>> -> memref<1x128xi32, #tpu.memory_space<vmem>>
    %dma_start3A_9 = tpu.memref_squeeze %dma_start3A_8 : memref<1x128xi32, #tpu.memory_space<vmem>> -> memref<128xi32, #tpu.memory_space<vmem>>
    %dma_start3A_10 = arith.constant 0 : i32
    %dma_start3A_11 = arith.constant 0 : i32
    %dma_start3A_12 = tpu.memref_slice %arg4[%dma_start3A_10, %dma_start3A_11] : memref<10240x32xf32, #tpu.memory_space<hbm>> -> memref<10240x32xf32, #tpu.memory_space<hbm>>
    %dma_start3A_13 = tpu.memref_slice %arg11[%dma_start3A_2] : memref<8x!tpu.dma_semaphore, #tpu.memory_space<semaphore_mem>> -> memref<1x!tpu.dma_semaphore, #tpu.memory_space<semaphore_mem>>
    %dma_start3A_14 = tpu.memref_squeeze %dma_start3A_13 : memref<1x!tpu.dma_semaphore, #tpu.memory_space<semaphore_mem>> -> memref<!tpu.dma_semaphore, #tpu.memory_space<semaphore_mem>>
    tpu.enqueue_indirect_dma source(%dma_start3A_12 : memref<10240x32xf32, #tpu.memory_space<hbm>>) target(%dma_start3A_6 : memref<128x32xf32, #tpu.memory_space<vmem>>) offsets(%dma_start3A_9 : memref<128xi32, #tpu.memory_space<vmem>>) semaphore(%dma_start3A_14 : memref<!tpu.dma_semaphore, #tpu.memory_space<semaphore_mem>>)
    %dma_start3A_15 = arith.constant 1 : i32
    %dma_start3A_16 = arith.constant 1 : i32
    %dma_start3A_17 = arith.constant 1 : i32
    %dma_start3A_18 = arith.constant 0 : i32
    %dma_start3A_19 = arith.constant 0 : i32
    %dma_start3A_20 = tpu.memref_slice %arg9[%dma_start3A_16, %dma_start3A_18, %dma_start3A_19] : memref<8x128x32xf32, #tpu.memory_space<vmem>> -> memref<1x128x32xf32, #tpu.memory_space<vmem>>
    %dma_start3A_21 = tpu.memref_squeeze %dma_start3A_20 : memref<1x128x32xf32, #tpu.memory_space<vmem>> -> memref<128x32xf32, #tpu.memory_space<vmem>>
    %dma_start3A_22 = arith.constant 0 : i32
    %dma_start3A_23 = tpu.memref_slice %arg7[%dma_start3A_15, %dma_start3A_22] : memref<80x128xi32, #tpu.memory_space<vmem>> -> memref<1x128xi32, #tpu.memory_space<vmem>>
    %dma_start3A_24 = tpu.memref_squeeze %dma_start3A_23 : memref<1x128xi32, #tpu.memory_space<vmem>> -> memref<128xi32, #tpu.memory_space<vmem>>
    %dma_start3A_25 = arith.constant 0 : i32
    %dma_start3A_26 = arith.constant 0 : i32
    %dma_start3A_27 = tpu.memref_slice %arg4[%dma_start3A_25, %dma_start3A_26] : memref<10240x32xf32, #tpu.memory_space<hbm>> -> memref<10240x32xf32, #tpu.memory_space<hbm>>
    %dma_start3A_28 = tpu.memref_slice %arg11[%dma_start3A_17] : memref<8x!tpu.dma_semaphore, #tpu.memory_space<semaphore_mem>> -> memref<1x!tpu.dma_semaphore, #tpu.memory_space<semaphore_mem>>
    %dma_start3A_29 = tpu.memref_squeeze %dma_start3A_28 : memref<1x!tpu.dma_semaphore, #tpu.memory_space<semaphore_mem>> -> memref<!tpu.dma_semaphore, #tpu.memory_space<semaphore_mem>>
    tpu.enqueue_indirect_dma source(%dma_start3A_27 : memref<10240x32xf32, #tpu.memory_space<hbm>>) target(%dma_start3A_21 : memref<128x32xf32, #tpu.memory_space<vmem>>) offsets(%dma_start3A_24 : memref<128xi32, #tpu.memory_space<vmem>>) semaphore(%dma_start3A_29 : memref<!tpu.dma_semaphore, #tpu.memory_space<semaphore_mem>>)
    %dma_start3A_30 = arith.constant 2 : i32
    %dma_start3A_31 = arith.constant 2 : i32
    %dma_start3A_32 = arith.constant 2 : i32
    %dma_start3A_33 = arith.constant 0 : i32
    %dma_start3A_34 = arith.constant 0 : i32
    %dma_start3A_35 = tpu.memref_slice %arg9[%dma_start3A_31, %dma_start3A_33, %dma_start3A_34] : memref<8x128x32xf32, #tpu.memory_space<vmem>> -> memref<1x128x32xf32, #tpu.memory_space<vmem>>
    %dma_start3A_36 = tpu.memref_squeeze %dma_start3A_35 : memref<1x128x32xf32, #tpu.memory_space<vmem>> -> memref<128x32xf32, #tpu.memory_space<vmem>>
    %dma_start3A_37 = arith.constant 0 : i32
    %dma_start3A_38 = tpu.memref_slice %arg7[%dma_start3A_30, %dma_start3A_37] : memref<80x128xi32, #tpu.memory_space<vmem>> -> memref<1x128xi32, #tpu.memory_space<vmem>>
    %dma_start3A_39 = tpu.memref_squeeze %dma_start3A_38 : memref<1x128xi32, #tpu.memory_space<vmem>> -> memref<128xi32, #tpu.memory_space<vmem>>
    %dma_start3A_40 = arith.constant 0 : i32
    %dma_start3A_41 = arith.constant 0 : i32
    %dma_start3A_42 = tpu.memref_slice %arg4[%dma_start3A_40, %dma_start3A_41] : memref<10240x32xf32, #tpu.memory_space<hbm>> -> memref<10240x32xf32, #tpu.memory_space<hbm>>
    %dma_start3A_43 = tpu.memref_slice %arg11[%dma_start3A_32] : memref<8x!tpu.dma_semaphore, #tpu.memory_space<semaphore_mem>> -> memref<1x!tpu.dma_semaphore, #tpu.memory_space<semaphore_mem>>
    %dma_start3A_44 = tpu.memref_squeeze %dma_start3A_43 : memref<1x!tpu.dma_semaphore, #tpu.memory_space<semaphore_mem>> -> memref<!tpu.dma_semaphore, #tpu.memory_space<semaphore_mem>>
    tpu.enqueue_indirect_dma source(%dma_start3A_42 : memref<10240x32xf32, #tpu.memory_space<hbm>>) target(%dma_start3A_36 : memref<128x32xf32, #tpu.memory_space<vmem>>) offsets(%dma_start3A_39 : memref<128xi32, #tpu.memory_space<vmem>>) semaphore(%dma_start3A_44 : memref<!tpu.dma_semaphore, #tpu.memory_space<semaphore_mem>>)
    %dma_start3A_45 = arith.constant 3 : i32
    %dma_start3A_46 = arith.constant 3 : i32
    %dma_start3A_47 = arith.constant 3 : i32
    %dma_start3A_48 = arith.constant 0 : i32
    %dma_start3A_49 = arith.constant 0 : i32
    %dma_start3A_50 = tpu.memref_slice %arg9[%dma_start3A_46, %dma_start3A_48, %dma_start3A_49] : memref<8x128x32xf32, #tpu.memory_space<vmem>> -> memref<1x128x32xf32, #tpu.memory_space<vmem>>
    %dma_start3A_51 = tpu.memref_squeeze %dma_start3A_50 : memref<1x128x32xf32, #tpu.memory_space<vmem>> -> memref<128x32xf32, #tpu.memory_space<vmem>>
    %dma_start3A_52 = arith.constant 0 : i32
    %dma_start3A_53 = tpu.memref_slice %arg7[%dma_start3A_45, %dma_start3A_52] : memref<80x128xi32, #tpu.memory_space<vmem>> -> memref<1x128xi32, #tpu.memory_space<vmem>>
    %dma_start3A_54 = tpu.memref_squeeze %dma_start3A_53 : memref<1x128xi32, #tpu.memory_space<vmem>> -> memref<128xi32, #tpu.memory_space<vmem>>
    %dma_start3A_55 = arith.constant 0 : i32
    %dma_start3A_56 = arith.constant 0 : i32
    %dma_start3A_57 = tpu.memref_slice %arg4[%dma_start3A_55, %dma_start3A_56] : memref<10240x32xf32, #tpu.memory_space<hbm>> -> memref<10240x32xf32, #tpu.memory_space<hbm>>
    %dma_start3A_58 = tpu.memref_slice %arg11[%dma_start3A_47] : memref<8x!tpu.dma_semaphore, #tpu.memory_space<semaphore_mem>> -> memref<1x!tpu.dma_semaphore, #tpu.memory_space<semaphore_mem>>
    %dma_start3A_59 = tpu.memref_squeeze %dma_start3A_58 : memref<1x!tpu.dma_semaphore, #tpu.memory_space<semaphore_mem>> -> memref<!tpu.dma_semaphore, #tpu.memory_space<semaphore_mem>>
    tpu.enqueue_indirect_dma source(%dma_start3A_57 : memref<10240x32xf32, #tpu.memory_space<hbm>>) target(%dma_start3A_51 : memref<128x32xf32, #tpu.memory_space<vmem>>) offsets(%dma_start3A_54 : memref<128xi32, #tpu.memory_space<vmem>>) semaphore(%dma_start3A_59 : memref<!tpu.dma_semaphore, #tpu.memory_space<semaphore_mem>>)
    %dma_start3A_60 = arith.constant 4 : i32
    %dma_start3A_61 = arith.constant 4 : i32
    %dma_start3A_62 = arith.constant 4 : i32
    %dma_start3A_63 = arith.constant 0 : i32
    %dma_start3A_64 = arith.constant 0 : i32
    %dma_start3A_65 = tpu.memref_slice %arg9[%dma_start3A_61, %dma_start3A_63, %dma_start3A_64] : memref<8x128x32xf32, #tpu.memory_space<vmem>> -> memref<1x128x32xf32, #tpu.memory_space<vmem>>
    %dma_start3A_66 = tpu.memref_squeeze %dma_start3A_65 : memref<1x128x32xf32, #tpu.memory_space<vmem>> -> memref<128x32xf32, #tpu.memory_space<vmem>>
    %dma_start3A_67 = arith.constant 0 : i32
    %dma_start3A_68 = tpu.memref_slice %arg7[%dma_start3A_60, %dma_start3A_67] : memref<80x128xi32, #tpu.memory_space<vmem>> -> memref<1x128xi32, #tpu.memory_space<vmem>>
    %dma_start3A_69 = tpu.memref_squeeze %dma_start3A_68 : memref<1x128xi32, #tpu.memory_space<vmem>> -> memref<128xi32, #tpu.memory_space<vmem>>
    %dma_start3A_70 = arith.constant 0 : i32
    %dma_start3A_71 = arith.constant 0 : i32
    %dma_start3A_72 = tpu.memref_slice %arg4[%dma_start3A_70, %dma_start3A_71] : memref<10240x32xf32, #tpu.memory_space<hbm>> -> memref<10240x32xf32, #tpu.memory_space<hbm>>
    %dma_start3A_73 = tpu.memref_slice %arg11[%dma_start3A_62] : memref<8x!tpu.dma_semaphore, #tpu.memory_space<semaphore_mem>> -> memref<1x!tpu.dma_semaphore, #tpu.memory_space<semaphore_mem>>
    %dma_start3A_74 = tpu.memref_squeeze %dma_start3A_73 : memref<1x!tpu.dma_semaphore, #tpu.memory_space<semaphore_mem>> -> memref<!tpu.dma_semaphore, #tpu.memory_space<semaphore_mem>>
    tpu.enqueue_indirect_dma source(%dma_start3A_72 : memref<10240x32xf32, #tpu.memory_space<hbm>>) target(%dma_start3A_66 : memref<128x32xf32, #tpu.memory_space<vmem>>) offsets(%dma_start3A_69 : memref<128xi32, #tpu.memory_space<vmem>>) semaphore(%dma_start3A_74 : memref<!tpu.dma_semaphore, #tpu.memory_space<semaphore_mem>>)
    %dma_start3A_75 = arith.constant 5 : i32
    %dma_start3A_76 = arith.constant 5 : i32
    %dma_start3A_77 = arith.constant 5 : i32
    %dma_start3A_78 = arith.constant 0 : i32
    %dma_start3A_79 = arith.constant 0 : i32
    %dma_start3A_80 = tpu.memref_slice %arg9[%dma_start3A_76, %dma_start3A_78, %dma_start3A_79] : memref<8x128x32xf32, #tpu.memory_space<vmem>> -> memref<1x128x32xf32, #tpu.memory_space<vmem>>
    %dma_start3A_81 = tpu.memref_squeeze %dma_start3A_80 : memref<1x128x32xf32, #tpu.memory_space<vmem>> -> memref<128x32xf32, #tpu.memory_space<vmem>>
    %dma_start3A_82 = arith.constant 0 : i32
    %dma_start3A_83 = tpu.memref_slice %arg7[%dma_start3A_75, %dma_start3A_82] : memref<80x128xi32, #tpu.memory_space<vmem>> -> memref<1x128xi32, #tpu.memory_space<vmem>>
    %dma_start3A_84 = tpu.memref_squeeze %dma_start3A_83 : memref<1x128xi32, #tpu.memory_space<vmem>> -> memref<128xi32, #tpu.memory_space<vmem>>
    %dma_start3A_85 = arith.constant 0 : i32
    %dma_start3A_86 = arith.constant 0 : i32
    %dma_start3A_87 = tpu.memref_slice %arg4[%dma_start3A_85, %dma_start3A_86] : memref<10240x32xf32, #tpu.memory_space<hbm>> -> memref<10240x32xf32, #tpu.memory_space<hbm>>
    %dma_start3A_88 = tpu.memref_slice %arg11[%dma_start3A_77] : memref<8x!tpu.dma_semaphore, #tpu.memory_space<semaphore_mem>> -> memref<1x!tpu.dma_semaphore, #tpu.memory_space<semaphore_mem>>
    %dma_start3A_89 = tpu.memref_squeeze %dma_start3A_88 : memref<1x!tpu.dma_semaphore, #tpu.memory_space<semaphore_mem>> -> memref<!tpu.dma_semaphore, #tpu.memory_space<semaphore_mem>>
    tpu.enqueue_indirect_dma source(%dma_start3A_87 : memref<10240x32xf32, #tpu.memory_space<hbm>>) target(%dma_start3A_81 : memref<128x32xf32, #tpu.memory_space<vmem>>) offsets(%dma_start3A_84 : memref<128xi32, #tpu.memory_space<vmem>>) semaphore(%dma_start3A_89 : memref<!tpu.dma_semaphore, #tpu.memory_space<semaphore_mem>>)
    %dma_start3A_90 = arith.constant 6 : i32
    %dma_start3A_91 = arith.constant 6 : i32
    %dma_start3A_92 = arith.constant 6 : i32
    %dma_start3A_93 = arith.constant 0 : i32
    %dma_start3A_94 = arith.constant 0 : i32
    %dma_start3A_95 = tpu.memref_slice %arg9[%dma_start3A_91, %dma_start3A_93, %dma_start3A_94] : memref<8x128x32xf32, #tpu.memory_space<vmem>> -> memref<1x128x32xf32, #tpu.memory_space<vmem>>
    %dma_start3A_96 = tpu.memref_squeeze %dma_start3A_95 : memref<1x128x32xf32, #tpu.memory_space<vmem>> -> memref<128x32xf32, #tpu.memory_space<vmem>>
    %dma_start3A_97 = arith.constant 0 : i32
    %dma_start3A_98 = tpu.memref_slice %arg7[%dma_start3A_90, %dma_start3A_97] : memref<80x128xi32, #tpu.memory_space<vmem>> -> memref<1x128xi32, #tpu.memory_space<vmem>>
    %dma_start3A_99 = tpu.memref_squeeze %dma_start3A_98 : memref<1x128xi32, #tpu.memory_space<vmem>> -> memref<128xi32, #tpu.memory_space<vmem>>
    %dma_start3A_100 = arith.constant 0 : i32
    %dma_start3A_101 = arith.constant 0 : i32
    %dma_start3A_102 = tpu.memref_slice %arg4[%dma_start3A_100, %dma_start3A_101] : memref<10240x32xf32, #tpu.memory_space<hbm>> -> memref<10240x32xf32, #tpu.memory_space<hbm>>
    %dma_start3A_103 = tpu.memref_slice %arg11[%dma_start3A_92] : memref<8x!tpu.dma_semaphore, #tpu.memory_space<semaphore_mem>> -> memref<1x!tpu.dma_semaphore, #tpu.memory_space<semaphore_mem>>
    %dma_start3A_104 = tpu.memref_squeeze %dma_start3A_103 : memref<1x!tpu.dma_semaphore, #tpu.memory_space<semaphore_mem>> -> memref<!tpu.dma_semaphore, #tpu.memory_space<semaphore_mem>>
    tpu.enqueue_indirect_dma source(%dma_start3A_102 : memref<10240x32xf32, #tpu.memory_space<hbm>>) target(%dma_start3A_96 : memref<128x32xf32, #tpu.memory_space<vmem>>) offsets(%dma_start3A_99 : memref<128xi32, #tpu.memory_space<vmem>>) semaphore(%dma_start3A_104 : memref<!tpu.dma_semaphore, #tpu.memory_space<semaphore_mem>>)
    %dma_start3A_105 = arith.constant 7 : i32
    %dma_start3A_106 = arith.constant 7 : i32
    %dma_start3A_107 = arith.constant 7 : i32
    %dma_start3A_108 = arith.constant 0 : i32
    %dma_start3A_109 = arith.constant 0 : i32
    %dma_start3A_110 = tpu.memref_slice %arg9[%dma_start3A_106, %dma_start3A_108, %dma_start3A_109] : memref<8x128x32xf32, #tpu.memory_space<vmem>> -> memref<1x128x32xf32, #tpu.memory_space<vmem>>
    %dma_start3A_111 = tpu.memref_squeeze %dma_start3A_110 : memref<1x128x32xf32, #tpu.memory_space<vmem>> -> memref<128x32xf32, #tpu.memory_space<vmem>>
    %dma_start3A_112 = arith.constant 0 : i32
    %dma_start3A_113 = tpu.memref_slice %arg7[%dma_start3A_105, %dma_start3A_112] : memref<80x128xi32, #tpu.memory_space<vmem>> -> memref<1x128xi32, #tpu.memory_space<vmem>>
    %dma_start3A_114 = tpu.memref_squeeze %dma_start3A_113 : memref<1x128xi32, #tpu.memory_space<vmem>> -> memref<128xi32, #tpu.memory_space<vmem>>
    %dma_start3A_115 = arith.constant 0 : i32
    %dma_start3A_116 = arith.constant 0 : i32
    %dma_start3A_117 = tpu.memref_slice %arg4[%dma_start3A_115, %dma_start3A_116] : memref<10240x32xf32, #tpu.memory_space<hbm>> -> memref<10240x32xf32, #tpu.memory_space<hbm>>
    %dma_start3A_118 = tpu.memref_slice %arg11[%dma_start3A_107] : memref<8x!tpu.dma_semaphore, #tpu.memory_space<semaphore_mem>> -> memref<1x!tpu.dma_semaphore, #tpu.memory_space<semaphore_mem>>
    %dma_start3A_119 = tpu.memref_squeeze %dma_start3A_118 : memref<1x!tpu.dma_semaphore, #tpu.memory_space<semaphore_mem>> -> memref<!tpu.dma_semaphore, #tpu.memory_space<semaphore_mem>>
    tpu.enqueue_indirect_dma source(%dma_start3A_117 : memref<10240x32xf32, #tpu.memory_space<hbm>>) target(%dma_start3A_111 : memref<128x32xf32, #tpu.memory_space<vmem>>) offsets(%dma_start3A_114 : memref<128xi32, #tpu.memory_space<vmem>>) semaphore(%dma_start3A_119 : memref<!tpu.dma_semaphore, #tpu.memory_space<semaphore_mem>>)
    %scan3A = arith.constant 0 : i32
    %scan3A_120 = arith.constant 0 : i32
    %scan3A_121 = arith.constant 10 : i32
    %scan3A_122 = arith.addi %scan3A_120, %scan3A_121 : i32
    %scan3A_123 = arith.constant 1 : i32
    scf.for %scan3A_245 = %scan3A_120 to %scan3A_122 step %scan3A_123  : i32 {
      %mul3A_246 = arith.constant 8 : i32
      %mul3A_247 = arith.muli %scan3A_245, %mul3A_246 : i32
      %add3A = arith.constant 0 : i32
      %add3A_248 = arith.addi %mul3A_247, %add3A : i32
      %dma_wait3A_249 = arith.constant 0 : i32
      %dma_wait3A_250 = arith.constant 0 : i32
      %dma_wait3A_251 = arith.constant 0 : i32
      %dma_wait3A_252 = arith.constant 0 : i32
      %dma_wait3A_253 = tpu.memref_slice %arg9[%dma_wait3A_249, %dma_wait3A_251, %dma_wait3A_252] : memref<8x128x32xf32, #tpu.memory_space<vmem>> -> memref<1x128x32xf32, #tpu.memory_space<vmem>>
      %dma_wait3A_254 = tpu.memref_squeeze %dma_wait3A_253 : memref<1x128x32xf32, #tpu.memory_space<vmem>> -> memref<128x32xf32, #tpu.memory_space<vmem>>
      %dma_wait3A_255 = arith.constant 0 : i32
      %dma_wait3A_256 = tpu.memref_slice %arg7[%add3A_248, %dma_wait3A_255] : memref<80x128xi32, #tpu.memory_space<vmem>> -> memref<1x128xi32, #tpu.memory_space<vmem>>
      %dma_wait3A_257 = tpu.memref_squeeze %dma_wait3A_256 : memref<1x128xi32, #tpu.memory_space<vmem>> -> memref<128xi32, #tpu.memory_space<vmem>>
      %dma_wait3A_258 = arith.constant 0 : i32
      %dma_wait3A_259 = arith.constant 0 : i32
      %dma_wait3A_260 = tpu.memref_slice %arg4[%dma_wait3A_258, %dma_wait3A_259] : memref<10240x32xf32, #tpu.memory_space<hbm>> -> memref<10240x32xf32, #tpu.memory_space<hbm>>
      %dma_wait3A_261 = tpu.memref_slice %arg11[%dma_wait3A_250] : memref<8x!tpu.dma_semaphore, #tpu.memory_space<semaphore_mem>> -> memref<1x!tpu.dma_semaphore, #tpu.memory_space<semaphore_mem>>
      %dma_wait3A_262 = tpu.memref_squeeze %dma_wait3A_261 : memref<1x!tpu.dma_semaphore, #tpu.memory_space<semaphore_mem>> -> memref<!tpu.dma_semaphore, #tpu.memory_space<semaphore_mem>>
      tpu.wait_indirect_dma semaphore(%dma_wait3A_262 : memref<!tpu.dma_semaphore, #tpu.memory_space<semaphore_mem>>) src(%dma_wait3A_260 : memref<10240x32xf32, #tpu.memory_space<hbm>>) dst(%dma_wait3A_254 : memref<128x32xf32, #tpu.memory_space<vmem>>)
      %add3A_263 = arith.constant 0 : i32
      %add3A_264 = arith.addi %mul3A_247, %add3A_263 : i32
      %dma_start3A_265 = arith.constant 0 : i32
      %dma_start3A_266 = arith.constant 0 : i32
      %dma_start3A_267 = arith.constant 0 : i32
      %dma_start3A_268 = arith.constant 0 : i32
      %dma_start3A_269 = tpu.memref_slice %arg9[%dma_start3A_265, %dma_start3A_267, %dma_start3A_268] : memref<8x128x32xf32, #tpu.memory_space<vmem>> -> memref<1x128x32xf32, #tpu.memory_space<vmem>>
      %dma_start3A_270 = tpu.memref_squeeze %dma_start3A_269 : memref<1x128x32xf32, #tpu.memory_space<vmem>> -> memref<128x32xf32, #tpu.memory_space<vmem>>
      %dma_start3A_271 = arith.constant 0 : i32
      %dma_start3A_272 = tpu.memref_slice %arg8[%add3A_264, %dma_start3A_271] : memref<80x128xi32, #tpu.memory_space<vmem>> -> memref<1x128xi32, #tpu.memory_space<vmem>>
      %dma_start3A_273 = tpu.memref_squeeze %dma_start3A_272 : memref<1x128xi32, #tpu.memory_space<vmem>> -> memref<128xi32, #tpu.memory_space<vmem>>
      %dma_start3A_274 = arith.constant 0 : i32
      %dma_start3A_275 = arith.constant 0 : i32
      %dma_start3A_276 = tpu.memref_slice %arg10[%dma_start3A_274, %dma_start3A_275] : memref<10240x32xf32, #tpu.memory_space<vmem_shared>> -> memref<10240x32xf32, #tpu.memory_space<vmem_shared>>
      %dma_start3A_277 = tpu.memref_slice %arg12[%dma_start3A_266] : memref<8x!tpu.dma_semaphore, #tpu.memory_space<semaphore_mem>> -> memref<1x!tpu.dma_semaphore, #tpu.memory_space<semaphore_mem>>
      %dma_start3A_278 = tpu.memref_squeeze %dma_start3A_277 : memref<1x!tpu.dma_semaphore, #tpu.memory_space<semaphore_mem>> -> memref<!tpu.dma_semaphore, #tpu.memory_space<semaphore_mem>>
      tpu.enqueue_indirect_dma source(%dma_start3A_270 : memref<128x32xf32, #tpu.memory_space<vmem>>) target(%dma_start3A_276 : memref<10240x32xf32, #tpu.memory_space<vmem_shared>>) offsets(%dma_start3A_273 : memref<128xi32, #tpu.memory_space<vmem>>) semaphore(%dma_start3A_278 : memref<!tpu.dma_semaphore, #tpu.memory_space<semaphore_mem>>) {add = true}
      %add3A_279 = arith.constant 1 : i32
      %add3A_280 = arith.addi %mul3A_247, %add3A_279 : i32
      %dma_wait3A_281 = arith.constant 1 : i32
      %dma_wait3A_282 = arith.constant 1 : i32
      %dma_wait3A_283 = arith.constant 0 : i32
      %dma_wait3A_284 = arith.constant 0 : i32
      %dma_wait3A_285 = tpu.memref_slice %arg9[%dma_wait3A_281, %dma_wait3A_283, %dma_wait3A_284] : memref<8x128x32xf32, #tpu.memory_space<vmem>> -> memref<1x128x32xf32, #tpu.memory_space<vmem>>
      %dma_wait3A_286 = tpu.memref_squeeze %dma_wait3A_285 : memref<1x128x32xf32, #tpu.memory_space<vmem>> -> memref<128x32xf32, #tpu.memory_space<vmem>>
      %dma_wait3A_287 = arith.constant 0 : i32
      %dma_wait3A_288 = tpu.memref_slice %arg7[%add3A_280, %dma_wait3A_287] : memref<80x128xi32, #tpu.memory_space<vmem>> -> memref<1x128xi32, #tpu.memory_space<vmem>>
      %dma_wait3A_289 = tpu.memref_squeeze %dma_wait3A_288 : memref<1x128xi32, #tpu.memory_space<vmem>> -> memref<128xi32, #tpu.memory_space<vmem>>
      %dma_wait3A_290 = arith.constant 0 : i32
      %dma_wait3A_291 = arith.constant 0 : i32
      %dma_wait3A_292 = tpu.memref_slice %arg4[%dma_wait3A_290, %dma_wait3A_291] : memref<10240x32xf32, #tpu.memory_space<hbm>> -> memref<10240x32xf32, #tpu.memory_space<hbm>>
      %dma_wait3A_293 = tpu.memref_slice %arg11[%dma_wait3A_282] : memref<8x!tpu.dma_semaphore, #tpu.memory_space<semaphore_mem>> -> memref<1x!tpu.dma_semaphore, #tpu.memory_space<semaphore_mem>>
      %dma_wait3A_294 = tpu.memref_squeeze %dma_wait3A_293 : memref<1x!tpu.dma_semaphore, #tpu.memory_space<semaphore_mem>> -> memref<!tpu.dma_semaphore, #tpu.memory_space<semaphore_mem>>
      tpu.wait_indirect_dma semaphore(%dma_wait3A_294 : memref<!tpu.dma_semaphore, #tpu.memory_space<semaphore_mem>>) src(%dma_wait3A_292 : memref<10240x32xf32, #tpu.memory_space<hbm>>) dst(%dma_wait3A_286 : memref<128x32xf32, #tpu.memory_space<vmem>>)
      %add3A_295 = arith.constant 1 : i32
      %add3A_296 = arith.addi %mul3A_247, %add3A_295 : i32
      %dma_start3A_297 = arith.constant 1 : i32
      %dma_start3A_298 = arith.constant 1 : i32
      %dma_start3A_299 = arith.constant 0 : i32
      %dma_start3A_300 = arith.constant 0 : i32
      %dma_start3A_301 = tpu.memref_slice %arg9[%dma_start3A_297, %dma_start3A_299, %dma_start3A_300] : memref<8x128x32xf32, #tpu.memory_space<vmem>> -> memref<1x128x32xf32, #tpu.memory_space<vmem>>
      %dma_start3A_302 = tpu.memref_squeeze %dma_start3A_301 : memref<1x128x32xf32, #tpu.memory_space<vmem>> -> memref<128x32xf32, #tpu.memory_space<vmem>>
      %dma_start3A_303 = arith.constant 0 : i32
      %dma_start3A_304 = tpu.memref_slice %arg8[%add3A_296, %dma_start3A_303] : memref<80x128xi32, #tpu.memory_space<vmem>> -> memref<1x128xi32, #tpu.memory_space<vmem>>
      %dma_start3A_305 = tpu.memref_squeeze %dma_start3A_304 : memref<1x128xi32, #tpu.memory_space<vmem>> -> memref<128xi32, #tpu.memory_space<vmem>>
      %dma_start3A_306 = arith.constant 0 : i32
      %dma_start3A_307 = arith.constant 0 : i32
      %dma_start3A_308 = tpu.memref_slice %arg10[%dma_start3A_306, %dma_start3A_307] : memref<10240x32xf32, #tpu.memory_space<vmem_shared>> -> memref<10240x32xf32, #tpu.memory_space<vmem_shared>>
      %dma_start3A_309 = tpu.memref_slice %arg12[%dma_start3A_298] : memref<8x!tpu.dma_semaphore, #tpu.memory_space<semaphore_mem>> -> memref<1x!tpu.dma_semaphore, #tpu.memory_space<semaphore_mem>>
      %dma_start3A_310 = tpu.memref_squeeze %dma_start3A_309 : memref<1x!tpu.dma_semaphore, #tpu.memory_space<semaphore_mem>> -> memref<!tpu.dma_semaphore, #tpu.memory_space<semaphore_mem>>
      tpu.enqueue_indirect_dma source(%dma_start3A_302 : memref<128x32xf32, #tpu.memory_space<vmem>>) target(%dma_start3A_308 : memref<10240x32xf32, #tpu.memory_space<vmem_shared>>) offsets(%dma_start3A_305 : memref<128xi32, #tpu.memory_space<vmem>>) semaphore(%dma_start3A_310 : memref<!tpu.dma_semaphore, #tpu.memory_space<semaphore_mem>>) {add = true}
      %add3A_311 = arith.constant 2 : i32
      %add3A_312 = arith.addi %mul3A_247, %add3A_311 : i32
      %dma_wait3A_313 = arith.constant 2 : i32
      %dma_wait3A_314 = arith.constant 2 : i32
      %dma_wait3A_315 = arith.constant 0 : i32
      %dma_wait3A_316 = arith.constant 0 : i32
      %dma_wait3A_317 = tpu.memref_slice %arg9[%dma_wait3A_313, %dma_wait3A_315, %dma_wait3A_316] : memref<8x128x32xf32, #tpu.memory_space<vmem>> -> memref<1x128x32xf32, #tpu.memory_space<vmem>>
      %dma_wait3A_318 = tpu.memref_squeeze %dma_wait3A_317 : memref<1x128x32xf32, #tpu.memory_space<vmem>> -> memref<128x32xf32, #tpu.memory_space<vmem>>
      %dma_wait3A_319 = arith.constant 0 : i32
      %dma_wait3A_320 = tpu.memref_slice %arg7[%add3A_312, %dma_wait3A_319] : memref<80x128xi32, #tpu.memory_space<vmem>> -> memref<1x128xi32, #tpu.memory_space<vmem>>
      %dma_wait3A_321 = tpu.memref_squeeze %dma_wait3A_320 : memref<1x128xi32, #tpu.memory_space<vmem>> -> memref<128xi32, #tpu.memory_space<vmem>>
      %dma_wait3A_322 = arith.constant 0 : i32
      %dma_wait3A_323 = arith.constant 0 : i32
      %dma_wait3A_324 = tpu.memref_slice %arg4[%dma_wait3A_322, %dma_wait3A_323] : memref<10240x32xf32, #tpu.memory_space<hbm>> -> memref<10240x32xf32, #tpu.memory_space<hbm>>
      %dma_wait3A_325 = tpu.memref_slice %arg11[%dma_wait3A_314] : memref<8x!tpu.dma_semaphore, #tpu.memory_space<semaphore_mem>> -> memref<1x!tpu.dma_semaphore, #tpu.memory_space<semaphore_mem>>
      %dma_wait3A_326 = tpu.memref_squeeze %dma_wait3A_325 : memref<1x!tpu.dma_semaphore, #tpu.memory_space<semaphore_mem>> -> memref<!tpu.dma_semaphore, #tpu.memory_space<semaphore_mem>>
      tpu.wait_indirect_dma semaphore(%dma_wait3A_326 : memref<!tpu.dma_semaphore, #tpu.memory_space<semaphore_mem>>) src(%dma_wait3A_324 : memref<10240x32xf32, #tpu.memory_space<hbm>>) dst(%dma_wait3A_318 : memref<128x32xf32, #tpu.memory_space<vmem>>)
      %add3A_327 = arith.constant 2 : i32
      %add3A_328 = arith.addi %mul3A_247, %add3A_327 : i32
      %dma_start3A_329 = arith.constant 2 : i32
      %dma_start3A_330 = arith.constant 2 : i32
      %dma_start3A_331 = arith.constant 0 : i32
      %dma_start3A_332 = arith.constant 0 : i32
      %dma_start3A_333 = tpu.memref_slice %arg9[%dma_start3A_329, %dma_start3A_331, %dma_start3A_332] : memref<8x128x32xf32, #tpu.memory_space<vmem>> -> memref<1x128x32xf32, #tpu.memory_space<vmem>>
      %dma_start3A_334 = tpu.memref_squeeze %dma_start3A_333 : memref<1x128x32xf32, #tpu.memory_space<vmem>> -> memref<128x32xf32, #tpu.memory_space<vmem>>
      %dma_start3A_335 = arith.constant 0 : i32
      %dma_start3A_336 = tpu.memref_slice %arg8[%add3A_328, %dma_start3A_335] : memref<80x128xi32, #tpu.memory_space<vmem>> -> memref<1x128xi32, #tpu.memory_space<vmem>>
      %dma_start3A_337 = tpu.memref_squeeze %dma_start3A_336 : memref<1x128xi32, #tpu.memory_space<vmem>> -> memref<128xi32, #tpu.memory_space<vmem>>
      %dma_start3A_338 = arith.constant 0 : i32
      %dma_start3A_339 = arith.constant 0 : i32
      %dma_start3A_340 = tpu.memref_slice %arg10[%dma_start3A_338, %dma_start3A_339] : memref<10240x32xf32, #tpu.memory_space<vmem_shared>> -> memref<10240x32xf32, #tpu.memory_space<vmem_shared>>
      %dma_start3A_341 = tpu.memref_slice %arg12[%dma_start3A_330] : memref<8x!tpu.dma_semaphore, #tpu.memory_space<semaphore_mem>> -> memref<1x!tpu.dma_semaphore, #tpu.memory_space<semaphore_mem>>
      %dma_start3A_342 = tpu.memref_squeeze %dma_start3A_341 : memref<1x!tpu.dma_semaphore, #tpu.memory_space<semaphore_mem>> -> memref<!tpu.dma_semaphore, #tpu.memory_space<semaphore_mem>>
      tpu.enqueue_indirect_dma source(%dma_start3A_334 : memref<128x32xf32, #tpu.memory_space<vmem>>) target(%dma_start3A_340 : memref<10240x32xf32, #tpu.memory_space<vmem_shared>>) offsets(%dma_start3A_337 : memref<128xi32, #tpu.memory_space<vmem>>) semaphore(%dma_start3A_342 : memref<!tpu.dma_semaphore, #tpu.memory_space<semaphore_mem>>) {add = true}
      %add3A_343 = arith.constant 3 : i32
      %add3A_344 = arith.addi %mul3A_247, %add3A_343 : i32
      %dma_wait3A_345 = arith.constant 3 : i32
      %dma_wait3A_346 = arith.constant 3 : i32
      %dma_wait3A_347 = arith.constant 0 : i32
      %dma_wait3A_348 = arith.constant 0 : i32
      %dma_wait3A_349 = tpu.memref_slice %arg9[%dma_wait3A_345, %dma_wait3A_347, %dma_wait3A_348] : memref<8x128x32xf32, #tpu.memory_space<vmem>> -> memref<1x128x32xf32, #tpu.memory_space<vmem>>
      %dma_wait3A_350 = tpu.memref_squeeze %dma_wait3A_349 : memref<1x128x32xf32, #tpu.memory_space<vmem>> -> memref<128x32xf32, #tpu.memory_space<vmem>>
      %dma_wait3A_351 = arith.constant 0 : i32
      %dma_wait3A_352 = tpu.memref_slice %arg7[%add3A_344, %dma_wait3A_351] : memref<80x128xi32, #tpu.memory_space<vmem>> -> memref<1x128xi32, #tpu.memory_space<vmem>>
      %dma_wait3A_353 = tpu.memref_squeeze %dma_wait3A_352 : memref<1x128xi32, #tpu.memory_space<vmem>> -> memref<128xi32, #tpu.memory_space<vmem>>
      %dma_wait3A_354 = arith.constant 0 : i32
      %dma_wait3A_355 = arith.constant 0 : i32
      %dma_wait3A_356 = tpu.memref_slice %arg4[%dma_wait3A_354, %dma_wait3A_355] : memref<10240x32xf32, #tpu.memory_space<hbm>> -> memref<10240x32xf32, #tpu.memory_space<hbm>>
      %dma_wait3A_357 = tpu.memref_slice %arg11[%dma_wait3A_346] : memref<8x!tpu.dma_semaphore, #tpu.memory_space<semaphore_mem>> -> memref<1x!tpu.dma_semaphore, #tpu.memory_space<semaphore_mem>>
      %dma_wait3A_358 = tpu.memref_squeeze %dma_wait3A_357 : memref<1x!tpu.dma_semaphore, #tpu.memory_space<semaphore_mem>> -> memref<!tpu.dma_semaphore, #tpu.memory_space<semaphore_mem>>
      tpu.wait_indirect_dma semaphore(%dma_wait3A_358 : memref<!tpu.dma_semaphore, #tpu.memory_space<semaphore_mem>>) src(%dma_wait3A_356 : memref<10240x32xf32, #tpu.memory_space<hbm>>) dst(%dma_wait3A_350 : memref<128x32xf32, #tpu.memory_space<vmem>>)
      %add3A_359 = arith.constant 3 : i32
      %add3A_360 = arith.addi %mul3A_247, %add3A_359 : i32
      %dma_start3A_361 = arith.constant 3 : i32
      %dma_start3A_362 = arith.constant 3 : i32
      %dma_start3A_363 = arith.constant 0 : i32
      %dma_start3A_364 = arith.constant 0 : i32
      %dma_start3A_365 = tpu.memref_slice %arg9[%dma_start3A_361, %dma_start3A_363, %dma_start3A_364] : memref<8x128x32xf32, #tpu.memory_space<vmem>> -> memref<1x128x32xf32, #tpu.memory_space<vmem>>
      %dma_start3A_366 = tpu.memref_squeeze %dma_start3A_365 : memref<1x128x32xf32, #tpu.memory_space<vmem>> -> memref<128x32xf32, #tpu.memory_space<vmem>>
      %dma_start3A_367 = arith.constant 0 : i32
      %dma_start3A_368 = tpu.memref_slice %arg8[%add3A_360, %dma_start3A_367] : memref<80x128xi32, #tpu.memory_space<vmem>> -> memref<1x128xi32, #tpu.memory_space<vmem>>
      %dma_start3A_369 = tpu.memref_squeeze %dma_start3A_368 : memref<1x128xi32, #tpu.memory_space<vmem>> -> memref<128xi32, #tpu.memory_space<vmem>>
      %dma_start3A_370 = arith.constant 0 : i32
      %dma_start3A_371 = arith.constant 0 : i32
      %dma_start3A_372 = tpu.memref_slice %arg10[%dma_start3A_370, %dma_start3A_371] : memref<10240x32xf32, #tpu.memory_space<vmem_shared>> -> memref<10240x32xf32, #tpu.memory_space<vmem_shared>>
      %dma_start3A_373 = tpu.memref_slice %arg12[%dma_start3A_362] : memref<8x!tpu.dma_semaphore, #tpu.memory_space<semaphore_mem>> -> memref<1x!tpu.dma_semaphore, #tpu.memory_space<semaphore_mem>>
      %dma_start3A_374 = tpu.memref_squeeze %dma_start3A_373 : memref<1x!tpu.dma_semaphore, #tpu.memory_space<semaphore_mem>> -> memref<!tpu.dma_semaphore, #tpu.memory_space<semaphore_mem>>
      tpu.enqueue_indirect_dma source(%dma_start3A_366 : memref<128x32xf32, #tpu.memory_space<vmem>>) target(%dma_start3A_372 : memref<10240x32xf32, #tpu.memory_space<vmem_shared>>) offsets(%dma_start3A_369 : memref<128xi32, #tpu.memory_space<vmem>>) semaphore(%dma_start3A_374 : memref<!tpu.dma_semaphore, #tpu.memory_space<semaphore_mem>>) {add = true}
      %add3A_375 = arith.constant 4 : i32
      %add3A_376 = arith.addi %mul3A_247, %add3A_375 : i32
      %dma_wait3A_377 = arith.constant 4 : i32
      %dma_wait3A_378 = arith.constant 4 : i32
      %dma_wait3A_379 = arith.constant 0 : i32
      %dma_wait3A_380 = arith.constant 0 : i32
      %dma_wait3A_381 = tpu.memref_slice %arg9[%dma_wait3A_377, %dma_wait3A_379, %dma_wait3A_380] : memref<8x128x32xf32, #tpu.memory_space<vmem>> -> memref<1x128x32xf32, #tpu.memory_space<vmem>>
      %dma_wait3A_382 = tpu.memref_squeeze %dma_wait3A_381 : memref<1x128x32xf32, #tpu.memory_space<vmem>> -> memref<128x32xf32, #tpu.memory_space<vmem>>
      %dma_wait3A_383 = arith.constant 0 : i32
      %dma_wait3A_384 = tpu.memref_slice %arg7[%add3A_376, %dma_wait3A_383] : memref<80x128xi32, #tpu.memory_space<vmem>> -> memref<1x128xi32, #tpu.memory_space<vmem>>
      %dma_wait3A_385 = tpu.memref_squeeze %dma_wait3A_384 : memref<1x128xi32, #tpu.memory_space<vmem>> -> memref<128xi32, #tpu.memory_space<vmem>>
      %dma_wait3A_386 = arith.constant 0 : i32
      %dma_wait3A_387 = arith.constant 0 : i32
      %dma_wait3A_388 = tpu.memref_slice %arg4[%dma_wait3A_386, %dma_wait3A_387] : memref<10240x32xf32, #tpu.memory_space<hbm>> -> memref<10240x32xf32, #tpu.memory_space<hbm>>
      %dma_wait3A_389 = tpu.memref_slice %arg11[%dma_wait3A_378] : memref<8x!tpu.dma_semaphore, #tpu.memory_space<semaphore_mem>> -> memref<1x!tpu.dma_semaphore, #tpu.memory_space<semaphore_mem>>
      %dma_wait3A_390 = tpu.memref_squeeze %dma_wait3A_389 : memref<1x!tpu.dma_semaphore, #tpu.memory_space<semaphore_mem>> -> memref<!tpu.dma_semaphore, #tpu.memory_space<semaphore_mem>>
      tpu.wait_indirect_dma semaphore(%dma_wait3A_390 : memref<!tpu.dma_semaphore, #tpu.memory_space<semaphore_mem>>) src(%dma_wait3A_388 : memref<10240x32xf32, #tpu.memory_space<hbm>>) dst(%dma_wait3A_382 : memref<128x32xf32, #tpu.memory_space<vmem>>)
      %add3A_391 = arith.constant 4 : i32
      %add3A_392 = arith.addi %mul3A_247, %add3A_391 : i32
      %dma_start3A_393 = arith.constant 4 : i32
      %dma_start3A_394 = arith.constant 4 : i32
      %dma_start3A_395 = arith.constant 0 : i32
      %dma_start3A_396 = arith.constant 0 : i32
      %dma_start3A_397 = tpu.memref_slice %arg9[%dma_start3A_393, %dma_start3A_395, %dma_start3A_396] : memref<8x128x32xf32, #tpu.memory_space<vmem>> -> memref<1x128x32xf32, #tpu.memory_space<vmem>>
      %dma_start3A_398 = tpu.memref_squeeze %dma_start3A_397 : memref<1x128x32xf32, #tpu.memory_space<vmem>> -> memref<128x32xf32, #tpu.memory_space<vmem>>
      %dma_start3A_399 = arith.constant 0 : i32
      %dma_start3A_400 = tpu.memref_slice %arg8[%add3A_392, %dma_start3A_399] : memref<80x128xi32, #tpu.memory_space<vmem>> -> memref<1x128xi32, #tpu.memory_space<vmem>>
      %dma_start3A_401 = tpu.memref_squeeze %dma_start3A_400 : memref<1x128xi32, #tpu.memory_space<vmem>> -> memref<128xi32, #tpu.memory_space<vmem>>
      %dma_start3A_402 = arith.constant 0 : i32
      %dma_start3A_403 = arith.constant 0 : i32
      %dma_start3A_404 = tpu.memref_slice %arg10[%dma_start3A_402, %dma_start3A_403] : memref<10240x32xf32, #tpu.memory_space<vmem_shared>> -> memref<10240x32xf32, #tpu.memory_space<vmem_shared>>
      %dma_start3A_405 = tpu.memref_slice %arg12[%dma_start3A_394] : memref<8x!tpu.dma_semaphore, #tpu.memory_space<semaphore_mem>> -> memref<1x!tpu.dma_semaphore, #tpu.memory_space<semaphore_mem>>
      %dma_start3A_406 = tpu.memref_squeeze %dma_start3A_405 : memref<1x!tpu.dma_semaphore, #tpu.memory_space<semaphore_mem>> -> memref<!tpu.dma_semaphore, #tpu.memory_space<semaphore_mem>>
      tpu.enqueue_indirect_dma source(%dma_start3A_398 : memref<128x32xf32, #tpu.memory_space<vmem>>) target(%dma_start3A_404 : memref<10240x32xf32, #tpu.memory_space<vmem_shared>>) offsets(%dma_start3A_401 : memref<128xi32, #tpu.memory_space<vmem>>) semaphore(%dma_start3A_406 : memref<!tpu.dma_semaphore, #tpu.memory_space<semaphore_mem>>) {add = true}
      %add3A_407 = arith.constant 5 : i32
      %add3A_408 = arith.addi %mul3A_247, %add3A_407 : i32
      %dma_wait3A_409 = arith.constant 5 : i32
      %dma_wait3A_410 = arith.constant 5 : i32
      %dma_wait3A_411 = arith.constant 0 : i32
      %dma_wait3A_412 = arith.constant 0 : i32
      %dma_wait3A_413 = tpu.memref_slice %arg9[%dma_wait3A_409, %dma_wait3A_411, %dma_wait3A_412] : memref<8x128x32xf32, #tpu.memory_space<vmem>> -> memref<1x128x32xf32, #tpu.memory_space<vmem>>
      %dma_wait3A_414 = tpu.memref_squeeze %dma_wait3A_413 : memref<1x128x32xf32, #tpu.memory_space<vmem>> -> memref<128x32xf32, #tpu.memory_space<vmem>>
      %dma_wait3A_415 = arith.constant 0 : i32
      %dma_wait3A_416 = tpu.memref_slice %arg7[%add3A_408, %dma_wait3A_415] : memref<80x128xi32, #tpu.memory_space<vmem>> -> memref<1x128xi32, #tpu.memory_space<vmem>>
      %dma_wait3A_417 = tpu.memref_squeeze %dma_wait3A_416 : memref<1x128xi32, #tpu.memory_space<vmem>> -> memref<128xi32, #tpu.memory_space<vmem>>
      %dma_wait3A_418 = arith.constant 0 : i32
      %dma_wait3A_419 = arith.constant 0 : i32
      %dma_wait3A_420 = tpu.memref_slice %arg4[%dma_wait3A_418, %dma_wait3A_419] : memref<10240x32xf32, #tpu.memory_space<hbm>> -> memref<10240x32xf32, #tpu.memory_space<hbm>>
      %dma_wait3A_421 = tpu.memref_slice %arg11[%dma_wait3A_410] : memref<8x!tpu.dma_semaphore, #tpu.memory_space<semaphore_mem>> -> memref<1x!tpu.dma_semaphore, #tpu.memory_space<semaphore_mem>>
      %dma_wait3A_422 = tpu.memref_squeeze %dma_wait3A_421 : memref<1x!tpu.dma_semaphore, #tpu.memory_space<semaphore_mem>> -> memref<!tpu.dma_semaphore, #tpu.memory_space<semaphore_mem>>
      tpu.wait_indirect_dma semaphore(%dma_wait3A_422 : memref<!tpu.dma_semaphore, #tpu.memory_space<semaphore_mem>>) src(%dma_wait3A_420 : memref<10240x32xf32, #tpu.memory_space<hbm>>) dst(%dma_wait3A_414 : memref<128x32xf32, #tpu.memory_space<vmem>>)
      %add3A_423 = arith.constant 5 : i32
      %add3A_424 = arith.addi %mul3A_247, %add3A_423 : i32
      %dma_start3A_425 = arith.constant 5 : i32
      %dma_start3A_426 = arith.constant 5 : i32
      %dma_start3A_427 = arith.constant 0 : i32
      %dma_start3A_428 = arith.constant 0 : i32
      %dma_start3A_429 = tpu.memref_slice %arg9[%dma_start3A_425, %dma_start3A_427, %dma_start3A_428] : memref<8x128x32xf32, #tpu.memory_space<vmem>> -> memref<1x128x32xf32, #tpu.memory_space<vmem>>
      %dma_start3A_430 = tpu.memref_squeeze %dma_start3A_429 : memref<1x128x32xf32, #tpu.memory_space<vmem>> -> memref<128x32xf32, #tpu.memory_space<vmem>>
      %dma_start3A_431 = arith.constant 0 : i32
      %dma_start3A_432 = tpu.memref_slice %arg8[%add3A_424, %dma_start3A_431] : memref<80x128xi32, #tpu.memory_space<vmem>> -> memref<1x128xi32, #tpu.memory_space<vmem>>
      %dma_start3A_433 = tpu.memref_squeeze %dma_start3A_432 : memref<1x128xi32, #tpu.memory_space<vmem>> -> memref<128xi32, #tpu.memory_space<vmem>>
      %dma_start3A_434 = arith.constant 0 : i32
      %dma_start3A_435 = arith.constant 0 : i32
      %dma_start3A_436 = tpu.memref_slice %arg10[%dma_start3A_434, %dma_start3A_435] : memref<10240x32xf32, #tpu.memory_space<vmem_shared>> -> memref<10240x32xf32, #tpu.memory_space<vmem_shared>>
      %dma_start3A_437 = tpu.memref_slice %arg12[%dma_start3A_426] : memref<8x!tpu.dma_semaphore, #tpu.memory_space<semaphore_mem>> -> memref<1x!tpu.dma_semaphore, #tpu.memory_space<semaphore_mem>>
      %dma_start3A_438 = tpu.memref_squeeze %dma_start3A_437 : memref<1x!tpu.dma_semaphore, #tpu.memory_space<semaphore_mem>> -> memref<!tpu.dma_semaphore, #tpu.memory_space<semaphore_mem>>
      tpu.enqueue_indirect_dma source(%dma_start3A_430 : memref<128x32xf32, #tpu.memory_space<vmem>>) target(%dma_start3A_436 : memref<10240x32xf32, #tpu.memory_space<vmem_shared>>) offsets(%dma_start3A_433 : memref<128xi32, #tpu.memory_space<vmem>>) semaphore(%dma_start3A_438 : memref<!tpu.dma_semaphore, #tpu.memory_space<semaphore_mem>>) {add = true}
      %add3A_439 = arith.constant 6 : i32
      %add3A_440 = arith.addi %mul3A_247, %add3A_439 : i32
      %dma_wait3A_441 = arith.constant 6 : i32
      %dma_wait3A_442 = arith.constant 6 : i32
      %dma_wait3A_443 = arith.constant 0 : i32
      %dma_wait3A_444 = arith.constant 0 : i32
      %dma_wait3A_445 = tpu.memref_slice %arg9[%dma_wait3A_441, %dma_wait3A_443, %dma_wait3A_444] : memref<8x128x32xf32, #tpu.memory_space<vmem>> -> memref<1x128x32xf32, #tpu.memory_space<vmem>>
      %dma_wait3A_446 = tpu.memref_squeeze %dma_wait3A_445 : memref<1x128x32xf32, #tpu.memory_space<vmem>> -> memref<128x32xf32, #tpu.memory_space<vmem>>
      %dma_wait3A_447 = arith.constant 0 : i32
      %dma_wait3A_448 = tpu.memref_slice %arg7[%add3A_440, %dma_wait3A_447] : memref<80x128xi32, #tpu.memory_space<vmem>> -> memref<1x128xi32, #tpu.memory_space<vmem>>
      %dma_wait3A_449 = tpu.memref_squeeze %dma_wait3A_448 : memref<1x128xi32, #tpu.memory_space<vmem>> -> memref<128xi32, #tpu.memory_space<vmem>>
      %dma_wait3A_450 = arith.constant 0 : i32
      %dma_wait3A_451 = arith.constant 0 : i32
      %dma_wait3A_452 = tpu.memref_slice %arg4[%dma_wait3A_450, %dma_wait3A_451] : memref<10240x32xf32, #tpu.memory_space<hbm>> -> memref<10240x32xf32, #tpu.memory_space<hbm>>
      %dma_wait3A_453 = tpu.memref_slice %arg11[%dma_wait3A_442] : memref<8x!tpu.dma_semaphore, #tpu.memory_space<semaphore_mem>> -> memref<1x!tpu.dma_semaphore, #tpu.memory_space<semaphore_mem>>
      %dma_wait3A_454 = tpu.memref_squeeze %dma_wait3A_453 : memref<1x!tpu.dma_semaphore, #tpu.memory_space<semaphore_mem>> -> memref<!tpu.dma_semaphore, #tpu.memory_space<semaphore_mem>>
      tpu.wait_indirect_dma semaphore(%dma_wait3A_454 : memref<!tpu.dma_semaphore, #tpu.memory_space<semaphore_mem>>) src(%dma_wait3A_452 : memref<10240x32xf32, #tpu.memory_space<hbm>>) dst(%dma_wait3A_446 : memref<128x32xf32, #tpu.memory_space<vmem>>)
      %add3A_455 = arith.constant 6 : i32
      %add3A_456 = arith.addi %mul3A_247, %add3A_455 : i32
      %dma_start3A_457 = arith.constant 6 : i32
      %dma_start3A_458 = arith.constant 6 : i32
      %dma_start3A_459 = arith.constant 0 : i32
      %dma_start3A_460 = arith.constant 0 : i32
      %dma_start3A_461 = tpu.memref_slice %arg9[%dma_start3A_457, %dma_start3A_459, %dma_start3A_460] : memref<8x128x32xf32, #tpu.memory_space<vmem>> -> memref<1x128x32xf32, #tpu.memory_space<vmem>>
      %dma_start3A_462 = tpu.memref_squeeze %dma_start3A_461 : memref<1x128x32xf32, #tpu.memory_space<vmem>> -> memref<128x32xf32, #tpu.memory_space<vmem>>
      %dma_start3A_463 = arith.constant 0 : i32
      %dma_start3A_464 = tpu.memref_slice %arg8[%add3A_456, %dma_start3A_463] : memref<80x128xi32, #tpu.memory_space<vmem>> -> memref<1x128xi32, #tpu.memory_space<vmem>>
      %dma_start3A_465 = tpu.memref_squeeze %dma_start3A_464 : memref<1x128xi32, #tpu.memory_space<vmem>> -> memref<128xi32, #tpu.memory_space<vmem>>
      %dma_start3A_466 = arith.constant 0 : i32
      %dma_start3A_467 = arith.constant 0 : i32
      %dma_start3A_468 = tpu.memref_slice %arg10[%dma_start3A_466, %dma_start3A_467] : memref<10240x32xf32, #tpu.memory_space<vmem_shared>> -> memref<10240x32xf32, #tpu.memory_space<vmem_shared>>
      %dma_start3A_469 = tpu.memref_slice %arg12[%dma_start3A_458] : memref<8x!tpu.dma_semaphore, #tpu.memory_space<semaphore_mem>> -> memref<1x!tpu.dma_semaphore, #tpu.memory_space<semaphore_mem>>
      %dma_start3A_470 = tpu.memref_squeeze %dma_start3A_469 : memref<1x!tpu.dma_semaphore, #tpu.memory_space<semaphore_mem>> -> memref<!tpu.dma_semaphore, #tpu.memory_space<semaphore_mem>>
      tpu.enqueue_indirect_dma source(%dma_start3A_462 : memref<128x32xf32, #tpu.memory_space<vmem>>) target(%dma_start3A_468 : memref<10240x32xf32, #tpu.memory_space<vmem_shared>>) offsets(%dma_start3A_465 : memref<128xi32, #tpu.memory_space<vmem>>) semaphore(%dma_start3A_470 : memref<!tpu.dma_semaphore, #tpu.memory_space<semaphore_mem>>) {add = true}
      %add3A_471 = arith.constant 7 : i32
      %add3A_472 = arith.addi %mul3A_247, %add3A_471 : i32
      %dma_wait3A_473 = arith.constant 7 : i32
      %dma_wait3A_474 = arith.constant 7 : i32
      %dma_wait3A_475 = arith.constant 0 : i32
      %dma_wait3A_476 = arith.constant 0 : i32
      %dma_wait3A_477 = tpu.memref_slice %arg9[%dma_wait3A_473, %dma_wait3A_475, %dma_wait3A_476] : memref<8x128x32xf32, #tpu.memory_space<vmem>> -> memref<1x128x32xf32, #tpu.memory_space<vmem>>
      %dma_wait3A_478 = tpu.memref_squeeze %dma_wait3A_477 : memref<1x128x32xf32, #tpu.memory_space<vmem>> -> memref<128x32xf32, #tpu.memory_space<vmem>>
      %dma_wait3A_479 = arith.constant 0 : i32
      %dma_wait3A_480 = tpu.memref_slice %arg7[%add3A_472, %dma_wait3A_479] : memref<80x128xi32, #tpu.memory_space<vmem>> -> memref<1x128xi32, #tpu.memory_space<vmem>>
      %dma_wait3A_481 = tpu.memref_squeeze %dma_wait3A_480 : memref<1x128xi32, #tpu.memory_space<vmem>> -> memref<128xi32, #tpu.memory_space<vmem>>
      %dma_wait3A_482 = arith.constant 0 : i32
      %dma_wait3A_483 = arith.constant 0 : i32
      %dma_wait3A_484 = tpu.memref_slice %arg4[%dma_wait3A_482, %dma_wait3A_483] : memref<10240x32xf32, #tpu.memory_space<hbm>> -> memref<10240x32xf32, #tpu.memory_space<hbm>>
      %dma_wait3A_485 = tpu.memref_slice %arg11[%dma_wait3A_474] : memref<8x!tpu.dma_semaphore, #tpu.memory_space<semaphore_mem>> -> memref<1x!tpu.dma_semaphore, #tpu.memory_space<semaphore_mem>>
      %dma_wait3A_486 = tpu.memref_squeeze %dma_wait3A_485 : memref<1x!tpu.dma_semaphore, #tpu.memory_space<semaphore_mem>> -> memref<!tpu.dma_semaphore, #tpu.memory_space<semaphore_mem>>
      tpu.wait_indirect_dma semaphore(%dma_wait3A_486 : memref<!tpu.dma_semaphore, #tpu.memory_space<semaphore_mem>>) src(%dma_wait3A_484 : memref<10240x32xf32, #tpu.memory_space<hbm>>) dst(%dma_wait3A_478 : memref<128x32xf32, #tpu.memory_space<vmem>>)
      %add3A_487 = arith.constant 7 : i32
      %add3A_488 = arith.addi %mul3A_247, %add3A_487 : i32
      %dma_start3A_489 = arith.constant 7 : i32
      %dma_start3A_490 = arith.constant 7 : i32
      %dma_start3A_491 = arith.constant 0 : i32
      %dma_start3A_492 = arith.constant 0 : i32
      %dma_start3A_493 = tpu.memref_slice %arg9[%dma_start3A_489, %dma_start3A_491, %dma_start3A_492] : memref<8x128x32xf32, #tpu.memory_space<vmem>> -> memref<1x128x32xf32, #tpu.memory_space<vmem>>
      %dma_start3A_494 = tpu.memref_squeeze %dma_start3A_493 : memref<1x128x32xf32, #tpu.memory_space<vmem>> -> memref<128x32xf32, #tpu.memory_space<vmem>>
      %dma_start3A_495 = arith.constant 0 : i32
      %dma_start3A_496 = tpu.memref_slice %arg8[%add3A_488, %dma_start3A_495] : memref<80x128xi32, #tpu.memory_space<vmem>> -> memref<1x128xi32, #tpu.memory_space<vmem>>
      %dma_start3A_497 = tpu.memref_squeeze %dma_start3A_496 : memref<1x128xi32, #tpu.memory_space<vmem>> -> memref<128xi32, #tpu.memory_space<vmem>>
      %dma_start3A_498 = arith.constant 0 : i32
      %dma_start3A_499 = arith.constant 0 : i32
      %dma_start3A_500 = tpu.memref_slice %arg10[%dma_start3A_498, %dma_start3A_499] : memref<10240x32xf32, #tpu.memory_space<vmem_shared>> -> memref<10240x32xf32, #tpu.memory_space<vmem_shared>>
      %dma_start3A_501 = tpu.memref_slice %arg12[%dma_start3A_490] : memref<8x!tpu.dma_semaphore, #tpu.memory_space<semaphore_mem>> -> memref<1x!tpu.dma_semaphore, #tpu.memory_space<semaphore_mem>>
      %dma_start3A_502 = tpu.memref_squeeze %dma_start3A_501 : memref<1x!tpu.dma_semaphore, #tpu.memory_space<semaphore_mem>> -> memref<!tpu.dma_semaphore, #tpu.memory_space<semaphore_mem>>
      tpu.enqueue_indirect_dma source(%dma_start3A_494 : memref<128x32xf32, #tpu.memory_space<vmem>>) target(%dma_start3A_500 : memref<10240x32xf32, #tpu.memory_space<vmem_shared>>) offsets(%dma_start3A_497 : memref<128xi32, #tpu.memory_space<vmem>>) semaphore(%dma_start3A_502 : memref<!tpu.dma_semaphore, #tpu.memory_space<semaphore_mem>>) {add = true}
      %add3A_503 = arith.constant 1 : i32
      %add3A_504 = arith.addi %scan3A_245, %add3A_503 : i32
      %lt3A = arith.constant 10 : i32
      %lt3A_505 = arith.cmpi slt, %add3A_504, %lt3A : i32
      %convert_element_type3A = arith.extui %lt3A_505 : i1 to i32
      %cond3A = arith.constant 0 : i32
      %cond3A_506 = arith.cmpi ne, %convert_element_type3A, %cond3A : i32
      scf.if %cond3A_506 {
        %add3A_507 = arith.constant 0 : i32
        %add3A_508 = arith.addi %mul3A_247, %add3A_507 : i32
        %dma_wait3A_509 = arith.constant 0 : i32
        %dma_wait3A_510 = arith.constant 0 : i32
        %dma_wait3A_511 = arith.constant 0 : i32
        %dma_wait3A_512 = arith.constant 0 : i32
        %dma_wait3A_513 = tpu.memref_slice %arg9[%dma_wait3A_509, %dma_wait3A_511, %dma_wait3A_512] : memref<8x128x32xf32, #tpu.memory_space<vmem>> -> memref<1x128x32xf32, #tpu.memory_space<vmem>>
        %dma_wait3A_514 = tpu.memref_squeeze %dma_wait3A_513 : memref<1x128x32xf32, #tpu.memory_space<vmem>> -> memref<128x32xf32, #tpu.memory_space<vmem>>
        %dma_wait3A_515 = arith.constant 0 : i32
        %dma_wait3A_516 = tpu.memref_slice %arg8[%add3A_508, %dma_wait3A_515] : memref<80x128xi32, #tpu.memory_space<vmem>> -> memref<1x128xi32, #tpu.memory_space<vmem>>
        %dma_wait3A_517 = tpu.memref_squeeze %dma_wait3A_516 : memref<1x128xi32, #tpu.memory_space<vmem>> -> memref<128xi32, #tpu.memory_space<vmem>>
        %dma_wait3A_518 = arith.constant 0 : i32
        %dma_wait3A_519 = arith.constant 0 : i32
        %dma_wait3A_520 = tpu.memref_slice %arg10[%dma_wait3A_518, %dma_wait3A_519] : memref<10240x32xf32, #tpu.memory_space<vmem_shared>> -> memref<10240x32xf32, #tpu.memory_space<vmem_shared>>
        %dma_wait3A_521 = tpu.memref_slice %arg12[%dma_wait3A_510] : memref<8x!tpu.dma_semaphore, #tpu.memory_space<semaphore_mem>> -> memref<1x!tpu.dma_semaphore, #tpu.memory_space<semaphore_mem>>
        %dma_wait3A_522 = tpu.memref_squeeze %dma_wait3A_521 : memref<1x!tpu.dma_semaphore, #tpu.memory_space<semaphore_mem>> -> memref<!tpu.dma_semaphore, #tpu.memory_space<semaphore_mem>>
        tpu.wait_indirect_dma semaphore(%dma_wait3A_522 : memref<!tpu.dma_semaphore, #tpu.memory_space<semaphore_mem>>) src(%dma_wait3A_514 : memref<128x32xf32, #tpu.memory_space<vmem>>) dst(%dma_wait3A_520 : memref<10240x32xf32, #tpu.memory_space<vmem_shared>>)
        %add3A_523 = arith.constant 8 : i32
        %add3A_524 = arith.addi %mul3A_247, %add3A_523 : i32
        %add3A_525 = arith.constant 0 : i32
        %add3A_526 = arith.addi %add3A_524, %add3A_525 : i32
        %dma_start3A_527 = arith.constant 0 : i32
        %dma_start3A_528 = arith.constant 0 : i32
        %dma_start3A_529 = arith.constant 0 : i32
        %dma_start3A_530 = arith.constant 0 : i32
        %dma_start3A_531 = tpu.memref_slice %arg9[%dma_start3A_527, %dma_start3A_529, %dma_start3A_530] : memref<8x128x32xf32, #tpu.memory_space<vmem>> -> memref<1x128x32xf32, #tpu.memory_space<vmem>>
        %dma_start3A_532 = tpu.memref_squeeze %dma_start3A_531 : memref<1x128x32xf32, #tpu.memory_space<vmem>> -> memref<128x32xf32, #tpu.memory_space<vmem>>
        %dma_start3A_533 = arith.constant 0 : i32
        %dma_start3A_534 = tpu.memref_slice %arg7[%add3A_526, %dma_start3A_533] : memref<80x128xi32, #tpu.memory_space<vmem>> -> memref<1x128xi32, #tpu.memory_space<vmem>>
        %dma_start3A_535 = tpu.memref_squeeze %dma_start3A_534 : memref<1x128xi32, #tpu.memory_space<vmem>> -> memref<128xi32, #tpu.memory_space<vmem>>
        %dma_start3A_536 = arith.constant 0 : i32
        %dma_start3A_537 = arith.constant 0 : i32
        %dma_start3A_538 = tpu.memref_slice %arg4[%dma_start3A_536, %dma_start3A_537] : memref<10240x32xf32, #tpu.memory_space<hbm>> -> memref<10240x32xf32, #tpu.memory_space<hbm>>
        %dma_start3A_539 = tpu.memref_slice %arg11[%dma_start3A_528] : memref<8x!tpu.dma_semaphore, #tpu.memory_space<semaphore_mem>> -> memref<1x!tpu.dma_semaphore, #tpu.memory_space<semaphore_mem>>
        %dma_start3A_540 = tpu.memref_squeeze %dma_start3A_539 : memref<1x!tpu.dma_semaphore, #tpu.memory_space<semaphore_mem>> -> memref<!tpu.dma_semaphore, #tpu.memory_space<semaphore_mem>>
        tpu.enqueue_indirect_dma source(%dma_start3A_538 : memref<10240x32xf32, #tpu.memory_space<hbm>>) target(%dma_start3A_532 : memref<128x32xf32, #tpu.memory_space<vmem>>) offsets(%dma_start3A_535 : memref<128xi32, #tpu.memory_space<vmem>>) semaphore(%dma_start3A_540 : memref<!tpu.dma_semaphore, #tpu.memory_space<semaphore_mem>>)
        %add3A_541 = arith.constant 1 : i32
        %add3A_542 = arith.addi %mul3A_247, %add3A_541 : i32
        %dma_wait3A_543 = arith.constant 1 : i32
        %dma_wait3A_544 = arith.constant 1 : i32
        %dma_wait3A_545 = arith.constant 0 : i32
        %dma_wait3A_546 = arith.constant 0 : i32
        %dma_wait3A_547 = tpu.memref_slice %arg9[%dma_wait3A_543, %dma_wait3A_545, %dma_wait3A_546] : memref<8x128x32xf32, #tpu.memory_space<vmem>> -> memref<1x128x32xf32, #tpu.memory_space<vmem>>
        %dma_wait3A_548 = tpu.memref_squeeze %dma_wait3A_547 : memref<1x128x32xf32, #tpu.memory_space<vmem>> -> memref<128x32xf32, #tpu.memory_space<vmem>>
        %dma_wait3A_549 = arith.constant 0 : i32
        %dma_wait3A_550 = tpu.memref_slice %arg8[%add3A_542, %dma_wait3A_549] : memref<80x128xi32, #tpu.memory_space<vmem>> -> memref<1x128xi32, #tpu.memory_space<vmem>>
        %dma_wait3A_551 = tpu.memref_squeeze %dma_wait3A_550 : memref<1x128xi32, #tpu.memory_space<vmem>> -> memref<128xi32, #tpu.memory_space<vmem>>
        %dma_wait3A_552 = arith.constant 0 : i32
        %dma_wait3A_553 = arith.constant 0 : i32
        %dma_wait3A_554 = tpu.memref_slice %arg10[%dma_wait3A_552, %dma_wait3A_553] : memref<10240x32xf32, #tpu.memory_space<vmem_shared>> -> memref<10240x32xf32, #tpu.memory_space<vmem_shared>>
        %dma_wait3A_555 = tpu.memref_slice %arg12[%dma_wait3A_544] : memref<8x!tpu.dma_semaphore, #tpu.memory_space<semaphore_mem>> -> memref<1x!tpu.dma_semaphore, #tpu.memory_space<semaphore_mem>>
        %dma_wait3A_556 = tpu.memref_squeeze %dma_wait3A_555 : memref<1x!tpu.dma_semaphore, #tpu.memory_space<semaphore_mem>> -> memref<!tpu.dma_semaphore, #tpu.memory_space<semaphore_mem>>
        tpu.wait_indirect_dma semaphore(%dma_wait3A_556 : memref<!tpu.dma_semaphore, #tpu.memory_space<semaphore_mem>>) src(%dma_wait3A_548 : memref<128x32xf32, #tpu.memory_space<vmem>>) dst(%dma_wait3A_554 : memref<10240x32xf32, #tpu.memory_space<vmem_shared>>)
        %add3A_557 = arith.constant 8 : i32
        %add3A_558 = arith.addi %mul3A_247, %add3A_557 : i32
        %add3A_559 = arith.constant 1 : i32
        %add3A_560 = arith.addi %add3A_558, %add3A_559 : i32
        %dma_start3A_561 = arith.constant 1 : i32
        %dma_start3A_562 = arith.constant 1 : i32
        %dma_start3A_563 = arith.constant 0 : i32
        %dma_start3A_564 = arith.constant 0 : i32
        %dma_start3A_565 = tpu.memref_slice %arg9[%dma_start3A_561, %dma_start3A_563, %dma_start3A_564] : memref<8x128x32xf32, #tpu.memory_space<vmem>> -> memref<1x128x32xf32, #tpu.memory_space<vmem>>
        %dma_start3A_566 = tpu.memref_squeeze %dma_start3A_565 : memref<1x128x32xf32, #tpu.memory_space<vmem>> -> memref<128x32xf32, #tpu.memory_space<vmem>>
        %dma_start3A_567 = arith.constant 0 : i32
        %dma_start3A_568 = tpu.memref_slice %arg7[%add3A_560, %dma_start3A_567] : memref<80x128xi32, #tpu.memory_space<vmem>> -> memref<1x128xi32, #tpu.memory_space<vmem>>
        %dma_start3A_569 = tpu.memref_squeeze %dma_start3A_568 : memref<1x128xi32, #tpu.memory_space<vmem>> -> memref<128xi32, #tpu.memory_space<vmem>>
        %dma_start3A_570 = arith.constant 0 : i32
        %dma_start3A_571 = arith.constant 0 : i32
        %dma_start3A_572 = tpu.memref_slice %arg4[%dma_start3A_570, %dma_start3A_571] : memref<10240x32xf32, #tpu.memory_space<hbm>> -> memref<10240x32xf32, #tpu.memory_space<hbm>>
        %dma_start3A_573 = tpu.memref_slice %arg11[%dma_start3A_562] : memref<8x!tpu.dma_semaphore, #tpu.memory_space<semaphore_mem>> -> memref<1x!tpu.dma_semaphore, #tpu.memory_space<semaphore_mem>>
        %dma_start3A_574 = tpu.memref_squeeze %dma_start3A_573 : memref<1x!tpu.dma_semaphore, #tpu.memory_space<semaphore_mem>> -> memref<!tpu.dma_semaphore, #tpu.memory_space<semaphore_mem>>
        tpu.enqueue_indirect_dma source(%dma_start3A_572 : memref<10240x32xf32, #tpu.memory_space<hbm>>) target(%dma_start3A_566 : memref<128x32xf32, #tpu.memory_space<vmem>>) offsets(%dma_start3A_569 : memref<128xi32, #tpu.memory_space<vmem>>) semaphore(%dma_start3A_574 : memref<!tpu.dma_semaphore, #tpu.memory_space<semaphore_mem>>)
        %add3A_575 = arith.constant 2 : i32
        %add3A_576 = arith.addi %mul3A_247, %add3A_575 : i32
        %dma_wait3A_577 = arith.constant 2 : i32
        %dma_wait3A_578 = arith.constant 2 : i32
        %dma_wait3A_579 = arith.constant 0 : i32
        %dma_wait3A_580 = arith.constant 0 : i32
        %dma_wait3A_581 = tpu.memref_slice %arg9[%dma_wait3A_577, %dma_wait3A_579, %dma_wait3A_580] : memref<8x128x32xf32, #tpu.memory_space<vmem>> -> memref<1x128x32xf32, #tpu.memory_space<vmem>>
        %dma_wait3A_582 = tpu.memref_squeeze %dma_wait3A_581 : memref<1x128x32xf32, #tpu.memory_space<vmem>> -> memref<128x32xf32, #tpu.memory_space<vmem>>
        %dma_wait3A_583 = arith.constant 0 : i32
        %dma_wait3A_584 = tpu.memref_slice %arg8[%add3A_576, %dma_wait3A_583] : memref<80x128xi32, #tpu.memory_space<vmem>> -> memref<1x128xi32, #tpu.memory_space<vmem>>
        %dma_wait3A_585 = tpu.memref_squeeze %dma_wait3A_584 : memref<1x128xi32, #tpu.memory_space<vmem>> -> memref<128xi32, #tpu.memory_space<vmem>>
        %dma_wait3A_586 = arith.constant 0 : i32
        %dma_wait3A_587 = arith.constant 0 : i32
        %dma_wait3A_588 = tpu.memref_slice %arg10[%dma_wait3A_586, %dma_wait3A_587] : memref<10240x32xf32, #tpu.memory_space<vmem_shared>> -> memref<10240x32xf32, #tpu.memory_space<vmem_shared>>
        %dma_wait3A_589 = tpu.memref_slice %arg12[%dma_wait3A_578] : memref<8x!tpu.dma_semaphore, #tpu.memory_space<semaphore_mem>> -> memref<1x!tpu.dma_semaphore, #tpu.memory_space<semaphore_mem>>
        %dma_wait3A_590 = tpu.memref_squeeze %dma_wait3A_589 : memref<1x!tpu.dma_semaphore, #tpu.memory_space<semaphore_mem>> -> memref<!tpu.dma_semaphore, #tpu.memory_space<semaphore_mem>>
        tpu.wait_indirect_dma semaphore(%dma_wait3A_590 : memref<!tpu.dma_semaphore, #tpu.memory_space<semaphore_mem>>) src(%dma_wait3A_582 : memref<128x32xf32, #tpu.memory_space<vmem>>) dst(%dma_wait3A_588 : memref<10240x32xf32, #tpu.memory_space<vmem_shared>>)
        %add3A_591 = arith.constant 8 : i32
        %add3A_592 = arith.addi %mul3A_247, %add3A_591 : i32
        %add3A_593 = arith.constant 2 : i32
        %add3A_594 = arith.addi %add3A_592, %add3A_593 : i32
        %dma_start3A_595 = arith.constant 2 : i32
        %dma_start3A_596 = arith.constant 2 : i32
        %dma_start3A_597 = arith.constant 0 : i32
        %dma_start3A_598 = arith.constant 0 : i32
        %dma_start3A_599 = tpu.memref_slice %arg9[%dma_start3A_595, %dma_start3A_597, %dma_start3A_598] : memref<8x128x32xf32, #tpu.memory_space<vmem>> -> memref<1x128x32xf32, #tpu.memory_space<vmem>>
        %dma_start3A_600 = tpu.memref_squeeze %dma_start3A_599 : memref<1x128x32xf32, #tpu.memory_space<vmem>> -> memref<128x32xf32, #tpu.memory_space<vmem>>
        %dma_start3A_601 = arith.constant 0 : i32
        %dma_start3A_602 = tpu.memref_slice %arg7[%add3A_594, %dma_start3A_601] : memref<80x128xi32, #tpu.memory_space<vmem>> -> memref<1x128xi32, #tpu.memory_space<vmem>>
        %dma_start3A_603 = tpu.memref_squeeze %dma_start3A_602 : memref<1x128xi32, #tpu.memory_space<vmem>> -> memref<128xi32, #tpu.memory_space<vmem>>
        %dma_start3A_604 = arith.constant 0 : i32
        %dma_start3A_605 = arith.constant 0 : i32
        %dma_start3A_606 = tpu.memref_slice %arg4[%dma_start3A_604, %dma_start3A_605] : memref<10240x32xf32, #tpu.memory_space<hbm>> -> memref<10240x32xf32, #tpu.memory_space<hbm>>
        %dma_start3A_607 = tpu.memref_slice %arg11[%dma_start3A_596] : memref<8x!tpu.dma_semaphore, #tpu.memory_space<semaphore_mem>> -> memref<1x!tpu.dma_semaphore, #tpu.memory_space<semaphore_mem>>
        %dma_start3A_608 = tpu.memref_squeeze %dma_start3A_607 : memref<1x!tpu.dma_semaphore, #tpu.memory_space<semaphore_mem>> -> memref<!tpu.dma_semaphore, #tpu.memory_space<semaphore_mem>>
        tpu.enqueue_indirect_dma source(%dma_start3A_606 : memref<10240x32xf32, #tpu.memory_space<hbm>>) target(%dma_start3A_600 : memref<128x32xf32, #tpu.memory_space<vmem>>) offsets(%dma_start3A_603 : memref<128xi32, #tpu.memory_space<vmem>>) semaphore(%dma_start3A_608 : memref<!tpu.dma_semaphore, #tpu.memory_space<semaphore_mem>>)
        %add3A_609 = arith.constant 3 : i32
        %add3A_610 = arith.addi %mul3A_247, %add3A_609 : i32
        %dma_wait3A_611 = arith.constant 3 : i32
        %dma_wait3A_612 = arith.constant 3 : i32
        %dma_wait3A_613 = arith.constant 0 : i32
        %dma_wait3A_614 = arith.constant 0 : i32
        %dma_wait3A_615 = tpu.memref_slice %arg9[%dma_wait3A_611, %dma_wait3A_613, %dma_wait3A_614] : memref<8x128x32xf32, #tpu.memory_space<vmem>> -> memref<1x128x32xf32, #tpu.memory_space<vmem>>
        %dma_wait3A_616 = tpu.memref_squeeze %dma_wait3A_615 : memref<1x128x32xf32, #tpu.memory_space<vmem>> -> memref<128x32xf32, #tpu.memory_space<vmem>>
        %dma_wait3A_617 = arith.constant 0 : i32
        %dma_wait3A_618 = tpu.memref_slice %arg8[%add3A_610, %dma_wait3A_617] : memref<80x128xi32, #tpu.memory_space<vmem>> -> memref<1x128xi32, #tpu.memory_space<vmem>>
        %dma_wait3A_619 = tpu.memref_squeeze %dma_wait3A_618 : memref<1x128xi32, #tpu.memory_space<vmem>> -> memref<128xi32, #tpu.memory_space<vmem>>
        %dma_wait3A_620 = arith.constant 0 : i32
        %dma_wait3A_621 = arith.constant 0 : i32
        %dma_wait3A_622 = tpu.memref_slice %arg10[%dma_wait3A_620, %dma_wait3A_621] : memref<10240x32xf32, #tpu.memory_space<vmem_shared>> -> memref<10240x32xf32, #tpu.memory_space<vmem_shared>>
        %dma_wait3A_623 = tpu.memref_slice %arg12[%dma_wait3A_612] : memref<8x!tpu.dma_semaphore, #tpu.memory_space<semaphore_mem>> -> memref<1x!tpu.dma_semaphore, #tpu.memory_space<semaphore_mem>>
        %dma_wait3A_624 = tpu.memref_squeeze %dma_wait3A_623 : memref<1x!tpu.dma_semaphore, #tpu.memory_space<semaphore_mem>> -> memref<!tpu.dma_semaphore, #tpu.memory_space<semaphore_mem>>
        tpu.wait_indirect_dma semaphore(%dma_wait3A_624 : memref<!tpu.dma_semaphore, #tpu.memory_space<semaphore_mem>>) src(%dma_wait3A_616 : memref<128x32xf32, #tpu.memory_space<vmem>>) dst(%dma_wait3A_622 : memref<10240x32xf32, #tpu.memory_space<vmem_shared>>)
        %add3A_625 = arith.constant 8 : i32
        %add3A_626 = arith.addi %mul3A_247, %add3A_625 : i32
        %add3A_627 = arith.constant 3 : i32
        %add3A_628 = arith.addi %add3A_626, %add3A_627 : i32
        %dma_start3A_629 = arith.constant 3 : i32
        %dma_start3A_630 = arith.constant 3 : i32
        %dma_start3A_631 = arith.constant 0 : i32
        %dma_start3A_632 = arith.constant 0 : i32
        %dma_start3A_633 = tpu.memref_slice %arg9[%dma_start3A_629, %dma_start3A_631, %dma_start3A_632] : memref<8x128x32xf32, #tpu.memory_space<vmem>> -> memref<1x128x32xf32, #tpu.memory_space<vmem>>
        %dma_start3A_634 = tpu.memref_squeeze %dma_start3A_633 : memref<1x128x32xf32, #tpu.memory_space<vmem>> -> memref<128x32xf32, #tpu.memory_space<vmem>>
        %dma_start3A_635 = arith.constant 0 : i32
        %dma_start3A_636 = tpu.memref_slice %arg7[%add3A_628, %dma_start3A_635] : memref<80x128xi32, #tpu.memory_space<vmem>> -> memref<1x128xi32, #tpu.memory_space<vmem>>
        %dma_start3A_637 = tpu.memref_squeeze %dma_start3A_636 : memref<1x128xi32, #tpu.memory_space<vmem>> -> memref<128xi32, #tpu.memory_space<vmem>>
        %dma_start3A_638 = arith.constant 0 : i32
        %dma_start3A_639 = arith.constant 0 : i32
        %dma_start3A_640 = tpu.memref_slice %arg4[%dma_start3A_638, %dma_start3A_639] : memref<10240x32xf32, #tpu.memory_space<hbm>> -> memref<10240x32xf32, #tpu.memory_space<hbm>>
        %dma_start3A_641 = tpu.memref_slice %arg11[%dma_start3A_630] : memref<8x!tpu.dma_semaphore, #tpu.memory_space<semaphore_mem>> -> memref<1x!tpu.dma_semaphore, #tpu.memory_space<semaphore_mem>>
        %dma_start3A_642 = tpu.memref_squeeze %dma_start3A_641 : memref<1x!tpu.dma_semaphore, #tpu.memory_space<semaphore_mem>> -> memref<!tpu.dma_semaphore, #tpu.memory_space<semaphore_mem>>
        tpu.enqueue_indirect_dma source(%dma_start3A_640 : memref<10240x32xf32, #tpu.memory_space<hbm>>) target(%dma_start3A_634 : memref<128x32xf32, #tpu.memory_space<vmem>>) offsets(%dma_start3A_637 : memref<128xi32, #tpu.memory_space<vmem>>) semaphore(%dma_start3A_642 : memref<!tpu.dma_semaphore, #tpu.memory_space<semaphore_mem>>)
        %add3A_643 = arith.constant 4 : i32
        %add3A_644 = arith.addi %mul3A_247, %add3A_643 : i32
        %dma_wait3A_645 = arith.constant 4 : i32
        %dma_wait3A_646 = arith.constant 4 : i32
        %dma_wait3A_647 = arith.constant 0 : i32
        %dma_wait3A_648 = arith.constant 0 : i32
        %dma_wait3A_649 = tpu.memref_slice %arg9[%dma_wait3A_645, %dma_wait3A_647, %dma_wait3A_648] : memref<8x128x32xf32, #tpu.memory_space<vmem>> -> memref<1x128x32xf32, #tpu.memory_space<vmem>>
        %dma_wait3A_650 = tpu.memref_squeeze %dma_wait3A_649 : memref<1x128x32xf32, #tpu.memory_space<vmem>> -> memref<128x32xf32, #tpu.memory_space<vmem>>
        %dma_wait3A_651 = arith.constant 0 : i32
        %dma_wait3A_652 = tpu.memref_slice %arg8[%add3A_644, %dma_wait3A_651] : memref<80x128xi32, #tpu.memory_space<vmem>> -> memref<1x128xi32, #tpu.memory_space<vmem>>
        %dma_wait3A_653 = tpu.memref_squeeze %dma_wait3A_652 : memref<1x128xi32, #tpu.memory_space<vmem>> -> memref<128xi32, #tpu.memory_space<vmem>>
        %dma_wait3A_654 = arith.constant 0 : i32
        %dma_wait3A_655 = arith.constant 0 : i32
        %dma_wait3A_656 = tpu.memref_slice %arg10[%dma_wait3A_654, %dma_wait3A_655] : memref<10240x32xf32, #tpu.memory_space<vmem_shared>> -> memref<10240x32xf32, #tpu.memory_space<vmem_shared>>
        %dma_wait3A_657 = tpu.memref_slice %arg12[%dma_wait3A_646] : memref<8x!tpu.dma_semaphore, #tpu.memory_space<semaphore_mem>> -> memref<1x!tpu.dma_semaphore, #tpu.memory_space<semaphore_mem>>
        %dma_wait3A_658 = tpu.memref_squeeze %dma_wait3A_657 : memref<1x!tpu.dma_semaphore, #tpu.memory_space<semaphore_mem>> -> memref<!tpu.dma_semaphore, #tpu.memory_space<semaphore_mem>>
        tpu.wait_indirect_dma semaphore(%dma_wait3A_658 : memref<!tpu.dma_semaphore, #tpu.memory_space<semaphore_mem>>) src(%dma_wait3A_650 : memref<128x32xf32, #tpu.memory_space<vmem>>) dst(%dma_wait3A_656 : memref<10240x32xf32, #tpu.memory_space<vmem_shared>>)
        %add3A_659 = arith.constant 8 : i32
        %add3A_660 = arith.addi %mul3A_247, %add3A_659 : i32
        %add3A_661 = arith.constant 4 : i32
        %add3A_662 = arith.addi %add3A_660, %add3A_661 : i32
        %dma_start3A_663 = arith.constant 4 : i32
        %dma_start3A_664 = arith.constant 4 : i32
        %dma_start3A_665 = arith.constant 0 : i32
        %dma_start3A_666 = arith.constant 0 : i32
        %dma_start3A_667 = tpu.memref_slice %arg9[%dma_start3A_663, %dma_start3A_665, %dma_start3A_666] : memref<8x128x32xf32, #tpu.memory_space<vmem>> -> memref<1x128x32xf32, #tpu.memory_space<vmem>>
        %dma_start3A_668 = tpu.memref_squeeze %dma_start3A_667 : memref<1x128x32xf32, #tpu.memory_space<vmem>> -> memref<128x32xf32, #tpu.memory_space<vmem>>
        %dma_start3A_669 = arith.constant 0 : i32
        %dma_start3A_670 = tpu.memref_slice %arg7[%add3A_662, %dma_start3A_669] : memref<80x128xi32, #tpu.memory_space<vmem>> -> memref<1x128xi32, #tpu.memory_space<vmem>>
        %dma_start3A_671 = tpu.memref_squeeze %dma_start3A_670 : memref<1x128xi32, #tpu.memory_space<vmem>> -> memref<128xi32, #tpu.memory_space<vmem>>
        %dma_start3A_672 = arith.constant 0 : i32
        %dma_start3A_673 = arith.constant 0 : i32
        %dma_start3A_674 = tpu.memref_slice %arg4[%dma_start3A_672, %dma_start3A_673] : memref<10240x32xf32, #tpu.memory_space<hbm>> -> memref<10240x32xf32, #tpu.memory_space<hbm>>
        %dma_start3A_675 = tpu.memref_slice %arg11[%dma_start3A_664] : memref<8x!tpu.dma_semaphore, #tpu.memory_space<semaphore_mem>> -> memref<1x!tpu.dma_semaphore, #tpu.memory_space<semaphore_mem>>
        %dma_start3A_676 = tpu.memref_squeeze %dma_start3A_675 : memref<1x!tpu.dma_semaphore, #tpu.memory_space<semaphore_mem>> -> memref<!tpu.dma_semaphore, #tpu.memory_space<semaphore_mem>>
        tpu.enqueue_indirect_dma source(%dma_start3A_674 : memref<10240x32xf32, #tpu.memory_space<hbm>>) target(%dma_start3A_668 : memref<128x32xf32, #tpu.memory_space<vmem>>) offsets(%dma_start3A_671 : memref<128xi32, #tpu.memory_space<vmem>>) semaphore(%dma_start3A_676 : memref<!tpu.dma_semaphore, #tpu.memory_space<semaphore_mem>>)
        %add3A_677 = arith.constant 5 : i32
        %add3A_678 = arith.addi %mul3A_247, %add3A_677 : i32
        %dma_wait3A_679 = arith.constant 5 : i32
        %dma_wait3A_680 = arith.constant 5 : i32
        %dma_wait3A_681 = arith.constant 0 : i32
        %dma_wait3A_682 = arith.constant 0 : i32
        %dma_wait3A_683 = tpu.memref_slice %arg9[%dma_wait3A_679, %dma_wait3A_681, %dma_wait3A_682] : memref<8x128x32xf32, #tpu.memory_space<vmem>> -> memref<1x128x32xf32, #tpu.memory_space<vmem>>
        %dma_wait3A_684 = tpu.memref_squeeze %dma_wait3A_683 : memref<1x128x32xf32, #tpu.memory_space<vmem>> -> memref<128x32xf32, #tpu.memory_space<vmem>>
        %dma_wait3A_685 = arith.constant 0 : i32
        %dma_wait3A_686 = tpu.memref_slice %arg8[%add3A_678, %dma_wait3A_685] : memref<80x128xi32, #tpu.memory_space<vmem>> -> memref<1x128xi32, #tpu.memory_space<vmem>>
        %dma_wait3A_687 = tpu.memref_squeeze %dma_wait3A_686 : memref<1x128xi32, #tpu.memory_space<vmem>> -> memref<128xi32, #tpu.memory_space<vmem>>
        %dma_wait3A_688 = arith.constant 0 : i32
        %dma_wait3A_689 = arith.constant 0 : i32
        %dma_wait3A_690 = tpu.memref_slice %arg10[%dma_wait3A_688, %dma_wait3A_689] : memref<10240x32xf32, #tpu.memory_space<vmem_shared>> -> memref<10240x32xf32, #tpu.memory_space<vmem_shared>>
        %dma_wait3A_691 = tpu.memref_slice %arg12[%dma_wait3A_680] : memref<8x!tpu.dma_semaphore, #tpu.memory_space<semaphore_mem>> -> memref<1x!tpu.dma_semaphore, #tpu.memory_space<semaphore_mem>>
        %dma_wait3A_692 = tpu.memref_squeeze %dma_wait3A_691 : memref<1x!tpu.dma_semaphore, #tpu.memory_space<semaphore_mem>> -> memref<!tpu.dma_semaphore, #tpu.memory_space<semaphore_mem>>
        tpu.wait_indirect_dma semaphore(%dma_wait3A_692 : memref<!tpu.dma_semaphore, #tpu.memory_space<semaphore_mem>>) src(%dma_wait3A_684 : memref<128x32xf32, #tpu.memory_space<vmem>>) dst(%dma_wait3A_690 : memref<10240x32xf32, #tpu.memory_space<vmem_shared>>)
        %add3A_693 = arith.constant 8 : i32
        %add3A_694 = arith.addi %mul3A_247, %add3A_693 : i32
        %add3A_695 = arith.constant 5 : i32
        %add3A_696 = arith.addi %add3A_694, %add3A_695 : i32
        %dma_start3A_697 = arith.constant 5 : i32
        %dma_start3A_698 = arith.constant 5 : i32
        %dma_start3A_699 = arith.constant 0 : i32
        %dma_start3A_700 = arith.constant 0 : i32
        %dma_start3A_701 = tpu.memref_slice %arg9[%dma_start3A_697, %dma_start3A_699, %dma_start3A_700] : memref<8x128x32xf32, #tpu.memory_space<vmem>> -> memref<1x128x32xf32, #tpu.memory_space<vmem>>
        %dma_start3A_702 = tpu.memref_squeeze %dma_start3A_701 : memref<1x128x32xf32, #tpu.memory_space<vmem>> -> memref<128x32xf32, #tpu.memory_space<vmem>>
        %dma_start3A_703 = arith.constant 0 : i32
        %dma_start3A_704 = tpu.memref_slice %arg7[%add3A_696, %dma_start3A_703] : memref<80x128xi32, #tpu.memory_space<vmem>> -> memref<1x128xi32, #tpu.memory_space<vmem>>
        %dma_start3A_705 = tpu.memref_squeeze %dma_start3A_704 : memref<1x128xi32, #tpu.memory_space<vmem>> -> memref<128xi32, #tpu.memory_space<vmem>>
        %dma_start3A_706 = arith.constant 0 : i32
        %dma_start3A_707 = arith.constant 0 : i32
        %dma_start3A_708 = tpu.memref_slice %arg4[%dma_start3A_706, %dma_start3A_707] : memref<10240x32xf32, #tpu.memory_space<hbm>> -> memref<10240x32xf32, #tpu.memory_space<hbm>>
        %dma_start3A_709 = tpu.memref_slice %arg11[%dma_start3A_698] : memref<8x!tpu.dma_semaphore, #tpu.memory_space<semaphore_mem>> -> memref<1x!tpu.dma_semaphore, #tpu.memory_space<semaphore_mem>>
        %dma_start3A_710 = tpu.memref_squeeze %dma_start3A_709 : memref<1x!tpu.dma_semaphore, #tpu.memory_space<semaphore_mem>> -> memref<!tpu.dma_semaphore, #tpu.memory_space<semaphore_mem>>
        tpu.enqueue_indirect_dma source(%dma_start3A_708 : memref<10240x32xf32, #tpu.memory_space<hbm>>) target(%dma_start3A_702 : memref<128x32xf32, #tpu.memory_space<vmem>>) offsets(%dma_start3A_705 : memref<128xi32, #tpu.memory_space<vmem>>) semaphore(%dma_start3A_710 : memref<!tpu.dma_semaphore, #tpu.memory_space<semaphore_mem>>)
        %add3A_711 = arith.constant 6 : i32
        %add3A_712 = arith.addi %mul3A_247, %add3A_711 : i32
        %dma_wait3A_713 = arith.constant 6 : i32
        %dma_wait3A_714 = arith.constant 6 : i32
        %dma_wait3A_715 = arith.constant 0 : i32
        %dma_wait3A_716 = arith.constant 0 : i32
        %dma_wait3A_717 = tpu.memref_slice %arg9[%dma_wait3A_713, %dma_wait3A_715, %dma_wait3A_716] : memref<8x128x32xf32, #tpu.memory_space<vmem>> -> memref<1x128x32xf32, #tpu.memory_space<vmem>>
        %dma_wait3A_718 = tpu.memref_squeeze %dma_wait3A_717 : memref<1x128x32xf32, #tpu.memory_space<vmem>> -> memref<128x32xf32, #tpu.memory_space<vmem>>
        %dma_wait3A_719 = arith.constant 0 : i32
        %dma_wait3A_720 = tpu.memref_slice %arg8[%add3A_712, %dma_wait3A_719] : memref<80x128xi32, #tpu.memory_space<vmem>> -> memref<1x128xi32, #tpu.memory_space<vmem>>
        %dma_wait3A_721 = tpu.memref_squeeze %dma_wait3A_720 : memref<1x128xi32, #tpu.memory_space<vmem>> -> memref<128xi32, #tpu.memory_space<vmem>>
        %dma_wait3A_722 = arith.constant 0 : i32
        %dma_wait3A_723 = arith.constant 0 : i32
        %dma_wait3A_724 = tpu.memref_slice %arg10[%dma_wait3A_722, %dma_wait3A_723] : memref<10240x32xf32, #tpu.memory_space<vmem_shared>> -> memref<10240x32xf32, #tpu.memory_space<vmem_shared>>
        %dma_wait3A_725 = tpu.memref_slice %arg12[%dma_wait3A_714] : memref<8x!tpu.dma_semaphore, #tpu.memory_space<semaphore_mem>> -> memref<1x!tpu.dma_semaphore, #tpu.memory_space<semaphore_mem>>
        %dma_wait3A_726 = tpu.memref_squeeze %dma_wait3A_725 : memref<1x!tpu.dma_semaphore, #tpu.memory_space<semaphore_mem>> -> memref<!tpu.dma_semaphore, #tpu.memory_space<semaphore_mem>>
        tpu.wait_indirect_dma semaphore(%dma_wait3A_726 : memref<!tpu.dma_semaphore, #tpu.memory_space<semaphore_mem>>) src(%dma_wait3A_718 : memref<128x32xf32, #tpu.memory_space<vmem>>) dst(%dma_wait3A_724 : memref<10240x32xf32, #tpu.memory_space<vmem_shared>>)
        %add3A_727 = arith.constant 8 : i32
        %add3A_728 = arith.addi %mul3A_247, %add3A_727 : i32
        %add3A_729 = arith.constant 6 : i32
        %add3A_730 = arith.addi %add3A_728, %add3A_729 : i32
        %dma_start3A_731 = arith.constant 6 : i32
        %dma_start3A_732 = arith.constant 6 : i32
        %dma_start3A_733 = arith.constant 0 : i32
        %dma_start3A_734 = arith.constant 0 : i32
        %dma_start3A_735 = tpu.memref_slice %arg9[%dma_start3A_731, %dma_start3A_733, %dma_start3A_734] : memref<8x128x32xf32, #tpu.memory_space<vmem>> -> memref<1x128x32xf32, #tpu.memory_space<vmem>>
        %dma_start3A_736 = tpu.memref_squeeze %dma_start3A_735 : memref<1x128x32xf32, #tpu.memory_space<vmem>> -> memref<128x32xf32, #tpu.memory_space<vmem>>
        %dma_start3A_737 = arith.constant 0 : i32
        %dma_start3A_738 = tpu.memref_slice %arg7[%add3A_730, %dma_start3A_737] : memref<80x128xi32, #tpu.memory_space<vmem>> -> memref<1x128xi32, #tpu.memory_space<vmem>>
        %dma_start3A_739 = tpu.memref_squeeze %dma_start3A_738 : memref<1x128xi32, #tpu.memory_space<vmem>> -> memref<128xi32, #tpu.memory_space<vmem>>
        %dma_start3A_740 = arith.constant 0 : i32
        %dma_start3A_741 = arith.constant 0 : i32
        %dma_start3A_742 = tpu.memref_slice %arg4[%dma_start3A_740, %dma_start3A_741] : memref<10240x32xf32, #tpu.memory_space<hbm>> -> memref<10240x32xf32, #tpu.memory_space<hbm>>
        %dma_start3A_743 = tpu.memref_slice %arg11[%dma_start3A_732] : memref<8x!tpu.dma_semaphore, #tpu.memory_space<semaphore_mem>> -> memref<1x!tpu.dma_semaphore, #tpu.memory_space<semaphore_mem>>
        %dma_start3A_744 = tpu.memref_squeeze %dma_start3A_743 : memref<1x!tpu.dma_semaphore, #tpu.memory_space<semaphore_mem>> -> memref<!tpu.dma_semaphore, #tpu.memory_space<semaphore_mem>>
        tpu.enqueue_indirect_dma source(%dma_start3A_742 : memref<10240x32xf32, #tpu.memory_space<hbm>>) target(%dma_start3A_736 : memref<128x32xf32, #tpu.memory_space<vmem>>) offsets(%dma_start3A_739 : memref<128xi32, #tpu.memory_space<vmem>>) semaphore(%dma_start3A_744 : memref<!tpu.dma_semaphore, #tpu.memory_space<semaphore_mem>>)
        %add3A_745 = arith.constant 7 : i32
        %add3A_746 = arith.addi %mul3A_247, %add3A_745 : i32
        %dma_wait3A_747 = arith.constant 7 : i32
        %dma_wait3A_748 = arith.constant 7 : i32
        %dma_wait3A_749 = arith.constant 0 : i32
        %dma_wait3A_750 = arith.constant 0 : i32
        %dma_wait3A_751 = tpu.memref_slice %arg9[%dma_wait3A_747, %dma_wait3A_749, %dma_wait3A_750] : memref<8x128x32xf32, #tpu.memory_space<vmem>> -> memref<1x128x32xf32, #tpu.memory_space<vmem>>
        %dma_wait3A_752 = tpu.memref_squeeze %dma_wait3A_751 : memref<1x128x32xf32, #tpu.memory_space<vmem>> -> memref<128x32xf32, #tpu.memory_space<vmem>>
        %dma_wait3A_753 = arith.constant 0 : i32
        %dma_wait3A_754 = tpu.memref_slice %arg8[%add3A_746, %dma_wait3A_753] : memref<80x128xi32, #tpu.memory_space<vmem>> -> memref<1x128xi32, #tpu.memory_space<vmem>>
        %dma_wait3A_755 = tpu.memref_squeeze %dma_wait3A_754 : memref<1x128xi32, #tpu.memory_space<vmem>> -> memref<128xi32, #tpu.memory_space<vmem>>
        %dma_wait3A_756 = arith.constant 0 : i32
        %dma_wait3A_757 = arith.constant 0 : i32
        %dma_wait3A_758 = tpu.memref_slice %arg10[%dma_wait3A_756, %dma_wait3A_757] : memref<10240x32xf32, #tpu.memory_space<vmem_shared>> -> memref<10240x32xf32, #tpu.memory_space<vmem_shared>>
        %dma_wait3A_759 = tpu.memref_slice %arg12[%dma_wait3A_748] : memref<8x!tpu.dma_semaphore, #tpu.memory_space<semaphore_mem>> -> memref<1x!tpu.dma_semaphore, #tpu.memory_space<semaphore_mem>>
        %dma_wait3A_760 = tpu.memref_squeeze %dma_wait3A_759 : memref<1x!tpu.dma_semaphore, #tpu.memory_space<semaphore_mem>> -> memref<!tpu.dma_semaphore, #tpu.memory_space<semaphore_mem>>
        tpu.wait_indirect_dma semaphore(%dma_wait3A_760 : memref<!tpu.dma_semaphore, #tpu.memory_space<semaphore_mem>>) src(%dma_wait3A_752 : memref<128x32xf32, #tpu.memory_space<vmem>>) dst(%dma_wait3A_758 : memref<10240x32xf32, #tpu.memory_space<vmem_shared>>)
        %add3A_761 = arith.constant 8 : i32
        %add3A_762 = arith.addi %mul3A_247, %add3A_761 : i32
        %add3A_763 = arith.constant 7 : i32
        %add3A_764 = arith.addi %add3A_762, %add3A_763 : i32
        %dma_start3A_765 = arith.constant 7 : i32
        %dma_start3A_766 = arith.constant 7 : i32
        %dma_start3A_767 = arith.constant 0 : i32
        %dma_start3A_768 = arith.constant 0 : i32
        %dma_start3A_769 = tpu.memref_slice %arg9[%dma_start3A_765, %dma_start3A_767, %dma_start3A_768] : memref<8x128x32xf32, #tpu.memory_space<vmem>> -> memref<1x128x32xf32, #tpu.memory_space<vmem>>
        %dma_start3A_770 = tpu.memref_squeeze %dma_start3A_769 : memref<1x128x32xf32, #tpu.memory_space<vmem>> -> memref<128x32xf32, #tpu.memory_space<vmem>>
        %dma_start3A_771 = arith.constant 0 : i32
        %dma_start3A_772 = tpu.memref_slice %arg7[%add3A_764, %dma_start3A_771] : memref<80x128xi32, #tpu.memory_space<vmem>> -> memref<1x128xi32, #tpu.memory_space<vmem>>
        %dma_start3A_773 = tpu.memref_squeeze %dma_start3A_772 : memref<1x128xi32, #tpu.memory_space<vmem>> -> memref<128xi32, #tpu.memory_space<vmem>>
        %dma_start3A_774 = arith.constant 0 : i32
        %dma_start3A_775 = arith.constant 0 : i32
        %dma_start3A_776 = tpu.memref_slice %arg4[%dma_start3A_774, %dma_start3A_775] : memref<10240x32xf32, #tpu.memory_space<hbm>> -> memref<10240x32xf32, #tpu.memory_space<hbm>>
        %dma_start3A_777 = tpu.memref_slice %arg11[%dma_start3A_766] : memref<8x!tpu.dma_semaphore, #tpu.memory_space<semaphore_mem>> -> memref<1x!tpu.dma_semaphore, #tpu.memory_space<semaphore_mem>>
        %dma_start3A_778 = tpu.memref_squeeze %dma_start3A_777 : memref<1x!tpu.dma_semaphore, #tpu.memory_space<semaphore_mem>> -> memref<!tpu.dma_semaphore, #tpu.memory_space<semaphore_mem>>
        tpu.enqueue_indirect_dma source(%dma_start3A_776 : memref<10240x32xf32, #tpu.memory_space<hbm>>) target(%dma_start3A_770 : memref<128x32xf32, #tpu.memory_space<vmem>>) offsets(%dma_start3A_773 : memref<128xi32, #tpu.memory_space<vmem>>) semaphore(%dma_start3A_778 : memref<!tpu.dma_semaphore, #tpu.memory_space<semaphore_mem>>)
      } else {
      }
    }
    %scan3A_124 = arith.constant 10 : i32
    %dma_wait3A = arith.constant 0 : i32
    %dma_wait3A_125 = arith.constant 72 : i32
    %dma_wait3A_126 = arith.constant 0 : i32
    %dma_wait3A_127 = arith.constant 0 : i32
    %dma_wait3A_128 = arith.constant 0 : i32
    %dma_wait3A_129 = tpu.memref_slice %arg9[%dma_wait3A, %dma_wait3A_127, %dma_wait3A_128] : memref<8x128x32xf32, #tpu.memory_space<vmem>> -> memref<1x128x32xf32, #tpu.memory_space<vmem>>
    %dma_wait3A_130 = tpu.memref_squeeze %dma_wait3A_129 : memref<1x128x32xf32, #tpu.memory_space<vmem>> -> memref<128x32xf32, #tpu.memory_space<vmem>>
    %dma_wait3A_131 = arith.constant 0 : i32
    %dma_wait3A_132 = tpu.memref_slice %arg8[%dma_wait3A_125, %dma_wait3A_131] : memref<80x128xi32, #tpu.memory_space<vmem>> -> memref<1x128xi32, #tpu.memory_space<vmem>>
    %dma_wait3A_133 = tpu.memref_squeeze %dma_wait3A_132 : memref<1x128xi32, #tpu.memory_space<vmem>> -> memref<128xi32, #tpu.memory_space<vmem>>
    %dma_wait3A_134 = arith.constant 0 : i32
    %dma_wait3A_135 = arith.constant 0 : i32
    %dma_wait3A_136 = tpu.memref_slice %arg10[%dma_wait3A_134, %dma_wait3A_135] : memref<10240x32xf32, #tpu.memory_space<vmem_shared>> -> memref<10240x32xf32, #tpu.memory_space<vmem_shared>>
    %dma_wait3A_137 = tpu.memref_slice %arg12[%dma_wait3A_126] : memref<8x!tpu.dma_semaphore, #tpu.memory_space<semaphore_mem>> -> memref<1x!tpu.dma_semaphore, #tpu.memory_space<semaphore_mem>>
    %dma_wait3A_138 = tpu.memref_squeeze %dma_wait3A_137 : memref<1x!tpu.dma_semaphore, #tpu.memory_space<semaphore_mem>> -> memref<!tpu.dma_semaphore, #tpu.memory_space<semaphore_mem>>
    tpu.wait_indirect_dma semaphore(%dma_wait3A_138 : memref<!tpu.dma_semaphore, #tpu.memory_space<semaphore_mem>>) src(%dma_wait3A_130 : memref<128x32xf32, #tpu.memory_space<vmem>>) dst(%dma_wait3A_136 : memref<10240x32xf32, #tpu.memory_space<vmem_shared>>)
    %dma_wait3A_139 = arith.constant 1 : i32
    %dma_wait3A_140 = arith.constant 73 : i32
    %dma_wait3A_141 = arith.constant 1 : i32
    %dma_wait3A_142 = arith.constant 0 : i32
    %dma_wait3A_143 = arith.constant 0 : i32
    %dma_wait3A_144 = tpu.memref_slice %arg9[%dma_wait3A_139, %dma_wait3A_142, %dma_wait3A_143] : memref<8x128x32xf32, #tpu.memory_space<vmem>> -> memref<1x128x32xf32, #tpu.memory_space<vmem>>
    %dma_wait3A_145 = tpu.memref_squeeze %dma_wait3A_144 : memref<1x128x32xf32, #tpu.memory_space<vmem>> -> memref<128x32xf32, #tpu.memory_space<vmem>>
    %dma_wait3A_146 = arith.constant 0 : i32
    %dma_wait3A_147 = tpu.memref_slice %arg8[%dma_wait3A_140, %dma_wait3A_146] : memref<80x128xi32, #tpu.memory_space<vmem>> -> memref<1x128xi32, #tpu.memory_space<vmem>>
    %dma_wait3A_148 = tpu.memref_squeeze %dma_wait3A_147 : memref<1x128xi32, #tpu.memory_space<vmem>> -> memref<128xi32, #tpu.memory_space<vmem>>
    %dma_wait3A_149 = arith.constant 0 : i32
    %dma_wait3A_150 = arith.constant 0 : i32
    %dma_wait3A_151 = tpu.memref_slice %arg10[%dma_wait3A_149, %dma_wait3A_150] : memref<10240x32xf32, #tpu.memory_space<vmem_shared>> -> memref<10240x32xf32, #tpu.memory_space<vmem_shared>>
    %dma_wait3A_152 = tpu.memref_slice %arg12[%dma_wait3A_141] : memref<8x!tpu.dma_semaphore, #tpu.memory_space<semaphore_mem>> -> memref<1x!tpu.dma_semaphore, #tpu.memory_space<semaphore_mem>>
    %dma_wait3A_153 = tpu.memref_squeeze %dma_wait3A_152 : memref<1x!tpu.dma_semaphore, #tpu.memory_space<semaphore_mem>> -> memref<!tpu.dma_semaphore, #tpu.memory_space<semaphore_mem>>
    tpu.wait_indirect_dma semaphore(%dma_wait3A_153 : memref<!tpu.dma_semaphore, #tpu.memory_space<semaphore_mem>>) src(%dma_wait3A_145 : memref<128x32xf32, #tpu.memory_space<vmem>>) dst(%dma_wait3A_151 : memref<10240x32xf32, #tpu.memory_space<vmem_shared>>)
    %dma_wait3A_154 = arith.constant 2 : i32
    %dma_wait3A_155 = arith.constant 74 : i32
    %dma_wait3A_156 = arith.constant 2 : i32
    %dma_wait3A_157 = arith.constant 0 : i32
    %dma_wait3A_158 = arith.constant 0 : i32
    %dma_wait3A_159 = tpu.memref_slice %arg9[%dma_wait3A_154, %dma_wait3A_157, %dma_wait3A_158] : memref<8x128x32xf32, #tpu.memory_space<vmem>> -> memref<1x128x32xf32, #tpu.memory_space<vmem>>
    %dma_wait3A_160 = tpu.memref_squeeze %dma_wait3A_159 : memref<1x128x32xf32, #tpu.memory_space<vmem>> -> memref<128x32xf32, #tpu.memory_space<vmem>>
    %dma_wait3A_161 = arith.constant 0 : i32
    %dma_wait3A_162 = tpu.memref_slice %arg8[%dma_wait3A_155, %dma_wait3A_161] : memref<80x128xi32, #tpu.memory_space<vmem>> -> memref<1x128xi32, #tpu.memory_space<vmem>>
    %dma_wait3A_163 = tpu.memref_squeeze %dma_wait3A_162 : memref<1x128xi32, #tpu.memory_space<vmem>> -> memref<128xi32, #tpu.memory_space<vmem>>
    %dma_wait3A_164 = arith.constant 0 : i32
    %dma_wait3A_165 = arith.constant 0 : i32
    %dma_wait3A_166 = tpu.memref_slice %arg10[%dma_wait3A_164, %dma_wait3A_165] : memref<10240x32xf32, #tpu.memory_space<vmem_shared>> -> memref<10240x32xf32, #tpu.memory_space<vmem_shared>>
    %dma_wait3A_167 = tpu.memref_slice %arg12[%dma_wait3A_156] : memref<8x!tpu.dma_semaphore, #tpu.memory_space<semaphore_mem>> -> memref<1x!tpu.dma_semaphore, #tpu.memory_space<semaphore_mem>>
    %dma_wait3A_168 = tpu.memref_squeeze %dma_wait3A_167 : memref<1x!tpu.dma_semaphore, #tpu.memory_space<semaphore_mem>> -> memref<!tpu.dma_semaphore, #tpu.memory_space<semaphore_mem>>
    tpu.wait_indirect_dma semaphore(%dma_wait3A_168 : memref<!tpu.dma_semaphore, #tpu.memory_space<semaphore_mem>>) src(%dma_wait3A_160 : memref<128x32xf32, #tpu.memory_space<vmem>>) dst(%dma_wait3A_166 : memref<10240x32xf32, #tpu.memory_space<vmem_shared>>)
    %dma_wait3A_169 = arith.constant 3 : i32
    %dma_wait3A_170 = arith.constant 75 : i32
    %dma_wait3A_171 = arith.constant 3 : i32
    %dma_wait3A_172 = arith.constant 0 : i32
    %dma_wait3A_173 = arith.constant 0 : i32
    %dma_wait3A_174 = tpu.memref_slice %arg9[%dma_wait3A_169, %dma_wait3A_172, %dma_wait3A_173] : memref<8x128x32xf32, #tpu.memory_space<vmem>> -> memref<1x128x32xf32, #tpu.memory_space<vmem>>
    %dma_wait3A_175 = tpu.memref_squeeze %dma_wait3A_174 : memref<1x128x32xf32, #tpu.memory_space<vmem>> -> memref<128x32xf32, #tpu.memory_space<vmem>>
    %dma_wait3A_176 = arith.constant 0 : i32
    %dma_wait3A_177 = tpu.memref_slice %arg8[%dma_wait3A_170, %dma_wait3A_176] : memref<80x128xi32, #tpu.memory_space<vmem>> -> memref<1x128xi32, #tpu.memory_space<vmem>>
    %dma_wait3A_178 = tpu.memref_squeeze %dma_wait3A_177 : memref<1x128xi32, #tpu.memory_space<vmem>> -> memref<128xi32, #tpu.memory_space<vmem>>
    %dma_wait3A_179 = arith.constant 0 : i32
    %dma_wait3A_180 = arith.constant 0 : i32
    %dma_wait3A_181 = tpu.memref_slice %arg10[%dma_wait3A_179, %dma_wait3A_180] : memref<10240x32xf32, #tpu.memory_space<vmem_shared>> -> memref<10240x32xf32, #tpu.memory_space<vmem_shared>>
    %dma_wait3A_182 = tpu.memref_slice %arg12[%dma_wait3A_171] : memref<8x!tpu.dma_semaphore, #tpu.memory_space<semaphore_mem>> -> memref<1x!tpu.dma_semaphore, #tpu.memory_space<semaphore_mem>>
    %dma_wait3A_183 = tpu.memref_squeeze %dma_wait3A_182 : memref<1x!tpu.dma_semaphore, #tpu.memory_space<semaphore_mem>> -> memref<!tpu.dma_semaphore, #tpu.memory_space<semaphore_mem>>
    tpu.wait_indirect_dma semaphore(%dma_wait3A_183 : memref<!tpu.dma_semaphore, #tpu.memory_space<semaphore_mem>>) src(%dma_wait3A_175 : memref<128x32xf32, #tpu.memory_space<vmem>>) dst(%dma_wait3A_181 : memref<10240x32xf32, #tpu.memory_space<vmem_shared>>)
    %dma_wait3A_184 = arith.constant 4 : i32
    %dma_wait3A_185 = arith.constant 76 : i32
    %dma_wait3A_186 = arith.constant 4 : i32
    %dma_wait3A_187 = arith.constant 0 : i32
    %dma_wait3A_188 = arith.constant 0 : i32
    %dma_wait3A_189 = tpu.memref_slice %arg9[%dma_wait3A_184, %dma_wait3A_187, %dma_wait3A_188] : memref<8x128x32xf32, #tpu.memory_space<vmem>> -> memref<1x128x32xf32, #tpu.memory_space<vmem>>
    %dma_wait3A_190 = tpu.memref_squeeze %dma_wait3A_189 : memref<1x128x32xf32, #tpu.memory_space<vmem>> -> memref<128x32xf32, #tpu.memory_space<vmem>>
    %dma_wait3A_191 = arith.constant 0 : i32
    %dma_wait3A_192 = tpu.memref_slice %arg8[%dma_wait3A_185, %dma_wait3A_191] : memref<80x128xi32, #tpu.memory_space<vmem>> -> memref<1x128xi32, #tpu.memory_space<vmem>>
    %dma_wait3A_193 = tpu.memref_squeeze %dma_wait3A_192 : memref<1x128xi32, #tpu.memory_space<vmem>> -> memref<128xi32, #tpu.memory_space<vmem>>
    %dma_wait3A_194 = arith.constant 0 : i32
    %dma_wait3A_195 = arith.constant 0 : i32
    %dma_wait3A_196 = tpu.memref_slice %arg10[%dma_wait3A_194, %dma_wait3A_195] : memref<10240x32xf32, #tpu.memory_space<vmem_shared>> -> memref<10240x32xf32, #tpu.memory_space<vmem_shared>>
    %dma_wait3A_197 = tpu.memref_slice %arg12[%dma_wait3A_186] : memref<8x!tpu.dma_semaphore, #tpu.memory_space<semaphore_mem>> -> memref<1x!tpu.dma_semaphore, #tpu.memory_space<semaphore_mem>>
    %dma_wait3A_198 = tpu.memref_squeeze %dma_wait3A_197 : memref<1x!tpu.dma_semaphore, #tpu.memory_space<semaphore_mem>> -> memref<!tpu.dma_semaphore, #tpu.memory_space<semaphore_mem>>
    tpu.wait_indirect_dma semaphore(%dma_wait3A_198 : memref<!tpu.dma_semaphore, #tpu.memory_space<semaphore_mem>>) src(%dma_wait3A_190 : memref<128x32xf32, #tpu.memory_space<vmem>>) dst(%dma_wait3A_196 : memref<10240x32xf32, #tpu.memory_space<vmem_shared>>)
    %dma_wait3A_199 = arith.constant 5 : i32
    %dma_wait3A_200 = arith.constant 77 : i32
    %dma_wait3A_201 = arith.constant 5 : i32
    %dma_wait3A_202 = arith.constant 0 : i32
    %dma_wait3A_203 = arith.constant 0 : i32
    %dma_wait3A_204 = tpu.memref_slice %arg9[%dma_wait3A_199, %dma_wait3A_202, %dma_wait3A_203] : memref<8x128x32xf32, #tpu.memory_space<vmem>> -> memref<1x128x32xf32, #tpu.memory_space<vmem>>
    %dma_wait3A_205 = tpu.memref_squeeze %dma_wait3A_204 : memref<1x128x32xf32, #tpu.memory_space<vmem>> -> memref<128x32xf32, #tpu.memory_space<vmem>>
    %dma_wait3A_206 = arith.constant 0 : i32
    %dma_wait3A_207 = tpu.memref_slice %arg8[%dma_wait3A_200, %dma_wait3A_206] : memref<80x128xi32, #tpu.memory_space<vmem>> -> memref<1x128xi32, #tpu.memory_space<vmem>>
    %dma_wait3A_208 = tpu.memref_squeeze %dma_wait3A_207 : memref<1x128xi32, #tpu.memory_space<vmem>> -> memref<128xi32, #tpu.memory_space<vmem>>
    %dma_wait3A_209 = arith.constant 0 : i32
    %dma_wait3A_210 = arith.constant 0 : i32
    %dma_wait3A_211 = tpu.memref_slice %arg10[%dma_wait3A_209, %dma_wait3A_210] : memref<10240x32xf32, #tpu.memory_space<vmem_shared>> -> memref<10240x32xf32, #tpu.memory_space<vmem_shared>>
    %dma_wait3A_212 = tpu.memref_slice %arg12[%dma_wait3A_201] : memref<8x!tpu.dma_semaphore, #tpu.memory_space<semaphore_mem>> -> memref<1x!tpu.dma_semaphore, #tpu.memory_space<semaphore_mem>>
    %dma_wait3A_213 = tpu.memref_squeeze %dma_wait3A_212 : memref<1x!tpu.dma_semaphore, #tpu.memory_space<semaphore_mem>> -> memref<!tpu.dma_semaphore, #tpu.memory_space<semaphore_mem>>
    tpu.wait_indirect_dma semaphore(%dma_wait3A_213 : memref<!tpu.dma_semaphore, #tpu.memory_space<semaphore_mem>>) src(%dma_wait3A_205 : memref<128x32xf32, #tpu.memory_space<vmem>>) dst(%dma_wait3A_211 : memref<10240x32xf32, #tpu.memory_space<vmem_shared>>)
    %dma_wait3A_214 = arith.constant 6 : i32
    %dma_wait3A_215 = arith.constant 78 : i32
    %dma_wait3A_216 = arith.constant 6 : i32
    %dma_wait3A_217 = arith.constant 0 : i32
    %dma_wait3A_218 = arith.constant 0 : i32
    %dma_wait3A_219 = tpu.memref_slice %arg9[%dma_wait3A_214, %dma_wait3A_217, %dma_wait3A_218] : memref<8x128x32xf32, #tpu.memory_space<vmem>> -> memref<1x128x32xf32, #tpu.memory_space<vmem>>
    %dma_wait3A_220 = tpu.memref_squeeze %dma_wait3A_219 : memref<1x128x32xf32, #tpu.memory_space<vmem>> -> memref<128x32xf32, #tpu.memory_space<vmem>>
    %dma_wait3A_221 = arith.constant 0 : i32
    %dma_wait3A_222 = tpu.memref_slice %arg8[%dma_wait3A_215, %dma_wait3A_221] : memref<80x128xi32, #tpu.memory_space<vmem>> -> memref<1x128xi32, #tpu.memory_space<vmem>>
    %dma_wait3A_223 = tpu.memref_squeeze %dma_wait3A_222 : memref<1x128xi32, #tpu.memory_space<vmem>> -> memref<128xi32, #tpu.memory_space<vmem>>
    %dma_wait3A_224 = arith.constant 0 : i32
    %dma_wait3A_225 = arith.constant 0 : i32
    %dma_wait3A_226 = tpu.memref_slice %arg10[%dma_wait3A_224, %dma_wait3A_225] : memref<10240x32xf32, #tpu.memory_space<vmem_shared>> -> memref<10240x32xf32, #tpu.memory_space<vmem_shared>>
    %dma_wait3A_227 = tpu.memref_slice %arg12[%dma_wait3A_216] : memref<8x!tpu.dma_semaphore, #tpu.memory_space<semaphore_mem>> -> memref<1x!tpu.dma_semaphore, #tpu.memory_space<semaphore_mem>>
    %dma_wait3A_228 = tpu.memref_squeeze %dma_wait3A_227 : memref<1x!tpu.dma_semaphore, #tpu.memory_space<semaphore_mem>> -> memref<!tpu.dma_semaphore, #tpu.memory_space<semaphore_mem>>
    tpu.wait_indirect_dma semaphore(%dma_wait3A_228 : memref<!tpu.dma_semaphore, #tpu.memory_space<semaphore_mem>>) src(%dma_wait3A_220 : memref<128x32xf32, #tpu.memory_space<vmem>>) dst(%dma_wait3A_226 : memref<10240x32xf32, #tpu.memory_space<vmem_shared>>)
    %dma_wait3A_229 = arith.constant 7 : i32
    %dma_wait3A_230 = arith.constant 79 : i32
    %dma_wait3A_231 = arith.constant 7 : i32
    %dma_wait3A_232 = arith.constant 0 : i32
    %dma_wait3A_233 = arith.constant 0 : i32
    %dma_wait3A_234 = tpu.memref_slice %arg9[%dma_wait3A_229, %dma_wait3A_232, %dma_wait3A_233] : memref<8x128x32xf32, #tpu.memory_space<vmem>> -> memref<1x128x32xf32, #tpu.memory_space<vmem>>
    %dma_wait3A_235 = tpu.memref_squeeze %dma_wait3A_234 : memref<1x128x32xf32, #tpu.memory_space<vmem>> -> memref<128x32xf32, #tpu.memory_space<vmem>>
    %dma_wait3A_236 = arith.constant 0 : i32
    %dma_wait3A_237 = tpu.memref_slice %arg8[%dma_wait3A_230, %dma_wait3A_236] : memref<80x128xi32, #tpu.memory_space<vmem>> -> memref<1x128xi32, #tpu.memory_space<vmem>>
    %dma_wait3A_238 = tpu.memref_squeeze %dma_wait3A_237 : memref<1x128xi32, #tpu.memory_space<vmem>> -> memref<128xi32, #tpu.memory_space<vmem>>
    %dma_wait3A_239 = arith.constant 0 : i32
    %dma_wait3A_240 = arith.constant 0 : i32
    %dma_wait3A_241 = tpu.memref_slice %arg10[%dma_wait3A_239, %dma_wait3A_240] : memref<10240x32xf32, #tpu.memory_space<vmem_shared>> -> memref<10240x32xf32, #tpu.memory_space<vmem_shared>>
    %dma_wait3A_242 = tpu.memref_slice %arg12[%dma_wait3A_231] : memref<8x!tpu.dma_semaphore, #tpu.memory_space<semaphore_mem>> -> memref<1x!tpu.dma_semaphore, #tpu.memory_space<semaphore_mem>>
    %dma_wait3A_243 = tpu.memref_squeeze %dma_wait3A_242 : memref<1x!tpu.dma_semaphore, #tpu.memory_space<semaphore_mem>> -> memref<!tpu.dma_semaphore, #tpu.memory_space<semaphore_mem>>
    tpu.wait_indirect_dma semaphore(%dma_wait3A_243 : memref<!tpu.dma_semaphore, #tpu.memory_space<semaphore_mem>>) src(%dma_wait3A_235 : memref<128x32xf32, #tpu.memory_space<vmem>>) dst(%dma_wait3A_241 : memref<10240x32xf32, #tpu.memory_space<vmem_shared>>)
    %barrier3A_244 = arith.constant 0 : index
    tpu.barrier barrier_id(%barrier3A_244)
    "tpu.region"() ({
      %run_scoped3A = tpu.sem_alloc : memref<!tpu.dma_semaphore, #tpu.memory_space<semaphore_mem>>
      %dma_start3A_245 = arith.constant 0 : i32
      %dma_start3A_246 = tpu.memref_slice %arg6[%arg0, %mul3A_0, %dma_start3A_245] : memref<2x10240x32xf32, #tpu.memory_space<hbm>> -> memref<1x640x32xf32, #tpu.memory_space<hbm>>
      %dma_start3A_247 = tpu.memref_squeeze %dma_start3A_246 : memref<1x640x32xf32, #tpu.memory_space<hbm>> -> memref<640x32xf32, #tpu.memory_space<hbm>>
      %dma_start3A_248 = arith.constant 0 : i32
      %dma_start3A_249 = tpu.memref_slice %arg10[%mul3A_0, %dma_start3A_248] : memref<10240x32xf32, #tpu.memory_space<vmem_shared>> -> memref<640x32xf32, #tpu.memory_space<vmem_shared>>
      tpu.enqueue_dma source(%dma_start3A_249 : memref<640x32xf32, #tpu.memory_space<vmem_shared>>) target(%dma_start3A_247 : memref<640x32xf32, #tpu.memory_space<hbm>>) target_semaphore(%run_scoped3A : memref<!tpu.dma_semaphore, #tpu.memory_space<semaphore_mem>>)
      %dma_wait3A_250 = arith.constant 0 : i32
      %dma_wait3A_251 = tpu.memref_slice %arg6[%arg0, %mul3A_0, %dma_wait3A_250] : memref<2x10240x32xf32, #tpu.memory_space<hbm>> -> memref<1x640x32xf32, #tpu.memory_space<hbm>>
      %dma_wait3A_252 = tpu.memref_squeeze %dma_wait3A_251 : memref<1x640x32xf32, #tpu.memory_space<hbm>> -> memref<640x32xf32, #tpu.memory_space<hbm>>
      %dma_wait3A_253 = arith.constant 0 : i32
      %dma_wait3A_254 = tpu.memref_slice %arg10[%mul3A_0, %dma_wait3A_253] : memref<10240x32xf32, #tpu.memory_space<vmem_shared>> -> memref<640x32xf32, #tpu.memory_space<vmem_shared>>
      tpu.wait_dma2 semaphore(%run_scoped3A : memref<!tpu.dma_semaphore, #tpu.memory_space<semaphore_mem>>) src(%dma_wait3A_254 : memref<640x32xf32, #tpu.memory_space<vmem_shared>>) dst(%dma_wait3A_252 : memref<640x32xf32, #tpu.memory_space<hbm>>)
      tpu.yield
    }) : () -> ()
    return
  }
}

module attributes {stable_mosaic.version = 14 : i64} {
  func.func @_tc_h1_body(%arg0: memref<10000x128xf32, #tpu.memory_space<vmem>>, %arg1: memref<128x32xf32, #tpu.memory_space<vmem>>, %arg2: memref<10240x32xf32, #tpu.memory_space<vmem>>) attributes {dimension_semantics = [], scalar_prefetch = 0 : i64, scratch_operands = 0 : i64, tpu.core_type = #tpu.core_type<tc>} {
    %get3A = arith.constant 0 : index
    %get3A_0 = arith.constant 0 : index
    %get3A_1 = vector.load %arg0[%get3A, %get3A_0] : memref<10000x128xf32, #tpu.memory_space<vmem>>, vector<10000x128xf32>
    %get3A_2 = arith.constant 0 : index
    %get3A_3 = arith.constant 0 : index
    %get3A_4 = vector.load %arg1[%get3A_2, %get3A_3] : memref<128x32xf32, #tpu.memory_space<vmem>>, vector<128x32xf32>
    %dot_general3A = arith.constant dense<0.000000e+00> : vector<10000x32xf32>
    %dot_general3A_5 = tpu.matmul %get3A_1, %get3A_4, %dot_general3A {dimension_numbers = #tpu.dot_dimension_numbers<[1], [0], [0], [1], [0, 0, 1, 1], [], []>, transpose_lhs_hint = false} : vector<10000x128xf32>, vector<128x32xf32>, vector<10000x32xf32> -> vector<10000x32xf32>
    %swap3A = arith.constant 0 : index
    %swap3A_6 = arith.constant 0 : index
    %swap3A_7 = vector.load %arg2[%swap3A, %swap3A_6] : memref<10240x32xf32, #tpu.memory_space<vmem>>, vector<10000x32xf32>
    tpu.vector_store %arg2[%swap3A, %swap3A_6], %dot_general3A_5 {strides = array<i32>} : memref<10240x32xf32, #tpu.memory_space<vmem>>, vector<10000x32xf32>,
    %broadcast_in_dim3A = arith.constant 0.000000e+00 : f32
    %broadcast_in_dim3A_8 = vector.broadcast %broadcast_in_dim3A : f32 to vector<240x32xf32>
    %swap3A_9 = arith.constant 10000 : index
    %swap3A_10 = arith.constant 0 : index
    %swap3A_11 = vector.load %arg2[%swap3A_9, %swap3A_10] : memref<10240x32xf32, #tpu.memory_space<vmem>>, vector<240x32xf32>
    tpu.vector_store %arg2[%swap3A_9, %swap3A_10], %broadcast_in_dim3A_8 {strides = array<i32>} : memref<10240x32xf32, #tpu.memory_space<vmem>>, vector<240x32xf32>,
    return
  }
}

module attributes {stable_mosaic.version = 14 : i64} {
  func.func @_tc_scale_body(%arg0: memref<10240x1xf32, #tpu.memory_space<vmem>>, %arg1: memref<10240x1xf32, #tpu.memory_space<vmem>>, %arg2: memref<10240x32xf32, #tpu.memory_space<vmem>>, %arg3: memref<10240x1xf32, #tpu.memory_space<vmem>>, %arg4: memref<10240x32xf32, #tpu.memory_space<vmem>>) attributes {dimension_semantics = [], scalar_prefetch = 0 : i64, scratch_operands = 0 : i64, tpu.core_type = #tpu.core_type<tc>} {
    %get3A = arith.constant 0 : index
    %get3A_0 = arith.constant 0 : index
    %get3A_1 = vector.load %arg0[%get3A, %get3A_0] : memref<10240x1xf32, #tpu.memory_space<vmem>>, vector<10240x1xf32>
    %get3A_2 = arith.constant 0 : index
    %get3A_3 = arith.constant 0 : index
    %get3A_4 = vector.load %arg1[%get3A_2, %get3A_3] : memref<10240x1xf32, #tpu.memory_space<vmem>>, vector<10240x1xf32>
    %add3A = arith.addf %get3A_1, %get3A_4 : vector<10240x1xf32>
    %add3A_5 = arith.constant 1.000000e+00 : f32
    %add3A_6 = vector.broadcast %add3A_5 : f32 to vector<10240x1xf32>
    %add3A_7 = arith.addf %add3A, %add3A_6 : vector<10240x1xf32>
    %rsqrt3A = math.rsqrt %add3A_7 : vector<10240x1xf32>
    %swap3A = arith.constant 0 : index
    %swap3A_8 = arith.constant 0 : index
    %swap3A_9 = vector.load %arg3[%swap3A, %swap3A_8] : memref<10240x1xf32, #tpu.memory_space<vmem>>, vector<10240x1xf32>
    tpu.vector_store %arg3[%swap3A, %swap3A_8], %rsqrt3A {strides = array<i32>} : memref<10240x1xf32, #tpu.memory_space<vmem>>, vector<10240x1xf32>,
    %get3A_10 = arith.constant 0 : index
    %get3A_11 = arith.constant 0 : index
    %get3A_12 = vector.load %arg2[%get3A_10, %get3A_11] : memref<10240x32xf32, #tpu.memory_space<vmem>>, vector<10240x32xf32>
    %mul3A = vector.broadcast %rsqrt3A : vector<10240x1xf32> to vector<10240x32xf32>
    %mul3A_13 = arith.mulf %get3A_12, %mul3A : vector<10240x32xf32>
    %swap3A_14 = arith.constant 0 : index
    %swap3A_15 = arith.constant 0 : index
    %swap3A_16 = vector.load %arg4[%swap3A_14, %swap3A_15] : memref<10240x32xf32, #tpu.memory_space<vmem>>, vector<10240x32xf32>
    tpu.vector_store %arg4[%swap3A_14, %swap3A_15], %mul3A_13 {strides = array<i32>} : memref<10240x32xf32, #tpu.memory_space<vmem>>, vector<10240x32xf32>,
    return
  }
}

module attributes {stable_mosaic.version = 14 : i64} {
  func.func @_tc_mid_body(%arg0: memref<10240x32xf32, #tpu.memory_space<vmem>>, %arg1: memref<10240x32xf32, #tpu.memory_space<vmem>>, %arg2: memref<10240x32xf32, #tpu.memory_space<vmem>>, %arg3: memref<10240x1xf32, #tpu.memory_space<vmem>>, %arg4: memref<1x32xf32, #tpu.memory_space<vmem>>, %arg5: memref<32x32xf32, #tpu.memory_space<vmem>>, %arg6: memref<10240x32xf32, #tpu.memory_space<vmem>>) attributes {dimension_semantics = [], scalar_prefetch = 0 : i64, scratch_operands = 0 : i64, tpu.core_type = #tpu.core_type<tc>} {
    %get3A = arith.constant 0 : index
    %get3A_0 = arith.constant 0 : index
    %get3A_1 = vector.load %arg3[%get3A, %get3A_0] : memref<10240x1xf32, #tpu.memory_space<vmem>>, vector<10240x1xf32>
    %get3A_2 = arith.constant 0 : index
    %get3A_3 = arith.constant 0 : index
    %get3A_4 = vector.load %arg0[%get3A_2, %get3A_3] : memref<10240x32xf32, #tpu.memory_space<vmem>>, vector<10240x32xf32>
    %get3A_5 = arith.constant 0 : index
    %get3A_6 = arith.constant 0 : index
    %get3A_7 = vector.load %arg1[%get3A_5, %get3A_6] : memref<10240x32xf32, #tpu.memory_space<vmem>>, vector<10240x32xf32>
    %add3A = arith.addf %get3A_4, %get3A_7 : vector<10240x32xf32>
    %get3A_8 = arith.constant 0 : index
    %get3A_9 = arith.constant 0 : index
    %get3A_10 = vector.load %arg2[%get3A_8, %get3A_9] : memref<10240x32xf32, #tpu.memory_space<vmem>>, vector<10240x32xf32>
    %add3A_11 = arith.addf %add3A, %get3A_10 : vector<10240x32xf32>
    %mul3A = vector.broadcast %get3A_1 : vector<10240x1xf32> to vector<10240x32xf32>
    %mul3A_12 = arith.mulf %mul3A, %add3A_11 : vector<10240x32xf32>
    %get3A_13 = arith.constant 0 : index
    %get3A_14 = arith.constant 0 : index
    %get3A_15 = vector.load %arg4[%get3A_13, %get3A_14] : memref<1x32xf32, #tpu.memory_space<vmem>>, vector<1x32xf32>
    %add3A_16 = vector.broadcast %get3A_15 : vector<1x32xf32> to vector<10240x32xf32>
    %add3A_17 = arith.addf %mul3A_12, %add3A_16 : vector<10240x32xf32>
    %max3A = arith.constant 0.000000e+00 : f32
    %max3A_18 = vector.broadcast %max3A : f32 to vector<10240x32xf32>
    %max3A_19 = arith.maximumf %add3A_17, %max3A_18 : vector<10240x32xf32>
    %get3A_20 = arith.constant 0 : index
    %get3A_21 = arith.constant 0 : index
    %get3A_22 = vector.load %arg5[%get3A_20, %get3A_21] : memref<32x32xf32, #tpu.memory_space<vmem>>, vector<32x32xf32>
    %dot_general3A = arith.constant dense<0.000000e+00> : vector<10240x32xf32>
    %dot_general3A_23 = tpu.matmul %max3A_19, %get3A_22, %dot_general3A {dimension_numbers = #tpu.dot_dimension_numbers<[1], [0], [0], [1], [0, 0, 1, 1], [], []>, transpose_lhs_hint = false} : vector<10240x32xf32>, vector<32x32xf32>, vector<10240x32xf32> -> vector<10240x32xf32>
    %mul3A_24 = vector.broadcast %get3A_1 : vector<10240x1xf32> to vector<10240x32xf32>
    %mul3A_25 = arith.mulf %dot_general3A_23, %mul3A_24 : vector<10240x32xf32>
    %swap3A = arith.constant 0 : index
    %swap3A_26 = arith.constant 0 : index
    %swap3A_27 = vector.load %arg6[%swap3A, %swap3A_26] : memref<10240x32xf32, #tpu.memory_space<vmem>>, vector<10240x32xf32>
    tpu.vector_store %arg6[%swap3A, %swap3A_26], %mul3A_25 {strides = array<i32>} : memref<10240x32xf32, #tpu.memory_space<vmem>>, vector<10240x32xf32>,
    %broadcast_in_dim3A = arith.constant 0.000000e+00 : f32
    %broadcast_in_dim3A_28 = vector.broadcast %broadcast_in_dim3A : f32 to vector<240x32xf32>
    %swap3A_29 = arith.constant 10000 : index
    %swap3A_30 = arith.constant 0 : index
    %swap3A_31 = vector.load %arg6[%swap3A_29, %swap3A_30] : memref<10240x32xf32, #tpu.memory_space<vmem>>, vector<240x32xf32>
    tpu.vector_store %arg6[%swap3A_29, %swap3A_30], %broadcast_in_dim3A_28 {strides = array<i32>} : memref<10240x32xf32, #tpu.memory_space<vmem>>, vector<240x32xf32>,
    return
  }
}

module attributes {stable_mosaic.version = 14 : i64} {
  func.func @_tc_out_body(%arg0: memref<10240x32xf32, #tpu.memory_space<vmem>>, %arg1: memref<10240x32xf32, #tpu.memory_space<vmem>>, %arg2: memref<10240x32xf32, #tpu.memory_space<vmem>>, %arg3: memref<10240x1xf32, #tpu.memory_space<vmem>>, %arg4: memref<1x32xf32, #tpu.memory_space<vmem>>, %arg5: memref<32x1xf32, #tpu.memory_space<vmem>>, %arg6: memref<1x1xf32, #tpu.memory_space<vmem>>, %arg7: memref<10000x1xf32, #tpu.memory_space<vmem>>) attributes {dimension_semantics = [], scalar_prefetch = 0 : i64, scratch_operands = 0 : i64, tpu.core_type = #tpu.core_type<tc>} {
    %get3A = arith.constant 0 : index
    %get3A_0 = arith.constant 0 : index
    %get3A_1 = vector.load %arg3[%get3A, %get3A_0] : memref<10240x1xf32, #tpu.memory_space<vmem>>, vector<10240x1xf32>
    %get3A_2 = arith.constant 0 : index
    %get3A_3 = arith.constant 0 : index
    %get3A_4 = vector.load %arg0[%get3A_2, %get3A_3] : memref<10240x32xf32, #tpu.memory_space<vmem>>, vector<10240x32xf32>
    %get3A_5 = arith.constant 0 : index
    %get3A_6 = arith.constant 0 : index
    %get3A_7 = vector.load %arg1[%get3A_5, %get3A_6] : memref<10240x32xf32, #tpu.memory_space<vmem>>, vector<10240x32xf32>
    %add3A = arith.addf %get3A_4, %get3A_7 : vector<10240x32xf32>
    %get3A_8 = arith.constant 0 : index
    %get3A_9 = arith.constant 0 : index
    %get3A_10 = vector.load %arg2[%get3A_8, %get3A_9] : memref<10240x32xf32, #tpu.memory_space<vmem>>, vector<10240x32xf32>
    %add3A_11 = arith.addf %add3A, %get3A_10 : vector<10240x32xf32>
    %mul3A = vector.broadcast %get3A_1 : vector<10240x1xf32> to vector<10240x32xf32>
    %mul3A_12 = arith.mulf %mul3A, %add3A_11 : vector<10240x32xf32>
    %get3A_13 = arith.constant 0 : index
    %get3A_14 = arith.constant 0 : index
    %get3A_15 = vector.load %arg4[%get3A_13, %get3A_14] : memref<1x32xf32, #tpu.memory_space<vmem>>, vector<1x32xf32>
    %add3A_16 = vector.broadcast %get3A_15 : vector<1x32xf32> to vector<10240x32xf32>
    %add3A_17 = arith.addf %mul3A_12, %add3A_16 : vector<10240x32xf32>
    %max3A = arith.constant 0.000000e+00 : f32
    %max3A_18 = vector.broadcast %max3A : f32 to vector<10240x32xf32>
    %max3A_19 = arith.maximumf %add3A_17, %max3A_18 : vector<10240x32xf32>
    %get3A_20 = arith.constant 0 : index
    %get3A_21 = arith.constant 0 : index
    %get3A_22 = vector.load %arg5[%get3A_20, %get3A_21] : memref<32x1xf32, #tpu.memory_space<vmem>>, vector<32x1xf32>
    %dot_general3A = arith.constant dense<0.000000e+00> : vector<10240x1xf32>
    %dot_general3A_23 = tpu.matmul %max3A_19, %get3A_22, %dot_general3A {dimension_numbers = #tpu.dot_dimension_numbers<[1], [0], [0], [1], [0, 0, 1, 1], [], []>, transpose_lhs_hint = false} : vector<10240x32xf32>, vector<32x1xf32>, vector<10240x1xf32> -> vector<10240x1xf32>
    %get3A_24 = arith.constant 0 : index
    %get3A_25 = arith.constant 0 : index
    %get3A_26 = vector.load %arg6[%get3A_24, %get3A_25] : memref<1x1xf32, #tpu.memory_space<vmem>>, vector<1x1xf32>
    %add3A_27 = vector.broadcast %get3A_26 : vector<1x1xf32> to vector<10240x1xf32>
    %add3A_28 = arith.addf %dot_general3A_23, %add3A_27 : vector<10240x1xf32>
    %slice3A = vector.extract_strided_slice %add3A_28 {offsets = [0, 0], sizes = [10000, 1], strides = [1, 1]} : vector<10240x1xf32> to vector<10000x1xf32>
    %swap3A = arith.constant 0 : index
    %swap3A_29 = arith.constant 0 : index
    %swap3A_30 = vector.load %arg7[%swap3A, %swap3A_29] : memref<10000x1xf32, #tpu.memory_space<vmem>>, vector<10000x1xf32>
    tpu.vector_store %arg7[%swap3A, %swap3A_29], %slice3A {strides = array<i32>} : memref<10000x1xf32, #tpu.memory_space<vmem>>, vector<10000x1xf32>,
    return
  }
}

</mosaic_0001>

<sc_bundles>
// kernel: kernel.12.cloned.1.call-start
scs
__scs_entry_jumppad:
0x0: {  	(pc) =	sbr.rel $0x88, $3  }
0x1: {  	(tag) =	ssettag $0x0;
	lr =	simm.s32 $0x1  }
0x2: {  	[smem:$0x3F99] =	sst lr;
	_ =	strace $0xD0000000  }
0x3: {  	_ = 	snop  }
0x4: {  	_ = 	snop  }
0x5: {  	_ = 	snop  }
0x6: {  	_ = 	snop  }
0x7: {  	_ = 	snop  }
__scs_overlays_trampoline_lowered:
0x8: {  	[smem:$0x3FA8] =	sst s0  }
0x9: {  	[smem:$0x3FA9] =	sst s1  }
0xa: {  	[smem:$0x3FAA] =	sst s2  }
0xb: {  	[smem:$0x3FAB] =	sst s3  }
0xc: {  	[smem:$0x3FAC] =	sst s4  }
0xd: {  	[smem:$0x3FAD] =	sst s5  }
0xe: {  	[smem:$0x3FAE] =	sst s6  }
0xf: {  	[smem:$0x3FAF] =	sst s7  }
0x10: {  	[smem:$0x3FB0] =	sst s8  }
0x11: {  	[smem:$0x3FB1] =	sst s9;
	s0 =	simm.s32 @!p0 $0x0  }
0x12: {  	s1 =	sld [smem:$0x3F97];
	s0 =	simm.s32 @p0 $0x1  }
0x13: {  	[smem:$0x3FB2] =	sst s0;
	s0 =	simm.s32 @!p1 $0x0  }
0x14: {  	s2 =	sld [smem:$0x3F96];
	s0 =	simm.s32 @p1 $0x1  }
0x15: {  	[smem:$0x3FB3] =	sst s0;
	s0 =	simm.s32 @!p2 $0x0  }
0x16: {  	s3 =	sld [smem:$0x3FDB];
	s0 =	simm.s32 @p2 $0x1  }
0x17: {  	s4 =	simm.s32 $0x1BF5;
	[smem:$0x3FB5] =	sst s0  }
0x18: {  	s0 =	sld [smem:$0x3F98];
	_ =	swait.ge [sflag:s4], $0x0  }
0x19: {  	s7 =	sld [smem:$0x3F99]  }
0x1a: {  	s8 =	sadd.s32 $0xFFFFE003, lr  }
0x1b: {  	s9 =	sadd.s32 $0xFFFFFEF7, lr;
	s5 =	simm.s32 $0xFFFFFFFF;
	p2 =	slt.u32 s8, $0xFFFFF086  }
0x1c: {  	p1 =	slt.u32 s9, $0xF7A;
	s5 =	simm.s32 @!p2 $0x0  }
0x1d: {  	s5 =	simm.s32 @p1 $0x1;
	p0 =	seq.s32 s7, s2  }
0x1e: {  	s7 =	smul.u32 @!p0 $0xF7A, s2;
	p2 =	seq.s32 @!p0 s5, $0x0  }
0x1f: {  	s9 =	smul.u32 $0xF7A, s1;
	s8 =	simm.s32 @!p0 $0x1BF5;
	p2 =	por !p2, p0  }
0x20: {  	[sflag:s8] =	ssyncset.s32 @!p0 $0xFFFFF086;
	s6 =	sadd.s32 @!p0 s3, s7;
	s7 =	simm.s32 @!p0 $0x108  }
0x21: {  	s3 =	sadd.s32 s3, s9;
	s6 =	sadd.s32 @!p0 $0x88, s6;
	s7 =	simm.s32 @p2 $0x1082  }
0x22: {  	[simem:s7], [sflag:s8] =	dma.local @!p0 [hbm:s6], $0xF7A  }
0x23: {  	s9 =	sor.u32 $0xD0000000, s2;
	s6 =	simm.s32 $0x108;
	_ =	swait.ge @!p0 [sflag:s8], $0x0  }
0x24: {  	s3 =	sadd.s32 $0x88, s3;
	s6 =	simm.s32 @!p1 $0x1082;
	[sflag:s4] =	ssyncset.s32 $0xFFFFF086  }
0x25: {  	[simem:s6], [sflag:s4] =	dma.local [hbm:s3], $0xF7A  }
0x26: {  	[smem:$0x3F99] =	sst s1;
	(tag) =	ssettag s2;
	_ =	strace s9  }
0x27: {  	s1 =	sld [smem:$0x3FA9]  }
0x28: {  	s2 =	sld [smem:$0x3FAA]  }
0x29: {  	s4 =	sld [smem:$0x3FAC]  }
0x2a: {  	p0 =	seq.s32 s5, $0x0;
	s5 =	sld [smem:$0x3FAD]  }
0x2b: {  	s6 =	sld [smem:$0x3FAE]  }
0x2c: {  	s7 =	sld [smem:$0x3FAF]  }
0x2d: {  	s3 =	simm.s32 $0x108;
	s8 =	sld [smem:$0x3FB0]  }
0x2e: {  	s3 =	simm.s32 @!p0 $0x1082;
	s9 =	sld [smem:$0x3FB1]  }
0x2f: {  	lr =	sadd.s32 s0, s3;
	s0 =	sld [smem:$0x3FA8]  }
0x30: {  	s3 =	sld [smem:$0x3FAB]  }
0x31: {  	[smem:$0x3FB4] =	sst s10  }
0x32: {  	s10 =	sld [smem:$0x3FB2];
	_ =	sdelay $0x3  }
0x33: {  	p0 =	seq.s32 s10, $0x1;
	s10 =	sld [smem:$0x3FB4];
	_ =	sdelay $0x3  }
0x34: {  	[smem:$0x3FB4] =	sst s10  }
0x35: {  	s10 =	sld [smem:$0x3FB3];
	_ =	sdelay $0x3  }
0x36: {  	p1 =	seq.s32 s10, $0x1;
	s10 =	sld [smem:$0x3FB4];
	_ =	sdelay $0x3  }
0x37: {  	[smem:$0x3FB4] =	sst s10  }
0x38: {  	s10 =	sld [smem:$0x3FB5]  }
0x39: {  	_ = 	snop;
	(pc) =	sbr.ind lr, $3  }
0x3a: {  	_ = 	snop  }
0x3b: {  	_ = 	snop  }
0x3c: {  	p2 =	seq.s32 s10, $0x1;
	s10 =	sld [smem:$0x3FB4]  }
0x3d: {  	_ =	shalt  }
0x3e: {  	_ =	shalt  }
0x3f: {  	_ =	shalt  }
0x40: {  	_ =	shalt  }
0x41: {  	_ =	shalt  }
0x42: {  	_ =	shalt  }
0x43: {  	_ =	shalt  }
0x44: {  	_ =	shalt  }
0x45: {  	_ =	shalt  }
0x46: {  	_ =	shalt  }
0x47: {  	_ =	shalt  }
0x48: {  	_ =	shalt  }
0x49: {  	_ =	shalt  }
0x4a: {  	_ =	shalt  }
0x4b: {  	_ =	shalt  }
0x4c: {  	_ =	shalt  }
0x4d: {  	_ =	shalt  }
0x4e: {  	_ =	shalt  }
0x4f: {  	_ =	shalt  }
0x50: {  	_ =	shalt  }
0x51: {  	_ =	shalt  }
0x52: {  	_ =	shalt  }
0x53: {  	_ =	shalt  }
0x54: {  	_ =	shalt  }
0x55: {  	_ =	shalt  }
0x56: {  	_ =	shalt  }
0x57: {  	_ =	shalt  }
0x58: {  	_ =	shalt  }
0x59: {  	_ =	shalt  }
0x5a: {  	_ =	shalt  }
0x5b: {  	_ =	shalt  }
0x5c: {  	_ =	shalt  }
0x5d: {  	_ =	shalt  }
0x5e: {  	_ =	shalt  }
0x5f: {  	_ =	shalt  }
0x60: {  	_ =	shalt  }
0x61: {  	_ =	shalt  }
0x62: {  	_ =	shalt  }
0x63: {  	_ =	shalt  }
0x64: {  	_ =	shalt  }
0x65: {  	_ =	shalt  }
0x66: {  	_ =	shalt  }
0x67: {  	_ =	shalt  }
0x68: {  	_ =	shalt  }
0x69: {  	_ =	shalt  }
0x6a: {  	_ =	shalt  }
0x6b: {  	_ =	shalt  }
0x6c: {  	_ =	shalt  }
0x6d: {  	_ =	shalt  }
0x6e: {  	_ =	shalt  }
0x6f: {  	_ =	shalt  }
0x70: {  	_ =	shalt  }
0x71: {  	_ =	shalt  }
0x72: {  	_ =	shalt  }
0x73: {  	_ =	shalt  }
0x74: {  	_ =	shalt  }
0x75: {  	_ =	shalt  }
0x76: {  	_ =	shalt  }
0x77: {  	_ =	shalt  }
0x78: {  	_ =	shalt  }
0x79: {  	_ =	shalt  }
0x7a: {  	_ =	shalt  }
0x7b: {  	_ =	shalt  }
0x7c: {  	_ =	shalt  }
0x7d: {  	_ =	shalt  }
0x7e: {  	_ =	shalt  }
0x7f: {  	_ =	shalt  }
0x80: {  	_ =	shalt  }
0x81: {  	_ =	shalt  }
0x82: {  	_ =	shalt  }
0x83: {  	_ =	shalt  }
0x84: {  	_ =	shalt  }
0x85: {  	_ =	shalt  }
0x86: {  	_ =	shalt  }
0x87: {  	_ =	shalt  }
.Lfunc_end0:
.L_simem_size_0:
called_computation.1_lowered:
.L_overlay_start_0:
0x88: {  	s2 =	sld [smem:$0x3FD9]  }
0x89: {  	s3 =	sld [smem:$0x3FFE];
	_ =	sdelay $0x1  }
0x8a: {  	s1 =	srdreg.scid  }
0x8b: {  	s0 =	sand.u32 $0x1, s1  }
0x8c: {  	s16 =	sshll.u32 s0, $0xA;
	s2 =	sadd.s32 s3, s2  }
0x8d: {  	s2 =	sadd.s32 s2, s16  }
0x8e: {  	[smem:$0x3FC0] =	sst s2  }
0x8f: {  	_ = 	snop  }
0x90: {  	(tm) =	ssettm $0x1  }
0x91: {  	s17 =	sld [smem:$0x3FFB];
	_ =	sdelay $0x3  }
0x92: {  	_ =	strace s17  }
0x93: {  	s2 =	sld [smem:$0x3FFC];
	_ =	sdelay $0x3  }
0x94: {  	_ =	strace s2  }
0x95: {  	s2 =	sld [smem:$0x3FFD];
	_ =	sdelay $0x3  }
0x96: {  	_ =	strace s2  }
0x97: {  	_ =	strace $0x8FFFFFFF  }
0x98: {  	s18 =	sld [smem:$0x3FDB];
	_ =	sdelay $0x1  }
0x99: {  	s19 =	simm.s32 $_scs_section_size  }
0x9a: {  	s4 =	simm.s32 $_size__tile_overlayer_lowered;
	s5 =	simm.s32 $_tile_overlayer_lowered  }
0x9b: {  	s22 =	simm.s32 $0x1BFF;
	s21 =	sshll.u32 s5, $0x1;
	s2 =	sadd.s32 s19, s18  }
0x9c: {  	s6 =	simm.s32 $0x0;
	s20 =	sshll.u32 s4, $0x1;
	s4 =	sadd.s32 s21, s2  }
0x9d: {  	[timem:s6], [sflag:s22] =	dma.local [hbm:s4], s20  }
0x9e: {  	_ =	swait.ge [sflag:s22], s20  }
0x9f: {  	s3 =	ssub.s32 $0x0, s20;
	[sflag:s22] =	ssyncset.done $0x0  }
0xa0: {  	[sflag:s22] =	ssyncadd.s32 s3;
	_ =	sdelay $0x1  }
0xa1: {  	s23 =	simm.s32 $0x1B8B  }
0xa2: {  	_ =	swait.ge [sflag:s23], $0x1  }
0xa3: {  	[sflag:s23] =	ssyncset.done $0x0  }
0xa4: {  	s25 =	simm.s32 $0x1B8E;
	s24 =	sld [smem:$0x3FFE];
	[sflag:s23] =	ssyncadd.s32 $0xFFFFFFFF  }
0xa5: {  	s26 =	simm.s32 $execute0_lowered;
	[smem:$0x3FD2] =	sst s25  }
0xa6: {  	s4 =	sshll.u32 s26, $0x1;
	_ =	strace $0x80000049;
	[dreg:$0x1] =	wrdreg $0xFFFFFFFF  }
0xa7: {  	s28 =	simm.s32 $_size_execute0_lowered;
	s2 =	sadd.s32 s2, s4;
	[dreg:$0x0] =	wrdreg $0x0  }
0xa8: {  	s4 =	sshll.u32 s28, $0x1;
	[dreg:$0x2] =	wrdreg s2  }
0xa9: {  	[dreg:$0x3] =	wrdreg s4  }
0xaa: {  	[dreg:$0x4] =	wrdreg $0xC0  }
0xab: {  	_ =	task [dreg:s6], $0x5FFFF  }
0xac: {  	[dreg:$0x1] =	wrdreg $0xFFFFFFFF  }
0xad: {  	[dreg:$0x0] =	wrdreg $0x60  }
0xae: {  	[dreg:$0x2] =	wrdreg s24  }
0xaf: {  	[dreg:$0x3] =	wrdreg $0xD0000  }
0xb0: {  	[dreg:$0x4] =	wrdreg $0x9  }
0xb1: {  	_ =	task.clear_ibuf [dreg:s6], $0x5FFFF;
	_ =	strace $0x90000049  }
0xb2: {  	s29 =	simm.s32 $0x9;
	_ =	strace $0x8000004B  }
0xb3: {  	_ =	swait.ge [sflag:s29], $0x1  }
0xb4: {  	[sflag:s29] =	ssyncadd.s32 $0xFFFFFFFF  }
0xb5: {  	_ =	strace $0x9000004B  }
0xb6: {  	_ =	sfence  }
0xb7: {  	s30 =	sld [smem:$0x0];
	_ =	sdelay $0x2  }
0xb8: {  	s31 =	sshll.u32 s1, $0xD;
	s1 =	sshrl.u32 s1, $0x2  }
0xb9: {  	s3 =	sand.u32 $0x4000, s31;
	s1 =	sadd.s32 s1, s30  }
0xba: {  	s0 =	sor.u32 s3, s0;
	s1 =	sshll.u32 s1, $0x11  }
0xbb: {  	s0 =	sor.u32 s1, s0  }
0xbc: {  	s0 =	sadd.s32 $0x8F2B, s0  }
0xbd: {  	[sflag:s0] =	ssyncadd.remote.s32 $0x1  }
0xbe: {  	_ =	sfence.sel $0xFFFF  }
0xbf: {  	[dreg:$0x0] =	wrdreg $0xFFFFFFFF;
	(pc) =	sbr.abs _section_cstart, $3  }
0xc0: {  	[dreg:$0x1] =	wrdreg $0xFFFFFFFF  }
0xc1: {  	_ =	task.clear_ibuf [dreg:s6], $0x2FFFF;
	_ =	strace $0x9FFFFFFF  }
0xc2: {  	(tm) =	ssettm $0x7FFFFFFF  }
0xc3: {  	_ =	shalt  }
tec
execute0_lowered:
.L_overlay_start_1:
0x0: {  	(tag) =	ssettag $0x1  }
0x1: {  	s0 =	srdreg.scid;
	s1 =	rddreg [dreg:$0x0]  }
0x2: {  	s9 =	stileid.u32;
	s2 =	rddreg [dreg:$0x1]  }
0x3: {  	s6 =	simm.s32 $0x0;
	s14 =	simm.s32 $0x80;
	s15 =	simm.s32 $0x5000  }
0x4: {  	s16 =	simm.s32 $0x6000;
	s18 =	simm.s32 $0x7000;
	s20 =	simm.s32 $0x8000  }
0x5: {  	s22 =	simm.s32 $0x9000;
	s29 =	simm.s32 $0xC000;
	s30 =	simm.s32 $0x1  }
0x6: {  	s31 =	simm.s32 $0x2;
	s13 =	simm.s32 $0x5;
	s17 =	simm.s32 $0x6  }
0x7: {  	s19 =	simm.s32 $0x7;
	s21 =	simm.s32 $0x8;
	s4 =	smul.u32 $0x2800, s9  }
0x8: {  	s28 =	simm.s32 $0xB;
	s0 =	sand.u32 $0x1, s0;
	s5 =	smul.u32 $0x5000, s9  }
0x9: {  	s10 =	simm.s32 $0x10;
	[smem:$0x7FF] =	sst s6;
	s3 =	smul.u32 $0x28000, s0  }
0xa: {  	s25 =	sshll.u32 s9, $0x6;
	s9 =	simm.s32 $0xF;
	s23 =	smul.u32 $0x50000, s0  }
0xb: {  	_ =	strace $0x8000004A;
	s0 =	ssub.s32 $0x2, s0;
	s11 =	sor.u32 $0x1C11, s25  }
0xc: {  	s25 =	simm.s32 $0xA;
	s7 =	sshrl.u32 s5, $0x3;
	s8 =	sshrl.u32 s0, $0x1  }
0xd: {  	[dreg:$0x4] =	wrdreg s11;
	s3 =	sadd.s32 s4, s3;
	s4 =	sadd.s32 $0x3F200, s1  }
0xe: {  	s6 =	sadd.s32 s5, s23;
	s7 =	sadd.s32 s7, s1;
	s0 =	ssub.s32 s0, s8  }
0xf: {  	s5 =	sadd.s32 s5, s2;
	s23 =	simm.s32 $0x9;
	s8 =	simm.s32 $0xE  }
0x10: {  	s3 =	sshrl.u32 s3, $0x3;
	s6 =	sshrl.u32 s6, $0x3;
	s24 =	sadd.s32 $0x49200, s7  }
0x11: {  	s0 =	smax.u32 s0, $0x1;
	s12 =	sshrl.u32 s5, $0x3;
	[dreg:$0x3] =	wrdreg s24  }
0x12: {  	s5 =	simm.s32 $0xC;
	s3 =	sadd.s32 s3, s1;
	[dreg:$0x8] =	wrdreg s0  }
0x13: {  	s1 =	sadd.s32 s6, s1;
	s6 =	simm.s32 $0x0;
	[dreg:$0x9] =	wrdreg s12  }
0x14: {  	s7 =	simm.s32 $0xD;
	s26 =	sadd.s32 $0xD200, s3;
	[dreg:$0xa] =	wrdreg s6  }
0x15: {  	s24 =	simm.s32 $0xA000;
	s3 =	sadd.s32 $0x2200, s3;
	[dreg:$0x5] =	wrdreg s26  }
0x16: {  	s0 =	simm.s32 $0x4;
	s1 =	sadd.s32 $0x53200, s1;
	[dreg:$0x6] =	wrdreg s3  }
0x17: {  	[dreg:$0x7] =	wrdreg s1;
	s26 =	simm.s32 $0xB000;
	s1 =	simm.s32 $0x3  }
.LBB2_1:
0x18: {  	s3 =	simm.s32 $0x11;
	s6 =	rddreg [dreg:$0x3]  }
0x19: {  	[spmem:s12], [sflag:s11] =	dma.local [hbm:s6], $0xA00  }
0x1a: {  	_ =	swait.ge [sflag:s3], $0xA00  }
0x1b: {  	[sflag:s3] =	ssyncset.done $0x0  }
0x1c: {  	s6 =	simm.s32 $0x0;
	s12 =	rddreg [dreg:$0x5];
	[sflag:s3] =	ssyncadd.s32 $0xFFFFF600  }
0x1d: {  	[tilespmem:s6], [sflag:$0x11] =	stream.linear.gather [hbm4b:s12+s6], $0x2800, $0x38;
	[tilespmem:$0x12000] =	vst v63  }
0x1e: {  	_ =	swait.ge [sflag:s3], $0x2800  }
0x1f: {  	[sflag:s3] =	ssyncset.done $0x0  }
0x20: {  	s12 =	simm.s32 $0x2800;
	s11 =	rddreg [dreg:$0x6];
	[sflag:s3] =	ssyncadd.s32 $0xFFFFD800  }
0x21: {  	[tilespmem:s12], [sflag:$0x11] =	stream.linear.gather [hbm4b:s11+s6], $0x2800, $0x38;
	[tilespmem:$0x12000] =	vst v63  }
0x22: {  	_ =	swait.ge [sflag:s3], $0x2800  }
0x23: {  	[sflag:s3] =	ssyncset.done $0x0  }
0x24: {  	[sflag:s3] =	ssyncadd.s32 $0xFFFFD800  }
0x25: {  	[bflag:$0x0] =	sbarrier.arrive $0xFFFF  }
0x26: {  	[tilespmem:s15], [sflag:$0x1] =	stream.indirect.gather [hbm4b:s4+s14], $0x20, s6, s14, $0xb8;
	[tilespmem:$0x12000] =	vst v63  }
0x27: {  	_ = 	snop  }
0x28: {  	[tilespmem:s16], [sflag:$0x2] =	stream.indirect.gather [hbm4b:s4+s14], $0x20, s14, s14, $0xb8;
	[tilespmem:$0x12000] =	vst v63  }
0x29: {  	s6 =	simm.s32 $0x100  }
0x2a: {  	[tilespmem:s18], [sflag:$0x3] =	stream.indirect.gather [hbm4b:s4+s14], $0x20, s6, s14, $0xb8;
	[tilespmem:$0x12000] =	vst v63  }
0x2b: {  	s11 =	simm.s32 $0x180  }
0x2c: {  	[tilespmem:s20], [sflag:$0x4] =	stream.indirect.gather [hbm4b:s4+s14], $0x20, s11, s14, $0xb8;
	[tilespmem:$0x12000] =	vst v63  }
0x2d: {  	s12 =	simm.s32 $0x200  }
0x2e: {  	[tilespmem:s22], [sflag:$0x5] =	stream.indirect.gather [hbm4b:s4+s14], $0x20, s12, s14, $0xb8;
	[tilespmem:$0x12000] =	vst v63  }
0x2f: {  	s6 =	simm.s32 $0x280  }
0x30: {  	[tilespmem:s24], [sflag:$0x6] =	stream.indirect.gather [hbm4b:s4+s14], $0x20, s6, s14, $0xb8;
	[tilespmem:$0x12000] =	vst v63  }
0x31: {  	s11 =	simm.s32 $0x300  }
0x32: {  	[tilespmem:s26], [sflag:$0x7] =	stream.indirect.gather [hbm4b:s4+s14], $0x20, s11, s14, $0xb8;
	[tilespmem:$0x12000] =	vst v63  }
0x33: {  	s12 =	simm.s32 $0x380  }
0x34: {  	[tilespmem:s29], [sflag:$0x8] =	stream.indirect.gather [hbm4b:s4+s14], $0x20, s12, s14, $0xb8;
	[tilespmem:$0x12000] =	vst v63  }
0x35: {  	_ =	swait.ge [sflag:s30], $0x1000  }
0x36: {  	[sflag:s30] =	ssyncset.done $0x0  }
0x37: {  	s3 =	simm.s32 $0x2800;
	[sflag:s30] =	ssyncadd.s32 $0xFFFFF000  }
0x38: {  	[spmem:s2] =	stream.indirect.scatter.add.f32 [tilespmem:s15], [sflag:$0x9], $0x20, s3, s14, $0xb8;
	[tilespmem:$0x12000] =	vst v63  }
0x39: {  	_ =	swait.ge [sflag:s31], $0x1000  }
0x3a: {  	[sflag:s31] =	ssyncset.done $0x0  }
0x3b: {  	s11 =	simm.s32 $0x2880;
	[sflag:s31] =	ssyncadd.s32 $0xFFFFF000  }
0x3c: {  	[spmem:s2] =	stream.indirect.scatter.add.f32 [tilespmem:s16], [sflag:$0xA], $0x20, s11, s14, $0xb8;
	[tilespmem:$0x12000] =	vst v63  }
0x3d: {  	_ =	swait.ge [sflag:s1], $0x1000  }
0x3e: {  	[sflag:s1] =	ssyncset.done $0x0  }
0x3f: {  	s12 =	simm.s32 $0x2900;
	[sflag:s1] =	ssyncadd.s32 $0xFFFFF000  }
0x40: {  	[spmem:s2] =	stream.indirect.scatter.add.f32 [tilespmem:s18], [sflag:$0xB], $0x20, s12, s14, $0xb8;
	[tilespmem:$0x12000] =	vst v63  }
0x41: {  	_ =	swait.ge [sflag:s0], $0x1000  }
0x42: {  	[sflag:s0] =	ssyncset.done $0x0  }
0x43: {  	s3 =	simm.s32 $0x2980;
	[sflag:s0] =	ssyncadd.s32 $0xFFFFF000  }
0x44: {  	[spmem:s2] =	stream.indirect.scatter.add.f32 [tilespmem:s20], [sflag:$0xC], $0x20, s3, s14, $0xb8;
	[tilespmem:$0x12000] =	vst v63  }
0x45: {  	_ =	swait.ge [sflag:s13], $0x1000  }
0x46: {  	[sflag:s13] =	ssyncset.done $0x0  }
0x47: {  	s11 =	simm.s32 $0x2A00;
	[sflag:s13] =	ssyncadd.s32 $0xFFFFF000  }
0x48: {  	[spmem:s2] =	stream.indirect.scatter.add.f32 [tilespmem:s22], [sflag:$0xD], $0x20, s11, s14, $0xb8;
	[tilespmem:$0x12000] =	vst v63  }
0x49: {  	_ =	swait.ge [sflag:s17], $0x1000  }
0x4a: {  	[sflag:s17] =	ssyncset.done $0x0  }
0x4b: {  	s12 =	simm.s32 $0x2A80;
	[sflag:s17] =	ssyncadd.s32 $0xFFFFF000  }
0x4c: {  	[spmem:s2] =	stream.indirect.scatter.add.f32 [tilespmem:s24], [sflag:$0xE], $0x20, s12, s14, $0xb8;
	[tilespmem:$0x12000] =	vst v63  }
0x4d: {  	_ =	swait.ge [sflag:s19], $0x1000  }
0x4e: {  	[sflag:s19] =	ssyncset.done $0x0  }
0x4f: {  	s3 =	simm.s32 $0x2B00;
	[sflag:s19] =	ssyncadd.s32 $0xFFFFF000  }
0x50: {  	[spmem:s2] =	stream.indirect.scatter.add.f32 [tilespmem:s26], [sflag:$0xF], $0x20, s3, s14, $0xb8;
	[tilespmem:$0x12000] =	vst v63  }
0x51: {  	_ =	swait.ge [sflag:s21], $0x1000  }
0x52: {  	[sflag:s21] =	ssyncset.done $0x0  }
0x53: {  	s11 =	simm.s32 $0x2B80;
	[sflag:s21] =	ssyncadd.s32 $0xFFFFF000  }
0x54: {  	[spmem:s2] =	stream.indirect.scatter.add.f32 [tilespmem:s29], [sflag:$0x10], $0x20, s11, s14, $0xb8;
	[tilespmem:$0x12000] =	vst v63  }
0x55: {  	_ =	swait.ge [sflag:s23], $0x1000  }
0x56: {  	[sflag:s23] =	ssyncset.done $0x0  }
0x57: {  	s12 =	simm.s32 $0x400;
	[sflag:s23] =	ssyncadd.s32 $0xFFFFF000  }
0x58: {  	[tilespmem:s15], [sflag:$0x1] =	stream.indirect.gather [hbm4b:s4+s14], $0x20, s12, s14, $0xb8;
	[tilespmem:$0x12000] =	vst v63  }
0x59: {  	_ =	swait.ge [sflag:s25], $0x1000  }
0x5a: {  	[sflag:s25] =	ssyncset.done $0x0  }
0x5b: {  	s3 =	simm.s32 $0x480;
	[sflag:s25] =	ssyncadd.s32 $0xFFFFF000  }
0x5c: {  	[tilespmem:s16], [sflag:$0x2] =	stream.indirect.gather [hbm4b:s4+s14], $0x20, s3, s14, $0xb8;
	[tilespmem:$0x12000] =	vst v63  }
0x5d: {  	_ =	swait.ge [sflag:s28], $0x1000  }
0x5e: {  	[sflag:s28] =	ssyncset.done $0x0  }
0x5f: {  	s11 =	simm.s32 $0x500;
	[sflag:s28] =	ssyncadd.s32 $0xFFFFF000  }
0x60: {  	[tilespmem:s18], [sflag:$0x3] =	stream.indirect.gather [hbm4b:s4+s14], $0x20, s11, s14, $0xb8;
	[tilespmem:$0x12000] =	vst v63  }
0x61: {  	_ =	swait.ge [sflag:s5], $0x1000  }
0x62: {  	[sflag:s5] =	ssyncset.done $0x0  }
0x63: {  	s12 =	simm.s32 $0x580;
	[sflag:s5] =	ssyncadd.s32 $0xFFFFF000  }
0x64: {  	[tilespmem:s20], [sflag:$0x4] =	stream.indirect.gather [hbm4b:s4+s14], $0x20, s12, s14, $0xb8;
	[tilespmem:$0x12000] =	vst v63  }
0x65: {  	_ =	swait.ge [sflag:s7], $0x1000  }
0x66: {  	[sflag:s7] =	ssyncset.done $0x0  }
0x67: {  	s3 =	simm.s32 $0x600;
	[sflag:s7] =	ssyncadd.s32 $0xFFFFF000  }
0x68: {  	[tilespmem:s22], [sflag:$0x5] =	stream.indirect.gather [hbm4b:s4+s14], $0x20, s3, s14, $0xb8;
	[tilespmem:$0x12000] =	vst v63  }
0x69: {  	_ =	swait.ge [sflag:s8], $0x1000  }
0x6a: {  	[sflag:s8] =	ssyncset.done $0x0  }
0x6b: {  	s11 =	simm.s32 $0x680;
	[sflag:s8] =	ssyncadd.s32 $0xFFFFF000  }
0x6c: {  	[tilespmem:s24], [sflag:$0x6] =	stream.indirect.gather [hbm4b:s4+s14], $0x20, s11, s14, $0xb8;
	[tilespmem:$0x12000] =	vst v63  }
0x6d: {  	_ =	swait.ge [sflag:s9], $0x1000  }
0x6e: {  	[sflag:s9] =	ssyncset.done $0x0  }
0x6f: {  	s12 =	simm.s32 $0x700;
	[sflag:s9] =	ssyncadd.s32 $0xFFFFF000  }
0x70: {  	[tilespmem:s26], [sflag:$0x7] =	stream.indirect.gather [hbm4b:s4+s14], $0x20, s12, s14, $0xb8;
	[tilespmem:$0x12000] =	vst v63  }
0x71: {  	_ =	swait.ge [sflag:s10], $0x1000  }
0x72: {  	[sflag:s10] =	ssyncset.done $0x0  }
0x73: {  	s6 =	simm.s32 $0x1000;
	s11 =	simm.s32 $0x780;
	[sflag:s10] =	ssyncadd.s32 $0xFFFFF000  }
.LBB2_2:
0x74: {  	[tilespmem:s29], [sflag:$0x8] =	stream.indirect.gather [hbm4b:s4+s14], $0x20, s11, s14, $0xb8;
	[tilespmem:$0x12000] =	vst v63  }
0x75: {  	s11 =	smov.u32 s6  }
0x76: {  	p0 =	sne.s32 s6, $0x8000;
	s6 =	sadd.s32 $0x1000, s6;
	_ =	swait.ge [sflag:s30], $0x1000  }
0x77: {  	s11 =	sshra.s32 s11, $0x2;
	[sflag:s30] =	ssyncset.done $0x0  }
0x78: {  	s12 =	sadd.s32 $0x2800, s11;
	[sflag:s30] =	ssyncadd.s32 $0xFFFFF000  }
0x79: {  	[spmem:s2] =	stream.indirect.scatter.add.f32 [tilespmem:s15], [sflag:$0x9], $0x20, s12, s14, $0xb8;
	[tilespmem:$0x12000] =	vst v63  }
0x7a: {  	_ =	swait.ge [sflag:s31], $0x1000  }
0x7b: {  	[sflag:s31] =	ssyncset.done $0x0  }
0x7c: {  	s12 =	sadd.s32 $0x2880, s11;
	[sflag:s31] =	ssyncadd.s32 $0xFFFFF000  }
0x7d: {  	[spmem:s2] =	stream.indirect.scatter.add.f32 [tilespmem:s16], [sflag:$0xA], $0x20, s12, s14, $0xb8;
	[tilespmem:$0x12000] =	vst v63  }
0x7e: {  	_ =	swait.ge [sflag:s1], $0x1000  }
0x7f: {  	[sflag:s1] =	ssyncset.done $0x0  }
0x80: {  	s12 =	sadd.s32 $0x2900, s11;
	[sflag:s1] =	ssyncadd.s32 $0xFFFFF000  }
0x81: {  	[spmem:s2] =	stream.indirect.scatter.add.f32 [tilespmem:s18], [sflag:$0xB], $0x20, s12, s14, $0xb8;
	[tilespmem:$0x12000] =	vst v63  }
0x82: {  	_ =	swait.ge [sflag:s0], $0x1000  }
0x83: {  	[sflag:s0] =	ssyncset.done $0x0  }
0x84: {  	s12 =	sadd.s32 $0x2980, s11;
	[sflag:s0] =	ssyncadd.s32 $0xFFFFF000  }
0x85: {  	[spmem:s2] =	stream.indirect.scatter.add.f32 [tilespmem:s20], [sflag:$0xC], $0x20, s12, s14, $0xb8;
	[tilespmem:$0x12000] =	vst v63  }
0x86: {  	_ =	swait.ge [sflag:s13], $0x1000  }
0x87: {  	[sflag:s13] =	ssyncset.done $0x0  }
0x88: {  	s12 =	sadd.s32 $0x2A00, s11;
	[sflag:s13] =	ssyncadd.s32 $0xFFFFF000  }
0x89: {  	[spmem:s2] =	stream.indirect.scatter.add.f32 [tilespmem:s22], [sflag:$0xD], $0x20, s12, s14, $0xb8;
	[tilespmem:$0x12000] =	vst v63  }
0x8a: {  	_ =	swait.ge [sflag:s17], $0x1000  }
0x8b: {  	[sflag:s17] =	ssyncset.done $0x0  }
0x8c: {  	s12 =	sadd.s32 $0x2A80, s11;
	[sflag:s17] =	ssyncadd.s32 $0xFFFFF000  }
0x8d: {  	[spmem:s2] =	stream.indirect.scatter.add.f32 [tilespmem:s24], [sflag:$0xE], $0x20, s12, s14, $0xb8;
	[tilespmem:$0x12000] =	vst v63  }
0x8e: {  	_ =	swait.ge [sflag:s19], $0x1000  }
0x8f: {  	[sflag:s19] =	ssyncset.done $0x0  }
0x90: {  	s12 =	sadd.s32 $0x2B00, s11;
	[sflag:s19] =	ssyncadd.s32 $0xFFFFF000  }
0x91: {  	[spmem:s2] =	stream.indirect.scatter.add.f32 [tilespmem:s26], [sflag:$0xF], $0x20, s12, s14, $0xb8;
	[tilespmem:$0x12000] =	vst v63  }
0x92: {  	_ =	swait.ge [sflag:s21], $0x1000  }
0x93: {  	[sflag:s21] =	ssyncset.done $0x0  }
0x94: {  	s12 =	sadd.s32 $0x2B80, s11;
	[sflag:s21] =	ssyncadd.s32 $0xFFFFF000  }
0x95: {  	[spmem:s2] =	stream.indirect.scatter.add.f32 [tilespmem:s29], [sflag:$0x10], $0x20, s12, s14, $0xb8;
	[tilespmem:$0x12000] =	vst v63  }
0x96: {  	_ =	swait.ge [sflag:s23], $0x1000  }
0x97: {  	[sflag:s23] =	ssyncset.done $0x0  }
0x98: {  	s12 =	sadd.s32 $0x400, s11;
	[sflag:s23] =	ssyncadd.s32 $0xFFFFF000  }
0x99: {  	[tilespmem:s15], [sflag:$0x1] =	stream.indirect.gather [hbm4b:s4+s14], $0x20, s12, s14, $0xb8;
	[tilespmem:$0x12000] =	vst v63  }
0x9a: {  	_ =	swait.ge [sflag:s25], $0x1000  }
0x9b: {  	[sflag:s25] =	ssyncset.done $0x0  }
0x9c: {  	s12 =	sadd.s32 $0x480, s11;
	[sflag:s25] =	ssyncadd.s32 $0xFFFFF000  }
0x9d: {  	[tilespmem:s16], [sflag:$0x2] =	stream.indirect.gather [hbm4b:s4+s14], $0x20, s12, s14, $0xb8;
	[tilespmem:$0x12000] =	vst v63  }
0x9e: {  	_ =	swait.ge [sflag:s28], $0x1000  }
0x9f: {  	[sflag:s28] =	ssyncset.done $0x0  }
0xa0: {  	s12 =	sadd.s32 $0x500, s11;
	[sflag:s28] =	ssyncadd.s32 $0xFFFFF000  }
0xa1: {  	[tilespmem:s18], [sflag:$0x3] =	stream.indirect.gather [hbm4b:s4+s14], $0x20, s12, s14, $0xb8;
	[tilespmem:$0x12000] =	vst v63  }
0xa2: {  	_ =	swait.ge [sflag:s5], $0x1000  }
0xa3: {  	[sflag:s5] =	ssyncset.done $0x0  }
0xa4: {  	s12 =	sadd.s32 $0x580, s11;
	[sflag:s5] =	ssyncadd.s32 $0xFFFFF000  }
0xa5: {  	[tilespmem:s20], [sflag:$0x4] =	stream.indirect.gather [hbm4b:s4+s14], $0x20, s12, s14, $0xb8;
	[tilespmem:$0x12000] =	vst v63  }
0xa6: {  	_ =	swait.ge [sflag:s7], $0x1000  }
0xa7: {  	[sflag:s7] =	ssyncset.done $0x0  }
0xa8: {  	s12 =	sadd.s32 $0x600, s11;
	[sflag:s7] =	ssyncadd.s32 $0xFFFFF000  }
0xa9: {  	[tilespmem:s22], [sflag:$0x5] =	stream.indirect.gather [hbm4b:s4+s14], $0x20, s12, s14, $0xb8;
	[tilespmem:$0x12000] =	vst v63  }
0xaa: {  	_ =	swait.ge [sflag:s8], $0x1000  }
0xab: {  	[sflag:s8] =	ssyncset.done $0x0  }
0xac: {  	s12 =	sadd.s32 $0x680, s11;
	[sflag:s8] =	ssyncadd.s32 $0xFFFFF000  }
0xad: {  	[tilespmem:s24], [sflag:$0x6] =	stream.indirect.gather [hbm4b:s4+s14], $0x20, s12, s14, $0xb8;
	[tilespmem:$0x12000] =	vst v63  }
0xae: {  	_ =	swait.ge [sflag:s9], $0x1000  }
0xaf: {  	[sflag:s9] =	ssyncset.done $0x0  }
.Ltmp0:
0xb0: {  	s12 =	sadd.s32 $0x700, s11;
	[sflag:s9] =	ssyncadd.s32 $0xFFFFF000;
	(pc) =	sbr.rel @p0 .LBB2_2-.Ltmp0, $4  }
0xb1: {  	[tilespmem:s26], [sflag:$0x7] =	stream.indirect.gather [hbm4b:s4+s14], $0x20, s12, s14, $0xb8;
	[tilespmem:$0x12000] =	vst v63  }
0xb2: {  	_ =	swait.ge [sflag:s10], $0x1000  }
0xb3: {  	[sflag:s10] =	ssyncset.done $0x0  }
0xb4: {  	s11 =	sadd.s32 $0x780, s11;
	[sflag:s10] =	ssyncadd.s32 $0xFFFFF000  }
0xb5: {  	[tilespmem:s29], [sflag:$0x8] =	stream.indirect.gather [hbm4b:s4+s14], $0x20, s11, s14, $0xb8;
	[tilespmem:$0x12000] =	vst v63  }
0xb6: {  	_ =	swait.ge [sflag:s30], $0x1000  }
0xb7: {  	[sflag:s30] =	ssyncset.done $0x0  }
0xb8: {  	s3 =	simm.s32 $0x4C00;
	[sflag:s30] =	ssyncadd.s32 $0xFFFFF000  }
0xb9: {  	[spmem:s2] =	stream.indirect.scatter.add.f32 [tilespmem:s15], [sflag:$0x9], $0x20, s3, s14, $0xb8;
	[tilespmem:$0x12000] =	vst v63  }
0xba: {  	_ =	swait.ge [sflag:s31], $0x1000  }
0xbb: {  	[sflag:s31] =	ssyncset.done $0x0  }
0xbc: {  	s12 =	simm.s32 $0x4C80;
	[sflag:s31] =	ssyncadd.s32 $0xFFFFF000  }
0xbd: {  	[spmem:s2] =	stream.indirect.scatter.add.f32 [tilespmem:s16], [sflag:$0xA], $0x20, s12, s14, $0xb8;
	[tilespmem:$0x12000] =	vst v63  }
0xbe: {  	_ =	swait.ge [sflag:s1], $0x1000  }
0xbf: {  	[sflag:s1] =	ssyncset.done $0x0  }
0xc0: {  	s6 =	simm.s32 $0x4D00;
	[sflag:s1] =	ssyncadd.s32 $0xFFFFF000  }
0xc1: {  	[spmem:s2] =	stream.indirect.scatter.add.f32 [tilespmem:s18], [sflag:$0xB], $0x20, s6, s14, $0xb8;
	[tilespmem:$0x12000] =	vst v63  }
0xc2: {  	_ =	swait.ge [sflag:s0], $0x1000  }
0xc3: {  	[sflag:s0] =	ssyncset.done $0x0  }
0xc4: {  	s11 =	simm.s32 $0x4D80;
	[sflag:s0] =	ssyncadd.s32 $0xFFFFF000  }
0xc5: {  	[spmem:s2] =	stream.indirect.scatter.add.f32 [tilespmem:s20], [sflag:$0xC], $0x20, s11, s14, $0xb8;
	[tilespmem:$0x12000] =	vst v63  }
0xc6: {  	_ =	swait.ge [sflag:s13], $0x1000  }
0xc7: {  	[sflag:s13] =	ssyncset.done $0x0  }
0xc8: {  	s12 =	simm.s32 $0x4E00;
	[sflag:s13] =	ssyncadd.s32 $0xFFFFF000  }
0xc9: {  	[spmem:s2] =	stream.indirect.scatter.add.f32 [tilespmem:s22], [sflag:$0xD], $0x20, s12, s14, $0xb8;
	[tilespmem:$0x12000] =	vst v63  }
0xca: {  	_ =	swait.ge [sflag:s17], $0x1000  }
0xcb: {  	[sflag:s17] =	ssyncset.done $0x0  }
0xcc: {  	s6 =	simm.s32 $0x4E80;
	[sflag:s17] =	ssyncadd.s32 $0xFFFFF000  }
0xcd: {  	[spmem:s2] =	stream.indirect.scatter.add.f32 [tilespmem:s24], [sflag:$0xE], $0x20, s6, s14, $0xb8;
	[tilespmem:$0x12000] =	vst v63  }
0xce: {  	_ =	swait.ge [sflag:s19], $0x1000  }
0xcf: {  	[sflag:s19] =	ssyncset.done $0x0  }
0xd0: {  	s11 =	simm.s32 $0x4F00;
	[sflag:s19] =	ssyncadd.s32 $0xFFFFF000  }
0xd1: {  	[spmem:s2] =	stream.indirect.scatter.add.f32 [tilespmem:s26], [sflag:$0xF], $0x20, s11, s14, $0xb8;
	[tilespmem:$0x12000] =	vst v63  }
0xd2: {  	_ =	swait.ge [sflag:s21], $0x1000  }
0xd3: {  	[sflag:s21] =	ssyncset.done $0x0  }
0xd4: {  	s12 =	simm.s32 $0x4F80;
	[sflag:s21] =	ssyncadd.s32 $0xFFFFF000  }
0xd5: {  	[spmem:s2] =	stream.indirect.scatter.add.f32 [tilespmem:s29], [sflag:$0x10], $0x20, s12, s14, $0xb8;
	[tilespmem:$0x12000] =	vst v63  }
0xd6: {  	_ =	swait.ge [sflag:s23], $0x1000  }
0xd7: {  	[sflag:s23] =	ssyncset.done $0x0  }
0xd8: {  	[sflag:s23] =	ssyncadd.s32 $0xFFFFF000  }
0xd9: {  	_ =	swait.ge [sflag:s25], $0x1000  }
0xda: {  	[sflag:s25] =	ssyncset.done $0x0  }
0xdb: {  	[sflag:s25] =	ssyncadd.s32 $0xFFFFF000  }
0xdc: {  	_ =	swait.ge [sflag:s28], $0x1000  }
0xdd: {  	[sflag:s28] =	ssyncset.done $0x0  }
0xde: {  	[sflag:s28] =	ssyncadd.s32 $0xFFFFF000  }
0xdf: {  	_ =	swait.ge [sflag:s5], $0x1000  }
0xe0: {  	[sflag:s5] =	ssyncset.done $0x0  }
0xe1: {  	[sflag:s5] =	ssyncadd.s32 $0xFFFFF000  }
0xe2: {  	_ =	swait.ge [sflag:s7], $0x1000  }
0xe3: {  	[sflag:s7] =	ssyncset.done $0x0  }
0xe4: {  	[sflag:s7] =	ssyncadd.s32 $0xFFFFF000  }
0xe5: {  	_ =	swait.ge [sflag:s8], $0x1000  }
0xe6: {  	[sflag:s8] =	ssyncset.done $0x0  }
0xe7: {  	[sflag:s8] =	ssyncadd.s32 $0xFFFFF000  }
0xe8: {  	_ =	swait.ge [sflag:s9], $0x1000  }
0xe9: {  	[sflag:s9] =	ssyncset.done $0x0  }
0xea: {  	[sflag:s9] =	ssyncadd.s32 $0xFFFFF000  }
0xeb: {  	_ =	swait.ge [sflag:s10], $0x1000  }
0xec: {  	[sflag:s10] =	ssyncset.done $0x0  }
0xed: {  	[sflag:s10] =	ssyncadd.s32 $0xFFFFF000  }
0xee: {  	[bflag:$0x0] =	sbarrier.arrive $0xFFFF  }
0xef: {  	s11 =	rddreg [dreg:$0x4]  }
0xf0: {  	s6 =	rddreg [dreg:$0x7]  }
0xf1: {  	s12 =	rddreg [dreg:$0x9]  }
0xf2: {  	[hbm:s6], [sflag:s11] =	dma.local [spmem:s12], $0xA00  }
0xf3: {  	s6 =	simm.s32 $0x11  }
0xf4: {  	_ =	swait.ge [sflag:s6], $0xA00  }
0xf5: {  	s3 =	rddreg [dreg:$0xa]  }
0xf6: {  	[sflag:s6] =	ssyncset.done $0x0;
	s6 =	rddreg [dreg:$0x8];
	s3 =	sadd.s32 $0x1, s3  }
0xf7: {  	p0 =	sne.s32 s3, s6  }
.Ltmp1:
0xf8: {  	_ = 	snop;
	(pc) =	sbr.rel @p0 .LBB2_1-.Ltmp1, $3  }
0xf9: {  	_ =	sdelay $0x1  }
0xfa: {  	s6 =	simm.s32 $0x11  }
0xfb: {  	[dreg:$0xa] =	wrdreg s3;
	[sflag:s6] =	ssyncadd.s32 $0xFFFFF600  }
0xfc: {  	_ =	sfence.sel $0x180000  }
0xfd: {  	[bflag:$0x0] =	sbarrier.arrive $0xFFFF  }
0xfe: {  	_ =	strace $0x9000004A  }
0xff: {  	s0 =	stileid.u32;
	[bflag:$0x2] =	sbarrier.arrive $0xFFFF  }
0x100: {  	p0 =	sne.s32 s0, $0x0;
	s0 =	rddreg [dreg:$0x2]  }
0x101: {  	s0 =	sadd.s32 @!p0 $0x100000, s0  }
0x102: {  	[sflag:s0] =	ssyncadd.tile.s32 @!p0 $0x1;
	_ =	shalt  }
.Lfunc_end2:
_tile_overlayer_lowered:
.L_overlay_start_2:
0x103: {  	(tag) =	ssettag $0x2  }
0x104: {  	s0 =	rddreg [dreg:$0x0];
	s2 =	stileid.u32  }
0x105: {  	s1 =	rddreg [dreg:$0x1];
	p0 =	sne.s32 s2, $0x0  }
0x106: {  	s3 =	rddreg [dreg:$0x2];
	[bflag:$0x3] =	sbarrier.arrive $0xFFFF;
	s2 =	simm.s32 @!p0 $0x1C11  }
0x107: {  	[timem:s3], [sflag:s2] =	dma.local @!p0 [hbm:s0], s1  }
0x108: {  	s0 =	simm.s32 @!p0 $0x11  }
0x109: {  	_ =	swait.ge @!p0 [sflag:s0], s1  }
0x10a: {  	s1 =	ssub.s32 @!p0 $0x0, s1;
	[sflag:s0] =	ssyncset.done @!p0 $0x0  }
0x10b: {  	[sflag:s0] =	ssyncadd.s32 @!p0 s1  }
0x10c: {  	[bflag:$0x3] =	sbarrier.arrive $0xFFFF  }
0x10d: {  	_ =	shalt  }

// kernel: kernel.15.cloned.1.call-start
scs
__scs_entry_jumppad:
0x0: {  	(pc) =	sbr.rel $0x88, $3  }
0x1: {  	(tag) =	ssettag $0x0;
	lr =	simm.s32 $0x1  }
0x2: {  	[smem:$0x3F99] =	sst lr;
	_ =	strace $0xD0000000  }
0x3: {  	_ = 	snop  }
0x4: {  	_ = 	snop  }
0x5: {  	_ = 	snop  }
0x6: {  	_ = 	snop  }
0x7: {  	_ = 	snop  }
__scs_overlays_trampoline_lowered:
0x8: {  	[smem:$0x3FA8] =	sst s0  }
0x9: {  	[smem:$0x3FA9] =	sst s1  }
0xa: {  	[smem:$0x3FAA] =	sst s2  }
0xb: {  	[smem:$0x3FAB] =	sst s3  }
0xc: {  	[smem:$0x3FAC] =	sst s4  }
0xd: {  	[smem:$0x3FAD] =	sst s5  }
0xe: {  	[smem:$0x3FAE] =	sst s6  }
0xf: {  	[smem:$0x3FAF] =	sst s7  }
0x10: {  	[smem:$0x3FB0] =	sst s8  }
0x11: {  	[smem:$0x3FB1] =	sst s9;
	s0 =	simm.s32 @!p0 $0x0  }
0x12: {  	s1 =	sld [smem:$0x3F97];
	s0 =	simm.s32 @p0 $0x1  }
0x13: {  	[smem:$0x3FB2] =	sst s0;
	s0 =	simm.s32 @!p1 $0x0  }
0x14: {  	s2 =	sld [smem:$0x3F96];
	s0 =	simm.s32 @p1 $0x1  }
0x15: {  	[smem:$0x3FB3] =	sst s0;
	s0 =	simm.s32 @!p2 $0x0  }
0x16: {  	s3 =	sld [smem:$0x3FDB];
	s0 =	simm.s32 @p2 $0x1  }
0x17: {  	s4 =	simm.s32 $0x1BF5;
	[smem:$0x3FB5] =	sst s0  }
0x18: {  	s0 =	sld [smem:$0x3F98];
	_ =	swait.ge [sflag:s4], $0x0  }
0x19: {  	s7 =	sld [smem:$0x3F99]  }
0x1a: {  	s8 =	sadd.s32 $0xFFFFE003, lr  }
0x1b: {  	s9 =	sadd.s32 $0xFFFFFEF7, lr;
	s5 =	simm.s32 $0xFFFFFFFF;
	p2 =	slt.u32 s8, $0xFFFFF086  }
0x1c: {  	p1 =	slt.u32 s9, $0xF7A;
	s5 =	simm.s32 @!p2 $0x0  }
0x1d: {  	s5 =	simm.s32 @p1 $0x1;
	p0 =	seq.s32 s7, s2  }
0x1e: {  	s7 =	smul.u32 @!p0 $0xF7A, s2;
	p2 =	seq.s32 @!p0 s5, $0x0  }
0x1f: {  	s9 =	smul.u32 $0xF7A, s1;
	s8 =	simm.s32 @!p0 $0x1BF5;
	p2 =	por !p2, p0  }
0x20: {  	[sflag:s8] =	ssyncset.s32 @!p0 $0xFFFFF086;
	s6 =	sadd.s32 @!p0 s3, s7;
	s7 =	simm.s32 @!p0 $0x108  }
0x21: {  	s3 =	sadd.s32 s3, s9;
	s6 =	sadd.s32 @!p0 $0x88, s6;
	s7 =	simm.s32 @p2 $0x1082  }
0x22: {  	[simem:s7], [sflag:s8] =	dma.local @!p0 [hbm:s6], $0xF7A  }
0x23: {  	s9 =	sor.u32 $0xD0000000, s2;
	s6 =	simm.s32 $0x108;
	_ =	swait.ge @!p0 [sflag:s8], $0x0  }
0x24: {  	s3 =	sadd.s32 $0x88, s3;
	s6 =	simm.s32 @!p1 $0x1082;
	[sflag:s4] =	ssyncset.s32 $0xFFFFF086  }
0x25: {  	[simem:s6], [sflag:s4] =	dma.local [hbm:s3], $0xF7A  }
0x26: {  	[smem:$0x3F99] =	sst s1;
	(tag) =	ssettag s2;
	_ =	strace s9  }
0x27: {  	s1 =	sld [smem:$0x3FA9]  }
0x28: {  	s2 =	sld [smem:$0x3FAA]  }
0x29: {  	s4 =	sld [smem:$0x3FAC]  }
0x2a: {  	p0 =	seq.s32 s5, $0x0;
	s5 =	sld [smem:$0x3FAD]  }
0x2b: {  	s6 =	sld [smem:$0x3FAE]  }
0x2c: {  	s7 =	sld [smem:$0x3FAF]  }
0x2d: {  	s3 =	simm.s32 $0x108;
	s8 =	sld [smem:$0x3FB0]  }
0x2e: {  	s3 =	simm.s32 @!p0 $0x1082;
	s9 =	sld [smem:$0x3FB1]  }
0x2f: {  	lr =	sadd.s32 s0, s3;
	s0 =	sld [smem:$0x3FA8]  }
0x30: {  	s3 =	sld [smem:$0x3FAB]  }
0x31: {  	[smem:$0x3FB4] =	sst s10  }
0x32: {  	s10 =	sld [smem:$0x3FB2];
	_ =	sdelay $0x3  }
0x33: {  	p0 =	seq.s32 s10, $0x1;
	s10 =	sld [smem:$0x3FB4];
	_ =	sdelay $0x3  }
0x34: {  	[smem:$0x3FB4] =	sst s10  }
0x35: {  	s10 =	sld [smem:$0x3FB3];
	_ =	sdelay $0x3  }
0x36: {  	p1 =	seq.s32 s10, $0x1;
	s10 =	sld [smem:$0x3FB4];
	_ =	sdelay $0x3  }
0x37: {  	[smem:$0x3FB4] =	sst s10  }
0x38: {  	s10 =	sld [smem:$0x3FB5]  }
0x39: {  	_ = 	snop;
	(pc) =	sbr.ind lr, $3  }
0x3a: {  	_ = 	snop  }
0x3b: {  	_ = 	snop  }
0x3c: {  	p2 =	seq.s32 s10, $0x1;
	s10 =	sld [smem:$0x3FB4]  }
0x3d: {  	_ =	shalt  }
0x3e: {  	_ =	shalt  }
0x3f: {  	_ =	shalt  }
0x40: {  	_ =	shalt  }
0x41: {  	_ =	shalt  }
0x42: {  	_ =	shalt  }
0x43: {  	_ =	shalt  }
0x44: {  	_ =	shalt  }
0x45: {  	_ =	shalt  }
0x46: {  	_ =	shalt  }
0x47: {  	_ =	shalt  }
0x48: {  	_ =	shalt  }
0x49: {  	_ =	shalt  }
0x4a: {  	_ =	shalt  }
0x4b: {  	_ =	shalt  }
0x4c: {  	_ =	shalt  }
0x4d: {  	_ =	shalt  }
0x4e: {  	_ =	shalt  }
0x4f: {  	_ =	shalt  }
0x50: {  	_ =	shalt  }
0x51: {  	_ =	shalt  }
0x52: {  	_ =	shalt  }
0x53: {  	_ =	shalt  }
0x54: {  	_ =	shalt  }
0x55: {  	_ =	shalt  }
0x56: {  	_ =	shalt  }
0x57: {  	_ =	shalt  }
0x58: {  	_ =	shalt  }
0x59: {  	_ =	shalt  }
0x5a: {  	_ =	shalt  }
0x5b: {  	_ =	shalt  }
0x5c: {  	_ =	shalt  }
0x5d: {  	_ =	shalt  }
0x5e: {  	_ =	shalt  }
0x5f: {  	_ =	shalt  }
0x60: {  	_ =	shalt  }
0x61: {  	_ =	shalt  }
0x62: {  	_ =	shalt  }
0x63: {  	_ =	shalt  }
0x64: {  	_ =	shalt  }
0x65: {  	_ =	shalt  }
0x66: {  	_ =	shalt  }
0x67: {  	_ =	shalt  }
0x68: {  	_ =	shalt  }
0x69: {  	_ =	shalt  }
0x6a: {  	_ =	shalt  }
0x6b: {  	_ =	shalt  }
0x6c: {  	_ =	shalt  }
0x6d: {  	_ =	shalt  }
0x6e: {  	_ =	shalt  }
0x6f: {  	_ =	shalt  }
0x70: {  	_ =	shalt  }
0x71: {  	_ =	shalt  }
0x72: {  	_ =	shalt  }
0x73: {  	_ =	shalt  }
0x74: {  	_ =	shalt  }
0x75: {  	_ =	shalt  }
0x76: {  	_ =	shalt  }
0x77: {  	_ =	shalt  }
0x78: {  	_ =	shalt  }
0x79: {  	_ =	shalt  }
0x7a: {  	_ =	shalt  }
0x7b: {  	_ =	shalt  }
0x7c: {  	_ =	shalt  }
0x7d: {  	_ =	shalt  }
0x7e: {  	_ =	shalt  }
0x7f: {  	_ =	shalt  }
0x80: {  	_ =	shalt  }
0x81: {  	_ =	shalt  }
0x82: {  	_ =	shalt  }
0x83: {  	_ =	shalt  }
0x84: {  	_ =	shalt  }
0x85: {  	_ =	shalt  }
0x86: {  	_ =	shalt  }
0x87: {  	_ =	shalt  }
.Lfunc_end0:
.L_simem_size_0:
called_computation.2_lowered:
.L_overlay_start_0:
0x88: {  	s2 =	sld [smem:$0x3FD9]  }
0x89: {  	s3 =	sld [smem:$0x3FFE];
	_ =	sdelay $0x1  }
0x8a: {  	s1 =	srdreg.scid  }
0x8b: {  	s0 =	sand.u32 $0x1, s1  }
0x8c: {  	s16 =	sshll.u32 s0, $0xA;
	s2 =	sadd.s32 s3, s2  }
0x8d: {  	s2 =	sadd.s32 s2, s16  }
0x8e: {  	[smem:$0x3FC0] =	sst s2  }
0x8f: {  	_ = 	snop  }
0x90: {  	(tm) =	ssettm $0x1  }
0x91: {  	s17 =	sld [smem:$0x3FFB];
	_ =	sdelay $0x3  }
0x92: {  	_ =	strace s17  }
0x93: {  	s2 =	sld [smem:$0x3FFC];
	_ =	sdelay $0x3  }
0x94: {  	_ =	strace s2  }
0x95: {  	s2 =	sld [smem:$0x3FFD];
	_ =	sdelay $0x3  }
0x96: {  	_ =	strace s2  }
0x97: {  	_ =	strace $0x8FFFFFFF  }
0x98: {  	s18 =	sld [smem:$0x3FDB];
	_ =	sdelay $0x1  }
0x99: {  	s19 =	simm.s32 $_scs_section_size  }
0x9a: {  	s4 =	simm.s32 $_size__tile_overlayer_lowered;
	s5 =	simm.s32 $_tile_overlayer_lowered  }
0x9b: {  	s22 =	simm.s32 $0x1BFF;
	s21 =	sshll.u32 s5, $0x1;
	s2 =	sadd.s32 s19, s18  }
0x9c: {  	s6 =	simm.s32 $0x0;
	s20 =	sshll.u32 s4, $0x1;
	s4 =	sadd.s32 s21, s2  }
0x9d: {  	[timem:s6], [sflag:s22] =	dma.local [hbm:s4], s20  }
0x9e: {  	_ =	swait.ge [sflag:s22], s20  }
0x9f: {  	s3 =	ssub.s32 $0x0, s20;
	[sflag:s22] =	ssyncset.done $0x0  }
0xa0: {  	[sflag:s22] =	ssyncadd.s32 s3;
	_ =	sdelay $0x1  }
0xa1: {  	s23 =	simm.s32 $0x1B8B  }
0xa2: {  	_ =	swait.ge [sflag:s23], $0x1  }
0xa3: {  	[sflag:s23] =	ssyncset.done $0x0  }
0xa4: {  	s25 =	simm.s32 $0x1B8E;
	s24 =	sld [smem:$0x3FFE];
	[sflag:s23] =	ssyncadd.s32 $0xFFFFFFFF  }
0xa5: {  	s26 =	simm.s32 $execute0_lowered;
	[smem:$0x3FD2] =	sst s25  }
0xa6: {  	s4 =	sshll.u32 s26, $0x1;
	_ =	strace $0x8000004C;
	[dreg:$0x1] =	wrdreg $0xFFFFFFFF  }
0xa7: {  	s28 =	simm.s32 $_size_execute0_lowered;
	s2 =	sadd.s32 s2, s4;
	[dreg:$0x0] =	wrdreg $0x0  }
0xa8: {  	s4 =	sshll.u32 s28, $0x1;
	[dreg:$0x2] =	wrdreg s2  }
0xa9: {  	[dreg:$0x3] =	wrdreg s4  }
0xaa: {  	[dreg:$0x4] =	wrdreg $0xC0  }
0xab: {  	_ =	task [dreg:s6], $0x5FFFF  }
0xac: {  	[dreg:$0x1] =	wrdreg $0xFFFFFFFF  }
0xad: {  	[dreg:$0x0] =	wrdreg $0x60  }
0xae: {  	[dreg:$0x2] =	wrdreg s24  }
0xaf: {  	[dreg:$0x3] =	wrdreg $0xD0000  }
0xb0: {  	[dreg:$0x4] =	wrdreg $0x9  }
0xb1: {  	_ =	task.clear_ibuf [dreg:s6], $0x5FFFF;
	_ =	strace $0x9000004C  }
0xb2: {  	s29 =	simm.s32 $0x9;
	_ =	strace $0x8000004E  }
0xb3: {  	_ =	swait.ge [sflag:s29], $0x1  }
0xb4: {  	[sflag:s29] =	ssyncadd.s32 $0xFFFFFFFF  }
0xb5: {  	_ =	strace $0x9000004E  }
0xb6: {  	_ =	sfence  }
0xb7: {  	s30 =	sld [smem:$0x0];
	_ =	sdelay $0x2  }
0xb8: {  	s31 =	sshll.u32 s1, $0xD;
	s1 =	sshrl.u32 s1, $0x2  }
0xb9: {  	s3 =	sand.u32 $0x4000, s31;
	s1 =	sadd.s32 s1, s30  }
0xba: {  	s0 =	sor.u32 s3, s0;
	s1 =	sshll.u32 s1, $0x11  }
0xbb: {  	s0 =	sor.u32 s1, s0  }
0xbc: {  	s0 =	sadd.s32 $0x8F2B, s0  }
0xbd: {  	[sflag:s0] =	ssyncadd.remote.s32 $0x1  }
0xbe: {  	_ =	sfence.sel $0xFFFF  }
0xbf: {  	[dreg:$0x0] =	wrdreg $0xFFFFFFFF;
	(pc) =	sbr.abs _section_cstart, $3  }
0xc0: {  	[dreg:$0x1] =	wrdreg $0xFFFFFFFF  }
0xc1: {  	_ =	task.clear_ibuf [dreg:s6], $0x2FFFF;
	_ =	strace $0x9FFFFFFF  }
0xc2: {  	(tm) =	ssettm $0x7FFFFFFF  }
0xc3: {  	_ =	shalt  }
tec
execute0_lowered:
.L_overlay_start_1:
0x0: {  	(tag) =	ssettag $0x1  }
0x1: {  	s0 =	srdreg.scid;
	s1 =	rddreg [dreg:$0x0]  }
0x2: {  	s9 =	stileid.u32;
	s2 =	rddreg [dreg:$0x1]  }
0x3: {  	s6 =	simm.s32 $0x0;
	s14 =	simm.s32 $0x80;
	s15 =	simm.s32 $0x5000  }
0x4: {  	s16 =	simm.s32 $0x6000;
	s18 =	simm.s32 $0x7000;
	s20 =	simm.s32 $0x8000  }
0x5: {  	s22 =	simm.s32 $0x9000;
	s29 =	simm.s32 $0xC000;
	s30 =	simm.s32 $0x1  }
0x6: {  	s31 =	simm.s32 $0x2;
	s13 =	simm.s32 $0x5;
	s17 =	simm.s32 $0x6  }
0x7: {  	s19 =	simm.s32 $0x7;
	s21 =	simm.s32 $0x8;
	s4 =	smul.u32 $0x2800, s9  }
0x8: {  	s28 =	simm.s32 $0xB;
	s0 =	sand.u32 $0x1, s0;
	s5 =	smul.u32 $0x5000, s9  }
0x9: {  	s10 =	simm.s32 $0x10;
	[smem:$0x7FF] =	sst s6;
	s3 =	smul.u32 $0x28000, s0  }
0xa: {  	s25 =	sshll.u32 s9, $0x6;
	s9 =	simm.s32 $0xF;
	s23 =	smul.u32 $0x50000, s0  }
0xb: {  	_ =	strace $0x8000004D;
	s0 =	ssub.s32 $0x2, s0;
	s11 =	sor.u32 $0x1C11, s25  }
0xc: {  	s25 =	simm.s32 $0xA;
	s7 =	sshrl.u32 s5, $0x3;
	s8 =	sshrl.u32 s0, $0x1  }
0xd: {  	[dreg:$0x4] =	wrdreg s11;
	s3 =	sadd.s32 s4, s3;
	s4 =	sadd.s32 $0x3F200, s1  }
0xe: {  	s6 =	sadd.s32 s5, s23;
	s7 =	sadd.s32 s7, s1;
	s0 =	ssub.s32 s0, s8  }
0xf: {  	s5 =	sadd.s32 s5, s2;
	s23 =	simm.s32 $0x9;
	s8 =	simm.s32 $0xE  }
0x10: {  	s3 =	sshrl.u32 s3, $0x3;
	s6 =	sshrl.u32 s6, $0x3;
	s24 =	sadd.s32 $0x49200, s7  }
0x11: {  	s0 =	smax.u32 s0, $0x1;
	s12 =	sshrl.u32 s5, $0x3;
	[dreg:$0x3] =	wrdreg s24  }
0x12: {  	s5 =	simm.s32 $0xC;
	s3 =	sadd.s32 s3, s1;
	[dreg:$0x8] =	wrdreg s0  }
0x13: {  	s1 =	sadd.s32 s6, s1;
	s6 =	simm.s32 $0x0;
	[dreg:$0x9] =	wrdreg s12  }
0x14: {  	s7 =	simm.s32 $0xD;
	s26 =	sadd.s32 $0xD200, s3;
	[dreg:$0xa] =	wrdreg s6  }
0x15: {  	s24 =	simm.s32 $0xA000;
	s3 =	sadd.s32 $0x2200, s3;
	[dreg:$0x5] =	wrdreg s26  }
0x16: {  	s0 =	simm.s32 $0x4;
	s1 =	sadd.s32 $0x53200, s1;
	[dreg:$0x6] =	wrdreg s3  }
0x17: {  	[dreg:$0x7] =	wrdreg s1;
	s26 =	simm.s32 $0xB000;
	s1 =	simm.s32 $0x3  }
.LBB2_1:
0x18: {  	s3 =	simm.s32 $0x11;
	s6 =	rddreg [dreg:$0x3]  }
0x19: {  	[spmem:s12], [sflag:s11] =	dma.local [hbm:s6], $0xA00  }
0x1a: {  	_ =	swait.ge [sflag:s3], $0xA00  }
0x1b: {  	[sflag:s3] =	ssyncset.done $0x0  }
0x1c: {  	s6 =	simm.s32 $0x0;
	s12 =	rddreg [dreg:$0x5];
	[sflag:s3] =	ssyncadd.s32 $0xFFFFF600  }
0x1d: {  	[tilespmem:s6], [sflag:$0x11] =	stream.linear.gather [hbm4b:s12+s6], $0x2800, $0x38;
	[tilespmem:$0x12000] =	vst v63  }
0x1e: {  	_ =	swait.ge [sflag:s3], $0x2800  }
0x1f: {  	[sflag:s3] =	ssyncset.done $0x0  }
0x20: {  	s12 =	simm.s32 $0x2800;
	s11 =	rddreg [dreg:$0x6];
	[sflag:s3] =	ssyncadd.s32 $0xFFFFD800  }
0x21: {  	[tilespmem:s12], [sflag:$0x11] =	stream.linear.gather [hbm4b:s11+s6], $0x2800, $0x38;
	[tilespmem:$0x12000] =	vst v63  }
0x22: {  	_ =	swait.ge [sflag:s3], $0x2800  }
0x23: {  	[sflag:s3] =	ssyncset.done $0x0  }
0x24: {  	[sflag:s3] =	ssyncadd.s32 $0xFFFFD800  }
0x25: {  	[bflag:$0x0] =	sbarrier.arrive $0xFFFF  }
0x26: {  	[tilespmem:s15], [sflag:$0x1] =	stream.indirect.gather [hbm4b:s4+s14], $0x20, s6, s14, $0xb8;
	[tilespmem:$0x12000] =	vst v63  }
0x27: {  	_ = 	snop  }
0x28: {  	[tilespmem:s16], [sflag:$0x2] =	stream.indirect.gather [hbm4b:s4+s14], $0x20, s14, s14, $0xb8;
	[tilespmem:$0x12000] =	vst v63  }
0x29: {  	s6 =	simm.s32 $0x100  }
0x2a: {  	[tilespmem:s18], [sflag:$0x3] =	stream.indirect.gather [hbm4b:s4+s14], $0x20, s6, s14, $0xb8;
	[tilespmem:$0x12000] =	vst v63  }
0x2b: {  	s11 =	simm.s32 $0x180  }
0x2c: {  	[tilespmem:s20], [sflag:$0x4] =	stream.indirect.gather [hbm4b:s4+s14], $0x20, s11, s14, $0xb8;
	[tilespmem:$0x12000] =	vst v63  }
0x2d: {  	s12 =	simm.s32 $0x200  }
0x2e: {  	[tilespmem:s22], [sflag:$0x5] =	stream.indirect.gather [hbm4b:s4+s14], $0x20, s12, s14, $0xb8;
	[tilespmem:$0x12000] =	vst v63  }
0x2f: {  	s6 =	simm.s32 $0x280  }
0x30: {  	[tilespmem:s24], [sflag:$0x6] =	stream.indirect.gather [hbm4b:s4+s14], $0x20, s6, s14, $0xb8;
	[tilespmem:$0x12000] =	vst v63  }
0x31: {  	s11 =	simm.s32 $0x300  }
0x32: {  	[tilespmem:s26], [sflag:$0x7] =	stream.indirect.gather [hbm4b:s4+s14], $0x20, s11, s14, $0xb8;
	[tilespmem:$0x12000] =	vst v63  }
0x33: {  	s12 =	simm.s32 $0x380  }
0x34: {  	[tilespmem:s29], [sflag:$0x8] =	stream.indirect.gather [hbm4b:s4+s14], $0x20, s12, s14, $0xb8;
	[tilespmem:$0x12000] =	vst v63  }
0x35: {  	_ =	swait.ge [sflag:s30], $0x1000  }
0x36: {  	[sflag:s30] =	ssyncset.done $0x0  }
0x37: {  	s3 =	simm.s32 $0x2800;
	[sflag:s30] =	ssyncadd.s32 $0xFFFFF000  }
0x38: {  	[spmem:s2] =	stream.indirect.scatter.add.f32 [tilespmem:s15], [sflag:$0x9], $0x20, s3, s14, $0xb8;
	[tilespmem:$0x12000] =	vst v63  }
0x39: {  	_ =	swait.ge [sflag:s31], $0x1000  }
0x3a: {  	[sflag:s31] =	ssyncset.done $0x0  }
0x3b: {  	s11 =	simm.s32 $0x2880;
	[sflag:s31] =	ssyncadd.s32 $0xFFFFF000  }
0x3c: {  	[spmem:s2] =	stream.indirect.scatter.add.f32 [tilespmem:s16], [sflag:$0xA], $0x20, s11, s14, $0xb8;
	[tilespmem:$0x12000] =	vst v63  }
0x3d: {  	_ =	swait.ge [sflag:s1], $0x1000  }
0x3e: {  	[sflag:s1] =	ssyncset.done $0x0  }
0x3f: {  	s12 =	simm.s32 $0x2900;
	[sflag:s1] =	ssyncadd.s32 $0xFFFFF000  }
0x40: {  	[spmem:s2] =	stream.indirect.scatter.add.f32 [tilespmem:s18], [sflag:$0xB], $0x20, s12, s14, $0xb8;
	[tilespmem:$0x12000] =	vst v63  }
0x41: {  	_ =	swait.ge [sflag:s0], $0x1000  }
0x42: {  	[sflag:s0] =	ssyncset.done $0x0  }
0x43: {  	s3 =	simm.s32 $0x2980;
	[sflag:s0] =	ssyncadd.s32 $0xFFFFF000  }
0x44: {  	[spmem:s2] =	stream.indirect.scatter.add.f32 [tilespmem:s20], [sflag:$0xC], $0x20, s3, s14, $0xb8;
	[tilespmem:$0x12000] =	vst v63  }
0x45: {  	_ =	swait.ge [sflag:s13], $0x1000  }
0x46: {  	[sflag:s13] =	ssyncset.done $0x0  }
0x47: {  	s11 =	simm.s32 $0x2A00;
	[sflag:s13] =	ssyncadd.s32 $0xFFFFF000  }
0x48: {  	[spmem:s2] =	stream.indirect.scatter.add.f32 [tilespmem:s22], [sflag:$0xD], $0x20, s11, s14, $0xb8;
	[tilespmem:$0x12000] =	vst v63  }
0x49: {  	_ =	swait.ge [sflag:s17], $0x1000  }
0x4a: {  	[sflag:s17] =	ssyncset.done $0x0  }
0x4b: {  	s12 =	simm.s32 $0x2A80;
	[sflag:s17] =	ssyncadd.s32 $0xFFFFF000  }
0x4c: {  	[spmem:s2] =	stream.indirect.scatter.add.f32 [tilespmem:s24], [sflag:$0xE], $0x20, s12, s14, $0xb8;
	[tilespmem:$0x12000] =	vst v63  }
0x4d: {  	_ =	swait.ge [sflag:s19], $0x1000  }
0x4e: {  	[sflag:s19] =	ssyncset.done $0x0  }
0x4f: {  	s3 =	simm.s32 $0x2B00;
	[sflag:s19] =	ssyncadd.s32 $0xFFFFF000  }
0x50: {  	[spmem:s2] =	stream.indirect.scatter.add.f32 [tilespmem:s26], [sflag:$0xF], $0x20, s3, s14, $0xb8;
	[tilespmem:$0x12000] =	vst v63  }
0x51: {  	_ =	swait.ge [sflag:s21], $0x1000  }
0x52: {  	[sflag:s21] =	ssyncset.done $0x0  }
0x53: {  	s11 =	simm.s32 $0x2B80;
	[sflag:s21] =	ssyncadd.s32 $0xFFFFF000  }
0x54: {  	[spmem:s2] =	stream.indirect.scatter.add.f32 [tilespmem:s29], [sflag:$0x10], $0x20, s11, s14, $0xb8;
	[tilespmem:$0x12000] =	vst v63  }
0x55: {  	_ =	swait.ge [sflag:s23], $0x1000  }
0x56: {  	[sflag:s23] =	ssyncset.done $0x0  }
0x57: {  	s12 =	simm.s32 $0x400;
	[sflag:s23] =	ssyncadd.s32 $0xFFFFF000  }
0x58: {  	[tilespmem:s15], [sflag:$0x1] =	stream.indirect.gather [hbm4b:s4+s14], $0x20, s12, s14, $0xb8;
	[tilespmem:$0x12000] =	vst v63  }
0x59: {  	_ =	swait.ge [sflag:s25], $0x1000  }
0x5a: {  	[sflag:s25] =	ssyncset.done $0x0  }
0x5b: {  	s3 =	simm.s32 $0x480;
	[sflag:s25] =	ssyncadd.s32 $0xFFFFF000  }
0x5c: {  	[tilespmem:s16], [sflag:$0x2] =	stream.indirect.gather [hbm4b:s4+s14], $0x20, s3, s14, $0xb8;
	[tilespmem:$0x12000] =	vst v63  }
0x5d: {  	_ =	swait.ge [sflag:s28], $0x1000  }
0x5e: {  	[sflag:s28] =	ssyncset.done $0x0  }
0x5f: {  	s11 =	simm.s32 $0x500;
	[sflag:s28] =	ssyncadd.s32 $0xFFFFF000  }
0x60: {  	[tilespmem:s18], [sflag:$0x3] =	stream.indirect.gather [hbm4b:s4+s14], $0x20, s11, s14, $0xb8;
	[tilespmem:$0x12000] =	vst v63  }
0x61: {  	_ =	swait.ge [sflag:s5], $0x1000  }
0x62: {  	[sflag:s5] =	ssyncset.done $0x0  }
0x63: {  	s12 =	simm.s32 $0x580;
	[sflag:s5] =	ssyncadd.s32 $0xFFFFF000  }
0x64: {  	[tilespmem:s20], [sflag:$0x4] =	stream.indirect.gather [hbm4b:s4+s14], $0x20, s12, s14, $0xb8;
	[tilespmem:$0x12000] =	vst v63  }
0x65: {  	_ =	swait.ge [sflag:s7], $0x1000  }
0x66: {  	[sflag:s7] =	ssyncset.done $0x0  }
0x67: {  	s3 =	simm.s32 $0x600;
	[sflag:s7] =	ssyncadd.s32 $0xFFFFF000  }
0x68: {  	[tilespmem:s22], [sflag:$0x5] =	stream.indirect.gather [hbm4b:s4+s14], $0x20, s3, s14, $0xb8;
	[tilespmem:$0x12000] =	vst v63  }
0x69: {  	_ =	swait.ge [sflag:s8], $0x1000  }
0x6a: {  	[sflag:s8] =	ssyncset.done $0x0  }
0x6b: {  	s11 =	simm.s32 $0x680;
	[sflag:s8] =	ssyncadd.s32 $0xFFFFF000  }
0x6c: {  	[tilespmem:s24], [sflag:$0x6] =	stream.indirect.gather [hbm4b:s4+s14], $0x20, s11, s14, $0xb8;
	[tilespmem:$0x12000] =	vst v63  }
0x6d: {  	_ =	swait.ge [sflag:s9], $0x1000  }
0x6e: {  	[sflag:s9] =	ssyncset.done $0x0  }
0x6f: {  	s12 =	simm.s32 $0x700;
	[sflag:s9] =	ssyncadd.s32 $0xFFFFF000  }
0x70: {  	[tilespmem:s26], [sflag:$0x7] =	stream.indirect.gather [hbm4b:s4+s14], $0x20, s12, s14, $0xb8;
	[tilespmem:$0x12000] =	vst v63  }
0x71: {  	_ =	swait.ge [sflag:s10], $0x1000  }
0x72: {  	[sflag:s10] =	ssyncset.done $0x0  }
0x73: {  	s6 =	simm.s32 $0x1000;
	s11 =	simm.s32 $0x780;
	[sflag:s10] =	ssyncadd.s32 $0xFFFFF000  }
.LBB2_2:
0x74: {  	[tilespmem:s29], [sflag:$0x8] =	stream.indirect.gather [hbm4b:s4+s14], $0x20, s11, s14, $0xb8;
	[tilespmem:$0x12000] =	vst v63  }
0x75: {  	s11 =	smov.u32 s6  }
0x76: {  	p0 =	sne.s32 s6, $0x8000;
	s6 =	sadd.s32 $0x1000, s6;
	_ =	swait.ge [sflag:s30], $0x1000  }
0x77: {  	s11 =	sshra.s32 s11, $0x2;
	[sflag:s30] =	ssyncset.done $0x0  }
0x78: {  	s12 =	sadd.s32 $0x2800, s11;
	[sflag:s30] =	ssyncadd.s32 $0xFFFFF000  }
0x79: {  	[spmem:s2] =	stream.indirect.scatter.add.f32 [tilespmem:s15], [sflag:$0x9], $0x20, s12, s14, $0xb8;
	[tilespmem:$0x12000] =	vst v63  }
0x7a: {  	_ =	swait.ge [sflag:s31], $0x1000  }
0x7b: {  	[sflag:s31] =	ssyncset.done $0x0  }
0x7c: {  	s12 =	sadd.s32 $0x2880, s11;
	[sflag:s31] =	ssyncadd.s32 $0xFFFFF000  }
0x7d: {  	[spmem:s2] =	stream.indirect.scatter.add.f32 [tilespmem:s16], [sflag:$0xA], $0x20, s12, s14, $0xb8;
	[tilespmem:$0x12000] =	vst v63  }
0x7e: {  	_ =	swait.ge [sflag:s1], $0x1000  }
0x7f: {  	[sflag:s1] =	ssyncset.done $0x0  }
0x80: {  	s12 =	sadd.s32 $0x2900, s11;
	[sflag:s1] =	ssyncadd.s32 $0xFFFFF000  }
0x81: {  	[spmem:s2] =	stream.indirect.scatter.add.f32 [tilespmem:s18], [sflag:$0xB], $0x20, s12, s14, $0xb8;
	[tilespmem:$0x12000] =	vst v63  }
0x82: {  	_ =	swait.ge [sflag:s0], $0x1000  }
0x83: {  	[sflag:s0] =	ssyncset.done $0x0  }
0x84: {  	s12 =	sadd.s32 $0x2980, s11;
	[sflag:s0] =	ssyncadd.s32 $0xFFFFF000  }
0x85: {  	[spmem:s2] =	stream.indirect.scatter.add.f32 [tilespmem:s20], [sflag:$0xC], $0x20, s12, s14, $0xb8;
	[tilespmem:$0x12000] =	vst v63  }
0x86: {  	_ =	swait.ge [sflag:s13], $0x1000  }
0x87: {  	[sflag:s13] =	ssyncset.done $0x0  }
0x88: {  	s12 =	sadd.s32 $0x2A00, s11;
	[sflag:s13] =	ssyncadd.s32 $0xFFFFF000  }
0x89: {  	[spmem:s2] =	stream.indirect.scatter.add.f32 [tilespmem:s22], [sflag:$0xD], $0x20, s12, s14, $0xb8;
	[tilespmem:$0x12000] =	vst v63  }
0x8a: {  	_ =	swait.ge [sflag:s17], $0x1000  }
0x8b: {  	[sflag:s17] =	ssyncset.done $0x0  }
0x8c: {  	s12 =	sadd.s32 $0x2A80, s11;
	[sflag:s17] =	ssyncadd.s32 $0xFFFFF000  }
0x8d: {  	[spmem:s2] =	stream.indirect.scatter.add.f32 [tilespmem:s24], [sflag:$0xE], $0x20, s12, s14, $0xb8;
	[tilespmem:$0x12000] =	vst v63  }
0x8e: {  	_ =	swait.ge [sflag:s19], $0x1000  }
0x8f: {  	[sflag:s19] =	ssyncset.done $0x0  }
0x90: {  	s12 =	sadd.s32 $0x2B00, s11;
	[sflag:s19] =	ssyncadd.s32 $0xFFFFF000  }
0x91: {  	[spmem:s2] =	stream.indirect.scatter.add.f32 [tilespmem:s26], [sflag:$0xF], $0x20, s12, s14, $0xb8;
	[tilespmem:$0x12000] =	vst v63  }
0x92: {  	_ =	swait.ge [sflag:s21], $0x1000  }
0x93: {  	[sflag:s21] =	ssyncset.done $0x0  }
0x94: {  	s12 =	sadd.s32 $0x2B80, s11;
	[sflag:s21] =	ssyncadd.s32 $0xFFFFF000  }
0x95: {  	[spmem:s2] =	stream.indirect.scatter.add.f32 [tilespmem:s29], [sflag:$0x10], $0x20, s12, s14, $0xb8;
	[tilespmem:$0x12000] =	vst v63  }
0x96: {  	_ =	swait.ge [sflag:s23], $0x1000  }
0x97: {  	[sflag:s23] =	ssyncset.done $0x0  }
0x98: {  	s12 =	sadd.s32 $0x400, s11;
	[sflag:s23] =	ssyncadd.s32 $0xFFFFF000  }
0x99: {  	[tilespmem:s15], [sflag:$0x1] =	stream.indirect.gather [hbm4b:s4+s14], $0x20, s12, s14, $0xb8;
	[tilespmem:$0x12000] =	vst v63  }
0x9a: {  	_ =	swait.ge [sflag:s25], $0x1000  }
0x9b: {  	[sflag:s25] =	ssyncset.done $0x0  }
0x9c: {  	s12 =	sadd.s32 $0x480, s11;
	[sflag:s25] =	ssyncadd.s32 $0xFFFFF000  }
0x9d: {  	[tilespmem:s16], [sflag:$0x2] =	stream.indirect.gather [hbm4b:s4+s14], $0x20, s12, s14, $0xb8;
	[tilespmem:$0x12000] =	vst v63  }
0x9e: {  	_ =	swait.ge [sflag:s28], $0x1000  }
0x9f: {  	[sflag:s28] =	ssyncset.done $0x0  }
0xa0: {  	s12 =	sadd.s32 $0x500, s11;
	[sflag:s28] =	ssyncadd.s32 $0xFFFFF000  }
0xa1: {  	[tilespmem:s18], [sflag:$0x3] =	stream.indirect.gather [hbm4b:s4+s14], $0x20, s12, s14, $0xb8;
	[tilespmem:$0x12000] =	vst v63  }
0xa2: {  	_ =	swait.ge [sflag:s5], $0x1000  }
0xa3: {  	[sflag:s5] =	ssyncset.done $0x0  }
0xa4: {  	s12 =	sadd.s32 $0x580, s11;
	[sflag:s5] =	ssyncadd.s32 $0xFFFFF000  }
0xa5: {  	[tilespmem:s20], [sflag:$0x4] =	stream.indirect.gather [hbm4b:s4+s14], $0x20, s12, s14, $0xb8;
	[tilespmem:$0x12000] =	vst v63  }
0xa6: {  	_ =	swait.ge [sflag:s7], $0x1000  }
0xa7: {  	[sflag:s7] =	ssyncset.done $0x0  }
0xa8: {  	s12 =	sadd.s32 $0x600, s11;
	[sflag:s7] =	ssyncadd.s32 $0xFFFFF000  }
0xa9: {  	[tilespmem:s22], [sflag:$0x5] =	stream.indirect.gather [hbm4b:s4+s14], $0x20, s12, s14, $0xb8;
	[tilespmem:$0x12000] =	vst v63  }
0xaa: {  	_ =	swait.ge [sflag:s8], $0x1000  }
0xab: {  	[sflag:s8] =	ssyncset.done $0x0  }
0xac: {  	s12 =	sadd.s32 $0x680, s11;
	[sflag:s8] =	ssyncadd.s32 $0xFFFFF000  }
0xad: {  	[tilespmem:s24], [sflag:$0x6] =	stream.indirect.gather [hbm4b:s4+s14], $0x20, s12, s14, $0xb8;
	[tilespmem:$0x12000] =	vst v63  }
0xae: {  	_ =	swait.ge [sflag:s9], $0x1000  }
0xaf: {  	[sflag:s9] =	ssyncset.done $0x0  }
.Ltmp0:
0xb0: {  	s12 =	sadd.s32 $0x700, s11;
	[sflag:s9] =	ssyncadd.s32 $0xFFFFF000;
	(pc) =	sbr.rel @p0 .LBB2_2-.Ltmp0, $4  }
0xb1: {  	[tilespmem:s26], [sflag:$0x7] =	stream.indirect.gather [hbm4b:s4+s14], $0x20, s12, s14, $0xb8;
	[tilespmem:$0x12000] =	vst v63  }
0xb2: {  	_ =	swait.ge [sflag:s10], $0x1000  }
0xb3: {  	[sflag:s10] =	ssyncset.done $0x0  }
0xb4: {  	s11 =	sadd.s32 $0x780, s11;
	[sflag:s10] =	ssyncadd.s32 $0xFFFFF000  }
0xb5: {  	[tilespmem:s29], [sflag:$0x8] =	stream.indirect.gather [hbm4b:s4+s14], $0x20, s11, s14, $0xb8;
	[tilespmem:$0x12000] =	vst v63  }
0xb6: {  	_ =	swait.ge [sflag:s30], $0x1000  }
0xb7: {  	[sflag:s30] =	ssyncset.done $0x0  }
0xb8: {  	s3 =	simm.s32 $0x4C00;
	[sflag:s30] =	ssyncadd.s32 $0xFFFFF000  }
0xb9: {  	[spmem:s2] =	stream.indirect.scatter.add.f32 [tilespmem:s15], [sflag:$0x9], $0x20, s3, s14, $0xb8;
	[tilespmem:$0x12000] =	vst v63  }
0xba: {  	_ =	swait.ge [sflag:s31], $0x1000  }
0xbb: {  	[sflag:s31] =	ssyncset.done $0x0  }
0xbc: {  	s12 =	simm.s32 $0x4C80;
	[sflag:s31] =	ssyncadd.s32 $0xFFFFF000  }
0xbd: {  	[spmem:s2] =	stream.indirect.scatter.add.f32 [tilespmem:s16], [sflag:$0xA], $0x20, s12, s14, $0xb8;
	[tilespmem:$0x12000] =	vst v63  }
0xbe: {  	_ =	swait.ge [sflag:s1], $0x1000  }
0xbf: {  	[sflag:s1] =	ssyncset.done $0x0  }
0xc0: {  	s6 =	simm.s32 $0x4D00;
	[sflag:s1] =	ssyncadd.s32 $0xFFFFF000  }
0xc1: {  	[spmem:s2] =	stream.indirect.scatter.add.f32 [tilespmem:s18], [sflag:$0xB], $0x20, s6, s14, $0xb8;
	[tilespmem:$0x12000] =	vst v63  }
0xc2: {  	_ =	swait.ge [sflag:s0], $0x1000  }
0xc3: {  	[sflag:s0] =	ssyncset.done $0x0  }
0xc4: {  	s11 =	simm.s32 $0x4D80;
	[sflag:s0] =	ssyncadd.s32 $0xFFFFF000  }
0xc5: {  	[spmem:s2] =	stream.indirect.scatter.add.f32 [tilespmem:s20], [sflag:$0xC], $0x20, s11, s14, $0xb8;
	[tilespmem:$0x12000] =	vst v63  }
0xc6: {  	_ =	swait.ge [sflag:s13], $0x1000  }
0xc7: {  	[sflag:s13] =	ssyncset.done $0x0  }
0xc8: {  	s12 =	simm.s32 $0x4E00;
	[sflag:s13] =	ssyncadd.s32 $0xFFFFF000  }
0xc9: {  	[spmem:s2] =	stream.indirect.scatter.add.f32 [tilespmem:s22], [sflag:$0xD], $0x20, s12, s14, $0xb8;
	[tilespmem:$0x12000] =	vst v63  }
0xca: {  	_ =	swait.ge [sflag:s17], $0x1000  }
0xcb: {  	[sflag:s17] =	ssyncset.done $0x0  }
0xcc: {  	s6 =	simm.s32 $0x4E80;
	[sflag:s17] =	ssyncadd.s32 $0xFFFFF000  }
0xcd: {  	[spmem:s2] =	stream.indirect.scatter.add.f32 [tilespmem:s24], [sflag:$0xE], $0x20, s6, s14, $0xb8;
	[tilespmem:$0x12000] =	vst v63  }
0xce: {  	_ =	swait.ge [sflag:s19], $0x1000  }
0xcf: {  	[sflag:s19] =	ssyncset.done $0x0  }
0xd0: {  	s11 =	simm.s32 $0x4F00;
	[sflag:s19] =	ssyncadd.s32 $0xFFFFF000  }
0xd1: {  	[spmem:s2] =	stream.indirect.scatter.add.f32 [tilespmem:s26], [sflag:$0xF], $0x20, s11, s14, $0xb8;
	[tilespmem:$0x12000] =	vst v63  }
0xd2: {  	_ =	swait.ge [sflag:s21], $0x1000  }
0xd3: {  	[sflag:s21] =	ssyncset.done $0x0  }
0xd4: {  	s12 =	simm.s32 $0x4F80;
	[sflag:s21] =	ssyncadd.s32 $0xFFFFF000  }
0xd5: {  	[spmem:s2] =	stream.indirect.scatter.add.f32 [tilespmem:s29], [sflag:$0x10], $0x20, s12, s14, $0xb8;
	[tilespmem:$0x12000] =	vst v63  }
0xd6: {  	_ =	swait.ge [sflag:s23], $0x1000  }
0xd7: {  	[sflag:s23] =	ssyncset.done $0x0  }
0xd8: {  	[sflag:s23] =	ssyncadd.s32 $0xFFFFF000  }
0xd9: {  	_ =	swait.ge [sflag:s25], $0x1000  }
0xda: {  	[sflag:s25] =	ssyncset.done $0x0  }
0xdb: {  	[sflag:s25] =	ssyncadd.s32 $0xFFFFF000  }
0xdc: {  	_ =	swait.ge [sflag:s28], $0x1000  }
0xdd: {  	[sflag:s28] =	ssyncset.done $0x0  }
0xde: {  	[sflag:s28] =	ssyncadd.s32 $0xFFFFF000  }
0xdf: {  	_ =	swait.ge [sflag:s5], $0x1000  }
0xe0: {  	[sflag:s5] =	ssyncset.done $0x0  }
0xe1: {  	[sflag:s5] =	ssyncadd.s32 $0xFFFFF000  }
0xe2: {  	_ =	swait.ge [sflag:s7], $0x1000  }
0xe3: {  	[sflag:s7] =	ssyncset.done $0x0  }
0xe4: {  	[sflag:s7] =	ssyncadd.s32 $0xFFFFF000  }
0xe5: {  	_ =	swait.ge [sflag:s8], $0x1000  }
0xe6: {  	[sflag:s8] =	ssyncset.done $0x0  }
0xe7: {  	[sflag:s8] =	ssyncadd.s32 $0xFFFFF000  }
0xe8: {  	_ =	swait.ge [sflag:s9], $0x1000  }
0xe9: {  	[sflag:s9] =	ssyncset.done $0x0  }
0xea: {  	[sflag:s9] =	ssyncadd.s32 $0xFFFFF000  }
0xeb: {  	_ =	swait.ge [sflag:s10], $0x1000  }
0xec: {  	[sflag:s10] =	ssyncset.done $0x0  }
0xed: {  	[sflag:s10] =	ssyncadd.s32 $0xFFFFF000  }
0xee: {  	[bflag:$0x0] =	sbarrier.arrive $0xFFFF  }
0xef: {  	s11 =	rddreg [dreg:$0x4]  }
0xf0: {  	s6 =	rddreg [dreg:$0x7]  }
0xf1: {  	s12 =	rddreg [dreg:$0x9]  }
0xf2: {  	[hbm:s6], [sflag:s11] =	dma.local [spmem:s12], $0xA00  }
0xf3: {  	s6 =	simm.s32 $0x11  }
0xf4: {  	_ =	swait.ge [sflag:s6], $0xA00  }
0xf5: {  	s3 =	rddreg [dreg:$0xa]  }
0xf6: {  	[sflag:s6] =	ssyncset.done $0x0;
	s6 =	rddreg [dreg:$0x8];
	s3 =	sadd.s32 $0x1, s3  }
0xf7: {  	p0 =	sne.s32 s3, s6  }
.Ltmp1:
0xf8: {  	_ = 	snop;
	(pc) =	sbr.rel @p0 .LBB2_1-.Ltmp1, $3  }
0xf9: {  	_ =	sdelay $0x1  }
0xfa: {  	s6 =	simm.s32 $0x11  }
0xfb: {  	[dreg:$0xa] =	wrdreg s3;
	[sflag:s6] =	ssyncadd.s32 $0xFFFFF600  }
0xfc: {  	_ =	sfence.sel $0x180000  }
0xfd: {  	[bflag:$0x0] =	sbarrier.arrive $0xFFFF  }
0xfe: {  	_ =	strace $0x9000004D  }
0xff: {  	s0 =	stileid.u32;
	[bflag:$0x2] =	sbarrier.arrive $0xFFFF  }
0x100: {  	p0 =	sne.s32 s0, $0x0;
	s0 =	rddreg [dreg:$0x2]  }
0x101: {  	s0 =	sadd.s32 @!p0 $0x100000, s0  }
0x102: {  	[sflag:s0] =	ssyncadd.tile.s32 @!p0 $0x1;
	_ =	shalt  }
.Lfunc_end2:
_tile_overlayer_lowered:
.L_overlay_start_2:
0x103: {  	(tag) =	ssettag $0x2  }
0x104: {  	s0 =	rddreg [dreg:$0x0];
	s2 =	stileid.u32  }
0x105: {  	s1 =	rddreg [dreg:$0x1];
	p0 =	sne.s32 s2, $0x0  }
0x106: {  	s3 =	rddreg [dreg:$0x2];
	[bflag:$0x3] =	sbarrier.arrive $0xFFFF;
	s2 =	simm.s32 @!p0 $0x1C11  }
0x107: {  	[timem:s3], [sflag:s2] =	dma.local @!p0 [hbm:s0], s1  }
0x108: {  	s0 =	simm.s32 @!p0 $0x11  }
0x109: {  	_ =	swait.ge @!p0 [sflag:s0], s1  }
0x10a: {  	s1 =	ssub.s32 @!p0 $0x0, s1;
	[sflag:s0] =	ssyncset.done @!p0 $0x0  }
0x10b: {  	[sflag:s0] =	ssyncadd.s32 @!p0 s1  }
0x10c: {  	[bflag:$0x3] =	sbarrier.arrive $0xFFFF  }
0x10d: {  	_ =	shalt  }

// kernel: kernel.9.cloned.1.call-start
scs
__scs_entry_jumppad:
0x0: {  	(pc) =	sbr.rel $0x88, $3  }
0x1: {  	(tag) =	ssettag $0x0;
	lr =	simm.s32 $0x1  }
0x2: {  	[smem:$0x3F99] =	sst lr;
	_ =	strace $0xD0000000  }
0x3: {  	_ = 	snop  }
0x4: {  	_ = 	snop  }
0x5: {  	_ = 	snop  }
0x6: {  	_ = 	snop  }
0x7: {  	_ = 	snop  }
__scs_overlays_trampoline_lowered:
0x8: {  	[smem:$0x3FA8] =	sst s0  }
0x9: {  	[smem:$0x3FA9] =	sst s1  }
0xa: {  	[smem:$0x3FAA] =	sst s2  }
0xb: {  	[smem:$0x3FAB] =	sst s3  }
0xc: {  	[smem:$0x3FAC] =	sst s4  }
0xd: {  	[smem:$0x3FAD] =	sst s5  }
0xe: {  	[smem:$0x3FAE] =	sst s6  }
0xf: {  	[smem:$0x3FAF] =	sst s7  }
0x10: {  	[smem:$0x3FB0] =	sst s8  }
0x11: {  	[smem:$0x3FB1] =	sst s9;
	s0 =	simm.s32 @!p0 $0x0  }
0x12: {  	s1 =	sld [smem:$0x3F97];
	s0 =	simm.s32 @p0 $0x1  }
0x13: {  	[smem:$0x3FB2] =	sst s0;
	s0 =	simm.s32 @!p1 $0x0  }
0x14: {  	s2 =	sld [smem:$0x3F96];
	s0 =	simm.s32 @p1 $0x1  }
0x15: {  	[smem:$0x3FB3] =	sst s0;
	s0 =	simm.s32 @!p2 $0x0  }
0x16: {  	s3 =	sld [smem:$0x3FDB];
	s0 =	simm.s32 @p2 $0x1  }
0x17: {  	s4 =	simm.s32 $0x1BF5;
	[smem:$0x3FB5] =	sst s0  }
0x18: {  	s0 =	sld [smem:$0x3F98];
	_ =	swait.ge [sflag:s4], $0x0  }
0x19: {  	s7 =	sld [smem:$0x3F99]  }
0x1a: {  	s8 =	sadd.s32 $0xFFFFE003, lr  }
0x1b: {  	s9 =	sadd.s32 $0xFFFFFEF7, lr;
	s5 =	simm.s32 $0xFFFFFFFF;
	p2 =	slt.u32 s8, $0xFFFFF086  }
0x1c: {  	p1 =	slt.u32 s9, $0xF7A;
	s5 =	simm.s32 @!p2 $0x0  }
0x1d: {  	s5 =	simm.s32 @p1 $0x1;
	p0 =	seq.s32 s7, s2  }
0x1e: {  	s7 =	smul.u32 @!p0 $0xF7A, s2;
	p2 =	seq.s32 @!p0 s5, $0x0  }
0x1f: {  	s9 =	smul.u32 $0xF7A, s1;
	s8 =	simm.s32 @!p0 $0x1BF5;
	p2 =	por !p2, p0  }
0x20: {  	[sflag:s8] =	ssyncset.s32 @!p0 $0xFFFFF086;
	s6 =	sadd.s32 @!p0 s3, s7;
	s7 =	simm.s32 @!p0 $0x108  }
0x21: {  	s3 =	sadd.s32 s3, s9;
	s6 =	sadd.s32 @!p0 $0x88, s6;
	s7 =	simm.s32 @p2 $0x1082  }
0x22: {  	[simem:s7], [sflag:s8] =	dma.local @!p0 [hbm:s6], $0xF7A  }
0x23: {  	s9 =	sor.u32 $0xD0000000, s2;
	s6 =	simm.s32 $0x108;
	_ =	swait.ge @!p0 [sflag:s8], $0x0  }
0x24: {  	s3 =	sadd.s32 $0x88, s3;
	s6 =	simm.s32 @!p1 $0x1082;
	[sflag:s4] =	ssyncset.s32 $0xFFFFF086  }
0x25: {  	[simem:s6], [sflag:s4] =	dma.local [hbm:s3], $0xF7A  }
0x26: {  	[smem:$0x3F99] =	sst s1;
	(tag) =	ssettag s2;
	_ =	strace s9  }
0x27: {  	s1 =	sld [smem:$0x3FA9]  }
0x28: {  	s2 =	sld [smem:$0x3FAA]  }
0x29: {  	s4 =	sld [smem:$0x3FAC]  }
0x2a: {  	p0 =	seq.s32 s5, $0x0;
	s5 =	sld [smem:$0x3FAD]  }
0x2b: {  	s6 =	sld [smem:$0x3FAE]  }
0x2c: {  	s7 =	sld [smem:$0x3FAF]  }
0x2d: {  	s3 =	simm.s32 $0x108;
	s8 =	sld [smem:$0x3FB0]  }
0x2e: {  	s3 =	simm.s32 @!p0 $0x1082;
	s9 =	sld [smem:$0x3FB1]  }
0x2f: {  	lr =	sadd.s32 s0, s3;
	s0 =	sld [smem:$0x3FA8]  }
0x30: {  	s3 =	sld [smem:$0x3FAB]  }
0x31: {  	[smem:$0x3FB4] =	sst s10  }
0x32: {  	s10 =	sld [smem:$0x3FB2];
	_ =	sdelay $0x3  }
0x33: {  	p0 =	seq.s32 s10, $0x1;
	s10 =	sld [smem:$0x3FB4];
	_ =	sdelay $0x3  }
0x34: {  	[smem:$0x3FB4] =	sst s10  }
0x35: {  	s10 =	sld [smem:$0x3FB3];
	_ =	sdelay $0x3  }
0x36: {  	p1 =	seq.s32 s10, $0x1;
	s10 =	sld [smem:$0x3FB4];
	_ =	sdelay $0x3  }
0x37: {  	[smem:$0x3FB4] =	sst s10  }
0x38: {  	s10 =	sld [smem:$0x3FB5]  }
0x39: {  	_ = 	snop;
	(pc) =	sbr.ind lr, $3  }
0x3a: {  	_ = 	snop  }
0x3b: {  	_ = 	snop  }
0x3c: {  	p2 =	seq.s32 s10, $0x1;
	s10 =	sld [smem:$0x3FB4]  }
0x3d: {  	_ =	shalt  }
0x3e: {  	_ =	shalt  }
0x3f: {  	_ =	shalt  }
0x40: {  	_ =	shalt  }
0x41: {  	_ =	shalt  }
0x42: {  	_ =	shalt  }
0x43: {  	_ =	shalt  }
0x44: {  	_ =	shalt  }
0x45: {  	_ =	shalt  }
0x46: {  	_ =	shalt  }
0x47: {  	_ =	shalt  }
0x48: {  	_ =	shalt  }
0x49: {  	_ =	shalt  }
0x4a: {  	_ =	shalt  }
0x4b: {  	_ =	shalt  }
0x4c: {  	_ =	shalt  }
0x4d: {  	_ =	shalt  }
0x4e: {  	_ =	shalt  }
0x4f: {  	_ =	shalt  }
0x50: {  	_ =	shalt  }
0x51: {  	_ =	shalt  }
0x52: {  	_ =	shalt  }
0x53: {  	_ =	shalt  }
0x54: {  	_ =	shalt  }
0x55: {  	_ =	shalt  }
0x56: {  	_ =	shalt  }
0x57: {  	_ =	shalt  }
0x58: {  	_ =	shalt  }
0x59: {  	_ =	shalt  }
0x5a: {  	_ =	shalt  }
0x5b: {  	_ =	shalt  }
0x5c: {  	_ =	shalt  }
0x5d: {  	_ =	shalt  }
0x5e: {  	_ =	shalt  }
0x5f: {  	_ =	shalt  }
0x60: {  	_ =	shalt  }
0x61: {  	_ =	shalt  }
0x62: {  	_ =	shalt  }
0x63: {  	_ =	shalt  }
0x64: {  	_ =	shalt  }
0x65: {  	_ =	shalt  }
0x66: {  	_ =	shalt  }
0x67: {  	_ =	shalt  }
0x68: {  	_ =	shalt  }
0x69: {  	_ =	shalt  }
0x6a: {  	_ =	shalt  }
0x6b: {  	_ =	shalt  }
0x6c: {  	_ =	shalt  }
0x6d: {  	_ =	shalt  }
0x6e: {  	_ =	shalt  }
0x6f: {  	_ =	shalt  }
0x70: {  	_ =	shalt  }
0x71: {  	_ =	shalt  }
0x72: {  	_ =	shalt  }
0x73: {  	_ =	shalt  }
0x74: {  	_ =	shalt  }
0x75: {  	_ =	shalt  }
0x76: {  	_ =	shalt  }
0x77: {  	_ =	shalt  }
0x78: {  	_ =	shalt  }
0x79: {  	_ =	shalt  }
0x7a: {  	_ =	shalt  }
0x7b: {  	_ =	shalt  }
0x7c: {  	_ =	shalt  }
0x7d: {  	_ =	shalt  }
0x7e: {  	_ =	shalt  }
0x7f: {  	_ =	shalt  }
0x80: {  	_ =	shalt  }
0x81: {  	_ =	shalt  }
0x82: {  	_ =	shalt  }
0x83: {  	_ =	shalt  }
0x84: {  	_ =	shalt  }
0x85: {  	_ =	shalt  }
0x86: {  	_ =	shalt  }
0x87: {  	_ =	shalt  }
.Lfunc_end0:
.L_simem_size_0:
called_computation_lowered:
.L_overlay_start_0:
0x88: {  	s2 =	sld [smem:$0x3FD9]  }
0x89: {  	s3 =	sld [smem:$0x3FFE];
	_ =	sdelay $0x1  }
0x8a: {  	s1 =	srdreg.scid  }
0x8b: {  	s0 =	sand.u32 $0x1, s1  }
0x8c: {  	s16 =	sshll.u32 s0, $0xA;
	s2 =	sadd.s32 s3, s2  }
0x8d: {  	s2 =	sadd.s32 s2, s16  }
0x8e: {  	[smem:$0x3FC0] =	sst s2  }
0x8f: {  	_ = 	snop  }
0x90: {  	(tm) =	ssettm $0x1  }
0x91: {  	s17 =	sld [smem:$0x3FFB];
	_ =	sdelay $0x3  }
0x92: {  	_ =	strace s17  }
0x93: {  	s2 =	sld [smem:$0x3FFC];
	_ =	sdelay $0x3  }
0x94: {  	_ =	strace s2  }
0x95: {  	s2 =	sld [smem:$0x3FFD];
	_ =	sdelay $0x3  }
0x96: {  	_ =	strace s2  }
0x97: {  	_ =	strace $0x8FFFFFFF  }
0x98: {  	s18 =	sld [smem:$0x3FDB];
	_ =	sdelay $0x1  }
0x99: {  	s19 =	simm.s32 $_scs_section_size  }
0x9a: {  	s4 =	simm.s32 $_size__tile_overlayer_lowered;
	s5 =	simm.s32 $_tile_overlayer_lowered  }
0x9b: {  	s22 =	simm.s32 $0x1BFF;
	s21 =	sshll.u32 s5, $0x1;
	s2 =	sadd.s32 s19, s18  }
0x9c: {  	s6 =	simm.s32 $0x0;
	s20 =	sshll.u32 s4, $0x1;
	s4 =	sadd.s32 s21, s2  }
0x9d: {  	[timem:s6], [sflag:s22] =	dma.local [hbm:s4], s20  }
0x9e: {  	_ =	swait.ge [sflag:s22], s20  }
0x9f: {  	s3 =	ssub.s32 $0x0, s20;
	[sflag:s22] =	ssyncset.done $0x0  }
0xa0: {  	[sflag:s22] =	ssyncadd.s32 s3;
	_ =	sdelay $0x1  }
0xa1: {  	s23 =	simm.s32 $0x1B8B  }
0xa2: {  	_ =	swait.ge [sflag:s23], $0x1  }
0xa3: {  	[sflag:s23] =	ssyncset.done $0x0  }
0xa4: {  	s25 =	simm.s32 $0x1B8E;
	s24 =	sld [smem:$0x3FFE];
	[sflag:s23] =	ssyncadd.s32 $0xFFFFFFFF  }
0xa5: {  	s26 =	simm.s32 $execute0_lowered;
	[smem:$0x3FD2] =	sst s25  }
0xa6: {  	s4 =	sshll.u32 s26, $0x1;
	_ =	strace $0x80000046;
	[dreg:$0x1] =	wrdreg $0xFFFFFFFF  }
0xa7: {  	s28 =	simm.s32 $_size_execute0_lowered;
	s2 =	sadd.s32 s2, s4;
	[dreg:$0x0] =	wrdreg $0x0  }
0xa8: {  	s4 =	sshll.u32 s28, $0x1;
	[dreg:$0x2] =	wrdreg s2  }
0xa9: {  	[dreg:$0x3] =	wrdreg s4  }
0xaa: {  	[dreg:$0x4] =	wrdreg $0xC0  }
0xab: {  	_ =	task [dreg:s6], $0x5FFFF  }
0xac: {  	[dreg:$0x1] =	wrdreg $0xFFFFFFFF  }
0xad: {  	[dreg:$0x0] =	wrdreg $0x60  }
0xae: {  	[dreg:$0x2] =	wrdreg s24  }
0xaf: {  	[dreg:$0x3] =	wrdreg $0x28800  }
0xb0: {  	[dreg:$0x4] =	wrdreg $0x9  }
0xb1: {  	_ =	task.clear_ibuf [dreg:s6], $0x5FFFF;
	_ =	strace $0x90000046  }
0xb2: {  	s29 =	simm.s32 $0x9;
	_ =	strace $0x80000048  }
0xb3: {  	_ =	swait.ge [sflag:s29], $0x1  }
0xb4: {  	[sflag:s29] =	ssyncadd.s32 $0xFFFFFFFF  }
0xb5: {  	_ =	strace $0x90000048  }
0xb6: {  	_ =	sfence  }
0xb7: {  	s30 =	sld [smem:$0x0];
	_ =	sdelay $0x2  }
0xb8: {  	s31 =	sshll.u32 s1, $0xD;
	s1 =	sshrl.u32 s1, $0x2  }
0xb9: {  	s3 =	sand.u32 $0x4000, s31;
	s1 =	sadd.s32 s1, s30  }
0xba: {  	s0 =	sor.u32 s3, s0;
	s1 =	sshll.u32 s1, $0x11  }
0xbb: {  	s0 =	sor.u32 s1, s0  }
0xbc: {  	s0 =	sadd.s32 $0x8F2B, s0  }
0xbd: {  	[sflag:s0] =	ssyncadd.remote.s32 $0x1  }
0xbe: {  	_ =	sfence.sel $0xFFFF  }
0xbf: {  	[dreg:$0x0] =	wrdreg $0xFFFFFFFF;
	(pc) =	sbr.abs _section_cstart, $3  }
0xc0: {  	[dreg:$0x1] =	wrdreg $0xFFFFFFFF  }
0xc1: {  	_ =	task.clear_ibuf [dreg:s6], $0x2FFFF;
	_ =	strace $0x9FFFFFFF  }
0xc2: {  	(tm) =	ssettm $0x7FFFFFFF  }
0xc3: {  	_ =	shalt  }
tec
execute0_lowered:
.L_overlay_start_1:
0x0: {  	(tag) =	ssettag $0x1  }
0x1: {  	s4 =	rddreg [dreg:$0x0];
	s0 =	srdreg.scid  }
0x2: {  	s2 =	rddreg [dreg:$0x1];
	s1 =	stileid.u32  }
0x3: {  	s3 =	simm.s32 $0x0;
	s12 =	simm.s32 $0x2800;
	s13 =	simm.s32 $0x1  }
0x4: {  	s14 =	simm.s32 $0x20;
	s15 =	simm.s32 $0x10;
	s7 =	smul.u32 $0x2800, s1  }
0x5: {  	s5 =	sand.u32 $0x1, s0;
	s0 =	rddreg [dreg:$0x2];
	s29 =	smul.u32 $0x500, s1  }
0x6: {  	s16 =	simm.s32 $0x0;
	[smem:$0x7FF] =	sst s3;
	s8 =	smul.u32 $0x280, s1  }
0x7: {  	s31 =	sshll.u32 s1, $0x6;
	s6 =	smul.u32 $0x28000, s5;
	_ =	strace $0x80000047  }
0x8: {  	s9 =	sshll.u32 s5, $0x7;
	s5 =	ssub.s32 $0x2, s5;
	s30 =	sshrl.u32 s8, $0x3  }
0x9: {  	s10 =	sshrl.u32 s5, $0x1;
	s11 =	sadd.s32 s8, s2;
	s6 =	sadd.s32 s7, s6  }
0xa: {  	s7 =	sor.u32 s9, s29;
	s9 =	sadd.s32 s30, s4;
	s10 =	ssub.s32 s5, s10  }
0xb: {  	s5 =	sor.u32 $0x1C02, s31;
	s6 =	sshrl.u32 s6, $0x3;
	s7 =	sshrl.u32 s7, $0x3  }
0xc: {  	s8 =	smax.u32 s10, $0x1;
	s10 =	simm.s32 $0x2;
	s6 =	sadd.s32 s6, s4  }
0xd: {  	s7 =	sadd.s32 s7, s4;
	s4 =	sadd.s32 $0xC200, s9;
	s9 =	sshrl.u32 s11, $0x3  }
0xe: {  	v0 =	vimm.f32 $1.000000000e+00;
	s11 =	simm.s32 $0x80;
	s6 =	sadd.s32 $0x2200, s6;
	s7 =	sadd.s32 $0xC800, s7  }
.LBB2_1:
0xf: {  	[spmem:s9], [sflag:s5] =	dma.local [hbm:s4], $0x50  }
0x10: {  	_ =	swait.ge [sflag:s10], $0x50  }
0x11: {  	[sflag:s10] =	ssyncset.done $0x0  }
0x12: {  	[sflag:s10] =	ssyncadd.s32 $0xFFFFFFB0  }
0x13: {  	[tilespmem:s3], [sflag:$0x2] =	stream.linear.gather [hbm4b:s6+s3], $0x2800, $0x38;
	[tilespmem:$0x2B00] =	vst v63  }
0x14: {  	_ =	swait.ge [sflag:s10], $0x2800  }
0x15: {  	[sflag:s10] =	ssyncset.done $0x0  }
0x16: {  	[sflag:s10] =	ssyncadd.s32 $0xFFFFD800  }
0x17: {  	[tilespmem:$0x2800] =	vst v0  }
0x18: {  	[tilespmem:$0x2810] =	vst v0  }
0x19: {  	[tilespmem:$0x2820] =	vst v0  }
0x1a: {  	[tilespmem:$0x2830] =	vst v0  }
0x1b: {  	[tilespmem:$0x2840] =	vst v0  }
0x1c: {  	[tilespmem:$0x2850] =	vst v0  }
0x1d: {  	[tilespmem:$0x2860] =	vst v0  }
0x1e: {  	[tilespmem:$0x2870] =	vst v0  }
0x1f: {  	s17 =	simm.s32 $0x0;
	[bflag:$0x0] =	sbarrier.arrive $0xFFFF  }
.LBB2_2:
0x20: {  	p0 =	sne.s32 s17, $0x9E00  }
.Ltmp0:
0x21: {  	_ = 	snop;
	(pc) =	sbr.rel @p0 .LBB2_2-.Ltmp0, $3  }
0x22: {  	_ =	sdelay $0x1  }
0x23: {  	s18 =	sshra.s32 s17, $0x2;
	s17 =	sadd.s32 $0x200, s17  }
0x24: {  	[spmem:s2] =	stream.indirect.scatter.add.f32 [tilespmem:s12], [sflag:$0x1], $0x1, s18, s11, $0xb8;
	[tilespmem:$0x2B00] =	vst v63  }
0x25: {  	_ =	swait.ge [sflag:s13], $0x80  }
0x26: {  	s17 =	simm.s32 $0x4F;
	[sflag:s13] =	ssyncset.done $0x0  }
.LBB2_4:
0x27: {  	p0 =	sne.s32 s17, $0x1;
	s17 =	sadd.s32 $0xFFFFFFFF, s17;
	[sflag:s13] =	ssyncadd.s32 $0xFFFFFF80  }
.Ltmp1:
0x28: {  	(pc) =	sbr.rel @p0 .LBB2_4-.Ltmp1, $3  }
0x29: {  	_ =	sdelay $0x1  }
0x2a: {  	_ =	swait.ge [sflag:s13], $0x80  }
0x2b: {  	[sflag:s13] =	ssyncset.done $0x0  }
0x2c: {  	s16 =	sadd.s32 $0x1, s16  }
0x2d: {  	[sflag:s13] =	ssyncadd.s32 $0xFFFFFF80;
	p0 =	sne.s32 s16, s8  }
.Ltmp2:
0x2e: {  	[bflag:$0x0] =	sbarrier.arrive $0xFFFF;
	(pc) =	sbr.rel @p0 .LBB2_1-.Ltmp2, $4  }
0x2f: {  	[hbm:s7@s14], [sflag:s5] =	dma.strided [spmem:s9@s15], $0x50, s13, $0x10   }
0x30: {  	_ =	swait.ge [sflag:s10], $0x50  }
0x31: {  	[sflag:s10] =	ssyncset.done $0x0  }
0x32: {  	[sflag:s10] =	ssyncadd.s32 $0xFFFFFFB0  }
0x33: {  	_ =	sfence.sel $0x180000  }
0x34: {  	[bflag:$0x0] =	sbarrier.arrive $0xFFFF  }
0x35: {  	p0 =	sne.s32 s1, $0x0;
	_ =	strace $0x90000047  }
0x36: {  	s0 =	sadd.s32 @!p0 $0x100000, s0;
	[bflag:$0x2] =	sbarrier.arrive $0xFFFF  }
0x37: {  	[sflag:s0] =	ssyncadd.tile.s32 @!p0 $0x1;
	_ =	shalt  }
.Lfunc_end2:
_tile_overlayer_lowered:
.L_overlay_start_2:
0x38: {  	(tag) =	ssettag $0x2  }
0x39: {  	s0 =	rddreg [dreg:$0x0];
	s2 =	stileid.u32  }
0x3a: {  	s1 =	rddreg [dreg:$0x1];
	p0 =	sne.s32 s2, $0x0  }
0x3b: {  	s3 =	rddreg [dreg:$0x2];
	[bflag:$0x3] =	sbarrier.arrive $0xFFFF;
	s2 =	simm.s32 @!p0 $0x1C02  }
0x3c: {  	[timem:s3], [sflag:s2] =	dma.local @!p0 [hbm:s0], s1  }
0x3d: {  	s0 =	simm.s32 @!p0 $0x2  }
0x3e: {  	_ =	swait.ge @!p0 [sflag:s0], s1  }
0x3f: {  	s1 =	ssub.s32 @!p0 $0x0, s1;
	[sflag:s0] =	ssyncset.done @!p0 $0x0  }
0x40: {  	[sflag:s0] =	ssyncadd.s32 @!p0 s1  }
0x41: {  	[bflag:$0x3] =	sbarrier.arrive $0xFFFF  }
0x42: {  	_ =	shalt  }

</sc_bundles>
